<compile_context>
chip_gen: v7x
topology: tpu7x:2x2x1
jax: 0.10.2.dev20260603
libtpu: 0.0.44.dev20260713+nightly
codegen_flags: <defaults>
</compile_context>

<pallas_src>
import jax
import jax.numpy as jnp
from jax import lax
from jax.experimental import pallas as pl
from jax.experimental.pallas import tpu as pltpu
from jax.experimental.pallas import tpu_sc as plsc

N_ROWS = 100000
N_COLS = 64
N_UPD = 16384

NC = 2
NS = 16
CHUNKS_PER_CORE = 2
R = 25088
LAST_BASE = N_ROWS - R
R_PAD = R + 8
TRASH = R

W = 128
UPD_PER_TILE = N_UPD // NS
WINDOWS_PER_TILE = UPD_PER_TILE // W

ROWS_PER_TILE = R // NS

_BASES = [0, R, 2 * R, LAST_BASE]
_HIS = [R, 2 * R, LAST_BASE, N_ROWS]


def _scatter_add_body(in_hbm, idx_hbm, val_hbm, out_hbm,
                      acc, iwraw, iw, vw, sem):
    c = lax.axis_index("c")
    s = lax.axis_index("s")
    lanes = 16
    c_is_0 = c == 0

    pltpu.sync_copy(idx_hbm.at[pl.ds(s * UPD_PER_TILE, UPD_PER_TILE)],
                    iwraw.at[0])

    for k in range(CHUNKS_PER_CORE):
        base = lax.select(c_is_0, _BASES[k], _BASES[2 + k])
        hi = lax.select(c_is_0, _HIS[k], _HIS[2 + k])
        base = pl.multiple_of(base, 8)

        r0 = s * ROWS_PER_TILE
        pltpu.sync_copy(in_hbm.at[pl.ds(base + r0, ROWS_PER_TILE), :],
                        acc.at[pl.ds(r0, ROWS_PER_TILE), :])

        plsc.subcore_barrier()

        copies = [pltpu.make_async_copy(
            val_hbm.at[pl.ds(s * UPD_PER_TILE + w * W, W), :],
            vw.at[w % 2], sem.at[w % 2]) for w in range(WINDOWS_PER_TILE)]
        copies[0].start()
        for w in range(WINDOWS_PER_TILE):
            if w + 1 < WINDOWS_PER_TILE:
                copies[w + 1].start()
            for j in range(W // lanes):
                v = iwraw[0, pl.ds(w * W + j * lanes, lanes)]
                local = v - base
                in_range = (v >= base) & (v < hi)
                iw[0, pl.ds(j * lanes, lanes)] = jnp.where(in_range, local, TRASH)
            copies[w].wait()
            pltpu.sync_copy(vw.at[w % 2], acc.at[iw.at[0]], add=True)

        plsc.subcore_barrier()

        pltpu.sync_copy(acc.at[pl.ds(r0, ROWS_PER_TILE), :],
                        out_hbm.at[pl.ds(base + r0, ROWS_PER_TILE), :])


def kernel(input, index, value):
    mesh = plsc.VectorSubcoreMesh(core_axis_name="c", subcore_axis_name="s")
    f = pl.kernel(
        _scatter_add_body,
        out_type=jax.ShapeDtypeStruct((N_ROWS, N_COLS), jnp.int32),
        mesh=mesh,
        scratch_types=[
            pltpu.VMEM_SHARED((R_PAD, N_COLS), jnp.int32),
            pltpu.VMEM((1, UPD_PER_TILE), jnp.int32),
            pltpu.VMEM((1, W), jnp.int32),
            pltpu.VMEM((2, W, N_COLS), jnp.int32),
            pltpu.SemaphoreType.DMA((2,)),
        ],
        compiler_params=pltpu.CompilerParams(use_tc_tiling_on_sc=False),
    )
    out = f(jnp.asarray(input, jnp.int32), jnp.asarray(index, jnp.int32),
            jnp.asarray(value, jnp.int32))
    return jnp.asarray(out, input.dtype)

# --- scband reference (transcript-rebuilt; emitter-appended) ---
"""Pipeline reference for scband-index-put2-dint-accumulate-module-39444979647276 (READ-ONLY COPY).

The authoritative reference and input builder live on the scoring server;
editing this copy changes nothing except your own understanding.
"""

import jax, jax.numpy as jnp
import numpy as np


def setup_inputs(seed: int = 0) -> dict:
    key = jax.random.key(seed)
    k1, k2, k3 = jax.random.split(key, 3)
    inp = jax.random.randint(k1, (100000, 64), 0, 100, dtype=jnp.int64) if jax.config.jax_enable_x64 else jax.random.randint(k1, (100000, 64), 0, 100).astype(jnp.int64)
    index = jax.random.randint(k2, (16384,), 0, 100000).astype(jnp.int64)
    value = jax.random.randint(k3, (16384, 64), 0, 100).astype(jnp.int64)
    return {"input": inp, "index": index, "value": value}


def reference(input, index, value):
    # torch.ops.aten.index_put(input, (index,), value, accumulate=True)
    # -> scatter-add rows of `value` into `input` at row positions `index` (out-of-place)
    return input.at[index].add(value)

if __name__ == "__main__":
    import jax
    _d = setup_inputs()
    print(jax.jit(kernel)(*tuple(_d.values())))

</pallas_src>

<mosaic_0001>
#map = affine_map<(d0, d1) -> (0, 0)>
#map1 = affine_map<(d0, d1) -> (0)>
module attributes {stable_mosaic.version = 14 : i64} {
  func.func @_scatter_add_body(%arg0: i32, %arg1: i32, %arg2: memref<100000x64xi32, #tpu.memory_space<hbm>>, %arg3: memref<16384xi32, #tpu.memory_space<hbm>>, %arg4: memref<16384x64xi32, #tpu.memory_space<hbm>>, %arg5: memref<100000x64xi32, #tpu.memory_space<hbm>>, %arg6: memref<25096x64xi32, #tpu.memory_space<vmem_shared>>, %arg7: memref<1x1024xi32, #tpu.memory_space<vmem>>, %arg8: memref<1x128xi32, #tpu.memory_space<vmem>>, %arg9: memref<2x128x64xi32, #tpu.memory_space<vmem>>, %arg10: memref<2x!tpu.dma_semaphore, #tpu.memory_space<semaphore_mem>>) attributes {dimension_semantics = [#tpu.dimension_semantics<core_parallel>, #tpu.dimension_semantics<subcore_parallel>], iteration_bounds = array<i64: 2, 16>, scalar_prefetch = 0 : i64, scratch_operands = 5 : i64, tpu.core_type = #tpu.core_type<sc_vector_subcore>, window_params = [{transform_indices = #map}, {transform_indices = #map1}, {transform_indices = #map}, {transform_indices = #map}]} {
    %eq3A = arith.constant 0 : i32
    %eq3A_0 = arith.cmpi eq, %arg0, %eq3A : i32
    %mul3A = arith.constant 1024 : i32
    %mul3A_1 = arith.muli %arg1, %mul3A : i32
    %run_scoped3A = arith.constant 0 : i32
    "tpu.region"() ({
      %run_scoped3A_3310 = tpu.sem_alloc : memref<!tpu.dma_semaphore, #tpu.memory_space<semaphore_mem>>
      %dma_start3A_3311 = arith.constant 0 : i32
      %dma_start3A_3312 = tpu.memref_slice %arg7[%run_scoped3A, %dma_start3A_3311] : memref<1x1024xi32, #tpu.memory_space<vmem>> -> memref<1x1024xi32, #tpu.memory_space<vmem>>
      %dma_start3A_3313 = tpu.memref_squeeze %dma_start3A_3312 : memref<1x1024xi32, #tpu.memory_space<vmem>> -> memref<1024xi32, #tpu.memory_space<vmem>>
      %dma_start3A_3314 = tpu.memref_slice %arg3[%mul3A_1] : memref<16384xi32, #tpu.memory_space<hbm>> -> memref<1024xi32, #tpu.memory_space<hbm>>
      %dma_start3A_3315 = arith.constant 0 : i32
      %dma_start3A_3316 = tpu.memref_slice %arg7[%run_scoped3A, %dma_start3A_3315] : memref<1x1024xi32, #tpu.memory_space<vmem>> -> memref<1x1024xi32, #tpu.memory_space<vmem>>
      %dma_start3A_3317 = tpu.memref_squeeze %dma_start3A_3316 : memref<1x1024xi32, #tpu.memory_space<vmem>> -> memref<1024xi32, #tpu.memory_space<vmem>>
      %dma_start3A_3318 = tpu.memref_slice %arg3[%mul3A_1] : memref<16384xi32, #tpu.memory_space<hbm>> -> memref<1024xi32, #tpu.memory_space<hbm>>
      tpu.enqueue_dma source(%dma_start3A_3318 : memref<1024xi32, #tpu.memory_space<hbm>>) target(%dma_start3A_3317 : memref<1024xi32, #tpu.memory_space<vmem>>) target_semaphore(%run_scoped3A_3310 : memref<!tpu.dma_semaphore, #tpu.memory_space<semaphore_mem>>)
      %dma_wait3A_3319 = arith.constant 0 : i32
      %dma_wait3A_3320 = tpu.memref_slice %arg7[%run_scoped3A, %dma_wait3A_3319] : memref<1x1024xi32, #tpu.memory_space<vmem>> -> memref<1x1024xi32, #tpu.memory_space<vmem>>
      %dma_wait3A_3321 = tpu.memref_squeeze %dma_wait3A_3320 : memref<1x1024xi32, #tpu.memory_space<vmem>> -> memref<1024xi32, #tpu.memory_space<vmem>>
      %dma_wait3A_3322 = tpu.memref_slice %arg3[%mul3A_1] : memref<16384xi32, #tpu.memory_space<hbm>> -> memref<1024xi32, #tpu.memory_space<hbm>>
      %dma_wait3A_3323 = arith.constant 0 : i32
      %dma_wait3A_3324 = tpu.memref_slice %arg7[%run_scoped3A, %dma_wait3A_3323] : memref<1x1024xi32, #tpu.memory_space<vmem>> -> memref<1x1024xi32, #tpu.memory_space<vmem>>
      %dma_wait3A_3325 = tpu.memref_squeeze %dma_wait3A_3324 : memref<1x1024xi32, #tpu.memory_space<vmem>> -> memref<1024xi32, #tpu.memory_space<vmem>>
      %dma_wait3A_3326 = tpu.memref_slice %arg3[%mul3A_1] : memref<16384xi32, #tpu.memory_space<hbm>> -> memref<1024xi32, #tpu.memory_space<hbm>>
      tpu.wait_dma2 semaphore(%run_scoped3A_3310 : memref<!tpu.dma_semaphore, #tpu.memory_space<semaphore_mem>>) src(%dma_wait3A_3326 : memref<1024xi32, #tpu.memory_space<hbm>>) dst(%dma_wait3A_3325 : memref<1024xi32, #tpu.memory_space<vmem>>)
      tpu.yield
    }) : () -> ()
    %select_n3A = arith.constant 50176 : i32
    %select_n3A_2 = arith.constant 0 : i32
    %select_n3A_3 = arith.select %eq3A_0, %select_n3A_2, %select_n3A : i32
    %select_n3A_4 = arith.constant 74912 : i32
    %select_n3A_5 = arith.constant 25088 : i32
    %select_n3A_6 = arith.select %eq3A_0, %select_n3A_5, %select_n3A_4 : i32
    %multiple_of3A = tpu.assume_multiple %select_n3A_3, 8 : i32
    %mul3A_7 = arith.constant 1568 : i32
    %mul3A_8 = arith.muli %arg1, %mul3A_7 : i32
    %add3A = arith.addi %multiple_of3A, %mul3A_8 : i32
    "tpu.region"() ({
      %run_scoped3A_3310 = tpu.sem_alloc : memref<!tpu.dma_semaphore, #tpu.memory_space<semaphore_mem>>
      %dma_start3A_3311 = arith.constant 0 : i32
      %dma_start3A_3312 = tpu.memref_slice %arg6[%mul3A_8, %dma_start3A_3311] : memref<25096x64xi32, #tpu.memory_space<vmem_shared>> -> memref<1568x64xi32, #tpu.memory_space<vmem_shared>>
      %dma_start3A_3313 = arith.constant 0 : i32
      %dma_start3A_3314 = tpu.memref_slice %arg2[%add3A, %dma_start3A_3313] : memref<100000x64xi32, #tpu.memory_space<hbm>> -> memref<1568x64xi32, #tpu.memory_space<hbm>>
      tpu.enqueue_dma source(%dma_start3A_3314 : memref<1568x64xi32, #tpu.memory_space<hbm>>) target(%dma_start3A_3312 : memref<1568x64xi32, #tpu.memory_space<vmem_shared>>) target_semaphore(%run_scoped3A_3310 : memref<!tpu.dma_semaphore, #tpu.memory_space<semaphore_mem>>)
      %dma_wait3A_3315 = arith.constant 0 : i32
      %dma_wait3A_3316 = tpu.memref_slice %arg6[%mul3A_8, %dma_wait3A_3315] : memref<25096x64xi32, #tpu.memory_space<vmem_shared>> -> memref<1568x64xi32, #tpu.memory_space<vmem_shared>>
      %dma_wait3A_3317 = arith.constant 0 : i32
      %dma_wait3A_3318 = tpu.memref_slice %arg2[%add3A, %dma_wait3A_3317] : memref<100000x64xi32, #tpu.memory_space<hbm>> -> memref<1568x64xi32, #tpu.memory_space<hbm>>
      tpu.wait_dma2 semaphore(%run_scoped3A_3310 : memref<!tpu.dma_semaphore, #tpu.memory_space<semaphore_mem>>) src(%dma_wait3A_3318 : memref<1568x64xi32, #tpu.memory_space<hbm>>) dst(%dma_wait3A_3316 : memref<1568x64xi32, #tpu.memory_space<vmem_shared>>)
      tpu.yield
    }) : () -> ()
    %barrier3A = arith.constant 0 : index
    tpu.barrier barrier_id(%barrier3A)
    %mul3A_9 = arith.constant 1024 : i32
    %mul3A_10 = arith.muli %arg1, %mul3A_9 : i32
    %add3A_11 = arith.constant 0 : i32
    %add3A_12 = arith.addi %mul3A_10, %add3A_11 : i32
    %mul3A_13 = arith.constant 1024 : i32
    %mul3A_14 = arith.muli %arg1, %mul3A_13 : i32
    %add3A_15 = arith.constant 128 : i32
    %add3A_16 = arith.addi %mul3A_14, %add3A_15 : i32
    %mul3A_17 = arith.constant 1024 : i32
    %mul3A_18 = arith.muli %arg1, %mul3A_17 : i32
    %add3A_19 = arith.constant 256 : i32
    %add3A_20 = arith.addi %mul3A_18, %add3A_19 : i32
    %mul3A_21 = arith.constant 1024 : i32
    %mul3A_22 = arith.muli %arg1, %mul3A_21 : i32
    %add3A_23 = arith.constant 384 : i32
    %add3A_24 = arith.addi %mul3A_22, %add3A_23 : i32
    %mul3A_25 = arith.constant 1024 : i32
    %mul3A_26 = arith.muli %arg1, %mul3A_25 : i32
    %add3A_27 = arith.constant 512 : i32
    %add3A_28 = arith.addi %mul3A_26, %add3A_27 : i32
    %mul3A_29 = arith.constant 1024 : i32
    %mul3A_30 = arith.muli %arg1, %mul3A_29 : i32
    %add3A_31 = arith.constant 640 : i32
    %add3A_32 = arith.addi %mul3A_30, %add3A_31 : i32
    %mul3A_33 = arith.constant 1024 : i32
    %mul3A_34 = arith.muli %arg1, %mul3A_33 : i32
    %add3A_35 = arith.constant 768 : i32
    %add3A_36 = arith.addi %mul3A_34, %add3A_35 : i32
    %mul3A_37 = arith.constant 1024 : i32
    %mul3A_38 = arith.muli %arg1, %mul3A_37 : i32
    %add3A_39 = arith.constant 896 : i32
    %add3A_40 = arith.addi %mul3A_38, %add3A_39 : i32
    %dma_start3A = arith.constant 0 : i32
    %dma_start3A_41 = arith.constant 0 : i32
    %dma_start3A_42 = arith.constant 0 : i32
    %dma_start3A_43 = arith.constant 0 : i32
    %dma_start3A_44 = tpu.memref_slice %arg9[%dma_start3A, %dma_start3A_42, %dma_start3A_43] : memref<2x128x64xi32, #tpu.memory_space<vmem>> -> memref<1x128x64xi32, #tpu.memory_space<vmem>>
    %dma_start3A_45 = tpu.memref_squeeze %dma_start3A_44 : memref<1x128x64xi32, #tpu.memory_space<vmem>> -> memref<128x64xi32, #tpu.memory_space<vmem>>
    %dma_start3A_46 = arith.constant 0 : i32
    %dma_start3A_47 = tpu.memref_slice %arg4[%add3A_12, %dma_start3A_46] : memref<16384x64xi32, #tpu.memory_space<hbm>> -> memref<128x64xi32, #tpu.memory_space<hbm>>
    %dma_start3A_48 = tpu.memref_slice %arg10[%dma_start3A_41] : memref<2x!tpu.dma_semaphore, #tpu.memory_space<semaphore_mem>> -> memref<1x!tpu.dma_semaphore, #tpu.memory_space<semaphore_mem>>
    %dma_start3A_49 = tpu.memref_squeeze %dma_start3A_48 : memref<1x!tpu.dma_semaphore, #tpu.memory_space<semaphore_mem>> -> memref<!tpu.dma_semaphore, #tpu.memory_space<semaphore_mem>>
    %dma_start3A_50 = arith.constant 0 : i32
    %dma_start3A_51 = arith.constant 0 : i32
    %dma_start3A_52 = tpu.memref_slice %arg9[%dma_start3A, %dma_start3A_50, %dma_start3A_51] : memref<2x128x64xi32, #tpu.memory_space<vmem>> -> memref<1x128x64xi32, #tpu.memory_space<vmem>>
    %dma_start3A_53 = tpu.memref_squeeze %dma_start3A_52 : memref<1x128x64xi32, #tpu.memory_space<vmem>> -> memref<128x64xi32, #tpu.memory_space<vmem>>
    %dma_start3A_54 = arith.constant 0 : i32
    %dma_start3A_55 = tpu.memref_slice %arg4[%add3A_12, %dma_start3A_54] : memref<16384x64xi32, #tpu.memory_space<hbm>> -> memref<128x64xi32, #tpu.memory_space<hbm>>
    tpu.enqueue_dma source(%dma_start3A_55 : memref<128x64xi32, #tpu.memory_space<hbm>>) target(%dma_start3A_53 : memref<128x64xi32, #tpu.memory_space<vmem>>) target_semaphore(%dma_start3A_49 : memref<!tpu.dma_semaphore, #tpu.memory_space<semaphore_mem>>)
    %dma_start3A_56 = arith.constant 1 : i32
    %dma_start3A_57 = arith.constant 1 : i32
    %dma_start3A_58 = arith.constant 0 : i32
    %dma_start3A_59 = arith.constant 0 : i32
    %dma_start3A_60 = tpu.memref_slice %arg9[%dma_start3A_56, %dma_start3A_58, %dma_start3A_59] : memref<2x128x64xi32, #tpu.memory_space<vmem>> -> memref<1x128x64xi32, #tpu.memory_space<vmem>>
    %dma_start3A_61 = tpu.memref_squeeze %dma_start3A_60 : memref<1x128x64xi32, #tpu.memory_space<vmem>> -> memref<128x64xi32, #tpu.memory_space<vmem>>
    %dma_start3A_62 = arith.constant 0 : i32
    %dma_start3A_63 = tpu.memref_slice %arg4[%add3A_16, %dma_start3A_62] : memref<16384x64xi32, #tpu.memory_space<hbm>> -> memref<128x64xi32, #tpu.memory_space<hbm>>
    %dma_start3A_64 = tpu.memref_slice %arg10[%dma_start3A_57] : memref<2x!tpu.dma_semaphore, #tpu.memory_space<semaphore_mem>> -> memref<1x!tpu.dma_semaphore, #tpu.memory_space<semaphore_mem>>
    %dma_start3A_65 = tpu.memref_squeeze %dma_start3A_64 : memref<1x!tpu.dma_semaphore, #tpu.memory_space<semaphore_mem>> -> memref<!tpu.dma_semaphore, #tpu.memory_space<semaphore_mem>>
    %dma_start3A_66 = arith.constant 0 : i32
    %dma_start3A_67 = arith.constant 0 : i32
    %dma_start3A_68 = tpu.memref_slice %arg9[%dma_start3A_56, %dma_start3A_66, %dma_start3A_67] : memref<2x128x64xi32, #tpu.memory_space<vmem>> -> memref<1x128x64xi32, #tpu.memory_space<vmem>>
    %dma_start3A_69 = tpu.memref_squeeze %dma_start3A_68 : memref<1x128x64xi32, #tpu.memory_space<vmem>> -> memref<128x64xi32, #tpu.memory_space<vmem>>
    %dma_start3A_70 = arith.constant 0 : i32
    %dma_start3A_71 = tpu.memref_slice %arg4[%add3A_16, %dma_start3A_70] : memref<16384x64xi32, #tpu.memory_space<hbm>> -> memref<128x64xi32, #tpu.memory_space<hbm>>
    tpu.enqueue_dma source(%dma_start3A_71 : memref<128x64xi32, #tpu.memory_space<hbm>>) target(%dma_start3A_69 : memref<128x64xi32, #tpu.memory_space<vmem>>) target_semaphore(%dma_start3A_65 : memref<!tpu.dma_semaphore, #tpu.memory_space<semaphore_mem>>)
    %get3A = arith.constant 0 : i32
    %get3A_72 = arith.index_cast %get3A : i32 to index
    %get3A_73 = arith.constant 0 : index
    %get3A_74 = tpu.vector_load %arg7[%get3A_72, %get3A_73] {strides = array<i32>} : memref<1x1024xi32, #tpu.memory_space<vmem>>, vector<1x16xi32>,
    %get3A_75 = vector.shape_cast %get3A_74 : vector<1x16xi32> to vector<16xi32>
    %sub3A = vector.broadcast %multiple_of3A : i32 to vector<16xi32>
    %sub3A_76 = arith.subi %get3A_75, %sub3A : vector<16xi32>
    %ge3A = vector.broadcast %multiple_of3A : i32 to vector<16xi32>
    %ge3A_77 = arith.cmpi sge, %get3A_75, %ge3A : vector<16xi32>
    %lt3A = vector.broadcast %select_n3A_6 : i32 to vector<16xi32>
    %lt3A_78 = arith.cmpi slt, %get3A_75, %lt3A : vector<16xi32>
    %and3A = arith.andi %ge3A_77, %lt3A_78 : vector<16xi1>
    %jit3A = arith.constant 25088 : i32
    %broadcast_in_dim3A = vector.broadcast %jit3A : i32 to vector<16xi32>
    %select_n3A_79 = arith.select %and3A, %sub3A_76, %broadcast_in_dim3A : vector<16xi1>, vector<16xi32>
    %swap3A = arith.constant 0 : i32
    %swap3A_80 = arith.index_cast %swap3A : i32 to index
    %swap3A_81 = arith.constant 0 : index
    %swap3A_82 = tpu.vector_load %arg8[%swap3A_80, %swap3A_81] {strides = array<i32>} : memref<1x128xi32, #tpu.memory_space<vmem>>, vector<1x16xi32>,
    %swap3A_83 = vector.shape_cast %swap3A_82 : vector<1x16xi32> to vector<16xi32>
    %swap3A_84 = vector.shape_cast %select_n3A_79 : vector<16xi32> to vector<1x16xi32>
    tpu.vector_store %arg8[%swap3A_80, %swap3A_81], %swap3A_84 {strides = array<i32>} : memref<1x128xi32, #tpu.memory_space<vmem>>, vector<1x16xi32>,
    %get3A_85 = arith.constant 0 : i32
    %get3A_86 = arith.index_cast %get3A_85 : i32 to index
    %get3A_87 = arith.constant 16 : index
    %get3A_88 = tpu.vector_load %arg7[%get3A_86, %get3A_87] {strides = array<i32>} : memref<1x1024xi32, #tpu.memory_space<vmem>>, vector<1x16xi32>,
    %get3A_89 = vector.shape_cast %get3A_88 : vector<1x16xi32> to vector<16xi32>
    %sub3A_90 = vector.broadcast %multiple_of3A : i32 to vector<16xi32>
    %sub3A_91 = arith.subi %get3A_89, %sub3A_90 : vector<16xi32>
    %ge3A_92 = vector.broadcast %multiple_of3A : i32 to vector<16xi32>
    %ge3A_93 = arith.cmpi sge, %get3A_89, %ge3A_92 : vector<16xi32>
    %lt3A_94 = vector.broadcast %select_n3A_6 : i32 to vector<16xi32>
    %lt3A_95 = arith.cmpi slt, %get3A_89, %lt3A_94 : vector<16xi32>
    %and3A_96 = arith.andi %ge3A_93, %lt3A_95 : vector<16xi1>
    %jit3A_97 = arith.constant 25088 : i32
    %broadcast_in_dim3A_98 = vector.broadcast %jit3A_97 : i32 to vector<16xi32>
    %select_n3A_99 = arith.select %and3A_96, %sub3A_91, %broadcast_in_dim3A_98 : vector<16xi1>, vector<16xi32>
    %swap3A_100 = arith.constant 0 : i32
    %swap3A_101 = arith.index_cast %swap3A_100 : i32 to index
    %swap3A_102 = arith.constant 16 : index
    %swap3A_103 = tpu.vector_load %arg8[%swap3A_101, %swap3A_102] {strides = array<i32>} : memref<1x128xi32, #tpu.memory_space<vmem>>, vector<1x16xi32>,
    %swap3A_104 = vector.shape_cast %swap3A_103 : vector<1x16xi32> to vector<16xi32>
    %swap3A_105 = vector.shape_cast %select_n3A_99 : vector<16xi32> to vector<1x16xi32>
    tpu.vector_store %arg8[%swap3A_101, %swap3A_102], %swap3A_105 {strides = array<i32>} : memref<1x128xi32, #tpu.memory_space<vmem>>, vector<1x16xi32>,
    %get3A_106 = arith.constant 0 : i32
    %get3A_107 = arith.index_cast %get3A_106 : i32 to index
    %get3A_108 = arith.constant 32 : index
    %get3A_109 = tpu.vector_load %arg7[%get3A_107, %get3A_108] {strides = array<i32>} : memref<1x1024xi32, #tpu.memory_space<vmem>>, vector<1x16xi32>,
    %get3A_110 = vector.shape_cast %get3A_109 : vector<1x16xi32> to vector<16xi32>
    %sub3A_111 = vector.broadcast %multiple_of3A : i32 to vector<16xi32>
    %sub3A_112 = arith.subi %get3A_110, %sub3A_111 : vector<16xi32>
    %ge3A_113 = vector.broadcast %multiple_of3A : i32 to vector<16xi32>
    %ge3A_114 = arith.cmpi sge, %get3A_110, %ge3A_113 : vector<16xi32>
    %lt3A_115 = vector.broadcast %select_n3A_6 : i32 to vector<16xi32>
    %lt3A_116 = arith.cmpi slt, %get3A_110, %lt3A_115 : vector<16xi32>
    %and3A_117 = arith.andi %ge3A_114, %lt3A_116 : vector<16xi1>
    %jit3A_118 = arith.constant 25088 : i32
    %broadcast_in_dim3A_119 = vector.broadcast %jit3A_118 : i32 to vector<16xi32>
    %select_n3A_120 = arith.select %and3A_117, %sub3A_112, %broadcast_in_dim3A_119 : vector<16xi1>, vector<16xi32>
    %swap3A_121 = arith.constant 0 : i32
    %swap3A_122 = arith.index_cast %swap3A_121 : i32 to index
    %swap3A_123 = arith.constant 32 : index
    %swap3A_124 = tpu.vector_load %arg8[%swap3A_122, %swap3A_123] {strides = array<i32>} : memref<1x128xi32, #tpu.memory_space<vmem>>, vector<1x16xi32>,
    %swap3A_125 = vector.shape_cast %swap3A_124 : vector<1x16xi32> to vector<16xi32>
    %swap3A_126 = vector.shape_cast %select_n3A_120 : vector<16xi32> to vector<1x16xi32>
    tpu.vector_store %arg8[%swap3A_122, %swap3A_123], %swap3A_126 {strides = array<i32>} : memref<1x128xi32, #tpu.memory_space<vmem>>, vector<1x16xi32>,
    %get3A_127 = arith.constant 0 : i32
    %get3A_128 = arith.index_cast %get3A_127 : i32 to index
    %get3A_129 = arith.constant 48 : index
    %get3A_130 = tpu.vector_load %arg7[%get3A_128, %get3A_129] {strides = array<i32>} : memref<1x1024xi32, #tpu.memory_space<vmem>>, vector<1x16xi32>,
    %get3A_131 = vector.shape_cast %get3A_130 : vector<1x16xi32> to vector<16xi32>
    %sub3A_132 = vector.broadcast %multiple_of3A : i32 to vector<16xi32>
    %sub3A_133 = arith.subi %get3A_131, %sub3A_132 : vector<16xi32>
    %ge3A_134 = vector.broadcast %multiple_of3A : i32 to vector<16xi32>
    %ge3A_135 = arith.cmpi sge, %get3A_131, %ge3A_134 : vector<16xi32>
    %lt3A_136 = vector.broadcast %select_n3A_6 : i32 to vector<16xi32>
    %lt3A_137 = arith.cmpi slt, %get3A_131, %lt3A_136 : vector<16xi32>
    %and3A_138 = arith.andi %ge3A_135, %lt3A_137 : vector<16xi1>
    %jit3A_139 = arith.constant 25088 : i32
    %broadcast_in_dim3A_140 = vector.broadcast %jit3A_139 : i32 to vector<16xi32>
    %select_n3A_141 = arith.select %and3A_138, %sub3A_133, %broadcast_in_dim3A_140 : vector<16xi1>, vector<16xi32>
    %swap3A_142 = arith.constant 0 : i32
    %swap3A_143 = arith.index_cast %swap3A_142 : i32 to index
    %swap3A_144 = arith.constant 48 : index
    %swap3A_145 = tpu.vector_load %arg8[%swap3A_143, %swap3A_144] {strides = array<i32>} : memref<1x128xi32, #tpu.memory_space<vmem>>, vector<1x16xi32>,
    %swap3A_146 = vector.shape_cast %swap3A_145 : vector<1x16xi32> to vector<16xi32>
    %swap3A_147 = vector.shape_cast %select_n3A_141 : vector<16xi32> to vector<1x16xi32>
    tpu.vector_store %arg8[%swap3A_143, %swap3A_144], %swap3A_147 {strides = array<i32>} : memref<1x128xi32, #tpu.memory_space<vmem>>, vector<1x16xi32>,
    %get3A_148 = arith.constant 0 : i32
    %get3A_149 = arith.index_cast %get3A_148 : i32 to index
    %get3A_150 = arith.constant 64 : index
    %get3A_151 = tpu.vector_load %arg7[%get3A_149, %get3A_150] {strides = array<i32>} : memref<1x1024xi32, #tpu.memory_space<vmem>>, vector<1x16xi32>,
    %get3A_152 = vector.shape_cast %get3A_151 : vector<1x16xi32> to vector<16xi32>
    %sub3A_153 = vector.broadcast %multiple_of3A : i32 to vector<16xi32>
    %sub3A_154 = arith.subi %get3A_152, %sub3A_153 : vector<16xi32>
    %ge3A_155 = vector.broadcast %multiple_of3A : i32 to vector<16xi32>
    %ge3A_156 = arith.cmpi sge, %get3A_152, %ge3A_155 : vector<16xi32>
    %lt3A_157 = vector.broadcast %select_n3A_6 : i32 to vector<16xi32>
    %lt3A_158 = arith.cmpi slt, %get3A_152, %lt3A_157 : vector<16xi32>
    %and3A_159 = arith.andi %ge3A_156, %lt3A_158 : vector<16xi1>
    %jit3A_160 = arith.constant 25088 : i32
    %broadcast_in_dim3A_161 = vector.broadcast %jit3A_160 : i32 to vector<16xi32>
    %select_n3A_162 = arith.select %and3A_159, %sub3A_154, %broadcast_in_dim3A_161 : vector<16xi1>, vector<16xi32>
    %swap3A_163 = arith.constant 0 : i32
    %swap3A_164 = arith.index_cast %swap3A_163 : i32 to index
    %swap3A_165 = arith.constant 64 : index
    %swap3A_166 = tpu.vector_load %arg8[%swap3A_164, %swap3A_165] {strides = array<i32>} : memref<1x128xi32, #tpu.memory_space<vmem>>, vector<1x16xi32>,
    %swap3A_167 = vector.shape_cast %swap3A_166 : vector<1x16xi32> to vector<16xi32>
    %swap3A_168 = vector.shape_cast %select_n3A_162 : vector<16xi32> to vector<1x16xi32>
    tpu.vector_store %arg8[%swap3A_164, %swap3A_165], %swap3A_168 {strides = array<i32>} : memref<1x128xi32, #tpu.memory_space<vmem>>, vector<1x16xi32>,
    %get3A_169 = arith.constant 0 : i32
    %get3A_170 = arith.index_cast %get3A_169 : i32 to index
    %get3A_171 = arith.constant 80 : index
    %get3A_172 = tpu.vector_load %arg7[%get3A_170, %get3A_171] {strides = array<i32>} : memref<1x1024xi32, #tpu.memory_space<vmem>>, vector<1x16xi32>,
    %get3A_173 = vector.shape_cast %get3A_172 : vector<1x16xi32> to vector<16xi32>
    %sub3A_174 = vector.broadcast %multiple_of3A : i32 to vector<16xi32>
    %sub3A_175 = arith.subi %get3A_173, %sub3A_174 : vector<16xi32>
    %ge3A_176 = vector.broadcast %multiple_of3A : i32 to vector<16xi32>
    %ge3A_177 = arith.cmpi sge, %get3A_173, %ge3A_176 : vector<16xi32>
    %lt3A_178 = vector.broadcast %select_n3A_6 : i32 to vector<16xi32>
    %lt3A_179 = arith.cmpi slt, %get3A_173, %lt3A_178 : vector<16xi32>
    %and3A_180 = arith.andi %ge3A_177, %lt3A_179 : vector<16xi1>
    %jit3A_181 = arith.constant 25088 : i32
    %broadcast_in_dim3A_182 = vector.broadcast %jit3A_181 : i32 to vector<16xi32>
    %select_n3A_183 = arith.select %and3A_180, %sub3A_175, %broadcast_in_dim3A_182 : vector<16xi1>, vector<16xi32>
    %swap3A_184 = arith.constant 0 : i32
    %swap3A_185 = arith.index_cast %swap3A_184 : i32 to index
    %swap3A_186 = arith.constant 80 : index
    %swap3A_187 = tpu.vector_load %arg8[%swap3A_185, %swap3A_186] {strides = array<i32>} : memref<1x128xi32, #tpu.memory_space<vmem>>, vector<1x16xi32>,
    %swap3A_188 = vector.shape_cast %swap3A_187 : vector<1x16xi32> to vector<16xi32>
    %swap3A_189 = vector.shape_cast %select_n3A_183 : vector<16xi32> to vector<1x16xi32>
    tpu.vector_store %arg8[%swap3A_185, %swap3A_186], %swap3A_189 {strides = array<i32>} : memref<1x128xi32, #tpu.memory_space<vmem>>, vector<1x16xi32>,
    %get3A_190 = arith.constant 0 : i32
    %get3A_191 = arith.index_cast %get3A_190 : i32 to index
    %get3A_192 = arith.constant 96 : index
    %get3A_193 = tpu.vector_load %arg7[%get3A_191, %get3A_192] {strides = array<i32>} : memref<1x1024xi32, #tpu.memory_space<vmem>>, vector<1x16xi32>,
    %get3A_194 = vector.shape_cast %get3A_193 : vector<1x16xi32> to vector<16xi32>
    %sub3A_195 = vector.broadcast %multiple_of3A : i32 to vector<16xi32>
    %sub3A_196 = arith.subi %get3A_194, %sub3A_195 : vector<16xi32>
    %ge3A_197 = vector.broadcast %multiple_of3A : i32 to vector<16xi32>
    %ge3A_198 = arith.cmpi sge, %get3A_194, %ge3A_197 : vector<16xi32>
    %lt3A_199 = vector.broadcast %select_n3A_6 : i32 to vector<16xi32>
    %lt3A_200 = arith.cmpi slt, %get3A_194, %lt3A_199 : vector<16xi32>
    %and3A_201 = arith.andi %ge3A_198, %lt3A_200 : vector<16xi1>
    %jit3A_202 = arith.constant 25088 : i32
    %broadcast_in_dim3A_203 = vector.broadcast %jit3A_202 : i32 to vector<16xi32>
    %select_n3A_204 = arith.select %and3A_201, %sub3A_196, %broadcast_in_dim3A_203 : vector<16xi1>, vector<16xi32>
    %swap3A_205 = arith.constant 0 : i32
    %swap3A_206 = arith.index_cast %swap3A_205 : i32 to index
    %swap3A_207 = arith.constant 96 : index
    %swap3A_208 = tpu.vector_load %arg8[%swap3A_206, %swap3A_207] {strides = array<i32>} : memref<1x128xi32, #tpu.memory_space<vmem>>, vector<1x16xi32>,
    %swap3A_209 = vector.shape_cast %swap3A_208 : vector<1x16xi32> to vector<16xi32>
    %swap3A_210 = vector.shape_cast %select_n3A_204 : vector<16xi32> to vector<1x16xi32>
    tpu.vector_store %arg8[%swap3A_206, %swap3A_207], %swap3A_210 {strides = array<i32>} : memref<1x128xi32, #tpu.memory_space<vmem>>, vector<1x16xi32>,
    %get3A_211 = arith.constant 0 : i32
    %get3A_212 = arith.index_cast %get3A_211 : i32 to index
    %get3A_213 = arith.constant 112 : index
    %get3A_214 = tpu.vector_load %arg7[%get3A_212, %get3A_213] {strides = array<i32>} : memref<1x1024xi32, #tpu.memory_space<vmem>>, vector<1x16xi32>,
    %get3A_215 = vector.shape_cast %get3A_214 : vector<1x16xi32> to vector<16xi32>
    %sub3A_216 = vector.broadcast %multiple_of3A : i32 to vector<16xi32>
    %sub3A_217 = arith.subi %get3A_215, %sub3A_216 : vector<16xi32>
    %ge3A_218 = vector.broadcast %multiple_of3A : i32 to vector<16xi32>
    %ge3A_219 = arith.cmpi sge, %get3A_215, %ge3A_218 : vector<16xi32>
    %lt3A_220 = vector.broadcast %select_n3A_6 : i32 to vector<16xi32>
    %lt3A_221 = arith.cmpi slt, %get3A_215, %lt3A_220 : vector<16xi32>
    %and3A_222 = arith.andi %ge3A_219, %lt3A_221 : vector<16xi1>
    %jit3A_223 = arith.constant 25088 : i32
    %broadcast_in_dim3A_224 = vector.broadcast %jit3A_223 : i32 to vector<16xi32>
    %select_n3A_225 = arith.select %and3A_222, %sub3A_217, %broadcast_in_dim3A_224 : vector<16xi1>, vector<16xi32>
    %swap3A_226 = arith.constant 0 : i32
    %swap3A_227 = arith.index_cast %swap3A_226 : i32 to index
    %swap3A_228 = arith.constant 112 : index
    %swap3A_229 = tpu.vector_load %arg8[%swap3A_227, %swap3A_228] {strides = array<i32>} : memref<1x128xi32, #tpu.memory_space<vmem>>, vector<1x16xi32>,
    %swap3A_230 = vector.shape_cast %swap3A_229 : vector<1x16xi32> to vector<16xi32>
    %swap3A_231 = vector.shape_cast %select_n3A_225 : vector<16xi32> to vector<1x16xi32>
    tpu.vector_store %arg8[%swap3A_227, %swap3A_228], %swap3A_231 {strides = array<i32>} : memref<1x128xi32, #tpu.memory_space<vmem>>, vector<1x16xi32>,
    %dma_wait3A = arith.constant 0 : i32
    %dma_wait3A_232 = arith.constant 0 : i32
    %dma_wait3A_233 = arith.constant 0 : i32
    %dma_wait3A_234 = arith.constant 0 : i32
    %dma_wait3A_235 = tpu.memref_slice %arg9[%dma_wait3A, %dma_wait3A_233, %dma_wait3A_234] : memref<2x128x64xi32, #tpu.memory_space<vmem>> -> memref<1x128x64xi32, #tpu.memory_space<vmem>>
    %dma_wait3A_236 = tpu.memref_squeeze %dma_wait3A_235 : memref<1x128x64xi32, #tpu.memory_space<vmem>> -> memref<128x64xi32, #tpu.memory_space<vmem>>
    %dma_wait3A_237 = arith.constant 0 : i32
    %dma_wait3A_238 = tpu.memref_slice %arg4[%add3A_12, %dma_wait3A_237] : memref<16384x64xi32, #tpu.memory_space<hbm>> -> memref<128x64xi32, #tpu.memory_space<hbm>>
    %dma_wait3A_239 = tpu.memref_slice %arg10[%dma_wait3A_232] : memref<2x!tpu.dma_semaphore, #tpu.memory_space<semaphore_mem>> -> memref<1x!tpu.dma_semaphore, #tpu.memory_space<semaphore_mem>>
    %dma_wait3A_240 = tpu.memref_squeeze %dma_wait3A_239 : memref<1x!tpu.dma_semaphore, #tpu.memory_space<semaphore_mem>> -> memref<!tpu.dma_semaphore, #tpu.memory_space<semaphore_mem>>
    %dma_wait3A_241 = arith.constant 0 : i32
    %dma_wait3A_242 = arith.constant 0 : i32
    %dma_wait3A_243 = tpu.memref_slice %arg9[%dma_wait3A, %dma_wait3A_241, %dma_wait3A_242] : memref<2x128x64xi32, #tpu.memory_space<vmem>> -> memref<1x128x64xi32, #tpu.memory_space<vmem>>
    %dma_wait3A_244 = tpu.memref_squeeze %dma_wait3A_243 : memref<1x128x64xi32, #tpu.memory_space<vmem>> -> memref<128x64xi32, #tpu.memory_space<vmem>>
    %dma_wait3A_245 = arith.constant 0 : i32
    %dma_wait3A_246 = tpu.memref_slice %arg4[%add3A_12, %dma_wait3A_245] : memref<16384x64xi32, #tpu.memory_space<hbm>> -> memref<128x64xi32, #tpu.memory_space<hbm>>
    tpu.wait_dma2 semaphore(%dma_wait3A_240 : memref<!tpu.dma_semaphore, #tpu.memory_space<semaphore_mem>>) src(%dma_wait3A_246 : memref<128x64xi32, #tpu.memory_space<hbm>>) dst(%dma_wait3A_244 : memref<128x64xi32, #tpu.memory_space<vmem>>)
    %run_scoped3A_247 = arith.constant 0 : i32
    %run_scoped3A_248 = arith.constant 0 : i32
    "tpu.region"() ({
      %run_scoped3A_3310 = tpu.sem_alloc : memref<!tpu.dma_semaphore, #tpu.memory_space<semaphore_mem>>
      %dma_start3A_3311 = arith.constant 0 : i32
      %dma_start3A_3312 = arith.constant 0 : i32
      %dma_start3A_3313 = tpu.memref_slice %arg9[%run_scoped3A_247, %dma_start3A_3311, %dma_start3A_3312] : memref<2x128x64xi32, #tpu.memory_space<vmem>> -> memref<1x128x64xi32, #tpu.memory_space<vmem>>
      %dma_start3A_3314 = tpu.memref_squeeze %dma_start3A_3313 : memref<1x128x64xi32, #tpu.memory_space<vmem>> -> memref<128x64xi32, #tpu.memory_space<vmem>>
      %dma_start3A_3315 = arith.constant 0 : i32
      %dma_start3A_3316 = tpu.memref_slice %arg8[%run_scoped3A_248, %dma_start3A_3315] : memref<1x128xi32, #tpu.memory_space<vmem>> -> memref<1x128xi32, #tpu.memory_space<vmem>>
      %dma_start3A_3317 = tpu.memref_squeeze %dma_start3A_3316 : memref<1x128xi32, #tpu.memory_space<vmem>> -> memref<128xi32, #tpu.memory_space<vmem>>
      %dma_start3A_3318 = arith.constant 0 : i32
      %dma_start3A_3319 = arith.constant 0 : i32
      %dma_start3A_3320 = tpu.memref_slice %arg6[%dma_start3A_3318, %dma_start3A_3319] : memref<25096x64xi32, #tpu.memory_space<vmem_shared>> -> memref<25096x64xi32, #tpu.memory_space<vmem_shared>>
      tpu.enqueue_indirect_dma source(%dma_start3A_3314 : memref<128x64xi32, #tpu.memory_space<vmem>>) target(%dma_start3A_3320 : memref<25096x64xi32, #tpu.memory_space<vmem_shared>>) offsets(%dma_start3A_3317 : memref<128xi32, #tpu.memory_space<vmem>>) semaphore(%run_scoped3A_3310 : memref<!tpu.dma_semaphore, #tpu.memory_space<semaphore_mem>>) {add = true}
      %dma_wait3A_3321 = arith.constant 0 : i32
      %dma_wait3A_3322 = arith.constant 0 : i32
      %dma_wait3A_3323 = tpu.memref_slice %arg9[%run_scoped3A_247, %dma_wait3A_3321, %dma_wait3A_3322] : memref<2x128x64xi32, #tpu.memory_space<vmem>> -> memref<1x128x64xi32, #tpu.memory_space<vmem>>
      %dma_wait3A_3324 = tpu.memref_squeeze %dma_wait3A_3323 : memref<1x128x64xi32, #tpu.memory_space<vmem>> -> memref<128x64xi32, #tpu.memory_space<vmem>>
      %dma_wait3A_3325 = arith.constant 0 : i32
      %dma_wait3A_3326 = tpu.memref_slice %arg8[%run_scoped3A_248, %dma_wait3A_3325] : memref<1x128xi32, #tpu.memory_space<vmem>> -> memref<1x128xi32, #tpu.memory_space<vmem>>
      %dma_wait3A_3327 = tpu.memref_squeeze %dma_wait3A_3326 : memref<1x128xi32, #tpu.memory_space<vmem>> -> memref<128xi32, #tpu.memory_space<vmem>>
      %dma_wait3A_3328 = arith.constant 0 : i32
      %dma_wait3A_3329 = arith.constant 0 : i32
      %dma_wait3A_3330 = tpu.memref_slice %arg6[%dma_wait3A_3328, %dma_wait3A_3329] : memref<25096x64xi32, #tpu.memory_space<vmem_shared>> -> memref<25096x64xi32, #tpu.memory_space<vmem_shared>>
      tpu.wait_indirect_dma semaphore(%run_scoped3A_3310 : memref<!tpu.dma_semaphore, #tpu.memory_space<semaphore_mem>>) src(%dma_wait3A_3324 : memref<128x64xi32, #tpu.memory_space<vmem>>) dst(%dma_wait3A_3330 : memref<25096x64xi32, #tpu.memory_space<vmem_shared>>)
      tpu.yield
    }) : () -> ()
    %dma_start3A_249 = arith.constant 0 : i32
    %dma_start3A_250 = arith.constant 0 : i32
    %dma_start3A_251 = arith.constant 0 : i32
    %dma_start3A_252 = arith.constant 0 : i32
    %dma_start3A_253 = tpu.memref_slice %arg9[%dma_start3A_249, %dma_start3A_251, %dma_start3A_252] : memref<2x128x64xi32, #tpu.memory_space<vmem>> -> memref<1x128x64xi32, #tpu.memory_space<vmem>>
    %dma_start3A_254 = tpu.memref_squeeze %dma_start3A_253 : memref<1x128x64xi32, #tpu.memory_space<vmem>> -> memref<128x64xi32, #tpu.memory_space<vmem>>
    %dma_start3A_255 = arith.constant 0 : i32
    %dma_start3A_256 = tpu.memref_slice %arg4[%add3A_20, %dma_start3A_255] : memref<16384x64xi32, #tpu.memory_space<hbm>> -> memref<128x64xi32, #tpu.memory_space<hbm>>
    %dma_start3A_257 = tpu.memref_slice %arg10[%dma_start3A_250] : memref<2x!tpu.dma_semaphore, #tpu.memory_space<semaphore_mem>> -> memref<1x!tpu.dma_semaphore, #tpu.memory_space<semaphore_mem>>
    %dma_start3A_258 = tpu.memref_squeeze %dma_start3A_257 : memref<1x!tpu.dma_semaphore, #tpu.memory_space<semaphore_mem>> -> memref<!tpu.dma_semaphore, #tpu.memory_space<semaphore_mem>>
    %dma_start3A_259 = arith.constant 0 : i32
    %dma_start3A_260 = arith.constant 0 : i32
    %dma_start3A_261 = tpu.memref_slice %arg9[%dma_start3A_249, %dma_start3A_259, %dma_start3A_260] : memref<2x128x64xi32, #tpu.memory_space<vmem>> -> memref<1x128x64xi32, #tpu.memory_space<vmem>>
    %dma_start3A_262 = tpu.memref_squeeze %dma_start3A_261 : memref<1x128x64xi32, #tpu.memory_space<vmem>> -> memref<128x64xi32, #tpu.memory_space<vmem>>
    %dma_start3A_263 = arith.constant 0 : i32
    %dma_start3A_264 = tpu.memref_slice %arg4[%add3A_20, %dma_start3A_263] : memref<16384x64xi32, #tpu.memory_space<hbm>> -> memref<128x64xi32, #tpu.memory_space<hbm>>
    tpu.enqueue_dma source(%dma_start3A_264 : memref<128x64xi32, #tpu.memory_space<hbm>>) target(%dma_start3A_262 : memref<128x64xi32, #tpu.memory_space<vmem>>) target_semaphore(%dma_start3A_258 : memref<!tpu.dma_semaphore, #tpu.memory_space<semaphore_mem>>)
    %get3A_265 = arith.constant 0 : i32
    %get3A_266 = arith.index_cast %get3A_265 : i32 to index
    %get3A_267 = arith.constant 128 : index
    %get3A_268 = tpu.vector_load %arg7[%get3A_266, %get3A_267] {strides = array<i32>} : memref<1x1024xi32, #tpu.memory_space<vmem>>, vector<1x16xi32>,
    %get3A_269 = vector.shape_cast %get3A_268 : vector<1x16xi32> to vector<16xi32>
    %sub3A_270 = vector.broadcast %multiple_of3A : i32 to vector<16xi32>
    %sub3A_271 = arith.subi %get3A_269, %sub3A_270 : vector<16xi32>
    %ge3A_272 = vector.broadcast %multiple_of3A : i32 to vector<16xi32>
    %ge3A_273 = arith.cmpi sge, %get3A_269, %ge3A_272 : vector<16xi32>
    %lt3A_274 = vector.broadcast %select_n3A_6 : i32 to vector<16xi32>
    %lt3A_275 = arith.cmpi slt, %get3A_269, %lt3A_274 : vector<16xi32>
    %and3A_276 = arith.andi %ge3A_273, %lt3A_275 : vector<16xi1>
    %jit3A_277 = arith.constant 25088 : i32
    %broadcast_in_dim3A_278 = vector.broadcast %jit3A_277 : i32 to vector<16xi32>
    %select_n3A_279 = arith.select %and3A_276, %sub3A_271, %broadcast_in_dim3A_278 : vector<16xi1>, vector<16xi32>
    %swap3A_280 = arith.constant 0 : i32
    %swap3A_281 = arith.index_cast %swap3A_280 : i32 to index
    %swap3A_282 = arith.constant 0 : index
    %swap3A_283 = tpu.vector_load %arg8[%swap3A_281, %swap3A_282] {strides = array<i32>} : memref<1x128xi32, #tpu.memory_space<vmem>>, vector<1x16xi32>,
    %swap3A_284 = vector.shape_cast %swap3A_283 : vector<1x16xi32> to vector<16xi32>
    %swap3A_285 = vector.shape_cast %select_n3A_279 : vector<16xi32> to vector<1x16xi32>
    tpu.vector_store %arg8[%swap3A_281, %swap3A_282], %swap3A_285 {strides = array<i32>} : memref<1x128xi32, #tpu.memory_space<vmem>>, vector<1x16xi32>,
    %get3A_286 = arith.constant 0 : i32
    %get3A_287 = arith.index_cast %get3A_286 : i32 to index
    %get3A_288 = arith.constant 144 : index
    %get3A_289 = tpu.vector_load %arg7[%get3A_287, %get3A_288] {strides = array<i32>} : memref<1x1024xi32, #tpu.memory_space<vmem>>, vector<1x16xi32>,
    %get3A_290 = vector.shape_cast %get3A_289 : vector<1x16xi32> to vector<16xi32>
    %sub3A_291 = vector.broadcast %multiple_of3A : i32 to vector<16xi32>
    %sub3A_292 = arith.subi %get3A_290, %sub3A_291 : vector<16xi32>
    %ge3A_293 = vector.broadcast %multiple_of3A : i32 to vector<16xi32>
    %ge3A_294 = arith.cmpi sge, %get3A_290, %ge3A_293 : vector<16xi32>
    %lt3A_295 = vector.broadcast %select_n3A_6 : i32 to vector<16xi32>
    %lt3A_296 = arith.cmpi slt, %get3A_290, %lt3A_295 : vector<16xi32>
    %and3A_297 = arith.andi %ge3A_294, %lt3A_296 : vector<16xi1>
    %jit3A_298 = arith.constant 25088 : i32
    %broadcast_in_dim3A_299 = vector.broadcast %jit3A_298 : i32 to vector<16xi32>
    %select_n3A_300 = arith.select %and3A_297, %sub3A_292, %broadcast_in_dim3A_299 : vector<16xi1>, vector<16xi32>
    %swap3A_301 = arith.constant 0 : i32
    %swap3A_302 = arith.index_cast %swap3A_301 : i32 to index
    %swap3A_303 = arith.constant 16 : index
    %swap3A_304 = tpu.vector_load %arg8[%swap3A_302, %swap3A_303] {strides = array<i32>} : memref<1x128xi32, #tpu.memory_space<vmem>>, vector<1x16xi32>,
    %swap3A_305 = vector.shape_cast %swap3A_304 : vector<1x16xi32> to vector<16xi32>
    %swap3A_306 = vector.shape_cast %select_n3A_300 : vector<16xi32> to vector<1x16xi32>
    tpu.vector_store %arg8[%swap3A_302, %swap3A_303], %swap3A_306 {strides = array<i32>} : memref<1x128xi32, #tpu.memory_space<vmem>>, vector<1x16xi32>,
    %get3A_307 = arith.constant 0 : i32
    %get3A_308 = arith.index_cast %get3A_307 : i32 to index
    %get3A_309 = arith.constant 160 : index
    %get3A_310 = tpu.vector_load %arg7[%get3A_308, %get3A_309] {strides = array<i32>} : memref<1x1024xi32, #tpu.memory_space<vmem>>, vector<1x16xi32>,
    %get3A_311 = vector.shape_cast %get3A_310 : vector<1x16xi32> to vector<16xi32>
    %sub3A_312 = vector.broadcast %multiple_of3A : i32 to vector<16xi32>
    %sub3A_313 = arith.subi %get3A_311, %sub3A_312 : vector<16xi32>
    %ge3A_314 = vector.broadcast %multiple_of3A : i32 to vector<16xi32>
    %ge3A_315 = arith.cmpi sge, %get3A_311, %ge3A_314 : vector<16xi32>
    %lt3A_316 = vector.broadcast %select_n3A_6 : i32 to vector<16xi32>
    %lt3A_317 = arith.cmpi slt, %get3A_311, %lt3A_316 : vector<16xi32>
    %and3A_318 = arith.andi %ge3A_315, %lt3A_317 : vector<16xi1>
    %jit3A_319 = arith.constant 25088 : i32
    %broadcast_in_dim3A_320 = vector.broadcast %jit3A_319 : i32 to vector<16xi32>
    %select_n3A_321 = arith.select %and3A_318, %sub3A_313, %broadcast_in_dim3A_320 : vector<16xi1>, vector<16xi32>
    %swap3A_322 = arith.constant 0 : i32
    %swap3A_323 = arith.index_cast %swap3A_322 : i32 to index
    %swap3A_324 = arith.constant 32 : index
    %swap3A_325 = tpu.vector_load %arg8[%swap3A_323, %swap3A_324] {strides = array<i32>} : memref<1x128xi32, #tpu.memory_space<vmem>>, vector<1x16xi32>,
    %swap3A_326 = vector.shape_cast %swap3A_325 : vector<1x16xi32> to vector<16xi32>
    %swap3A_327 = vector.shape_cast %select_n3A_321 : vector<16xi32> to vector<1x16xi32>
    tpu.vector_store %arg8[%swap3A_323, %swap3A_324], %swap3A_327 {strides = array<i32>} : memref<1x128xi32, #tpu.memory_space<vmem>>, vector<1x16xi32>,
    %get3A_328 = arith.constant 0 : i32
    %get3A_329 = arith.index_cast %get3A_328 : i32 to index
    %get3A_330 = arith.constant 176 : index
    %get3A_331 = tpu.vector_load %arg7[%get3A_329, %get3A_330] {strides = array<i32>} : memref<1x1024xi32, #tpu.memory_space<vmem>>, vector<1x16xi32>,
    %get3A_332 = vector.shape_cast %get3A_331 : vector<1x16xi32> to vector<16xi32>
    %sub3A_333 = vector.broadcast %multiple_of3A : i32 to vector<16xi32>
    %sub3A_334 = arith.subi %get3A_332, %sub3A_333 : vector<16xi32>
    %ge3A_335 = vector.broadcast %multiple_of3A : i32 to vector<16xi32>
    %ge3A_336 = arith.cmpi sge, %get3A_332, %ge3A_335 : vector<16xi32>
    %lt3A_337 = vector.broadcast %select_n3A_6 : i32 to vector<16xi32>
    %lt3A_338 = arith.cmpi slt, %get3A_332, %lt3A_337 : vector<16xi32>
    %and3A_339 = arith.andi %ge3A_336, %lt3A_338 : vector<16xi1>
    %jit3A_340 = arith.constant 25088 : i32
    %broadcast_in_dim3A_341 = vector.broadcast %jit3A_340 : i32 to vector<16xi32>
    %select_n3A_342 = arith.select %and3A_339, %sub3A_334, %broadcast_in_dim3A_341 : vector<16xi1>, vector<16xi32>
    %swap3A_343 = arith.constant 0 : i32
    %swap3A_344 = arith.index_cast %swap3A_343 : i32 to index
    %swap3A_345 = arith.constant 48 : index
    %swap3A_346 = tpu.vector_load %arg8[%swap3A_344, %swap3A_345] {strides = array<i32>} : memref<1x128xi32, #tpu.memory_space<vmem>>, vector<1x16xi32>,
    %swap3A_347 = vector.shape_cast %swap3A_346 : vector<1x16xi32> to vector<16xi32>
    %swap3A_348 = vector.shape_cast %select_n3A_342 : vector<16xi32> to vector<1x16xi32>
    tpu.vector_store %arg8[%swap3A_344, %swap3A_345], %swap3A_348 {strides = array<i32>} : memref<1x128xi32, #tpu.memory_space<vmem>>, vector<1x16xi32>,
    %get3A_349 = arith.constant 0 : i32
    %get3A_350 = arith.index_cast %get3A_349 : i32 to index
    %get3A_351 = arith.constant 192 : index
    %get3A_352 = tpu.vector_load %arg7[%get3A_350, %get3A_351] {strides = array<i32>} : memref<1x1024xi32, #tpu.memory_space<vmem>>, vector<1x16xi32>,
    %get3A_353 = vector.shape_cast %get3A_352 : vector<1x16xi32> to vector<16xi32>
    %sub3A_354 = vector.broadcast %multiple_of3A : i32 to vector<16xi32>
    %sub3A_355 = arith.subi %get3A_353, %sub3A_354 : vector<16xi32>
    %ge3A_356 = vector.broadcast %multiple_of3A : i32 to vector<16xi32>
    %ge3A_357 = arith.cmpi sge, %get3A_353, %ge3A_356 : vector<16xi32>
    %lt3A_358 = vector.broadcast %select_n3A_6 : i32 to vector<16xi32>
    %lt3A_359 = arith.cmpi slt, %get3A_353, %lt3A_358 : vector<16xi32>
    %and3A_360 = arith.andi %ge3A_357, %lt3A_359 : vector<16xi1>
    %jit3A_361 = arith.constant 25088 : i32
    %broadcast_in_dim3A_362 = vector.broadcast %jit3A_361 : i32 to vector<16xi32>
    %select_n3A_363 = arith.select %and3A_360, %sub3A_355, %broadcast_in_dim3A_362 : vector<16xi1>, vector<16xi32>
    %swap3A_364 = arith.constant 0 : i32
    %swap3A_365 = arith.index_cast %swap3A_364 : i32 to index
    %swap3A_366 = arith.constant 64 : index
    %swap3A_367 = tpu.vector_load %arg8[%swap3A_365, %swap3A_366] {strides = array<i32>} : memref<1x128xi32, #tpu.memory_space<vmem>>, vector<1x16xi32>,
    %swap3A_368 = vector.shape_cast %swap3A_367 : vector<1x16xi32> to vector<16xi32>
    %swap3A_369 = vector.shape_cast %select_n3A_363 : vector<16xi32> to vector<1x16xi32>
    tpu.vector_store %arg8[%swap3A_365, %swap3A_366], %swap3A_369 {strides = array<i32>} : memref<1x128xi32, #tpu.memory_space<vmem>>, vector<1x16xi32>,
    %get3A_370 = arith.constant 0 : i32
    %get3A_371 = arith.index_cast %get3A_370 : i32 to index
    %get3A_372 = arith.constant 208 : index
    %get3A_373 = tpu.vector_load %arg7[%get3A_371, %get3A_372] {strides = array<i32>} : memref<1x1024xi32, #tpu.memory_space<vmem>>, vector<1x16xi32>,
    %get3A_374 = vector.shape_cast %get3A_373 : vector<1x16xi32> to vector<16xi32>
    %sub3A_375 = vector.broadcast %multiple_of3A : i32 to vector<16xi32>
    %sub3A_376 = arith.subi %get3A_374, %sub3A_375 : vector<16xi32>
    %ge3A_377 = vector.broadcast %multiple_of3A : i32 to vector<16xi32>
    %ge3A_378 = arith.cmpi sge, %get3A_374, %ge3A_377 : vector<16xi32>
    %lt3A_379 = vector.broadcast %select_n3A_6 : i32 to vector<16xi32>
    %lt3A_380 = arith.cmpi slt, %get3A_374, %lt3A_379 : vector<16xi32>
    %and3A_381 = arith.andi %ge3A_378, %lt3A_380 : vector<16xi1>
    %jit3A_382 = arith.constant 25088 : i32
    %broadcast_in_dim3A_383 = vector.broadcast %jit3A_382 : i32 to vector<16xi32>
    %select_n3A_384 = arith.select %and3A_381, %sub3A_376, %broadcast_in_dim3A_383 : vector<16xi1>, vector<16xi32>
    %swap3A_385 = arith.constant 0 : i32
    %swap3A_386 = arith.index_cast %swap3A_385 : i32 to index
    %swap3A_387 = arith.constant 80 : index
    %swap3A_388 = tpu.vector_load %arg8[%swap3A_386, %swap3A_387] {strides = array<i32>} : memref<1x128xi32, #tpu.memory_space<vmem>>, vector<1x16xi32>,
    %swap3A_389 = vector.shape_cast %swap3A_388 : vector<1x16xi32> to vector<16xi32>
    %swap3A_390 = vector.shape_cast %select_n3A_384 : vector<16xi32> to vector<1x16xi32>
    tpu.vector_store %arg8[%swap3A_386, %swap3A_387], %swap3A_390 {strides = array<i32>} : memref<1x128xi32, #tpu.memory_space<vmem>>, vector<1x16xi32>,
    %get3A_391 = arith.constant 0 : i32
    %get3A_392 = arith.index_cast %get3A_391 : i32 to index
    %get3A_393 = arith.constant 224 : index
    %get3A_394 = tpu.vector_load %arg7[%get3A_392, %get3A_393] {strides = array<i32>} : memref<1x1024xi32, #tpu.memory_space<vmem>>, vector<1x16xi32>,
    %get3A_395 = vector.shape_cast %get3A_394 : vector<1x16xi32> to vector<16xi32>
    %sub3A_396 = vector.broadcast %multiple_of3A : i32 to vector<16xi32>
    %sub3A_397 = arith.subi %get3A_395, %sub3A_396 : vector<16xi32>
    %ge3A_398 = vector.broadcast %multiple_of3A : i32 to vector<16xi32>
    %ge3A_399 = arith.cmpi sge, %get3A_395, %ge3A_398 : vector<16xi32>
    %lt3A_400 = vector.broadcast %select_n3A_6 : i32 to vector<16xi32>
    %lt3A_401 = arith.cmpi slt, %get3A_395, %lt3A_400 : vector<16xi32>
    %and3A_402 = arith.andi %ge3A_399, %lt3A_401 : vector<16xi1>
    %jit3A_403 = arith.constant 25088 : i32
    %broadcast_in_dim3A_404 = vector.broadcast %jit3A_403 : i32 to vector<16xi32>
    %select_n3A_405 = arith.select %and3A_402, %sub3A_397, %broadcast_in_dim3A_404 : vector<16xi1>, vector<16xi32>
    %swap3A_406 = arith.constant 0 : i32
    %swap3A_407 = arith.index_cast %swap3A_406 : i32 to index
    %swap3A_408 = arith.constant 96 : index
    %swap3A_409 = tpu.vector_load %arg8[%swap3A_407, %swap3A_408] {strides = array<i32>} : memref<1x128xi32, #tpu.memory_space<vmem>>, vector<1x16xi32>,
    %swap3A_410 = vector.shape_cast %swap3A_409 : vector<1x16xi32> to vector<16xi32>
    %swap3A_411 = vector.shape_cast %select_n3A_405 : vector<16xi32> to vector<1x16xi32>
    tpu.vector_store %arg8[%swap3A_407, %swap3A_408], %swap3A_411 {strides = array<i32>} : memref<1x128xi32, #tpu.memory_space<vmem>>, vector<1x16xi32>,
    %get3A_412 = arith.constant 0 : i32
    %get3A_413 = arith.index_cast %get3A_412 : i32 to index
    %get3A_414 = arith.constant 240 : index
    %get3A_415 = tpu.vector_load %arg7[%get3A_413, %get3A_414] {strides = array<i32>} : memref<1x1024xi32, #tpu.memory_space<vmem>>, vector<1x16xi32>,
    %get3A_416 = vector.shape_cast %get3A_415 : vector<1x16xi32> to vector<16xi32>
    %sub3A_417 = vector.broadcast %multiple_of3A : i32 to vector<16xi32>
    %sub3A_418 = arith.subi %get3A_416, %sub3A_417 : vector<16xi32>
    %ge3A_419 = vector.broadcast %multiple_of3A : i32 to vector<16xi32>
    %ge3A_420 = arith.cmpi sge, %get3A_416, %ge3A_419 : vector<16xi32>
    %lt3A_421 = vector.broadcast %select_n3A_6 : i32 to vector<16xi32>
    %lt3A_422 = arith.cmpi slt, %get3A_416, %lt3A_421 : vector<16xi32>
    %and3A_423 = arith.andi %ge3A_420, %lt3A_422 : vector<16xi1>
    %jit3A_424 = arith.constant 25088 : i32
    %broadcast_in_dim3A_425 = vector.broadcast %jit3A_424 : i32 to vector<16xi32>
    %select_n3A_426 = arith.select %and3A_423, %sub3A_418, %broadcast_in_dim3A_425 : vector<16xi1>, vector<16xi32>
    %swap3A_427 = arith.constant 0 : i32
    %swap3A_428 = arith.index_cast %swap3A_427 : i32 to index
    %swap3A_429 = arith.constant 112 : index
    %swap3A_430 = tpu.vector_load %arg8[%swap3A_428, %swap3A_429] {strides = array<i32>} : memref<1x128xi32, #tpu.memory_space<vmem>>, vector<1x16xi32>,
    %swap3A_431 = vector.shape_cast %swap3A_430 : vector<1x16xi32> to vector<16xi32>
    %swap3A_432 = vector.shape_cast %select_n3A_426 : vector<16xi32> to vector<1x16xi32>
    tpu.vector_store %arg8[%swap3A_428, %swap3A_429], %swap3A_432 {strides = array<i32>} : memref<1x128xi32, #tpu.memory_space<vmem>>, vector<1x16xi32>,
    %dma_wait3A_433 = arith.constant 1 : i32
    %dma_wait3A_434 = arith.constant 1 : i32
    %dma_wait3A_435 = arith.constant 0 : i32
    %dma_wait3A_436 = arith.constant 0 : i32
    %dma_wait3A_437 = tpu.memref_slice %arg9[%dma_wait3A_433, %dma_wait3A_435, %dma_wait3A_436] : memref<2x128x64xi32, #tpu.memory_space<vmem>> -> memref<1x128x64xi32, #tpu.memory_space<vmem>>
    %dma_wait3A_438 = tpu.memref_squeeze %dma_wait3A_437 : memref<1x128x64xi32, #tpu.memory_space<vmem>> -> memref<128x64xi32, #tpu.memory_space<vmem>>
    %dma_wait3A_439 = arith.constant 0 : i32
    %dma_wait3A_440 = tpu.memref_slice %arg4[%add3A_16, %dma_wait3A_439] : memref<16384x64xi32, #tpu.memory_space<hbm>> -> memref<128x64xi32, #tpu.memory_space<hbm>>
    %dma_wait3A_441 = tpu.memref_slice %arg10[%dma_wait3A_434] : memref<2x!tpu.dma_semaphore, #tpu.memory_space<semaphore_mem>> -> memref<1x!tpu.dma_semaphore, #tpu.memory_space<semaphore_mem>>
    %dma_wait3A_442 = tpu.memref_squeeze %dma_wait3A_441 : memref<1x!tpu.dma_semaphore, #tpu.memory_space<semaphore_mem>> -> memref<!tpu.dma_semaphore, #tpu.memory_space<semaphore_mem>>
    %dma_wait3A_443 = arith.constant 0 : i32
    %dma_wait3A_444 = arith.constant 0 : i32
    %dma_wait3A_445 = tpu.memref_slice %arg9[%dma_wait3A_433, %dma_wait3A_443, %dma_wait3A_444] : memref<2x128x64xi32, #tpu.memory_space<vmem>> -> memref<1x128x64xi32, #tpu.memory_space<vmem>>
    %dma_wait3A_446 = tpu.memref_squeeze %dma_wait3A_445 : memref<1x128x64xi32, #tpu.memory_space<vmem>> -> memref<128x64xi32, #tpu.memory_space<vmem>>
    %dma_wait3A_447 = arith.constant 0 : i32
    %dma_wait3A_448 = tpu.memref_slice %arg4[%add3A_16, %dma_wait3A_447] : memref<16384x64xi32, #tpu.memory_space<hbm>> -> memref<128x64xi32, #tpu.memory_space<hbm>>
    tpu.wait_dma2 semaphore(%dma_wait3A_442 : memref<!tpu.dma_semaphore, #tpu.memory_space<semaphore_mem>>) src(%dma_wait3A_448 : memref<128x64xi32, #tpu.memory_space<hbm>>) dst(%dma_wait3A_446 : memref<128x64xi32, #tpu.memory_space<vmem>>)
    %run_scoped3A_449 = arith.constant 1 : i32
    %run_scoped3A_450 = arith.constant 0 : i32
    "tpu.region"() ({
      %run_scoped3A_3310 = tpu.sem_alloc : memref<!tpu.dma_semaphore, #tpu.memory_space<semaphore_mem>>
      %dma_start3A_3311 = arith.constant 0 : i32
      %dma_start3A_3312 = arith.constant 0 : i32
      %dma_start3A_3313 = tpu.memref_slice %arg9[%run_scoped3A_449, %dma_start3A_3311, %dma_start3A_3312] : memref<2x128x64xi32, #tpu.memory_space<vmem>> -> memref<1x128x64xi32, #tpu.memory_space<vmem>>
      %dma_start3A_3314 = tpu.memref_squeeze %dma_start3A_3313 : memref<1x128x64xi32, #tpu.memory_space<vmem>> -> memref<128x64xi32, #tpu.memory_space<vmem>>
      %dma_start3A_3315 = arith.constant 0 : i32
      %dma_start3A_3316 = tpu.memref_slice %arg8[%run_scoped3A_450, %dma_start3A_3315] : memref<1x128xi32, #tpu.memory_space<vmem>> -> memref<1x128xi32, #tpu.memory_space<vmem>>
      %dma_start3A_3317 = tpu.memref_squeeze %dma_start3A_3316 : memref<1x128xi32, #tpu.memory_space<vmem>> -> memref<128xi32, #tpu.memory_space<vmem>>
      %dma_start3A_3318 = arith.constant 0 : i32
      %dma_start3A_3319 = arith.constant 0 : i32
      %dma_start3A_3320 = tpu.memref_slice %arg6[%dma_start3A_3318, %dma_start3A_3319] : memref<25096x64xi32, #tpu.memory_space<vmem_shared>> -> memref<25096x64xi32, #tpu.memory_space<vmem_shared>>
      tpu.enqueue_indirect_dma source(%dma_start3A_3314 : memref<128x64xi32, #tpu.memory_space<vmem>>) target(%dma_start3A_3320 : memref<25096x64xi32, #tpu.memory_space<vmem_shared>>) offsets(%dma_start3A_3317 : memref<128xi32, #tpu.memory_space<vmem>>) semaphore(%run_scoped3A_3310 : memref<!tpu.dma_semaphore, #tpu.memory_space<semaphore_mem>>) {add = true}
      %dma_wait3A_3321 = arith.constant 0 : i32
      %dma_wait3A_3322 = arith.constant 0 : i32
      %dma_wait3A_3323 = tpu.memref_slice %arg9[%run_scoped3A_449, %dma_wait3A_3321, %dma_wait3A_3322] : memref<2x128x64xi32, #tpu.memory_space<vmem>> -> memref<1x128x64xi32, #tpu.memory_space<vmem>>
      %dma_wait3A_3324 = tpu.memref_squeeze %dma_wait3A_3323 : memref<1x128x64xi32, #tpu.memory_space<vmem>> -> memref<128x64xi32, #tpu.memory_space<vmem>>
      %dma_wait3A_3325 = arith.constant 0 : i32
      %dma_wait3A_3326 = tpu.memref_slice %arg8[%run_scoped3A_450, %dma_wait3A_3325] : memref<1x128xi32, #tpu.memory_space<vmem>> -> memref<1x128xi32, #tpu.memory_space<vmem>>
      %dma_wait3A_3327 = tpu.memref_squeeze %dma_wait3A_3326 : memref<1x128xi32, #tpu.memory_space<vmem>> -> memref<128xi32, #tpu.memory_space<vmem>>
      %dma_wait3A_3328 = arith.constant 0 : i32
      %dma_wait3A_3329 = arith.constant 0 : i32
      %dma_wait3A_3330 = tpu.memref_slice %arg6[%dma_wait3A_3328, %dma_wait3A_3329] : memref<25096x64xi32, #tpu.memory_space<vmem_shared>> -> memref<25096x64xi32, #tpu.memory_space<vmem_shared>>
      tpu.wait_indirect_dma semaphore(%run_scoped3A_3310 : memref<!tpu.dma_semaphore, #tpu.memory_space<semaphore_mem>>) src(%dma_wait3A_3324 : memref<128x64xi32, #tpu.memory_space<vmem>>) dst(%dma_wait3A_3330 : memref<25096x64xi32, #tpu.memory_space<vmem_shared>>)
      tpu.yield
    }) : () -> ()
    %dma_start3A_451 = arith.constant 1 : i32
    %dma_start3A_452 = arith.constant 1 : i32
    %dma_start3A_453 = arith.constant 0 : i32
    %dma_start3A_454 = arith.constant 0 : i32
    %dma_start3A_455 = tpu.memref_slice %arg9[%dma_start3A_451, %dma_start3A_453, %dma_start3A_454] : memref<2x128x64xi32, #tpu.memory_space<vmem>> -> memref<1x128x64xi32, #tpu.memory_space<vmem>>
    %dma_start3A_456 = tpu.memref_squeeze %dma_start3A_455 : memref<1x128x64xi32, #tpu.memory_space<vmem>> -> memref<128x64xi32, #tpu.memory_space<vmem>>
    %dma_start3A_457 = arith.constant 0 : i32
    %dma_start3A_458 = tpu.memref_slice %arg4[%add3A_24, %dma_start3A_457] : memref<16384x64xi32, #tpu.memory_space<hbm>> -> memref<128x64xi32, #tpu.memory_space<hbm>>
    %dma_start3A_459 = tpu.memref_slice %arg10[%dma_start3A_452] : memref<2x!tpu.dma_semaphore, #tpu.memory_space<semaphore_mem>> -> memref<1x!tpu.dma_semaphore, #tpu.memory_space<semaphore_mem>>
    %dma_start3A_460 = tpu.memref_squeeze %dma_start3A_459 : memref<1x!tpu.dma_semaphore, #tpu.memory_space<semaphore_mem>> -> memref<!tpu.dma_semaphore, #tpu.memory_space<semaphore_mem>>
    %dma_start3A_461 = arith.constant 0 : i32
    %dma_start3A_462 = arith.constant 0 : i32
    %dma_start3A_463 = tpu.memref_slice %arg9[%dma_start3A_451, %dma_start3A_461, %dma_start3A_462] : memref<2x128x64xi32, #tpu.memory_space<vmem>> -> memref<1x128x64xi32, #tpu.memory_space<vmem>>
    %dma_start3A_464 = tpu.memref_squeeze %dma_start3A_463 : memref<1x128x64xi32, #tpu.memory_space<vmem>> -> memref<128x64xi32, #tpu.memory_space<vmem>>
    %dma_start3A_465 = arith.constant 0 : i32
    %dma_start3A_466 = tpu.memref_slice %arg4[%add3A_24, %dma_start3A_465] : memref<16384x64xi32, #tpu.memory_space<hbm>> -> memref<128x64xi32, #tpu.memory_space<hbm>>
    tpu.enqueue_dma source(%dma_start3A_466 : memref<128x64xi32, #tpu.memory_space<hbm>>) target(%dma_start3A_464 : memref<128x64xi32, #tpu.memory_space<vmem>>) target_semaphore(%dma_start3A_460 : memref<!tpu.dma_semaphore, #tpu.memory_space<semaphore_mem>>)
    %get3A_467 = arith.constant 0 : i32
    %get3A_468 = arith.index_cast %get3A_467 : i32 to index
    %get3A_469 = arith.constant 256 : index
    %get3A_470 = tpu.vector_load %arg7[%get3A_468, %get3A_469] {strides = array<i32>} : memref<1x1024xi32, #tpu.memory_space<vmem>>, vector<1x16xi32>,
    %get3A_471 = vector.shape_cast %get3A_470 : vector<1x16xi32> to vector<16xi32>
    %sub3A_472 = vector.broadcast %multiple_of3A : i32 to vector<16xi32>
    %sub3A_473 = arith.subi %get3A_471, %sub3A_472 : vector<16xi32>
    %ge3A_474 = vector.broadcast %multiple_of3A : i32 to vector<16xi32>
    %ge3A_475 = arith.cmpi sge, %get3A_471, %ge3A_474 : vector<16xi32>
    %lt3A_476 = vector.broadcast %select_n3A_6 : i32 to vector<16xi32>
    %lt3A_477 = arith.cmpi slt, %get3A_471, %lt3A_476 : vector<16xi32>
    %and3A_478 = arith.andi %ge3A_475, %lt3A_477 : vector<16xi1>
    %jit3A_479 = arith.constant 25088 : i32
    %broadcast_in_dim3A_480 = vector.broadcast %jit3A_479 : i32 to vector<16xi32>
    %select_n3A_481 = arith.select %and3A_478, %sub3A_473, %broadcast_in_dim3A_480 : vector<16xi1>, vector<16xi32>
    %swap3A_482 = arith.constant 0 : i32
    %swap3A_483 = arith.index_cast %swap3A_482 : i32 to index
    %swap3A_484 = arith.constant 0 : index
    %swap3A_485 = tpu.vector_load %arg8[%swap3A_483, %swap3A_484] {strides = array<i32>} : memref<1x128xi32, #tpu.memory_space<vmem>>, vector<1x16xi32>,
    %swap3A_486 = vector.shape_cast %swap3A_485 : vector<1x16xi32> to vector<16xi32>
    %swap3A_487 = vector.shape_cast %select_n3A_481 : vector<16xi32> to vector<1x16xi32>
    tpu.vector_store %arg8[%swap3A_483, %swap3A_484], %swap3A_487 {strides = array<i32>} : memref<1x128xi32, #tpu.memory_space<vmem>>, vector<1x16xi32>,
    %get3A_488 = arith.constant 0 : i32
    %get3A_489 = arith.index_cast %get3A_488 : i32 to index
    %get3A_490 = arith.constant 272 : index
    %get3A_491 = tpu.vector_load %arg7[%get3A_489, %get3A_490] {strides = array<i32>} : memref<1x1024xi32, #tpu.memory_space<vmem>>, vector<1x16xi32>,
    %get3A_492 = vector.shape_cast %get3A_491 : vector<1x16xi32> to vector<16xi32>
    %sub3A_493 = vector.broadcast %multiple_of3A : i32 to vector<16xi32>
    %sub3A_494 = arith.subi %get3A_492, %sub3A_493 : vector<16xi32>
    %ge3A_495 = vector.broadcast %multiple_of3A : i32 to vector<16xi32>
    %ge3A_496 = arith.cmpi sge, %get3A_492, %ge3A_495 : vector<16xi32>
    %lt3A_497 = vector.broadcast %select_n3A_6 : i32 to vector<16xi32>
    %lt3A_498 = arith.cmpi slt, %get3A_492, %lt3A_497 : vector<16xi32>
    %and3A_499 = arith.andi %ge3A_496, %lt3A_498 : vector<16xi1>
    %jit3A_500 = arith.constant 25088 : i32
    %broadcast_in_dim3A_501 = vector.broadcast %jit3A_500 : i32 to vector<16xi32>
    %select_n3A_502 = arith.select %and3A_499, %sub3A_494, %broadcast_in_dim3A_501 : vector<16xi1>, vector<16xi32>
    %swap3A_503 = arith.constant 0 : i32
    %swap3A_504 = arith.index_cast %swap3A_503 : i32 to index
    %swap3A_505 = arith.constant 16 : index
    %swap3A_506 = tpu.vector_load %arg8[%swap3A_504, %swap3A_505] {strides = array<i32>} : memref<1x128xi32, #tpu.memory_space<vmem>>, vector<1x16xi32>,
    %swap3A_507 = vector.shape_cast %swap3A_506 : vector<1x16xi32> to vector<16xi32>
    %swap3A_508 = vector.shape_cast %select_n3A_502 : vector<16xi32> to vector<1x16xi32>
    tpu.vector_store %arg8[%swap3A_504, %swap3A_505], %swap3A_508 {strides = array<i32>} : memref<1x128xi32, #tpu.memory_space<vmem>>, vector<1x16xi32>,
    %get3A_509 = arith.constant 0 : i32
    %get3A_510 = arith.index_cast %get3A_509 : i32 to index
    %get3A_511 = arith.constant 288 : index
    %get3A_512 = tpu.vector_load %arg7[%get3A_510, %get3A_511] {strides = array<i32>} : memref<1x1024xi32, #tpu.memory_space<vmem>>, vector<1x16xi32>,
    %get3A_513 = vector.shape_cast %get3A_512 : vector<1x16xi32> to vector<16xi32>
    %sub3A_514 = vector.broadcast %multiple_of3A : i32 to vector<16xi32>
    %sub3A_515 = arith.subi %get3A_513, %sub3A_514 : vector<16xi32>
    %ge3A_516 = vector.broadcast %multiple_of3A : i32 to vector<16xi32>
    %ge3A_517 = arith.cmpi sge, %get3A_513, %ge3A_516 : vector<16xi32>
    %lt3A_518 = vector.broadcast %select_n3A_6 : i32 to vector<16xi32>
    %lt3A_519 = arith.cmpi slt, %get3A_513, %lt3A_518 : vector<16xi32>
    %and3A_520 = arith.andi %ge3A_517, %lt3A_519 : vector<16xi1>
    %jit3A_521 = arith.constant 25088 : i32
    %broadcast_in_dim3A_522 = vector.broadcast %jit3A_521 : i32 to vector<16xi32>
    %select_n3A_523 = arith.select %and3A_520, %sub3A_515, %broadcast_in_dim3A_522 : vector<16xi1>, vector<16xi32>
    %swap3A_524 = arith.constant 0 : i32
    %swap3A_525 = arith.index_cast %swap3A_524 : i32 to index
    %swap3A_526 = arith.constant 32 : index
    %swap3A_527 = tpu.vector_load %arg8[%swap3A_525, %swap3A_526] {strides = array<i32>} : memref<1x128xi32, #tpu.memory_space<vmem>>, vector<1x16xi32>,
    %swap3A_528 = vector.shape_cast %swap3A_527 : vector<1x16xi32> to vector<16xi32>
    %swap3A_529 = vector.shape_cast %select_n3A_523 : vector<16xi32> to vector<1x16xi32>
    tpu.vector_store %arg8[%swap3A_525, %swap3A_526], %swap3A_529 {strides = array<i32>} : memref<1x128xi32, #tpu.memory_space<vmem>>, vector<1x16xi32>,
    %get3A_530 = arith.constant 0 : i32
    %get3A_531 = arith.index_cast %get3A_530 : i32 to index
    %get3A_532 = arith.constant 304 : index
    %get3A_533 = tpu.vector_load %arg7[%get3A_531, %get3A_532] {strides = array<i32>} : memref<1x1024xi32, #tpu.memory_space<vmem>>, vector<1x16xi32>,
    %get3A_534 = vector.shape_cast %get3A_533 : vector<1x16xi32> to vector<16xi32>
    %sub3A_535 = vector.broadcast %multiple_of3A : i32 to vector<16xi32>
    %sub3A_536 = arith.subi %get3A_534, %sub3A_535 : vector<16xi32>
    %ge3A_537 = vector.broadcast %multiple_of3A : i32 to vector<16xi32>
    %ge3A_538 = arith.cmpi sge, %get3A_534, %ge3A_537 : vector<16xi32>
    %lt3A_539 = vector.broadcast %select_n3A_6 : i32 to vector<16xi32>
    %lt3A_540 = arith.cmpi slt, %get3A_534, %lt3A_539 : vector<16xi32>
    %and3A_541 = arith.andi %ge3A_538, %lt3A_540 : vector<16xi1>
    %jit3A_542 = arith.constant 25088 : i32
    %broadcast_in_dim3A_543 = vector.broadcast %jit3A_542 : i32 to vector<16xi32>
    %select_n3A_544 = arith.select %and3A_541, %sub3A_536, %broadcast_in_dim3A_543 : vector<16xi1>, vector<16xi32>
    %swap3A_545 = arith.constant 0 : i32
    %swap3A_546 = arith.index_cast %swap3A_545 : i32 to index
    %swap3A_547 = arith.constant 48 : index
    %swap3A_548 = tpu.vector_load %arg8[%swap3A_546, %swap3A_547] {strides = array<i32>} : memref<1x128xi32, #tpu.memory_space<vmem>>, vector<1x16xi32>,
    %swap3A_549 = vector.shape_cast %swap3A_548 : vector<1x16xi32> to vector<16xi32>
    %swap3A_550 = vector.shape_cast %select_n3A_544 : vector<16xi32> to vector<1x16xi32>
    tpu.vector_store %arg8[%swap3A_546, %swap3A_547], %swap3A_550 {strides = array<i32>} : memref<1x128xi32, #tpu.memory_space<vmem>>, vector<1x16xi32>,
    %get3A_551 = arith.constant 0 : i32
    %get3A_552 = arith.index_cast %get3A_551 : i32 to index
    %get3A_553 = arith.constant 320 : index
    %get3A_554 = tpu.vector_load %arg7[%get3A_552, %get3A_553] {strides = array<i32>} : memref<1x1024xi32, #tpu.memory_space<vmem>>, vector<1x16xi32>,
    %get3A_555 = vector.shape_cast %get3A_554 : vector<1x16xi32> to vector<16xi32>
    %sub3A_556 = vector.broadcast %multiple_of3A : i32 to vector<16xi32>
    %sub3A_557 = arith.subi %get3A_555, %sub3A_556 : vector<16xi32>
    %ge3A_558 = vector.broadcast %multiple_of3A : i32 to vector<16xi32>
    %ge3A_559 = arith.cmpi sge, %get3A_555, %ge3A_558 : vector<16xi32>
    %lt3A_560 = vector.broadcast %select_n3A_6 : i32 to vector<16xi32>
    %lt3A_561 = arith.cmpi slt, %get3A_555, %lt3A_560 : vector<16xi32>
    %and3A_562 = arith.andi %ge3A_559, %lt3A_561 : vector<16xi1>
    %jit3A_563 = arith.constant 25088 : i32
    %broadcast_in_dim3A_564 = vector.broadcast %jit3A_563 : i32 to vector<16xi32>
    %select_n3A_565 = arith.select %and3A_562, %sub3A_557, %broadcast_in_dim3A_564 : vector<16xi1>, vector<16xi32>
    %swap3A_566 = arith.constant 0 : i32
    %swap3A_567 = arith.index_cast %swap3A_566 : i32 to index
    %swap3A_568 = arith.constant 64 : index
    %swap3A_569 = tpu.vector_load %arg8[%swap3A_567, %swap3A_568] {strides = array<i32>} : memref<1x128xi32, #tpu.memory_space<vmem>>, vector<1x16xi32>,
    %swap3A_570 = vector.shape_cast %swap3A_569 : vector<1x16xi32> to vector<16xi32>
    %swap3A_571 = vector.shape_cast %select_n3A_565 : vector<16xi32> to vector<1x16xi32>
    tpu.vector_store %arg8[%swap3A_567, %swap3A_568], %swap3A_571 {strides = array<i32>} : memref<1x128xi32, #tpu.memory_space<vmem>>, vector<1x16xi32>,
    %get3A_572 = arith.constant 0 : i32
    %get3A_573 = arith.index_cast %get3A_572 : i32 to index
    %get3A_574 = arith.constant 336 : index
    %get3A_575 = tpu.vector_load %arg7[%get3A_573, %get3A_574] {strides = array<i32>} : memref<1x1024xi32, #tpu.memory_space<vmem>>, vector<1x16xi32>,
    %get3A_576 = vector.shape_cast %get3A_575 : vector<1x16xi32> to vector<16xi32>
    %sub3A_577 = vector.broadcast %multiple_of3A : i32 to vector<16xi32>
    %sub3A_578 = arith.subi %get3A_576, %sub3A_577 : vector<16xi32>
    %ge3A_579 = vector.broadcast %multiple_of3A : i32 to vector<16xi32>
    %ge3A_580 = arith.cmpi sge, %get3A_576, %ge3A_579 : vector<16xi32>
    %lt3A_581 = vector.broadcast %select_n3A_6 : i32 to vector<16xi32>
    %lt3A_582 = arith.cmpi slt, %get3A_576, %lt3A_581 : vector<16xi32>
    %and3A_583 = arith.andi %ge3A_580, %lt3A_582 : vector<16xi1>
    %jit3A_584 = arith.constant 25088 : i32
    %broadcast_in_dim3A_585 = vector.broadcast %jit3A_584 : i32 to vector<16xi32>
    %select_n3A_586 = arith.select %and3A_583, %sub3A_578, %broadcast_in_dim3A_585 : vector<16xi1>, vector<16xi32>
    %swap3A_587 = arith.constant 0 : i32
    %swap3A_588 = arith.index_cast %swap3A_587 : i32 to index
    %swap3A_589 = arith.constant 80 : index
    %swap3A_590 = tpu.vector_load %arg8[%swap3A_588, %swap3A_589] {strides = array<i32>} : memref<1x128xi32, #tpu.memory_space<vmem>>, vector<1x16xi32>,
    %swap3A_591 = vector.shape_cast %swap3A_590 : vector<1x16xi32> to vector<16xi32>
    %swap3A_592 = vector.shape_cast %select_n3A_586 : vector<16xi32> to vector<1x16xi32>
    tpu.vector_store %arg8[%swap3A_588, %swap3A_589], %swap3A_592 {strides = array<i32>} : memref<1x128xi32, #tpu.memory_space<vmem>>, vector<1x16xi32>,
    %get3A_593 = arith.constant 0 : i32
    %get3A_594 = arith.index_cast %get3A_593 : i32 to index
    %get3A_595 = arith.constant 352 : index
    %get3A_596 = tpu.vector_load %arg7[%get3A_594, %get3A_595] {strides = array<i32>} : memref<1x1024xi32, #tpu.memory_space<vmem>>, vector<1x16xi32>,
    %get3A_597 = vector.shape_cast %get3A_596 : vector<1x16xi32> to vector<16xi32>
    %sub3A_598 = vector.broadcast %multiple_of3A : i32 to vector<16xi32>
    %sub3A_599 = arith.subi %get3A_597, %sub3A_598 : vector<16xi32>
    %ge3A_600 = vector.broadcast %multiple_of3A : i32 to vector<16xi32>
    %ge3A_601 = arith.cmpi sge, %get3A_597, %ge3A_600 : vector<16xi32>
    %lt3A_602 = vector.broadcast %select_n3A_6 : i32 to vector<16xi32>
    %lt3A_603 = arith.cmpi slt, %get3A_597, %lt3A_602 : vector<16xi32>
    %and3A_604 = arith.andi %ge3A_601, %lt3A_603 : vector<16xi1>
    %jit3A_605 = arith.constant 25088 : i32
    %broadcast_in_dim3A_606 = vector.broadcast %jit3A_605 : i32 to vector<16xi32>
    %select_n3A_607 = arith.select %and3A_604, %sub3A_599, %broadcast_in_dim3A_606 : vector<16xi1>, vector<16xi32>
    %swap3A_608 = arith.constant 0 : i32
    %swap3A_609 = arith.index_cast %swap3A_608 : i32 to index
    %swap3A_610 = arith.constant 96 : index
    %swap3A_611 = tpu.vector_load %arg8[%swap3A_609, %swap3A_610] {strides = array<i32>} : memref<1x128xi32, #tpu.memory_space<vmem>>, vector<1x16xi32>,
    %swap3A_612 = vector.shape_cast %swap3A_611 : vector<1x16xi32> to vector<16xi32>
    %swap3A_613 = vector.shape_cast %select_n3A_607 : vector<16xi32> to vector<1x16xi32>
    tpu.vector_store %arg8[%swap3A_609, %swap3A_610], %swap3A_613 {strides = array<i32>} : memref<1x128xi32, #tpu.memory_space<vmem>>, vector<1x16xi32>,
    %get3A_614 = arith.constant 0 : i32
    %get3A_615 = arith.index_cast %get3A_614 : i32 to index
    %get3A_616 = arith.constant 368 : index
    %get3A_617 = tpu.vector_load %arg7[%get3A_615, %get3A_616] {strides = array<i32>} : memref<1x1024xi32, #tpu.memory_space<vmem>>, vector<1x16xi32>,
    %get3A_618 = vector.shape_cast %get3A_617 : vector<1x16xi32> to vector<16xi32>
    %sub3A_619 = vector.broadcast %multiple_of3A : i32 to vector<16xi32>
    %sub3A_620 = arith.subi %get3A_618, %sub3A_619 : vector<16xi32>
    %ge3A_621 = vector.broadcast %multiple_of3A : i32 to vector<16xi32>
    %ge3A_622 = arith.cmpi sge, %get3A_618, %ge3A_621 : vector<16xi32>
    %lt3A_623 = vector.broadcast %select_n3A_6 : i32 to vector<16xi32>
    %lt3A_624 = arith.cmpi slt, %get3A_618, %lt3A_623 : vector<16xi32>
    %and3A_625 = arith.andi %ge3A_622, %lt3A_624 : vector<16xi1>
    %jit3A_626 = arith.constant 25088 : i32
    %broadcast_in_dim3A_627 = vector.broadcast %jit3A_626 : i32 to vector<16xi32>
    %select_n3A_628 = arith.select %and3A_625, %sub3A_620, %broadcast_in_dim3A_627 : vector<16xi1>, vector<16xi32>
    %swap3A_629 = arith.constant 0 : i32
    %swap3A_630 = arith.index_cast %swap3A_629 : i32 to index
    %swap3A_631 = arith.constant 112 : index
    %swap3A_632 = tpu.vector_load %arg8[%swap3A_630, %swap3A_631] {strides = array<i32>} : memref<1x128xi32, #tpu.memory_space<vmem>>, vector<1x16xi32>,
    %swap3A_633 = vector.shape_cast %swap3A_632 : vector<1x16xi32> to vector<16xi32>
    %swap3A_634 = vector.shape_cast %select_n3A_628 : vector<16xi32> to vector<1x16xi32>
    tpu.vector_store %arg8[%swap3A_630, %swap3A_631], %swap3A_634 {strides = array<i32>} : memref<1x128xi32, #tpu.memory_space<vmem>>, vector<1x16xi32>,
    %dma_wait3A_635 = arith.constant 0 : i32
    %dma_wait3A_636 = arith.constant 0 : i32
    %dma_wait3A_637 = arith.constant 0 : i32
    %dma_wait3A_638 = arith.constant 0 : i32
    %dma_wait3A_639 = tpu.memref_slice %arg9[%dma_wait3A_635, %dma_wait3A_637, %dma_wait3A_638] : memref<2x128x64xi32, #tpu.memory_space<vmem>> -> memref<1x128x64xi32, #tpu.memory_space<vmem>>
    %dma_wait3A_640 = tpu.memref_squeeze %dma_wait3A_639 : memref<1x128x64xi32, #tpu.memory_space<vmem>> -> memref<128x64xi32, #tpu.memory_space<vmem>>
    %dma_wait3A_641 = arith.constant 0 : i32
    %dma_wait3A_642 = tpu.memref_slice %arg4[%add3A_20, %dma_wait3A_641] : memref<16384x64xi32, #tpu.memory_space<hbm>> -> memref<128x64xi32, #tpu.memory_space<hbm>>
    %dma_wait3A_643 = tpu.memref_slice %arg10[%dma_wait3A_636] : memref<2x!tpu.dma_semaphore, #tpu.memory_space<semaphore_mem>> -> memref<1x!tpu.dma_semaphore, #tpu.memory_space<semaphore_mem>>
    %dma_wait3A_644 = tpu.memref_squeeze %dma_wait3A_643 : memref<1x!tpu.dma_semaphore, #tpu.memory_space<semaphore_mem>> -> memref<!tpu.dma_semaphore, #tpu.memory_space<semaphore_mem>>
    %dma_wait3A_645 = arith.constant 0 : i32
    %dma_wait3A_646 = arith.constant 0 : i32
    %dma_wait3A_647 = tpu.memref_slice %arg9[%dma_wait3A_635, %dma_wait3A_645, %dma_wait3A_646] : memref<2x128x64xi32, #tpu.memory_space<vmem>> -> memref<1x128x64xi32, #tpu.memory_space<vmem>>
    %dma_wait3A_648 = tpu.memref_squeeze %dma_wait3A_647 : memref<1x128x64xi32, #tpu.memory_space<vmem>> -> memref<128x64xi32, #tpu.memory_space<vmem>>
    %dma_wait3A_649 = arith.constant 0 : i32
    %dma_wait3A_650 = tpu.memref_slice %arg4[%add3A_20, %dma_wait3A_649] : memref<16384x64xi32, #tpu.memory_space<hbm>> -> memref<128x64xi32, #tpu.memory_space<hbm>>
    tpu.wait_dma2 semaphore(%dma_wait3A_644 : memref<!tpu.dma_semaphore, #tpu.memory_space<semaphore_mem>>) src(%dma_wait3A_650 : memref<128x64xi32, #tpu.memory_space<hbm>>) dst(%dma_wait3A_648 : memref<128x64xi32, #tpu.memory_space<vmem>>)
    %run_scoped3A_651 = arith.constant 0 : i32
    %run_scoped3A_652 = arith.constant 0 : i32
    "tpu.region"() ({
      %run_scoped3A_3310 = tpu.sem_alloc : memref<!tpu.dma_semaphore, #tpu.memory_space<semaphore_mem>>
      %dma_start3A_3311 = arith.constant 0 : i32
      %dma_start3A_3312 = arith.constant 0 : i32
      %dma_start3A_3313 = tpu.memref_slice %arg9[%run_scoped3A_651, %dma_start3A_3311, %dma_start3A_3312] : memref<2x128x64xi32, #tpu.memory_space<vmem>> -> memref<1x128x64xi32, #tpu.memory_space<vmem>>
      %dma_start3A_3314 = tpu.memref_squeeze %dma_start3A_3313 : memref<1x128x64xi32, #tpu.memory_space<vmem>> -> memref<128x64xi32, #tpu.memory_space<vmem>>
      %dma_start3A_3315 = arith.constant 0 : i32
      %dma_start3A_3316 = tpu.memref_slice %arg8[%run_scoped3A_652, %dma_start3A_3315] : memref<1x128xi32, #tpu.memory_space<vmem>> -> memref<1x128xi32, #tpu.memory_space<vmem>>
      %dma_start3A_3317 = tpu.memref_squeeze %dma_start3A_3316 : memref<1x128xi32, #tpu.memory_space<vmem>> -> memref<128xi32, #tpu.memory_space<vmem>>
      %dma_start3A_3318 = arith.constant 0 : i32
      %dma_start3A_3319 = arith.constant 0 : i32
      %dma_start3A_3320 = tpu.memref_slice %arg6[%dma_start3A_3318, %dma_start3A_3319] : memref<25096x64xi32, #tpu.memory_space<vmem_shared>> -> memref<25096x64xi32, #tpu.memory_space<vmem_shared>>
      tpu.enqueue_indirect_dma source(%dma_start3A_3314 : memref<128x64xi32, #tpu.memory_space<vmem>>) target(%dma_start3A_3320 : memref<25096x64xi32, #tpu.memory_space<vmem_shared>>) offsets(%dma_start3A_3317 : memref<128xi32, #tpu.memory_space<vmem>>) semaphore(%run_scoped3A_3310 : memref<!tpu.dma_semaphore, #tpu.memory_space<semaphore_mem>>) {add = true}
      %dma_wait3A_3321 = arith.constant 0 : i32
      %dma_wait3A_3322 = arith.constant 0 : i32
      %dma_wait3A_3323 = tpu.memref_slice %arg9[%run_scoped3A_651, %dma_wait3A_3321, %dma_wait3A_3322] : memref<2x128x64xi32, #tpu.memory_space<vmem>> -> memref<1x128x64xi32, #tpu.memory_space<vmem>>
      %dma_wait3A_3324 = tpu.memref_squeeze %dma_wait3A_3323 : memref<1x128x64xi32, #tpu.memory_space<vmem>> -> memref<128x64xi32, #tpu.memory_space<vmem>>
      %dma_wait3A_3325 = arith.constant 0 : i32
      %dma_wait3A_3326 = tpu.memref_slice %arg8[%run_scoped3A_652, %dma_wait3A_3325] : memref<1x128xi32, #tpu.memory_space<vmem>> -> memref<1x128xi32, #tpu.memory_space<vmem>>
      %dma_wait3A_3327 = tpu.memref_squeeze %dma_wait3A_3326 : memref<1x128xi32, #tpu.memory_space<vmem>> -> memref<128xi32, #tpu.memory_space<vmem>>
      %dma_wait3A_3328 = arith.constant 0 : i32
      %dma_wait3A_3329 = arith.constant 0 : i32
      %dma_wait3A_3330 = tpu.memref_slice %arg6[%dma_wait3A_3328, %dma_wait3A_3329] : memref<25096x64xi32, #tpu.memory_space<vmem_shared>> -> memref<25096x64xi32, #tpu.memory_space<vmem_shared>>
      tpu.wait_indirect_dma semaphore(%run_scoped3A_3310 : memref<!tpu.dma_semaphore, #tpu.memory_space<semaphore_mem>>) src(%dma_wait3A_3324 : memref<128x64xi32, #tpu.memory_space<vmem>>) dst(%dma_wait3A_3330 : memref<25096x64xi32, #tpu.memory_space<vmem_shared>>)
      tpu.yield
    }) : () -> ()
    %dma_start3A_653 = arith.constant 0 : i32
    %dma_start3A_654 = arith.constant 0 : i32
    %dma_start3A_655 = arith.constant 0 : i32
    %dma_start3A_656 = arith.constant 0 : i32
    %dma_start3A_657 = tpu.memref_slice %arg9[%dma_start3A_653, %dma_start3A_655, %dma_start3A_656] : memref<2x128x64xi32, #tpu.memory_space<vmem>> -> memref<1x128x64xi32, #tpu.memory_space<vmem>>
    %dma_start3A_658 = tpu.memref_squeeze %dma_start3A_657 : memref<1x128x64xi32, #tpu.memory_space<vmem>> -> memref<128x64xi32, #tpu.memory_space<vmem>>
    %dma_start3A_659 = arith.constant 0 : i32
    %dma_start3A_660 = tpu.memref_slice %arg4[%add3A_28, %dma_start3A_659] : memref<16384x64xi32, #tpu.memory_space<hbm>> -> memref<128x64xi32, #tpu.memory_space<hbm>>
    %dma_start3A_661 = tpu.memref_slice %arg10[%dma_start3A_654] : memref<2x!tpu.dma_semaphore, #tpu.memory_space<semaphore_mem>> -> memref<1x!tpu.dma_semaphore, #tpu.memory_space<semaphore_mem>>
    %dma_start3A_662 = tpu.memref_squeeze %dma_start3A_661 : memref<1x!tpu.dma_semaphore, #tpu.memory_space<semaphore_mem>> -> memref<!tpu.dma_semaphore, #tpu.memory_space<semaphore_mem>>
    %dma_start3A_663 = arith.constant 0 : i32
    %dma_start3A_664 = arith.constant 0 : i32
    %dma_start3A_665 = tpu.memref_slice %arg9[%dma_start3A_653, %dma_start3A_663, %dma_start3A_664] : memref<2x128x64xi32, #tpu.memory_space<vmem>> -> memref<1x128x64xi32, #tpu.memory_space<vmem>>
    %dma_start3A_666 = tpu.memref_squeeze %dma_start3A_665 : memref<1x128x64xi32, #tpu.memory_space<vmem>> -> memref<128x64xi32, #tpu.memory_space<vmem>>
    %dma_start3A_667 = arith.constant 0 : i32
    %dma_start3A_668 = tpu.memref_slice %arg4[%add3A_28, %dma_start3A_667] : memref<16384x64xi32, #tpu.memory_space<hbm>> -> memref<128x64xi32, #tpu.memory_space<hbm>>
    tpu.enqueue_dma source(%dma_start3A_668 : memref<128x64xi32, #tpu.memory_space<hbm>>) target(%dma_start3A_666 : memref<128x64xi32, #tpu.memory_space<vmem>>) target_semaphore(%dma_start3A_662 : memref<!tpu.dma_semaphore, #tpu.memory_space<semaphore_mem>>)
    %get3A_669 = arith.constant 0 : i32
    %get3A_670 = arith.index_cast %get3A_669 : i32 to index
    %get3A_671 = arith.constant 384 : index
    %get3A_672 = tpu.vector_load %arg7[%get3A_670, %get3A_671] {strides = array<i32>} : memref<1x1024xi32, #tpu.memory_space<vmem>>, vector<1x16xi32>,
    %get3A_673 = vector.shape_cast %get3A_672 : vector<1x16xi32> to vector<16xi32>
    %sub3A_674 = vector.broadcast %multiple_of3A : i32 to vector<16xi32>
    %sub3A_675 = arith.subi %get3A_673, %sub3A_674 : vector<16xi32>
    %ge3A_676 = vector.broadcast %multiple_of3A : i32 to vector<16xi32>
    %ge3A_677 = arith.cmpi sge, %get3A_673, %ge3A_676 : vector<16xi32>
    %lt3A_678 = vector.broadcast %select_n3A_6 : i32 to vector<16xi32>
    %lt3A_679 = arith.cmpi slt, %get3A_673, %lt3A_678 : vector<16xi32>
    %and3A_680 = arith.andi %ge3A_677, %lt3A_679 : vector<16xi1>
    %jit3A_681 = arith.constant 25088 : i32
    %broadcast_in_dim3A_682 = vector.broadcast %jit3A_681 : i32 to vector<16xi32>
    %select_n3A_683 = arith.select %and3A_680, %sub3A_675, %broadcast_in_dim3A_682 : vector<16xi1>, vector<16xi32>
    %swap3A_684 = arith.constant 0 : i32
    %swap3A_685 = arith.index_cast %swap3A_684 : i32 to index
    %swap3A_686 = arith.constant 0 : index
    %swap3A_687 = tpu.vector_load %arg8[%swap3A_685, %swap3A_686] {strides = array<i32>} : memref<1x128xi32, #tpu.memory_space<vmem>>, vector<1x16xi32>,
    %swap3A_688 = vector.shape_cast %swap3A_687 : vector<1x16xi32> to vector<16xi32>
    %swap3A_689 = vector.shape_cast %select_n3A_683 : vector<16xi32> to vector<1x16xi32>
    tpu.vector_store %arg8[%swap3A_685, %swap3A_686], %swap3A_689 {strides = array<i32>} : memref<1x128xi32, #tpu.memory_space<vmem>>, vector<1x16xi32>,
    %get3A_690 = arith.constant 0 : i32
    %get3A_691 = arith.index_cast %get3A_690 : i32 to index
    %get3A_692 = arith.constant 400 : index
    %get3A_693 = tpu.vector_load %arg7[%get3A_691, %get3A_692] {strides = array<i32>} : memref<1x1024xi32, #tpu.memory_space<vmem>>, vector<1x16xi32>,
    %get3A_694 = vector.shape_cast %get3A_693 : vector<1x16xi32> to vector<16xi32>
    %sub3A_695 = vector.broadcast %multiple_of3A : i32 to vector<16xi32>
    %sub3A_696 = arith.subi %get3A_694, %sub3A_695 : vector<16xi32>
    %ge3A_697 = vector.broadcast %multiple_of3A : i32 to vector<16xi32>
    %ge3A_698 = arith.cmpi sge, %get3A_694, %ge3A_697 : vector<16xi32>
    %lt3A_699 = vector.broadcast %select_n3A_6 : i32 to vector<16xi32>
    %lt3A_700 = arith.cmpi slt, %get3A_694, %lt3A_699 : vector<16xi32>
    %and3A_701 = arith.andi %ge3A_698, %lt3A_700 : vector<16xi1>
    %jit3A_702 = arith.constant 25088 : i32
    %broadcast_in_dim3A_703 = vector.broadcast %jit3A_702 : i32 to vector<16xi32>
    %select_n3A_704 = arith.select %and3A_701, %sub3A_696, %broadcast_in_dim3A_703 : vector<16xi1>, vector<16xi32>
    %swap3A_705 = arith.constant 0 : i32
    %swap3A_706 = arith.index_cast %swap3A_705 : i32 to index
    %swap3A_707 = arith.constant 16 : index
    %swap3A_708 = tpu.vector_load %arg8[%swap3A_706, %swap3A_707] {strides = array<i32>} : memref<1x128xi32, #tpu.memory_space<vmem>>, vector<1x16xi32>,
    %swap3A_709 = vector.shape_cast %swap3A_708 : vector<1x16xi32> to vector<16xi32>
    %swap3A_710 = vector.shape_cast %select_n3A_704 : vector<16xi32> to vector<1x16xi32>
    tpu.vector_store %arg8[%swap3A_706, %swap3A_707], %swap3A_710 {strides = array<i32>} : memref<1x128xi32, #tpu.memory_space<vmem>>, vector<1x16xi32>,
    %get3A_711 = arith.constant 0 : i32
    %get3A_712 = arith.index_cast %get3A_711 : i32 to index
    %get3A_713 = arith.constant 416 : index
    %get3A_714 = tpu.vector_load %arg7[%get3A_712, %get3A_713] {strides = array<i32>} : memref<1x1024xi32, #tpu.memory_space<vmem>>, vector<1x16xi32>,
    %get3A_715 = vector.shape_cast %get3A_714 : vector<1x16xi32> to vector<16xi32>
    %sub3A_716 = vector.broadcast %multiple_of3A : i32 to vector<16xi32>
    %sub3A_717 = arith.subi %get3A_715, %sub3A_716 : vector<16xi32>
    %ge3A_718 = vector.broadcast %multiple_of3A : i32 to vector<16xi32>
    %ge3A_719 = arith.cmpi sge, %get3A_715, %ge3A_718 : vector<16xi32>
    %lt3A_720 = vector.broadcast %select_n3A_6 : i32 to vector<16xi32>
    %lt3A_721 = arith.cmpi slt, %get3A_715, %lt3A_720 : vector<16xi32>
    %and3A_722 = arith.andi %ge3A_719, %lt3A_721 : vector<16xi1>
    %jit3A_723 = arith.constant 25088 : i32
    %broadcast_in_dim3A_724 = vector.broadcast %jit3A_723 : i32 to vector<16xi32>
    %select_n3A_725 = arith.select %and3A_722, %sub3A_717, %broadcast_in_dim3A_724 : vector<16xi1>, vector<16xi32>
    %swap3A_726 = arith.constant 0 : i32
    %swap3A_727 = arith.index_cast %swap3A_726 : i32 to index
    %swap3A_728 = arith.constant 32 : index
    %swap3A_729 = tpu.vector_load %arg8[%swap3A_727, %swap3A_728] {strides = array<i32>} : memref<1x128xi32, #tpu.memory_space<vmem>>, vector<1x16xi32>,
    %swap3A_730 = vector.shape_cast %swap3A_729 : vector<1x16xi32> to vector<16xi32>
    %swap3A_731 = vector.shape_cast %select_n3A_725 : vector<16xi32> to vector<1x16xi32>
    tpu.vector_store %arg8[%swap3A_727, %swap3A_728], %swap3A_731 {strides = array<i32>} : memref<1x128xi32, #tpu.memory_space<vmem>>, vector<1x16xi32>,
    %get3A_732 = arith.constant 0 : i32
    %get3A_733 = arith.index_cast %get3A_732 : i32 to index
    %get3A_734 = arith.constant 432 : index
    %get3A_735 = tpu.vector_load %arg7[%get3A_733, %get3A_734] {strides = array<i32>} : memref<1x1024xi32, #tpu.memory_space<vmem>>, vector<1x16xi32>,
    %get3A_736 = vector.shape_cast %get3A_735 : vector<1x16xi32> to vector<16xi32>
    %sub3A_737 = vector.broadcast %multiple_of3A : i32 to vector<16xi32>
    %sub3A_738 = arith.subi %get3A_736, %sub3A_737 : vector<16xi32>
    %ge3A_739 = vector.broadcast %multiple_of3A : i32 to vector<16xi32>
    %ge3A_740 = arith.cmpi sge, %get3A_736, %ge3A_739 : vector<16xi32>
    %lt3A_741 = vector.broadcast %select_n3A_6 : i32 to vector<16xi32>
    %lt3A_742 = arith.cmpi slt, %get3A_736, %lt3A_741 : vector<16xi32>
    %and3A_743 = arith.andi %ge3A_740, %lt3A_742 : vector<16xi1>
    %jit3A_744 = arith.constant 25088 : i32
    %broadcast_in_dim3A_745 = vector.broadcast %jit3A_744 : i32 to vector<16xi32>
    %select_n3A_746 = arith.select %and3A_743, %sub3A_738, %broadcast_in_dim3A_745 : vector<16xi1>, vector<16xi32>
    %swap3A_747 = arith.constant 0 : i32
    %swap3A_748 = arith.index_cast %swap3A_747 : i32 to index
    %swap3A_749 = arith.constant 48 : index
    %swap3A_750 = tpu.vector_load %arg8[%swap3A_748, %swap3A_749] {strides = array<i32>} : memref<1x128xi32, #tpu.memory_space<vmem>>, vector<1x16xi32>,
    %swap3A_751 = vector.shape_cast %swap3A_750 : vector<1x16xi32> to vector<16xi32>
    %swap3A_752 = vector.shape_cast %select_n3A_746 : vector<16xi32> to vector<1x16xi32>
    tpu.vector_store %arg8[%swap3A_748, %swap3A_749], %swap3A_752 {strides = array<i32>} : memref<1x128xi32, #tpu.memory_space<vmem>>, vector<1x16xi32>,
    %get3A_753 = arith.constant 0 : i32
    %get3A_754 = arith.index_cast %get3A_753 : i32 to index
    %get3A_755 = arith.constant 448 : index
    %get3A_756 = tpu.vector_load %arg7[%get3A_754, %get3A_755] {strides = array<i32>} : memref<1x1024xi32, #tpu.memory_space<vmem>>, vector<1x16xi32>,
    %get3A_757 = vector.shape_cast %get3A_756 : vector<1x16xi32> to vector<16xi32>
    %sub3A_758 = vector.broadcast %multiple_of3A : i32 to vector<16xi32>
    %sub3A_759 = arith.subi %get3A_757, %sub3A_758 : vector<16xi32>
    %ge3A_760 = vector.broadcast %multiple_of3A : i32 to vector<16xi32>
    %ge3A_761 = arith.cmpi sge, %get3A_757, %ge3A_760 : vector<16xi32>
    %lt3A_762 = vector.broadcast %select_n3A_6 : i32 to vector<16xi32>
    %lt3A_763 = arith.cmpi slt, %get3A_757, %lt3A_762 : vector<16xi32>
    %and3A_764 = arith.andi %ge3A_761, %lt3A_763 : vector<16xi1>
    %jit3A_765 = arith.constant 25088 : i32
    %broadcast_in_dim3A_766 = vector.broadcast %jit3A_765 : i32 to vector<16xi32>
    %select_n3A_767 = arith.select %and3A_764, %sub3A_759, %broadcast_in_dim3A_766 : vector<16xi1>, vector<16xi32>
    %swap3A_768 = arith.constant 0 : i32
    %swap3A_769 = arith.index_cast %swap3A_768 : i32 to index
    %swap3A_770 = arith.constant 64 : index
    %swap3A_771 = tpu.vector_load %arg8[%swap3A_769, %swap3A_770] {strides = array<i32>} : memref<1x128xi32, #tpu.memory_space<vmem>>, vector<1x16xi32>,
    %swap3A_772 = vector.shape_cast %swap3A_771 : vector<1x16xi32> to vector<16xi32>
    %swap3A_773 = vector.shape_cast %select_n3A_767 : vector<16xi32> to vector<1x16xi32>
    tpu.vector_store %arg8[%swap3A_769, %swap3A_770], %swap3A_773 {strides = array<i32>} : memref<1x128xi32, #tpu.memory_space<vmem>>, vector<1x16xi32>,
    %get3A_774 = arith.constant 0 : i32
    %get3A_775 = arith.index_cast %get3A_774 : i32 to index
    %get3A_776 = arith.constant 464 : index
    %get3A_777 = tpu.vector_load %arg7[%get3A_775, %get3A_776] {strides = array<i32>} : memref<1x1024xi32, #tpu.memory_space<vmem>>, vector<1x16xi32>,
    %get3A_778 = vector.shape_cast %get3A_777 : vector<1x16xi32> to vector<16xi32>
    %sub3A_779 = vector.broadcast %multiple_of3A : i32 to vector<16xi32>
    %sub3A_780 = arith.subi %get3A_778, %sub3A_779 : vector<16xi32>
    %ge3A_781 = vector.broadcast %multiple_of3A : i32 to vector<16xi32>
    %ge3A_782 = arith.cmpi sge, %get3A_778, %ge3A_781 : vector<16xi32>
    %lt3A_783 = vector.broadcast %select_n3A_6 : i32 to vector<16xi32>
    %lt3A_784 = arith.cmpi slt, %get3A_778, %lt3A_783 : vector<16xi32>
    %and3A_785 = arith.andi %ge3A_782, %lt3A_784 : vector<16xi1>
    %jit3A_786 = arith.constant 25088 : i32
    %broadcast_in_dim3A_787 = vector.broadcast %jit3A_786 : i32 to vector<16xi32>
    %select_n3A_788 = arith.select %and3A_785, %sub3A_780, %broadcast_in_dim3A_787 : vector<16xi1>, vector<16xi32>
    %swap3A_789 = arith.constant 0 : i32
    %swap3A_790 = arith.index_cast %swap3A_789 : i32 to index
    %swap3A_791 = arith.constant 80 : index
    %swap3A_792 = tpu.vector_load %arg8[%swap3A_790, %swap3A_791] {strides = array<i32>} : memref<1x128xi32, #tpu.memory_space<vmem>>, vector<1x16xi32>,
    %swap3A_793 = vector.shape_cast %swap3A_792 : vector<1x16xi32> to vector<16xi32>
    %swap3A_794 = vector.shape_cast %select_n3A_788 : vector<16xi32> to vector<1x16xi32>
    tpu.vector_store %arg8[%swap3A_790, %swap3A_791], %swap3A_794 {strides = array<i32>} : memref<1x128xi32, #tpu.memory_space<vmem>>, vector<1x16xi32>,
    %get3A_795 = arith.constant 0 : i32
    %get3A_796 = arith.index_cast %get3A_795 : i32 to index
    %get3A_797 = arith.constant 480 : index
    %get3A_798 = tpu.vector_load %arg7[%get3A_796, %get3A_797] {strides = array<i32>} : memref<1x1024xi32, #tpu.memory_space<vmem>>, vector<1x16xi32>,
    %get3A_799 = vector.shape_cast %get3A_798 : vector<1x16xi32> to vector<16xi32>
    %sub3A_800 = vector.broadcast %multiple_of3A : i32 to vector<16xi32>
    %sub3A_801 = arith.subi %get3A_799, %sub3A_800 : vector<16xi32>
    %ge3A_802 = vector.broadcast %multiple_of3A : i32 to vector<16xi32>
    %ge3A_803 = arith.cmpi sge, %get3A_799, %ge3A_802 : vector<16xi32>
    %lt3A_804 = vector.broadcast %select_n3A_6 : i32 to vector<16xi32>
    %lt3A_805 = arith.cmpi slt, %get3A_799, %lt3A_804 : vector<16xi32>
    %and3A_806 = arith.andi %ge3A_803, %lt3A_805 : vector<16xi1>
    %jit3A_807 = arith.constant 25088 : i32
    %broadcast_in_dim3A_808 = vector.broadcast %jit3A_807 : i32 to vector<16xi32>
    %select_n3A_809 = arith.select %and3A_806, %sub3A_801, %broadcast_in_dim3A_808 : vector<16xi1>, vector<16xi32>
    %swap3A_810 = arith.constant 0 : i32
    %swap3A_811 = arith.index_cast %swap3A_810 : i32 to index
    %swap3A_812 = arith.constant 96 : index
    %swap3A_813 = tpu.vector_load %arg8[%swap3A_811, %swap3A_812] {strides = array<i32>} : memref<1x128xi32, #tpu.memory_space<vmem>>, vector<1x16xi32>,
    %swap3A_814 = vector.shape_cast %swap3A_813 : vector<1x16xi32> to vector<16xi32>
    %swap3A_815 = vector.shape_cast %select_n3A_809 : vector<16xi32> to vector<1x16xi32>
    tpu.vector_store %arg8[%swap3A_811, %swap3A_812], %swap3A_815 {strides = array<i32>} : memref<1x128xi32, #tpu.memory_space<vmem>>, vector<1x16xi32>,
    %get3A_816 = arith.constant 0 : i32
    %get3A_817 = arith.index_cast %get3A_816 : i32 to index
    %get3A_818 = arith.constant 496 : index
    %get3A_819 = tpu.vector_load %arg7[%get3A_817, %get3A_818] {strides = array<i32>} : memref<1x1024xi32, #tpu.memory_space<vmem>>, vector<1x16xi32>,
    %get3A_820 = vector.shape_cast %get3A_819 : vector<1x16xi32> to vector<16xi32>
    %sub3A_821 = vector.broadcast %multiple_of3A : i32 to vector<16xi32>
    %sub3A_822 = arith.subi %get3A_820, %sub3A_821 : vector<16xi32>
    %ge3A_823 = vector.broadcast %multiple_of3A : i32 to vector<16xi32>
    %ge3A_824 = arith.cmpi sge, %get3A_820, %ge3A_823 : vector<16xi32>
    %lt3A_825 = vector.broadcast %select_n3A_6 : i32 to vector<16xi32>
    %lt3A_826 = arith.cmpi slt, %get3A_820, %lt3A_825 : vector<16xi32>
    %and3A_827 = arith.andi %ge3A_824, %lt3A_826 : vector<16xi1>
    %jit3A_828 = arith.constant 25088 : i32
    %broadcast_in_dim3A_829 = vector.broadcast %jit3A_828 : i32 to vector<16xi32>
    %select_n3A_830 = arith.select %and3A_827, %sub3A_822, %broadcast_in_dim3A_829 : vector<16xi1>, vector<16xi32>
    %swap3A_831 = arith.constant 0 : i32
    %swap3A_832 = arith.index_cast %swap3A_831 : i32 to index
    %swap3A_833 = arith.constant 112 : index
    %swap3A_834 = tpu.vector_load %arg8[%swap3A_832, %swap3A_833] {strides = array<i32>} : memref<1x128xi32, #tpu.memory_space<vmem>>, vector<1x16xi32>,
    %swap3A_835 = vector.shape_cast %swap3A_834 : vector<1x16xi32> to vector<16xi32>
    %swap3A_836 = vector.shape_cast %select_n3A_830 : vector<16xi32> to vector<1x16xi32>
    tpu.vector_store %arg8[%swap3A_832, %swap3A_833], %swap3A_836 {strides = array<i32>} : memref<1x128xi32, #tpu.memory_space<vmem>>, vector<1x16xi32>,
    %dma_wait3A_837 = arith.constant 1 : i32
    %dma_wait3A_838 = arith.constant 1 : i32
    %dma_wait3A_839 = arith.constant 0 : i32
    %dma_wait3A_840 = arith.constant 0 : i32
    %dma_wait3A_841 = tpu.memref_slice %arg9[%dma_wait3A_837, %dma_wait3A_839, %dma_wait3A_840] : memref<2x128x64xi32, #tpu.memory_space<vmem>> -> memref<1x128x64xi32, #tpu.memory_space<vmem>>
    %dma_wait3A_842 = tpu.memref_squeeze %dma_wait3A_841 : memref<1x128x64xi32, #tpu.memory_space<vmem>> -> memref<128x64xi32, #tpu.memory_space<vmem>>
    %dma_wait3A_843 = arith.constant 0 : i32
    %dma_wait3A_844 = tpu.memref_slice %arg4[%add3A_24, %dma_wait3A_843] : memref<16384x64xi32, #tpu.memory_space<hbm>> -> memref<128x64xi32, #tpu.memory_space<hbm>>
    %dma_wait3A_845 = tpu.memref_slice %arg10[%dma_wait3A_838] : memref<2x!tpu.dma_semaphore, #tpu.memory_space<semaphore_mem>> -> memref<1x!tpu.dma_semaphore, #tpu.memory_space<semaphore_mem>>
    %dma_wait3A_846 = tpu.memref_squeeze %dma_wait3A_845 : memref<1x!tpu.dma_semaphore, #tpu.memory_space<semaphore_mem>> -> memref<!tpu.dma_semaphore, #tpu.memory_space<semaphore_mem>>
    %dma_wait3A_847 = arith.constant 0 : i32
    %dma_wait3A_848 = arith.constant 0 : i32
    %dma_wait3A_849 = tpu.memref_slice %arg9[%dma_wait3A_837, %dma_wait3A_847, %dma_wait3A_848] : memref<2x128x64xi32, #tpu.memory_space<vmem>> -> memref<1x128x64xi32, #tpu.memory_space<vmem>>
    %dma_wait3A_850 = tpu.memref_squeeze %dma_wait3A_849 : memref<1x128x64xi32, #tpu.memory_space<vmem>> -> memref<128x64xi32, #tpu.memory_space<vmem>>
    %dma_wait3A_851 = arith.constant 0 : i32
    %dma_wait3A_852 = tpu.memref_slice %arg4[%add3A_24, %dma_wait3A_851] : memref<16384x64xi32, #tpu.memory_space<hbm>> -> memref<128x64xi32, #tpu.memory_space<hbm>>
    tpu.wait_dma2 semaphore(%dma_wait3A_846 : memref<!tpu.dma_semaphore, #tpu.memory_space<semaphore_mem>>) src(%dma_wait3A_852 : memref<128x64xi32, #tpu.memory_space<hbm>>) dst(%dma_wait3A_850 : memref<128x64xi32, #tpu.memory_space<vmem>>)
    %run_scoped3A_853 = arith.constant 1 : i32
    %run_scoped3A_854 = arith.constant 0 : i32
    "tpu.region"() ({
      %run_scoped3A_3310 = tpu.sem_alloc : memref<!tpu.dma_semaphore, #tpu.memory_space<semaphore_mem>>
      %dma_start3A_3311 = arith.constant 0 : i32
      %dma_start3A_3312 = arith.constant 0 : i32
      %dma_start3A_3313 = tpu.memref_slice %arg9[%run_scoped3A_853, %dma_start3A_3311, %dma_start3A_3312] : memref<2x128x64xi32, #tpu.memory_space<vmem>> -> memref<1x128x64xi32, #tpu.memory_space<vmem>>
      %dma_start3A_3314 = tpu.memref_squeeze %dma_start3A_3313 : memref<1x128x64xi32, #tpu.memory_space<vmem>> -> memref<128x64xi32, #tpu.memory_space<vmem>>
      %dma_start3A_3315 = arith.constant 0 : i32
      %dma_start3A_3316 = tpu.memref_slice %arg8[%run_scoped3A_854, %dma_start3A_3315] : memref<1x128xi32, #tpu.memory_space<vmem>> -> memref<1x128xi32, #tpu.memory_space<vmem>>
      %dma_start3A_3317 = tpu.memref_squeeze %dma_start3A_3316 : memref<1x128xi32, #tpu.memory_space<vmem>> -> memref<128xi32, #tpu.memory_space<vmem>>
      %dma_start3A_3318 = arith.constant 0 : i32
      %dma_start3A_3319 = arith.constant 0 : i32
      %dma_start3A_3320 = tpu.memref_slice %arg6[%dma_start3A_3318, %dma_start3A_3319] : memref<25096x64xi32, #tpu.memory_space<vmem_shared>> -> memref<25096x64xi32, #tpu.memory_space<vmem_shared>>
      tpu.enqueue_indirect_dma source(%dma_start3A_3314 : memref<128x64xi32, #tpu.memory_space<vmem>>) target(%dma_start3A_3320 : memref<25096x64xi32, #tpu.memory_space<vmem_shared>>) offsets(%dma_start3A_3317 : memref<128xi32, #tpu.memory_space<vmem>>) semaphore(%run_scoped3A_3310 : memref<!tpu.dma_semaphore, #tpu.memory_space<semaphore_mem>>) {add = true}
      %dma_wait3A_3321 = arith.constant 0 : i32
      %dma_wait3A_3322 = arith.constant 0 : i32
      %dma_wait3A_3323 = tpu.memref_slice %arg9[%run_scoped3A_853, %dma_wait3A_3321, %dma_wait3A_3322] : memref<2x128x64xi32, #tpu.memory_space<vmem>> -> memref<1x128x64xi32, #tpu.memory_space<vmem>>
      %dma_wait3A_3324 = tpu.memref_squeeze %dma_wait3A_3323 : memref<1x128x64xi32, #tpu.memory_space<vmem>> -> memref<128x64xi32, #tpu.memory_space<vmem>>
      %dma_wait3A_3325 = arith.constant 0 : i32
      %dma_wait3A_3326 = tpu.memref_slice %arg8[%run_scoped3A_854, %dma_wait3A_3325] : memref<1x128xi32, #tpu.memory_space<vmem>> -> memref<1x128xi32, #tpu.memory_space<vmem>>
      %dma_wait3A_3327 = tpu.memref_squeeze %dma_wait3A_3326 : memref<1x128xi32, #tpu.memory_space<vmem>> -> memref<128xi32, #tpu.memory_space<vmem>>
      %dma_wait3A_3328 = arith.constant 0 : i32
      %dma_wait3A_3329 = arith.constant 0 : i32
      %dma_wait3A_3330 = tpu.memref_slice %arg6[%dma_wait3A_3328, %dma_wait3A_3329] : memref<25096x64xi32, #tpu.memory_space<vmem_shared>> -> memref<25096x64xi32, #tpu.memory_space<vmem_shared>>
      tpu.wait_indirect_dma semaphore(%run_scoped3A_3310 : memref<!tpu.dma_semaphore, #tpu.memory_space<semaphore_mem>>) src(%dma_wait3A_3324 : memref<128x64xi32, #tpu.memory_space<vmem>>) dst(%dma_wait3A_3330 : memref<25096x64xi32, #tpu.memory_space<vmem_shared>>)
      tpu.yield
    }) : () -> ()
    %dma_start3A_855 = arith.constant 1 : i32
    %dma_start3A_856 = arith.constant 1 : i32
    %dma_start3A_857 = arith.constant 0 : i32
    %dma_start3A_858 = arith.constant 0 : i32
    %dma_start3A_859 = tpu.memref_slice %arg9[%dma_start3A_855, %dma_start3A_857, %dma_start3A_858] : memref<2x128x64xi32, #tpu.memory_space<vmem>> -> memref<1x128x64xi32, #tpu.memory_space<vmem>>
    %dma_start3A_860 = tpu.memref_squeeze %dma_start3A_859 : memref<1x128x64xi32, #tpu.memory_space<vmem>> -> memref<128x64xi32, #tpu.memory_space<vmem>>
    %dma_start3A_861 = arith.constant 0 : i32
    %dma_start3A_862 = tpu.memref_slice %arg4[%add3A_32, %dma_start3A_861] : memref<16384x64xi32, #tpu.memory_space<hbm>> -> memref<128x64xi32, #tpu.memory_space<hbm>>
    %dma_start3A_863 = tpu.memref_slice %arg10[%dma_start3A_856] : memref<2x!tpu.dma_semaphore, #tpu.memory_space<semaphore_mem>> -> memref<1x!tpu.dma_semaphore, #tpu.memory_space<semaphore_mem>>
    %dma_start3A_864 = tpu.memref_squeeze %dma_start3A_863 : memref<1x!tpu.dma_semaphore, #tpu.memory_space<semaphore_mem>> -> memref<!tpu.dma_semaphore, #tpu.memory_space<semaphore_mem>>
    %dma_start3A_865 = arith.constant 0 : i32
    %dma_start3A_866 = arith.constant 0 : i32
    %dma_start3A_867 = tpu.memref_slice %arg9[%dma_start3A_855, %dma_start3A_865, %dma_start3A_866] : memref<2x128x64xi32, #tpu.memory_space<vmem>> -> memref<1x128x64xi32, #tpu.memory_space<vmem>>
    %dma_start3A_868 = tpu.memref_squeeze %dma_start3A_867 : memref<1x128x64xi32, #tpu.memory_space<vmem>> -> memref<128x64xi32, #tpu.memory_space<vmem>>
    %dma_start3A_869 = arith.constant 0 : i32
    %dma_start3A_870 = tpu.memref_slice %arg4[%add3A_32, %dma_start3A_869] : memref<16384x64xi32, #tpu.memory_space<hbm>> -> memref<128x64xi32, #tpu.memory_space<hbm>>
    tpu.enqueue_dma source(%dma_start3A_870 : memref<128x64xi32, #tpu.memory_space<hbm>>) target(%dma_start3A_868 : memref<128x64xi32, #tpu.memory_space<vmem>>) target_semaphore(%dma_start3A_864 : memref<!tpu.dma_semaphore, #tpu.memory_space<semaphore_mem>>)
    %get3A_871 = arith.constant 0 : i32
    %get3A_872 = arith.index_cast %get3A_871 : i32 to index
    %get3A_873 = arith.constant 512 : index
    %get3A_874 = tpu.vector_load %arg7[%get3A_872, %get3A_873] {strides = array<i32>} : memref<1x1024xi32, #tpu.memory_space<vmem>>, vector<1x16xi32>,
    %get3A_875 = vector.shape_cast %get3A_874 : vector<1x16xi32> to vector<16xi32>
    %sub3A_876 = vector.broadcast %multiple_of3A : i32 to vector<16xi32>
    %sub3A_877 = arith.subi %get3A_875, %sub3A_876 : vector<16xi32>
    %ge3A_878 = vector.broadcast %multiple_of3A : i32 to vector<16xi32>
    %ge3A_879 = arith.cmpi sge, %get3A_875, %ge3A_878 : vector<16xi32>
    %lt3A_880 = vector.broadcast %select_n3A_6 : i32 to vector<16xi32>
    %lt3A_881 = arith.cmpi slt, %get3A_875, %lt3A_880 : vector<16xi32>
    %and3A_882 = arith.andi %ge3A_879, %lt3A_881 : vector<16xi1>
    %jit3A_883 = arith.constant 25088 : i32
    %broadcast_in_dim3A_884 = vector.broadcast %jit3A_883 : i32 to vector<16xi32>
    %select_n3A_885 = arith.select %and3A_882, %sub3A_877, %broadcast_in_dim3A_884 : vector<16xi1>, vector<16xi32>
    %swap3A_886 = arith.constant 0 : i32
    %swap3A_887 = arith.index_cast %swap3A_886 : i32 to index
    %swap3A_888 = arith.constant 0 : index
    %swap3A_889 = tpu.vector_load %arg8[%swap3A_887, %swap3A_888] {strides = array<i32>} : memref<1x128xi32, #tpu.memory_space<vmem>>, vector<1x16xi32>,
    %swap3A_890 = vector.shape_cast %swap3A_889 : vector<1x16xi32> to vector<16xi32>
    %swap3A_891 = vector.shape_cast %select_n3A_885 : vector<16xi32> to vector<1x16xi32>
    tpu.vector_store %arg8[%swap3A_887, %swap3A_888], %swap3A_891 {strides = array<i32>} : memref<1x128xi32, #tpu.memory_space<vmem>>, vector<1x16xi32>,
    %get3A_892 = arith.constant 0 : i32
    %get3A_893 = arith.index_cast %get3A_892 : i32 to index
    %get3A_894 = arith.constant 528 : index
    %get3A_895 = tpu.vector_load %arg7[%get3A_893, %get3A_894] {strides = array<i32>} : memref<1x1024xi32, #tpu.memory_space<vmem>>, vector<1x16xi32>,
    %get3A_896 = vector.shape_cast %get3A_895 : vector<1x16xi32> to vector<16xi32>
    %sub3A_897 = vector.broadcast %multiple_of3A : i32 to vector<16xi32>
    %sub3A_898 = arith.subi %get3A_896, %sub3A_897 : vector<16xi32>
    %ge3A_899 = vector.broadcast %multiple_of3A : i32 to vector<16xi32>
    %ge3A_900 = arith.cmpi sge, %get3A_896, %ge3A_899 : vector<16xi32>
    %lt3A_901 = vector.broadcast %select_n3A_6 : i32 to vector<16xi32>
    %lt3A_902 = arith.cmpi slt, %get3A_896, %lt3A_901 : vector<16xi32>
    %and3A_903 = arith.andi %ge3A_900, %lt3A_902 : vector<16xi1>
    %jit3A_904 = arith.constant 25088 : i32
    %broadcast_in_dim3A_905 = vector.broadcast %jit3A_904 : i32 to vector<16xi32>
    %select_n3A_906 = arith.select %and3A_903, %sub3A_898, %broadcast_in_dim3A_905 : vector<16xi1>, vector<16xi32>
    %swap3A_907 = arith.constant 0 : i32
    %swap3A_908 = arith.index_cast %swap3A_907 : i32 to index
    %swap3A_909 = arith.constant 16 : index
    %swap3A_910 = tpu.vector_load %arg8[%swap3A_908, %swap3A_909] {strides = array<i32>} : memref<1x128xi32, #tpu.memory_space<vmem>>, vector<1x16xi32>,
    %swap3A_911 = vector.shape_cast %swap3A_910 : vector<1x16xi32> to vector<16xi32>
    %swap3A_912 = vector.shape_cast %select_n3A_906 : vector<16xi32> to vector<1x16xi32>
    tpu.vector_store %arg8[%swap3A_908, %swap3A_909], %swap3A_912 {strides = array<i32>} : memref<1x128xi32, #tpu.memory_space<vmem>>, vector<1x16xi32>,
    %get3A_913 = arith.constant 0 : i32
    %get3A_914 = arith.index_cast %get3A_913 : i32 to index
    %get3A_915 = arith.constant 544 : index
    %get3A_916 = tpu.vector_load %arg7[%get3A_914, %get3A_915] {strides = array<i32>} : memref<1x1024xi32, #tpu.memory_space<vmem>>, vector<1x16xi32>,
    %get3A_917 = vector.shape_cast %get3A_916 : vector<1x16xi32> to vector<16xi32>
    %sub3A_918 = vector.broadcast %multiple_of3A : i32 to vector<16xi32>
    %sub3A_919 = arith.subi %get3A_917, %sub3A_918 : vector<16xi32>
    %ge3A_920 = vector.broadcast %multiple_of3A : i32 to vector<16xi32>
    %ge3A_921 = arith.cmpi sge, %get3A_917, %ge3A_920 : vector<16xi32>
    %lt3A_922 = vector.broadcast %select_n3A_6 : i32 to vector<16xi32>
    %lt3A_923 = arith.cmpi slt, %get3A_917, %lt3A_922 : vector<16xi32>
    %and3A_924 = arith.andi %ge3A_921, %lt3A_923 : vector<16xi1>
    %jit3A_925 = arith.constant 25088 : i32
    %broadcast_in_dim3A_926 = vector.broadcast %jit3A_925 : i32 to vector<16xi32>
    %select_n3A_927 = arith.select %and3A_924, %sub3A_919, %broadcast_in_dim3A_926 : vector<16xi1>, vector<16xi32>
    %swap3A_928 = arith.constant 0 : i32
    %swap3A_929 = arith.index_cast %swap3A_928 : i32 to index
    %swap3A_930 = arith.constant 32 : index
    %swap3A_931 = tpu.vector_load %arg8[%swap3A_929, %swap3A_930] {strides = array<i32>} : memref<1x128xi32, #tpu.memory_space<vmem>>, vector<1x16xi32>,
    %swap3A_932 = vector.shape_cast %swap3A_931 : vector<1x16xi32> to vector<16xi32>
    %swap3A_933 = vector.shape_cast %select_n3A_927 : vector<16xi32> to vector<1x16xi32>
    tpu.vector_store %arg8[%swap3A_929, %swap3A_930], %swap3A_933 {strides = array<i32>} : memref<1x128xi32, #tpu.memory_space<vmem>>, vector<1x16xi32>,
    %get3A_934 = arith.constant 0 : i32
    %get3A_935 = arith.index_cast %get3A_934 : i32 to index
    %get3A_936 = arith.constant 560 : index
    %get3A_937 = tpu.vector_load %arg7[%get3A_935, %get3A_936] {strides = array<i32>} : memref<1x1024xi32, #tpu.memory_space<vmem>>, vector<1x16xi32>,
    %get3A_938 = vector.shape_cast %get3A_937 : vector<1x16xi32> to vector<16xi32>
    %sub3A_939 = vector.broadcast %multiple_of3A : i32 to vector<16xi32>
    %sub3A_940 = arith.subi %get3A_938, %sub3A_939 : vector<16xi32>
    %ge3A_941 = vector.broadcast %multiple_of3A : i32 to vector<16xi32>
    %ge3A_942 = arith.cmpi sge, %get3A_938, %ge3A_941 : vector<16xi32>
    %lt3A_943 = vector.broadcast %select_n3A_6 : i32 to vector<16xi32>
    %lt3A_944 = arith.cmpi slt, %get3A_938, %lt3A_943 : vector<16xi32>
    %and3A_945 = arith.andi %ge3A_942, %lt3A_944 : vector<16xi1>
    %jit3A_946 = arith.constant 25088 : i32
    %broadcast_in_dim3A_947 = vector.broadcast %jit3A_946 : i32 to vector<16xi32>
    %select_n3A_948 = arith.select %and3A_945, %sub3A_940, %broadcast_in_dim3A_947 : vector<16xi1>, vector<16xi32>
    %swap3A_949 = arith.constant 0 : i32
    %swap3A_950 = arith.index_cast %swap3A_949 : i32 to index
    %swap3A_951 = arith.constant 48 : index
    %swap3A_952 = tpu.vector_load %arg8[%swap3A_950, %swap3A_951] {strides = array<i32>} : memref<1x128xi32, #tpu.memory_space<vmem>>, vector<1x16xi32>,
    %swap3A_953 = vector.shape_cast %swap3A_952 : vector<1x16xi32> to vector<16xi32>
    %swap3A_954 = vector.shape_cast %select_n3A_948 : vector<16xi32> to vector<1x16xi32>
    tpu.vector_store %arg8[%swap3A_950, %swap3A_951], %swap3A_954 {strides = array<i32>} : memref<1x128xi32, #tpu.memory_space<vmem>>, vector<1x16xi32>,
    %get3A_955 = arith.constant 0 : i32
    %get3A_956 = arith.index_cast %get3A_955 : i32 to index
    %get3A_957 = arith.constant 576 : index
    %get3A_958 = tpu.vector_load %arg7[%get3A_956, %get3A_957] {strides = array<i32>} : memref<1x1024xi32, #tpu.memory_space<vmem>>, vector<1x16xi32>,
    %get3A_959 = vector.shape_cast %get3A_958 : vector<1x16xi32> to vector<16xi32>
    %sub3A_960 = vector.broadcast %multiple_of3A : i32 to vector<16xi32>
    %sub3A_961 = arith.subi %get3A_959, %sub3A_960 : vector<16xi32>
    %ge3A_962 = vector.broadcast %multiple_of3A : i32 to vector<16xi32>
    %ge3A_963 = arith.cmpi sge, %get3A_959, %ge3A_962 : vector<16xi32>
    %lt3A_964 = vector.broadcast %select_n3A_6 : i32 to vector<16xi32>
    %lt3A_965 = arith.cmpi slt, %get3A_959, %lt3A_964 : vector<16xi32>
    %and3A_966 = arith.andi %ge3A_963, %lt3A_965 : vector<16xi1>
    %jit3A_967 = arith.constant 25088 : i32
    %broadcast_in_dim3A_968 = vector.broadcast %jit3A_967 : i32 to vector<16xi32>
    %select_n3A_969 = arith.select %and3A_966, %sub3A_961, %broadcast_in_dim3A_968 : vector<16xi1>, vector<16xi32>
    %swap3A_970 = arith.constant 0 : i32
    %swap3A_971 = arith.index_cast %swap3A_970 : i32 to index
    %swap3A_972 = arith.constant 64 : index
    %swap3A_973 = tpu.vector_load %arg8[%swap3A_971, %swap3A_972] {strides = array<i32>} : memref<1x128xi32, #tpu.memory_space<vmem>>, vector<1x16xi32>,
    %swap3A_974 = vector.shape_cast %swap3A_973 : vector<1x16xi32> to vector<16xi32>
    %swap3A_975 = vector.shape_cast %select_n3A_969 : vector<16xi32> to vector<1x16xi32>
    tpu.vector_store %arg8[%swap3A_971, %swap3A_972], %swap3A_975 {strides = array<i32>} : memref<1x128xi32, #tpu.memory_space<vmem>>, vector<1x16xi32>,
    %get3A_976 = arith.constant 0 : i32
    %get3A_977 = arith.index_cast %get3A_976 : i32 to index
    %get3A_978 = arith.constant 592 : index
    %get3A_979 = tpu.vector_load %arg7[%get3A_977, %get3A_978] {strides = array<i32>} : memref<1x1024xi32, #tpu.memory_space<vmem>>, vector<1x16xi32>,
    %get3A_980 = vector.shape_cast %get3A_979 : vector<1x16xi32> to vector<16xi32>
    %sub3A_981 = vector.broadcast %multiple_of3A : i32 to vector<16xi32>
    %sub3A_982 = arith.subi %get3A_980, %sub3A_981 : vector<16xi32>
    %ge3A_983 = vector.broadcast %multiple_of3A : i32 to vector<16xi32>
    %ge3A_984 = arith.cmpi sge, %get3A_980, %ge3A_983 : vector<16xi32>
    %lt3A_985 = vector.broadcast %select_n3A_6 : i32 to vector<16xi32>
    %lt3A_986 = arith.cmpi slt, %get3A_980, %lt3A_985 : vector<16xi32>
    %and3A_987 = arith.andi %ge3A_984, %lt3A_986 : vector<16xi1>
    %jit3A_988 = arith.constant 25088 : i32
    %broadcast_in_dim3A_989 = vector.broadcast %jit3A_988 : i32 to vector<16xi32>
    %select_n3A_990 = arith.select %and3A_987, %sub3A_982, %broadcast_in_dim3A_989 : vector<16xi1>, vector<16xi32>
    %swap3A_991 = arith.constant 0 : i32
    %swap3A_992 = arith.index_cast %swap3A_991 : i32 to index
    %swap3A_993 = arith.constant 80 : index
    %swap3A_994 = tpu.vector_load %arg8[%swap3A_992, %swap3A_993] {strides = array<i32>} : memref<1x128xi32, #tpu.memory_space<vmem>>, vector<1x16xi32>,
    %swap3A_995 = vector.shape_cast %swap3A_994 : vector<1x16xi32> to vector<16xi32>
    %swap3A_996 = vector.shape_cast %select_n3A_990 : vector<16xi32> to vector<1x16xi32>
    tpu.vector_store %arg8[%swap3A_992, %swap3A_993], %swap3A_996 {strides = array<i32>} : memref<1x128xi32, #tpu.memory_space<vmem>>, vector<1x16xi32>,
    %get3A_997 = arith.constant 0 : i32
    %get3A_998 = arith.index_cast %get3A_997 : i32 to index
    %get3A_999 = arith.constant 608 : index
    %get3A_1000 = tpu.vector_load %arg7[%get3A_998, %get3A_999] {strides = array<i32>} : memref<1x1024xi32, #tpu.memory_space<vmem>>, vector<1x16xi32>,
    %get3A_1001 = vector.shape_cast %get3A_1000 : vector<1x16xi32> to vector<16xi32>
    %sub3A_1002 = vector.broadcast %multiple_of3A : i32 to vector<16xi32>
    %sub3A_1003 = arith.subi %get3A_1001, %sub3A_1002 : vector<16xi32>
    %ge3A_1004 = vector.broadcast %multiple_of3A : i32 to vector<16xi32>
    %ge3A_1005 = arith.cmpi sge, %get3A_1001, %ge3A_1004 : vector<16xi32>
    %lt3A_1006 = vector.broadcast %select_n3A_6 : i32 to vector<16xi32>
    %lt3A_1007 = arith.cmpi slt, %get3A_1001, %lt3A_1006 : vector<16xi32>
    %and3A_1008 = arith.andi %ge3A_1005, %lt3A_1007 : vector<16xi1>
    %jit3A_1009 = arith.constant 25088 : i32
    %broadcast_in_dim3A_1010 = vector.broadcast %jit3A_1009 : i32 to vector<16xi32>
    %select_n3A_1011 = arith.select %and3A_1008, %sub3A_1003, %broadcast_in_dim3A_1010 : vector<16xi1>, vector<16xi32>
    %swap3A_1012 = arith.constant 0 : i32
    %swap3A_1013 = arith.index_cast %swap3A_1012 : i32 to index
    %swap3A_1014 = arith.constant 96 : index
    %swap3A_1015 = tpu.vector_load %arg8[%swap3A_1013, %swap3A_1014] {strides = array<i32>} : memref<1x128xi32, #tpu.memory_space<vmem>>, vector<1x16xi32>,
    %swap3A_1016 = vector.shape_cast %swap3A_1015 : vector<1x16xi32> to vector<16xi32>
    %swap3A_1017 = vector.shape_cast %select_n3A_1011 : vector<16xi32> to vector<1x16xi32>
    tpu.vector_store %arg8[%swap3A_1013, %swap3A_1014], %swap3A_1017 {strides = array<i32>} : memref<1x128xi32, #tpu.memory_space<vmem>>, vector<1x16xi32>,
    %get3A_1018 = arith.constant 0 : i32
    %get3A_1019 = arith.index_cast %get3A_1018 : i32 to index
    %get3A_1020 = arith.constant 624 : index
    %get3A_1021 = tpu.vector_load %arg7[%get3A_1019, %get3A_1020] {strides = array<i32>} : memref<1x1024xi32, #tpu.memory_space<vmem>>, vector<1x16xi32>,
    %get3A_1022 = vector.shape_cast %get3A_1021 : vector<1x16xi32> to vector<16xi32>
    %sub3A_1023 = vector.broadcast %multiple_of3A : i32 to vector<16xi32>
    %sub3A_1024 = arith.subi %get3A_1022, %sub3A_1023 : vector<16xi32>
    %ge3A_1025 = vector.broadcast %multiple_of3A : i32 to vector<16xi32>
    %ge3A_1026 = arith.cmpi sge, %get3A_1022, %ge3A_1025 : vector<16xi32>
    %lt3A_1027 = vector.broadcast %select_n3A_6 : i32 to vector<16xi32>
    %lt3A_1028 = arith.cmpi slt, %get3A_1022, %lt3A_1027 : vector<16xi32>
    %and3A_1029 = arith.andi %ge3A_1026, %lt3A_1028 : vector<16xi1>
    %jit3A_1030 = arith.constant 25088 : i32
    %broadcast_in_dim3A_1031 = vector.broadcast %jit3A_1030 : i32 to vector<16xi32>
    %select_n3A_1032 = arith.select %and3A_1029, %sub3A_1024, %broadcast_in_dim3A_1031 : vector<16xi1>, vector<16xi32>
    %swap3A_1033 = arith.constant 0 : i32
    %swap3A_1034 = arith.index_cast %swap3A_1033 : i32 to index
    %swap3A_1035 = arith.constant 112 : index
    %swap3A_1036 = tpu.vector_load %arg8[%swap3A_1034, %swap3A_1035] {strides = array<i32>} : memref<1x128xi32, #tpu.memory_space<vmem>>, vector<1x16xi32>,
    %swap3A_1037 = vector.shape_cast %swap3A_1036 : vector<1x16xi32> to vector<16xi32>
    %swap3A_1038 = vector.shape_cast %select_n3A_1032 : vector<16xi32> to vector<1x16xi32>
    tpu.vector_store %arg8[%swap3A_1034, %swap3A_1035], %swap3A_1038 {strides = array<i32>} : memref<1x128xi32, #tpu.memory_space<vmem>>, vector<1x16xi32>,
    %dma_wait3A_1039 = arith.constant 0 : i32
    %dma_wait3A_1040 = arith.constant 0 : i32
    %dma_wait3A_1041 = arith.constant 0 : i32
    %dma_wait3A_1042 = arith.constant 0 : i32
    %dma_wait3A_1043 = tpu.memref_slice %arg9[%dma_wait3A_1039, %dma_wait3A_1041, %dma_wait3A_1042] : memref<2x128x64xi32, #tpu.memory_space<vmem>> -> memref<1x128x64xi32, #tpu.memory_space<vmem>>
    %dma_wait3A_1044 = tpu.memref_squeeze %dma_wait3A_1043 : memref<1x128x64xi32, #tpu.memory_space<vmem>> -> memref<128x64xi32, #tpu.memory_space<vmem>>
    %dma_wait3A_1045 = arith.constant 0 : i32
    %dma_wait3A_1046 = tpu.memref_slice %arg4[%add3A_28, %dma_wait3A_1045] : memref<16384x64xi32, #tpu.memory_space<hbm>> -> memref<128x64xi32, #tpu.memory_space<hbm>>
    %dma_wait3A_1047 = tpu.memref_slice %arg10[%dma_wait3A_1040] : memref<2x!tpu.dma_semaphore, #tpu.memory_space<semaphore_mem>> -> memref<1x!tpu.dma_semaphore, #tpu.memory_space<semaphore_mem>>
    %dma_wait3A_1048 = tpu.memref_squeeze %dma_wait3A_1047 : memref<1x!tpu.dma_semaphore, #tpu.memory_space<semaphore_mem>> -> memref<!tpu.dma_semaphore, #tpu.memory_space<semaphore_mem>>
    %dma_wait3A_1049 = arith.constant 0 : i32
    %dma_wait3A_1050 = arith.constant 0 : i32
    %dma_wait3A_1051 = tpu.memref_slice %arg9[%dma_wait3A_1039, %dma_wait3A_1049, %dma_wait3A_1050] : memref<2x128x64xi32, #tpu.memory_space<vmem>> -> memref<1x128x64xi32, #tpu.memory_space<vmem>>
    %dma_wait3A_1052 = tpu.memref_squeeze %dma_wait3A_1051 : memref<1x128x64xi32, #tpu.memory_space<vmem>> -> memref<128x64xi32, #tpu.memory_space<vmem>>
    %dma_wait3A_1053 = arith.constant 0 : i32
    %dma_wait3A_1054 = tpu.memref_slice %arg4[%add3A_28, %dma_wait3A_1053] : memref<16384x64xi32, #tpu.memory_space<hbm>> -> memref<128x64xi32, #tpu.memory_space<hbm>>
    tpu.wait_dma2 semaphore(%dma_wait3A_1048 : memref<!tpu.dma_semaphore, #tpu.memory_space<semaphore_mem>>) src(%dma_wait3A_1054 : memref<128x64xi32, #tpu.memory_space<hbm>>) dst(%dma_wait3A_1052 : memref<128x64xi32, #tpu.memory_space<vmem>>)
    %run_scoped3A_1055 = arith.constant 0 : i32
    %run_scoped3A_1056 = arith.constant 0 : i32
    "tpu.region"() ({
      %run_scoped3A_3310 = tpu.sem_alloc : memref<!tpu.dma_semaphore, #tpu.memory_space<semaphore_mem>>
      %dma_start3A_3311 = arith.constant 0 : i32
      %dma_start3A_3312 = arith.constant 0 : i32
      %dma_start3A_3313 = tpu.memref_slice %arg9[%run_scoped3A_1055, %dma_start3A_3311, %dma_start3A_3312] : memref<2x128x64xi32, #tpu.memory_space<vmem>> -> memref<1x128x64xi32, #tpu.memory_space<vmem>>
      %dma_start3A_3314 = tpu.memref_squeeze %dma_start3A_3313 : memref<1x128x64xi32, #tpu.memory_space<vmem>> -> memref<128x64xi32, #tpu.memory_space<vmem>>
      %dma_start3A_3315 = arith.constant 0 : i32
      %dma_start3A_3316 = tpu.memref_slice %arg8[%run_scoped3A_1056, %dma_start3A_3315] : memref<1x128xi32, #tpu.memory_space<vmem>> -> memref<1x128xi32, #tpu.memory_space<vmem>>
      %dma_start3A_3317 = tpu.memref_squeeze %dma_start3A_3316 : memref<1x128xi32, #tpu.memory_space<vmem>> -> memref<128xi32, #tpu.memory_space<vmem>>
      %dma_start3A_3318 = arith.constant 0 : i32
      %dma_start3A_3319 = arith.constant 0 : i32
      %dma_start3A_3320 = tpu.memref_slice %arg6[%dma_start3A_3318, %dma_start3A_3319] : memref<25096x64xi32, #tpu.memory_space<vmem_shared>> -> memref<25096x64xi32, #tpu.memory_space<vmem_shared>>
      tpu.enqueue_indirect_dma source(%dma_start3A_3314 : memref<128x64xi32, #tpu.memory_space<vmem>>) target(%dma_start3A_3320 : memref<25096x64xi32, #tpu.memory_space<vmem_shared>>) offsets(%dma_start3A_3317 : memref<128xi32, #tpu.memory_space<vmem>>) semaphore(%run_scoped3A_3310 : memref<!tpu.dma_semaphore, #tpu.memory_space<semaphore_mem>>) {add = true}
      %dma_wait3A_3321 = arith.constant 0 : i32
      %dma_wait3A_3322 = arith.constant 0 : i32
      %dma_wait3A_3323 = tpu.memref_slice %arg9[%run_scoped3A_1055, %dma_wait3A_3321, %dma_wait3A_3322] : memref<2x128x64xi32, #tpu.memory_space<vmem>> -> memref<1x128x64xi32, #tpu.memory_space<vmem>>
      %dma_wait3A_3324 = tpu.memref_squeeze %dma_wait3A_3323 : memref<1x128x64xi32, #tpu.memory_space<vmem>> -> memref<128x64xi32, #tpu.memory_space<vmem>>
      %dma_wait3A_3325 = arith.constant 0 : i32
      %dma_wait3A_3326 = tpu.memref_slice %arg8[%run_scoped3A_1056, %dma_wait3A_3325] : memref<1x128xi32, #tpu.memory_space<vmem>> -> memref<1x128xi32, #tpu.memory_space<vmem>>
      %dma_wait3A_3327 = tpu.memref_squeeze %dma_wait3A_3326 : memref<1x128xi32, #tpu.memory_space<vmem>> -> memref<128xi32, #tpu.memory_space<vmem>>
      %dma_wait3A_3328 = arith.constant 0 : i32
      %dma_wait3A_3329 = arith.constant 0 : i32
      %dma_wait3A_3330 = tpu.memref_slice %arg6[%dma_wait3A_3328, %dma_wait3A_3329] : memref<25096x64xi32, #tpu.memory_space<vmem_shared>> -> memref<25096x64xi32, #tpu.memory_space<vmem_shared>>
      tpu.wait_indirect_dma semaphore(%run_scoped3A_3310 : memref<!tpu.dma_semaphore, #tpu.memory_space<semaphore_mem>>) src(%dma_wait3A_3324 : memref<128x64xi32, #tpu.memory_space<vmem>>) dst(%dma_wait3A_3330 : memref<25096x64xi32, #tpu.memory_space<vmem_shared>>)
      tpu.yield
    }) : () -> ()
    %dma_start3A_1057 = arith.constant 0 : i32
    %dma_start3A_1058 = arith.constant 0 : i32
    %dma_start3A_1059 = arith.constant 0 : i32
    %dma_start3A_1060 = arith.constant 0 : i32
    %dma_start3A_1061 = tpu.memref_slice %arg9[%dma_start3A_1057, %dma_start3A_1059, %dma_start3A_1060] : memref<2x128x64xi32, #tpu.memory_space<vmem>> -> memref<1x128x64xi32, #tpu.memory_space<vmem>>
    %dma_start3A_1062 = tpu.memref_squeeze %dma_start3A_1061 : memref<1x128x64xi32, #tpu.memory_space<vmem>> -> memref<128x64xi32, #tpu.memory_space<vmem>>
    %dma_start3A_1063 = arith.constant 0 : i32
    %dma_start3A_1064 = tpu.memref_slice %arg4[%add3A_36, %dma_start3A_1063] : memref<16384x64xi32, #tpu.memory_space<hbm>> -> memref<128x64xi32, #tpu.memory_space<hbm>>
    %dma_start3A_1065 = tpu.memref_slice %arg10[%dma_start3A_1058] : memref<2x!tpu.dma_semaphore, #tpu.memory_space<semaphore_mem>> -> memref<1x!tpu.dma_semaphore, #tpu.memory_space<semaphore_mem>>
    %dma_start3A_1066 = tpu.memref_squeeze %dma_start3A_1065 : memref<1x!tpu.dma_semaphore, #tpu.memory_space<semaphore_mem>> -> memref<!tpu.dma_semaphore, #tpu.memory_space<semaphore_mem>>
    %dma_start3A_1067 = arith.constant 0 : i32
    %dma_start3A_1068 = arith.constant 0 : i32
    %dma_start3A_1069 = tpu.memref_slice %arg9[%dma_start3A_1057, %dma_start3A_1067, %dma_start3A_1068] : memref<2x128x64xi32, #tpu.memory_space<vmem>> -> memref<1x128x64xi32, #tpu.memory_space<vmem>>
    %dma_start3A_1070 = tpu.memref_squeeze %dma_start3A_1069 : memref<1x128x64xi32, #tpu.memory_space<vmem>> -> memref<128x64xi32, #tpu.memory_space<vmem>>
    %dma_start3A_1071 = arith.constant 0 : i32
    %dma_start3A_1072 = tpu.memref_slice %arg4[%add3A_36, %dma_start3A_1071] : memref<16384x64xi32, #tpu.memory_space<hbm>> -> memref<128x64xi32, #tpu.memory_space<hbm>>
    tpu.enqueue_dma source(%dma_start3A_1072 : memref<128x64xi32, #tpu.memory_space<hbm>>) target(%dma_start3A_1070 : memref<128x64xi32, #tpu.memory_space<vmem>>) target_semaphore(%dma_start3A_1066 : memref<!tpu.dma_semaphore, #tpu.memory_space<semaphore_mem>>)
    %get3A_1073 = arith.constant 0 : i32
    %get3A_1074 = arith.index_cast %get3A_1073 : i32 to index
    %get3A_1075 = arith.constant 640 : index
    %get3A_1076 = tpu.vector_load %arg7[%get3A_1074, %get3A_1075] {strides = array<i32>} : memref<1x1024xi32, #tpu.memory_space<vmem>>, vector<1x16xi32>,
    %get3A_1077 = vector.shape_cast %get3A_1076 : vector<1x16xi32> to vector<16xi32>
    %sub3A_1078 = vector.broadcast %multiple_of3A : i32 to vector<16xi32>
    %sub3A_1079 = arith.subi %get3A_1077, %sub3A_1078 : vector<16xi32>
    %ge3A_1080 = vector.broadcast %multiple_of3A : i32 to vector<16xi32>
    %ge3A_1081 = arith.cmpi sge, %get3A_1077, %ge3A_1080 : vector<16xi32>
    %lt3A_1082 = vector.broadcast %select_n3A_6 : i32 to vector<16xi32>
    %lt3A_1083 = arith.cmpi slt, %get3A_1077, %lt3A_1082 : vector<16xi32>
    %and3A_1084 = arith.andi %ge3A_1081, %lt3A_1083 : vector<16xi1>
    %jit3A_1085 = arith.constant 25088 : i32
    %broadcast_in_dim3A_1086 = vector.broadcast %jit3A_1085 : i32 to vector<16xi32>
    %select_n3A_1087 = arith.select %and3A_1084, %sub3A_1079, %broadcast_in_dim3A_1086 : vector<16xi1>, vector<16xi32>
    %swap3A_1088 = arith.constant 0 : i32
    %swap3A_1089 = arith.index_cast %swap3A_1088 : i32 to index
    %swap3A_1090 = arith.constant 0 : index
    %swap3A_1091 = tpu.vector_load %arg8[%swap3A_1089, %swap3A_1090] {strides = array<i32>} : memref<1x128xi32, #tpu.memory_space<vmem>>, vector<1x16xi32>,
    %swap3A_1092 = vector.shape_cast %swap3A_1091 : vector<1x16xi32> to vector<16xi32>
    %swap3A_1093 = vector.shape_cast %select_n3A_1087 : vector<16xi32> to vector<1x16xi32>
    tpu.vector_store %arg8[%swap3A_1089, %swap3A_1090], %swap3A_1093 {strides = array<i32>} : memref<1x128xi32, #tpu.memory_space<vmem>>, vector<1x16xi32>,
    %get3A_1094 = arith.constant 0 : i32
    %get3A_1095 = arith.index_cast %get3A_1094 : i32 to index
    %get3A_1096 = arith.constant 656 : index
    %get3A_1097 = tpu.vector_load %arg7[%get3A_1095, %get3A_1096] {strides = array<i32>} : memref<1x1024xi32, #tpu.memory_space<vmem>>, vector<1x16xi32>,
    %get3A_1098 = vector.shape_cast %get3A_1097 : vector<1x16xi32> to vector<16xi32>
    %sub3A_1099 = vector.broadcast %multiple_of3A : i32 to vector<16xi32>
    %sub3A_1100 = arith.subi %get3A_1098, %sub3A_1099 : vector<16xi32>
    %ge3A_1101 = vector.broadcast %multiple_of3A : i32 to vector<16xi32>
    %ge3A_1102 = arith.cmpi sge, %get3A_1098, %ge3A_1101 : vector<16xi32>
    %lt3A_1103 = vector.broadcast %select_n3A_6 : i32 to vector<16xi32>
    %lt3A_1104 = arith.cmpi slt, %get3A_1098, %lt3A_1103 : vector<16xi32>
    %and3A_1105 = arith.andi %ge3A_1102, %lt3A_1104 : vector<16xi1>
    %jit3A_1106 = arith.constant 25088 : i32
    %broadcast_in_dim3A_1107 = vector.broadcast %jit3A_1106 : i32 to vector<16xi32>
    %select_n3A_1108 = arith.select %and3A_1105, %sub3A_1100, %broadcast_in_dim3A_1107 : vector<16xi1>, vector<16xi32>
    %swap3A_1109 = arith.constant 0 : i32
    %swap3A_1110 = arith.index_cast %swap3A_1109 : i32 to index
    %swap3A_1111 = arith.constant 16 : index
    %swap3A_1112 = tpu.vector_load %arg8[%swap3A_1110, %swap3A_1111] {strides = array<i32>} : memref<1x128xi32, #tpu.memory_space<vmem>>, vector<1x16xi32>,
    %swap3A_1113 = vector.shape_cast %swap3A_1112 : vector<1x16xi32> to vector<16xi32>
    %swap3A_1114 = vector.shape_cast %select_n3A_1108 : vector<16xi32> to vector<1x16xi32>
    tpu.vector_store %arg8[%swap3A_1110, %swap3A_1111], %swap3A_1114 {strides = array<i32>} : memref<1x128xi32, #tpu.memory_space<vmem>>, vector<1x16xi32>,
    %get3A_1115 = arith.constant 0 : i32
    %get3A_1116 = arith.index_cast %get3A_1115 : i32 to index
    %get3A_1117 = arith.constant 672 : index
    %get3A_1118 = tpu.vector_load %arg7[%get3A_1116, %get3A_1117] {strides = array<i32>} : memref<1x1024xi32, #tpu.memory_space<vmem>>, vector<1x16xi32>,
    %get3A_1119 = vector.shape_cast %get3A_1118 : vector<1x16xi32> to vector<16xi32>
    %sub3A_1120 = vector.broadcast %multiple_of3A : i32 to vector<16xi32>
    %sub3A_1121 = arith.subi %get3A_1119, %sub3A_1120 : vector<16xi32>
    %ge3A_1122 = vector.broadcast %multiple_of3A : i32 to vector<16xi32>
    %ge3A_1123 = arith.cmpi sge, %get3A_1119, %ge3A_1122 : vector<16xi32>
    %lt3A_1124 = vector.broadcast %select_n3A_6 : i32 to vector<16xi32>
    %lt3A_1125 = arith.cmpi slt, %get3A_1119, %lt3A_1124 : vector<16xi32>
    %and3A_1126 = arith.andi %ge3A_1123, %lt3A_1125 : vector<16xi1>
    %jit3A_1127 = arith.constant 25088 : i32
    %broadcast_in_dim3A_1128 = vector.broadcast %jit3A_1127 : i32 to vector<16xi32>
    %select_n3A_1129 = arith.select %and3A_1126, %sub3A_1121, %broadcast_in_dim3A_1128 : vector<16xi1>, vector<16xi32>
    %swap3A_1130 = arith.constant 0 : i32
    %swap3A_1131 = arith.index_cast %swap3A_1130 : i32 to index
    %swap3A_1132 = arith.constant 32 : index
    %swap3A_1133 = tpu.vector_load %arg8[%swap3A_1131, %swap3A_1132] {strides = array<i32>} : memref<1x128xi32, #tpu.memory_space<vmem>>, vector<1x16xi32>,
    %swap3A_1134 = vector.shape_cast %swap3A_1133 : vector<1x16xi32> to vector<16xi32>
    %swap3A_1135 = vector.shape_cast %select_n3A_1129 : vector<16xi32> to vector<1x16xi32>
    tpu.vector_store %arg8[%swap3A_1131, %swap3A_1132], %swap3A_1135 {strides = array<i32>} : memref<1x128xi32, #tpu.memory_space<vmem>>, vector<1x16xi32>,
    %get3A_1136 = arith.constant 0 : i32
    %get3A_1137 = arith.index_cast %get3A_1136 : i32 to index
    %get3A_1138 = arith.constant 688 : index
    %get3A_1139 = tpu.vector_load %arg7[%get3A_1137, %get3A_1138] {strides = array<i32>} : memref<1x1024xi32, #tpu.memory_space<vmem>>, vector<1x16xi32>,
    %get3A_1140 = vector.shape_cast %get3A_1139 : vector<1x16xi32> to vector<16xi32>
    %sub3A_1141 = vector.broadcast %multiple_of3A : i32 to vector<16xi32>
    %sub3A_1142 = arith.subi %get3A_1140, %sub3A_1141 : vector<16xi32>
    %ge3A_1143 = vector.broadcast %multiple_of3A : i32 to vector<16xi32>
    %ge3A_1144 = arith.cmpi sge, %get3A_1140, %ge3A_1143 : vector<16xi32>
    %lt3A_1145 = vector.broadcast %select_n3A_6 : i32 to vector<16xi32>
    %lt3A_1146 = arith.cmpi slt, %get3A_1140, %lt3A_1145 : vector<16xi32>
    %and3A_1147 = arith.andi %ge3A_1144, %lt3A_1146 : vector<16xi1>
    %jit3A_1148 = arith.constant 25088 : i32
    %broadcast_in_dim3A_1149 = vector.broadcast %jit3A_1148 : i32 to vector<16xi32>
    %select_n3A_1150 = arith.select %and3A_1147, %sub3A_1142, %broadcast_in_dim3A_1149 : vector<16xi1>, vector<16xi32>
    %swap3A_1151 = arith.constant 0 : i32
    %swap3A_1152 = arith.index_cast %swap3A_1151 : i32 to index
    %swap3A_1153 = arith.constant 48 : index
    %swap3A_1154 = tpu.vector_load %arg8[%swap3A_1152, %swap3A_1153] {strides = array<i32>} : memref<1x128xi32, #tpu.memory_space<vmem>>, vector<1x16xi32>,
    %swap3A_1155 = vector.shape_cast %swap3A_1154 : vector<1x16xi32> to vector<16xi32>
    %swap3A_1156 = vector.shape_cast %select_n3A_1150 : vector<16xi32> to vector<1x16xi32>
    tpu.vector_store %arg8[%swap3A_1152, %swap3A_1153], %swap3A_1156 {strides = array<i32>} : memref<1x128xi32, #tpu.memory_space<vmem>>, vector<1x16xi32>,
    %get3A_1157 = arith.constant 0 : i32
    %get3A_1158 = arith.index_cast %get3A_1157 : i32 to index
    %get3A_1159 = arith.constant 704 : index
    %get3A_1160 = tpu.vector_load %arg7[%get3A_1158, %get3A_1159] {strides = array<i32>} : memref<1x1024xi32, #tpu.memory_space<vmem>>, vector<1x16xi32>,
    %get3A_1161 = vector.shape_cast %get3A_1160 : vector<1x16xi32> to vector<16xi32>
    %sub3A_1162 = vector.broadcast %multiple_of3A : i32 to vector<16xi32>
    %sub3A_1163 = arith.subi %get3A_1161, %sub3A_1162 : vector<16xi32>
    %ge3A_1164 = vector.broadcast %multiple_of3A : i32 to vector<16xi32>
    %ge3A_1165 = arith.cmpi sge, %get3A_1161, %ge3A_1164 : vector<16xi32>
    %lt3A_1166 = vector.broadcast %select_n3A_6 : i32 to vector<16xi32>
    %lt3A_1167 = arith.cmpi slt, %get3A_1161, %lt3A_1166 : vector<16xi32>
    %and3A_1168 = arith.andi %ge3A_1165, %lt3A_1167 : vector<16xi1>
    %jit3A_1169 = arith.constant 25088 : i32
    %broadcast_in_dim3A_1170 = vector.broadcast %jit3A_1169 : i32 to vector<16xi32>
    %select_n3A_1171 = arith.select %and3A_1168, %sub3A_1163, %broadcast_in_dim3A_1170 : vector<16xi1>, vector<16xi32>
    %swap3A_1172 = arith.constant 0 : i32
    %swap3A_1173 = arith.index_cast %swap3A_1172 : i32 to index
    %swap3A_1174 = arith.constant 64 : index
    %swap3A_1175 = tpu.vector_load %arg8[%swap3A_1173, %swap3A_1174] {strides = array<i32>} : memref<1x128xi32, #tpu.memory_space<vmem>>, vector<1x16xi32>,
    %swap3A_1176 = vector.shape_cast %swap3A_1175 : vector<1x16xi32> to vector<16xi32>
    %swap3A_1177 = vector.shape_cast %select_n3A_1171 : vector<16xi32> to vector<1x16xi32>
    tpu.vector_store %arg8[%swap3A_1173, %swap3A_1174], %swap3A_1177 {strides = array<i32>} : memref<1x128xi32, #tpu.memory_space<vmem>>, vector<1x16xi32>,
    %get3A_1178 = arith.constant 0 : i32
    %get3A_1179 = arith.index_cast %get3A_1178 : i32 to index
    %get3A_1180 = arith.constant 720 : index
    %get3A_1181 = tpu.vector_load %arg7[%get3A_1179, %get3A_1180] {strides = array<i32>} : memref<1x1024xi32, #tpu.memory_space<vmem>>, vector<1x16xi32>,
    %get3A_1182 = vector.shape_cast %get3A_1181 : vector<1x16xi32> to vector<16xi32>
    %sub3A_1183 = vector.broadcast %multiple_of3A : i32 to vector<16xi32>
    %sub3A_1184 = arith.subi %get3A_1182, %sub3A_1183 : vector<16xi32>
    %ge3A_1185 = vector.broadcast %multiple_of3A : i32 to vector<16xi32>
    %ge3A_1186 = arith.cmpi sge, %get3A_1182, %ge3A_1185 : vector<16xi32>
    %lt3A_1187 = vector.broadcast %select_n3A_6 : i32 to vector<16xi32>
    %lt3A_1188 = arith.cmpi slt, %get3A_1182, %lt3A_1187 : vector<16xi32>
    %and3A_1189 = arith.andi %ge3A_1186, %lt3A_1188 : vector<16xi1>
    %jit3A_1190 = arith.constant 25088 : i32
    %broadcast_in_dim3A_1191 = vector.broadcast %jit3A_1190 : i32 to vector<16xi32>
    %select_n3A_1192 = arith.select %and3A_1189, %sub3A_1184, %broadcast_in_dim3A_1191 : vector<16xi1>, vector<16xi32>
    %swap3A_1193 = arith.constant 0 : i32
    %swap3A_1194 = arith.index_cast %swap3A_1193 : i32 to index
    %swap3A_1195 = arith.constant 80 : index
    %swap3A_1196 = tpu.vector_load %arg8[%swap3A_1194, %swap3A_1195] {strides = array<i32>} : memref<1x128xi32, #tpu.memory_space<vmem>>, vector<1x16xi32>,
    %swap3A_1197 = vector.shape_cast %swap3A_1196 : vector<1x16xi32> to vector<16xi32>
    %swap3A_1198 = vector.shape_cast %select_n3A_1192 : vector<16xi32> to vector<1x16xi32>
    tpu.vector_store %arg8[%swap3A_1194, %swap3A_1195], %swap3A_1198 {strides = array<i32>} : memref<1x128xi32, #tpu.memory_space<vmem>>, vector<1x16xi32>,
    %get3A_1199 = arith.constant 0 : i32
    %get3A_1200 = arith.index_cast %get3A_1199 : i32 to index
    %get3A_1201 = arith.constant 736 : index
    %get3A_1202 = tpu.vector_load %arg7[%get3A_1200, %get3A_1201] {strides = array<i32>} : memref<1x1024xi32, #tpu.memory_space<vmem>>, vector<1x16xi32>,
    %get3A_1203 = vector.shape_cast %get3A_1202 : vector<1x16xi32> to vector<16xi32>
    %sub3A_1204 = vector.broadcast %multiple_of3A : i32 to vector<16xi32>
    %sub3A_1205 = arith.subi %get3A_1203, %sub3A_1204 : vector<16xi32>
    %ge3A_1206 = vector.broadcast %multiple_of3A : i32 to vector<16xi32>
    %ge3A_1207 = arith.cmpi sge, %get3A_1203, %ge3A_1206 : vector<16xi32>
    %lt3A_1208 = vector.broadcast %select_n3A_6 : i32 to vector<16xi32>
    %lt3A_1209 = arith.cmpi slt, %get3A_1203, %lt3A_1208 : vector<16xi32>
    %and3A_1210 = arith.andi %ge3A_1207, %lt3A_1209 : vector<16xi1>
    %jit3A_1211 = arith.constant 25088 : i32
    %broadcast_in_dim3A_1212 = vector.broadcast %jit3A_1211 : i32 to vector<16xi32>
    %select_n3A_1213 = arith.select %and3A_1210, %sub3A_1205, %broadcast_in_dim3A_1212 : vector<16xi1>, vector<16xi32>
    %swap3A_1214 = arith.constant 0 : i32
    %swap3A_1215 = arith.index_cast %swap3A_1214 : i32 to index
    %swap3A_1216 = arith.constant 96 : index
    %swap3A_1217 = tpu.vector_load %arg8[%swap3A_1215, %swap3A_1216] {strides = array<i32>} : memref<1x128xi32, #tpu.memory_space<vmem>>, vector<1x16xi32>,
    %swap3A_1218 = vector.shape_cast %swap3A_1217 : vector<1x16xi32> to vector<16xi32>
    %swap3A_1219 = vector.shape_cast %select_n3A_1213 : vector<16xi32> to vector<1x16xi32>
    tpu.vector_store %arg8[%swap3A_1215, %swap3A_1216], %swap3A_1219 {strides = array<i32>} : memref<1x128xi32, #tpu.memory_space<vmem>>, vector<1x16xi32>,
    %get3A_1220 = arith.constant 0 : i32
    %get3A_1221 = arith.index_cast %get3A_1220 : i32 to index
    %get3A_1222 = arith.constant 752 : index
    %get3A_1223 = tpu.vector_load %arg7[%get3A_1221, %get3A_1222] {strides = array<i32>} : memref<1x1024xi32, #tpu.memory_space<vmem>>, vector<1x16xi32>,
    %get3A_1224 = vector.shape_cast %get3A_1223 : vector<1x16xi32> to vector<16xi32>
    %sub3A_1225 = vector.broadcast %multiple_of3A : i32 to vector<16xi32>
    %sub3A_1226 = arith.subi %get3A_1224, %sub3A_1225 : vector<16xi32>
    %ge3A_1227 = vector.broadcast %multiple_of3A : i32 to vector<16xi32>
    %ge3A_1228 = arith.cmpi sge, %get3A_1224, %ge3A_1227 : vector<16xi32>
    %lt3A_1229 = vector.broadcast %select_n3A_6 : i32 to vector<16xi32>
    %lt3A_1230 = arith.cmpi slt, %get3A_1224, %lt3A_1229 : vector<16xi32>
    %and3A_1231 = arith.andi %ge3A_1228, %lt3A_1230 : vector<16xi1>
    %jit3A_1232 = arith.constant 25088 : i32
    %broadcast_in_dim3A_1233 = vector.broadcast %jit3A_1232 : i32 to vector<16xi32>
    %select_n3A_1234 = arith.select %and3A_1231, %sub3A_1226, %broadcast_in_dim3A_1233 : vector<16xi1>, vector<16xi32>
    %swap3A_1235 = arith.constant 0 : i32
    %swap3A_1236 = arith.index_cast %swap3A_1235 : i32 to index
    %swap3A_1237 = arith.constant 112 : index
    %swap3A_1238 = tpu.vector_load %arg8[%swap3A_1236, %swap3A_1237] {strides = array<i32>} : memref<1x128xi32, #tpu.memory_space<vmem>>, vector<1x16xi32>,
    %swap3A_1239 = vector.shape_cast %swap3A_1238 : vector<1x16xi32> to vector<16xi32>
    %swap3A_1240 = vector.shape_cast %select_n3A_1234 : vector<16xi32> to vector<1x16xi32>
    tpu.vector_store %arg8[%swap3A_1236, %swap3A_1237], %swap3A_1240 {strides = array<i32>} : memref<1x128xi32, #tpu.memory_space<vmem>>, vector<1x16xi32>,
    %dma_wait3A_1241 = arith.constant 1 : i32
    %dma_wait3A_1242 = arith.constant 1 : i32
    %dma_wait3A_1243 = arith.constant 0 : i32
    %dma_wait3A_1244 = arith.constant 0 : i32
    %dma_wait3A_1245 = tpu.memref_slice %arg9[%dma_wait3A_1241, %dma_wait3A_1243, %dma_wait3A_1244] : memref<2x128x64xi32, #tpu.memory_space<vmem>> -> memref<1x128x64xi32, #tpu.memory_space<vmem>>
    %dma_wait3A_1246 = tpu.memref_squeeze %dma_wait3A_1245 : memref<1x128x64xi32, #tpu.memory_space<vmem>> -> memref<128x64xi32, #tpu.memory_space<vmem>>
    %dma_wait3A_1247 = arith.constant 0 : i32
    %dma_wait3A_1248 = tpu.memref_slice %arg4[%add3A_32, %dma_wait3A_1247] : memref<16384x64xi32, #tpu.memory_space<hbm>> -> memref<128x64xi32, #tpu.memory_space<hbm>>
    %dma_wait3A_1249 = tpu.memref_slice %arg10[%dma_wait3A_1242] : memref<2x!tpu.dma_semaphore, #tpu.memory_space<semaphore_mem>> -> memref<1x!tpu.dma_semaphore, #tpu.memory_space<semaphore_mem>>
    %dma_wait3A_1250 = tpu.memref_squeeze %dma_wait3A_1249 : memref<1x!tpu.dma_semaphore, #tpu.memory_space<semaphore_mem>> -> memref<!tpu.dma_semaphore, #tpu.memory_space<semaphore_mem>>
    %dma_wait3A_1251 = arith.constant 0 : i32
    %dma_wait3A_1252 = arith.constant 0 : i32
    %dma_wait3A_1253 = tpu.memref_slice %arg9[%dma_wait3A_1241, %dma_wait3A_1251, %dma_wait3A_1252] : memref<2x128x64xi32, #tpu.memory_space<vmem>> -> memref<1x128x64xi32, #tpu.memory_space<vmem>>
    %dma_wait3A_1254 = tpu.memref_squeeze %dma_wait3A_1253 : memref<1x128x64xi32, #tpu.memory_space<vmem>> -> memref<128x64xi32, #tpu.memory_space<vmem>>
    %dma_wait3A_1255 = arith.constant 0 : i32
    %dma_wait3A_1256 = tpu.memref_slice %arg4[%add3A_32, %dma_wait3A_1255] : memref<16384x64xi32, #tpu.memory_space<hbm>> -> memref<128x64xi32, #tpu.memory_space<hbm>>
    tpu.wait_dma2 semaphore(%dma_wait3A_1250 : memref<!tpu.dma_semaphore, #tpu.memory_space<semaphore_mem>>) src(%dma_wait3A_1256 : memref<128x64xi32, #tpu.memory_space<hbm>>) dst(%dma_wait3A_1254 : memref<128x64xi32, #tpu.memory_space<vmem>>)
    %run_scoped3A_1257 = arith.constant 1 : i32
    %run_scoped3A_1258 = arith.constant 0 : i32
    "tpu.region"() ({
      %run_scoped3A_3310 = tpu.sem_alloc : memref<!tpu.dma_semaphore, #tpu.memory_space<semaphore_mem>>
      %dma_start3A_3311 = arith.constant 0 : i32
      %dma_start3A_3312 = arith.constant 0 : i32
      %dma_start3A_3313 = tpu.memref_slice %arg9[%run_scoped3A_1257, %dma_start3A_3311, %dma_start3A_3312] : memref<2x128x64xi32, #tpu.memory_space<vmem>> -> memref<1x128x64xi32, #tpu.memory_space<vmem>>
      %dma_start3A_3314 = tpu.memref_squeeze %dma_start3A_3313 : memref<1x128x64xi32, #tpu.memory_space<vmem>> -> memref<128x64xi32, #tpu.memory_space<vmem>>
      %dma_start3A_3315 = arith.constant 0 : i32
      %dma_start3A_3316 = tpu.memref_slice %arg8[%run_scoped3A_1258, %dma_start3A_3315] : memref<1x128xi32, #tpu.memory_space<vmem>> -> memref<1x128xi32, #tpu.memory_space<vmem>>
      %dma_start3A_3317 = tpu.memref_squeeze %dma_start3A_3316 : memref<1x128xi32, #tpu.memory_space<vmem>> -> memref<128xi32, #tpu.memory_space<vmem>>
      %dma_start3A_3318 = arith.constant 0 : i32
      %dma_start3A_3319 = arith.constant 0 : i32
      %dma_start3A_3320 = tpu.memref_slice %arg6[%dma_start3A_3318, %dma_start3A_3319] : memref<25096x64xi32, #tpu.memory_space<vmem_shared>> -> memref<25096x64xi32, #tpu.memory_space<vmem_shared>>
      tpu.enqueue_indirect_dma source(%dma_start3A_3314 : memref<128x64xi32, #tpu.memory_space<vmem>>) target(%dma_start3A_3320 : memref<25096x64xi32, #tpu.memory_space<vmem_shared>>) offsets(%dma_start3A_3317 : memref<128xi32, #tpu.memory_space<vmem>>) semaphore(%run_scoped3A_3310 : memref<!tpu.dma_semaphore, #tpu.memory_space<semaphore_mem>>) {add = true}
      %dma_wait3A_3321 = arith.constant 0 : i32
      %dma_wait3A_3322 = arith.constant 0 : i32
      %dma_wait3A_3323 = tpu.memref_slice %arg9[%run_scoped3A_1257, %dma_wait3A_3321, %dma_wait3A_3322] : memref<2x128x64xi32, #tpu.memory_space<vmem>> -> memref<1x128x64xi32, #tpu.memory_space<vmem>>
      %dma_wait3A_3324 = tpu.memref_squeeze %dma_wait3A_3323 : memref<1x128x64xi32, #tpu.memory_space<vmem>> -> memref<128x64xi32, #tpu.memory_space<vmem>>
      %dma_wait3A_3325 = arith.constant 0 : i32
      %dma_wait3A_3326 = tpu.memref_slice %arg8[%run_scoped3A_1258, %dma_wait3A_3325] : memref<1x128xi32, #tpu.memory_space<vmem>> -> memref<1x128xi32, #tpu.memory_space<vmem>>
      %dma_wait3A_3327 = tpu.memref_squeeze %dma_wait3A_3326 : memref<1x128xi32, #tpu.memory_space<vmem>> -> memref<128xi32, #tpu.memory_space<vmem>>
      %dma_wait3A_3328 = arith.constant 0 : i32
      %dma_wait3A_3329 = arith.constant 0 : i32
      %dma_wait3A_3330 = tpu.memref_slice %arg6[%dma_wait3A_3328, %dma_wait3A_3329] : memref<25096x64xi32, #tpu.memory_space<vmem_shared>> -> memref<25096x64xi32, #tpu.memory_space<vmem_shared>>
      tpu.wait_indirect_dma semaphore(%run_scoped3A_3310 : memref<!tpu.dma_semaphore, #tpu.memory_space<semaphore_mem>>) src(%dma_wait3A_3324 : memref<128x64xi32, #tpu.memory_space<vmem>>) dst(%dma_wait3A_3330 : memref<25096x64xi32, #tpu.memory_space<vmem_shared>>)
      tpu.yield
    }) : () -> ()
    %dma_start3A_1259 = arith.constant 1 : i32
    %dma_start3A_1260 = arith.constant 1 : i32
    %dma_start3A_1261 = arith.constant 0 : i32
    %dma_start3A_1262 = arith.constant 0 : i32
    %dma_start3A_1263 = tpu.memref_slice %arg9[%dma_start3A_1259, %dma_start3A_1261, %dma_start3A_1262] : memref<2x128x64xi32, #tpu.memory_space<vmem>> -> memref<1x128x64xi32, #tpu.memory_space<vmem>>
    %dma_start3A_1264 = tpu.memref_squeeze %dma_start3A_1263 : memref<1x128x64xi32, #tpu.memory_space<vmem>> -> memref<128x64xi32, #tpu.memory_space<vmem>>
    %dma_start3A_1265 = arith.constant 0 : i32
    %dma_start3A_1266 = tpu.memref_slice %arg4[%add3A_40, %dma_start3A_1265] : memref<16384x64xi32, #tpu.memory_space<hbm>> -> memref<128x64xi32, #tpu.memory_space<hbm>>
    %dma_start3A_1267 = tpu.memref_slice %arg10[%dma_start3A_1260] : memref<2x!tpu.dma_semaphore, #tpu.memory_space<semaphore_mem>> -> memref<1x!tpu.dma_semaphore, #tpu.memory_space<semaphore_mem>>
    %dma_start3A_1268 = tpu.memref_squeeze %dma_start3A_1267 : memref<1x!tpu.dma_semaphore, #tpu.memory_space<semaphore_mem>> -> memref<!tpu.dma_semaphore, #tpu.memory_space<semaphore_mem>>
    %dma_start3A_1269 = arith.constant 0 : i32
    %dma_start3A_1270 = arith.constant 0 : i32
    %dma_start3A_1271 = tpu.memref_slice %arg9[%dma_start3A_1259, %dma_start3A_1269, %dma_start3A_1270] : memref<2x128x64xi32, #tpu.memory_space<vmem>> -> memref<1x128x64xi32, #tpu.memory_space<vmem>>
    %dma_start3A_1272 = tpu.memref_squeeze %dma_start3A_1271 : memref<1x128x64xi32, #tpu.memory_space<vmem>> -> memref<128x64xi32, #tpu.memory_space<vmem>>
    %dma_start3A_1273 = arith.constant 0 : i32
    %dma_start3A_1274 = tpu.memref_slice %arg4[%add3A_40, %dma_start3A_1273] : memref<16384x64xi32, #tpu.memory_space<hbm>> -> memref<128x64xi32, #tpu.memory_space<hbm>>
    tpu.enqueue_dma source(%dma_start3A_1274 : memref<128x64xi32, #tpu.memory_space<hbm>>) target(%dma_start3A_1272 : memref<128x64xi32, #tpu.memory_space<vmem>>) target_semaphore(%dma_start3A_1268 : memref<!tpu.dma_semaphore, #tpu.memory_space<semaphore_mem>>)
    %get3A_1275 = arith.constant 0 : i32
    %get3A_1276 = arith.index_cast %get3A_1275 : i32 to index
    %get3A_1277 = arith.constant 768 : index
    %get3A_1278 = tpu.vector_load %arg7[%get3A_1276, %get3A_1277] {strides = array<i32>} : memref<1x1024xi32, #tpu.memory_space<vmem>>, vector<1x16xi32>,
    %get3A_1279 = vector.shape_cast %get3A_1278 : vector<1x16xi32> to vector<16xi32>
    %sub3A_1280 = vector.broadcast %multiple_of3A : i32 to vector<16xi32>
    %sub3A_1281 = arith.subi %get3A_1279, %sub3A_1280 : vector<16xi32>
    %ge3A_1282 = vector.broadcast %multiple_of3A : i32 to vector<16xi32>
    %ge3A_1283 = arith.cmpi sge, %get3A_1279, %ge3A_1282 : vector<16xi32>
    %lt3A_1284 = vector.broadcast %select_n3A_6 : i32 to vector<16xi32>
    %lt3A_1285 = arith.cmpi slt, %get3A_1279, %lt3A_1284 : vector<16xi32>
    %and3A_1286 = arith.andi %ge3A_1283, %lt3A_1285 : vector<16xi1>
    %jit3A_1287 = arith.constant 25088 : i32
    %broadcast_in_dim3A_1288 = vector.broadcast %jit3A_1287 : i32 to vector<16xi32>
    %select_n3A_1289 = arith.select %and3A_1286, %sub3A_1281, %broadcast_in_dim3A_1288 : vector<16xi1>, vector<16xi32>
    %swap3A_1290 = arith.constant 0 : i32
    %swap3A_1291 = arith.index_cast %swap3A_1290 : i32 to index
    %swap3A_1292 = arith.constant 0 : index
    %swap3A_1293 = tpu.vector_load %arg8[%swap3A_1291, %swap3A_1292] {strides = array<i32>} : memref<1x128xi32, #tpu.memory_space<vmem>>, vector<1x16xi32>,
    %swap3A_1294 = vector.shape_cast %swap3A_1293 : vector<1x16xi32> to vector<16xi32>
    %swap3A_1295 = vector.shape_cast %select_n3A_1289 : vector<16xi32> to vector<1x16xi32>
    tpu.vector_store %arg8[%swap3A_1291, %swap3A_1292], %swap3A_1295 {strides = array<i32>} : memref<1x128xi32, #tpu.memory_space<vmem>>, vector<1x16xi32>,
    %get3A_1296 = arith.constant 0 : i32
    %get3A_1297 = arith.index_cast %get3A_1296 : i32 to index
    %get3A_1298 = arith.constant 784 : index
    %get3A_1299 = tpu.vector_load %arg7[%get3A_1297, %get3A_1298] {strides = array<i32>} : memref<1x1024xi32, #tpu.memory_space<vmem>>, vector<1x16xi32>,
    %get3A_1300 = vector.shape_cast %get3A_1299 : vector<1x16xi32> to vector<16xi32>
    %sub3A_1301 = vector.broadcast %multiple_of3A : i32 to vector<16xi32>
    %sub3A_1302 = arith.subi %get3A_1300, %sub3A_1301 : vector<16xi32>
    %ge3A_1303 = vector.broadcast %multiple_of3A : i32 to vector<16xi32>
    %ge3A_1304 = arith.cmpi sge, %get3A_1300, %ge3A_1303 : vector<16xi32>
    %lt3A_1305 = vector.broadcast %select_n3A_6 : i32 to vector<16xi32>
    %lt3A_1306 = arith.cmpi slt, %get3A_1300, %lt3A_1305 : vector<16xi32>
    %and3A_1307 = arith.andi %ge3A_1304, %lt3A_1306 : vector<16xi1>
    %jit3A_1308 = arith.constant 25088 : i32
    %broadcast_in_dim3A_1309 = vector.broadcast %jit3A_1308 : i32 to vector<16xi32>
    %select_n3A_1310 = arith.select %and3A_1307, %sub3A_1302, %broadcast_in_dim3A_1309 : vector<16xi1>, vector<16xi32>
    %swap3A_1311 = arith.constant 0 : i32
    %swap3A_1312 = arith.index_cast %swap3A_1311 : i32 to index
    %swap3A_1313 = arith.constant 16 : index
    %swap3A_1314 = tpu.vector_load %arg8[%swap3A_1312, %swap3A_1313] {strides = array<i32>} : memref<1x128xi32, #tpu.memory_space<vmem>>, vector<1x16xi32>,
    %swap3A_1315 = vector.shape_cast %swap3A_1314 : vector<1x16xi32> to vector<16xi32>
    %swap3A_1316 = vector.shape_cast %select_n3A_1310 : vector<16xi32> to vector<1x16xi32>
    tpu.vector_store %arg8[%swap3A_1312, %swap3A_1313], %swap3A_1316 {strides = array<i32>} : memref<1x128xi32, #tpu.memory_space<vmem>>, vector<1x16xi32>,
    %get3A_1317 = arith.constant 0 : i32
    %get3A_1318 = arith.index_cast %get3A_1317 : i32 to index
    %get3A_1319 = arith.constant 800 : index
    %get3A_1320 = tpu.vector_load %arg7[%get3A_1318, %get3A_1319] {strides = array<i32>} : memref<1x1024xi32, #tpu.memory_space<vmem>>, vector<1x16xi32>,
    %get3A_1321 = vector.shape_cast %get3A_1320 : vector<1x16xi32> to vector<16xi32>
    %sub3A_1322 = vector.broadcast %multiple_of3A : i32 to vector<16xi32>
    %sub3A_1323 = arith.subi %get3A_1321, %sub3A_1322 : vector<16xi32>
    %ge3A_1324 = vector.broadcast %multiple_of3A : i32 to vector<16xi32>
    %ge3A_1325 = arith.cmpi sge, %get3A_1321, %ge3A_1324 : vector<16xi32>
    %lt3A_1326 = vector.broadcast %select_n3A_6 : i32 to vector<16xi32>
    %lt3A_1327 = arith.cmpi slt, %get3A_1321, %lt3A_1326 : vector<16xi32>
    %and3A_1328 = arith.andi %ge3A_1325, %lt3A_1327 : vector<16xi1>
    %jit3A_1329 = arith.constant 25088 : i32
    %broadcast_in_dim3A_1330 = vector.broadcast %jit3A_1329 : i32 to vector<16xi32>
    %select_n3A_1331 = arith.select %and3A_1328, %sub3A_1323, %broadcast_in_dim3A_1330 : vector<16xi1>, vector<16xi32>
    %swap3A_1332 = arith.constant 0 : i32
    %swap3A_1333 = arith.index_cast %swap3A_1332 : i32 to index
    %swap3A_1334 = arith.constant 32 : index
    %swap3A_1335 = tpu.vector_load %arg8[%swap3A_1333, %swap3A_1334] {strides = array<i32>} : memref<1x128xi32, #tpu.memory_space<vmem>>, vector<1x16xi32>,
    %swap3A_1336 = vector.shape_cast %swap3A_1335 : vector<1x16xi32> to vector<16xi32>
    %swap3A_1337 = vector.shape_cast %select_n3A_1331 : vector<16xi32> to vector<1x16xi32>
    tpu.vector_store %arg8[%swap3A_1333, %swap3A_1334], %swap3A_1337 {strides = array<i32>} : memref<1x128xi32, #tpu.memory_space<vmem>>, vector<1x16xi32>,
    %get3A_1338 = arith.constant 0 : i32
    %get3A_1339 = arith.index_cast %get3A_1338 : i32 to index
    %get3A_1340 = arith.constant 816 : index
    %get3A_1341 = tpu.vector_load %arg7[%get3A_1339, %get3A_1340] {strides = array<i32>} : memref<1x1024xi32, #tpu.memory_space<vmem>>, vector<1x16xi32>,
    %get3A_1342 = vector.shape_cast %get3A_1341 : vector<1x16xi32> to vector<16xi32>
    %sub3A_1343 = vector.broadcast %multiple_of3A : i32 to vector<16xi32>
    %sub3A_1344 = arith.subi %get3A_1342, %sub3A_1343 : vector<16xi32>
    %ge3A_1345 = vector.broadcast %multiple_of3A : i32 to vector<16xi32>
    %ge3A_1346 = arith.cmpi sge, %get3A_1342, %ge3A_1345 : vector<16xi32>
    %lt3A_1347 = vector.broadcast %select_n3A_6 : i32 to vector<16xi32>
    %lt3A_1348 = arith.cmpi slt, %get3A_1342, %lt3A_1347 : vector<16xi32>
    %and3A_1349 = arith.andi %ge3A_1346, %lt3A_1348 : vector<16xi1>
    %jit3A_1350 = arith.constant 25088 : i32
    %broadcast_in_dim3A_1351 = vector.broadcast %jit3A_1350 : i32 to vector<16xi32>
    %select_n3A_1352 = arith.select %and3A_1349, %sub3A_1344, %broadcast_in_dim3A_1351 : vector<16xi1>, vector<16xi32>
    %swap3A_1353 = arith.constant 0 : i32
    %swap3A_1354 = arith.index_cast %swap3A_1353 : i32 to index
    %swap3A_1355 = arith.constant 48 : index
    %swap3A_1356 = tpu.vector_load %arg8[%swap3A_1354, %swap3A_1355] {strides = array<i32>} : memref<1x128xi32, #tpu.memory_space<vmem>>, vector<1x16xi32>,
    %swap3A_1357 = vector.shape_cast %swap3A_1356 : vector<1x16xi32> to vector<16xi32>
    %swap3A_1358 = vector.shape_cast %select_n3A_1352 : vector<16xi32> to vector<1x16xi32>
    tpu.vector_store %arg8[%swap3A_1354, %swap3A_1355], %swap3A_1358 {strides = array<i32>} : memref<1x128xi32, #tpu.memory_space<vmem>>, vector<1x16xi32>,
    %get3A_1359 = arith.constant 0 : i32
    %get3A_1360 = arith.index_cast %get3A_1359 : i32 to index
    %get3A_1361 = arith.constant 832 : index
    %get3A_1362 = tpu.vector_load %arg7[%get3A_1360, %get3A_1361] {strides = array<i32>} : memref<1x1024xi32, #tpu.memory_space<vmem>>, vector<1x16xi32>,
    %get3A_1363 = vector.shape_cast %get3A_1362 : vector<1x16xi32> to vector<16xi32>
    %sub3A_1364 = vector.broadcast %multiple_of3A : i32 to vector<16xi32>
    %sub3A_1365 = arith.subi %get3A_1363, %sub3A_1364 : vector<16xi32>
    %ge3A_1366 = vector.broadcast %multiple_of3A : i32 to vector<16xi32>
    %ge3A_1367 = arith.cmpi sge, %get3A_1363, %ge3A_1366 : vector<16xi32>
    %lt3A_1368 = vector.broadcast %select_n3A_6 : i32 to vector<16xi32>
    %lt3A_1369 = arith.cmpi slt, %get3A_1363, %lt3A_1368 : vector<16xi32>
    %and3A_1370 = arith.andi %ge3A_1367, %lt3A_1369 : vector<16xi1>
    %jit3A_1371 = arith.constant 25088 : i32
    %broadcast_in_dim3A_1372 = vector.broadcast %jit3A_1371 : i32 to vector<16xi32>
    %select_n3A_1373 = arith.select %and3A_1370, %sub3A_1365, %broadcast_in_dim3A_1372 : vector<16xi1>, vector<16xi32>
    %swap3A_1374 = arith.constant 0 : i32
    %swap3A_1375 = arith.index_cast %swap3A_1374 : i32 to index
    %swap3A_1376 = arith.constant 64 : index
    %swap3A_1377 = tpu.vector_load %arg8[%swap3A_1375, %swap3A_1376] {strides = array<i32>} : memref<1x128xi32, #tpu.memory_space<vmem>>, vector<1x16xi32>,
    %swap3A_1378 = vector.shape_cast %swap3A_1377 : vector<1x16xi32> to vector<16xi32>
    %swap3A_1379 = vector.shape_cast %select_n3A_1373 : vector<16xi32> to vector<1x16xi32>
    tpu.vector_store %arg8[%swap3A_1375, %swap3A_1376], %swap3A_1379 {strides = array<i32>} : memref<1x128xi32, #tpu.memory_space<vmem>>, vector<1x16xi32>,
    %get3A_1380 = arith.constant 0 : i32
    %get3A_1381 = arith.index_cast %get3A_1380 : i32 to index
    %get3A_1382 = arith.constant 848 : index
    %get3A_1383 = tpu.vector_load %arg7[%get3A_1381, %get3A_1382] {strides = array<i32>} : memref<1x1024xi32, #tpu.memory_space<vmem>>, vector<1x16xi32>,
    %get3A_1384 = vector.shape_cast %get3A_1383 : vector<1x16xi32> to vector<16xi32>
    %sub3A_1385 = vector.broadcast %multiple_of3A : i32 to vector<16xi32>
    %sub3A_1386 = arith.subi %get3A_1384, %sub3A_1385 : vector<16xi32>
    %ge3A_1387 = vector.broadcast %multiple_of3A : i32 to vector<16xi32>
    %ge3A_1388 = arith.cmpi sge, %get3A_1384, %ge3A_1387 : vector<16xi32>
    %lt3A_1389 = vector.broadcast %select_n3A_6 : i32 to vector<16xi32>
    %lt3A_1390 = arith.cmpi slt, %get3A_1384, %lt3A_1389 : vector<16xi32>
    %and3A_1391 = arith.andi %ge3A_1388, %lt3A_1390 : vector<16xi1>
    %jit3A_1392 = arith.constant 25088 : i32
    %broadcast_in_dim3A_1393 = vector.broadcast %jit3A_1392 : i32 to vector<16xi32>
    %select_n3A_1394 = arith.select %and3A_1391, %sub3A_1386, %broadcast_in_dim3A_1393 : vector<16xi1>, vector<16xi32>
    %swap3A_1395 = arith.constant 0 : i32
    %swap3A_1396 = arith.index_cast %swap3A_1395 : i32 to index
    %swap3A_1397 = arith.constant 80 : index
    %swap3A_1398 = tpu.vector_load %arg8[%swap3A_1396, %swap3A_1397] {strides = array<i32>} : memref<1x128xi32, #tpu.memory_space<vmem>>, vector<1x16xi32>,
    %swap3A_1399 = vector.shape_cast %swap3A_1398 : vector<1x16xi32> to vector<16xi32>
    %swap3A_1400 = vector.shape_cast %select_n3A_1394 : vector<16xi32> to vector<1x16xi32>
    tpu.vector_store %arg8[%swap3A_1396, %swap3A_1397], %swap3A_1400 {strides = array<i32>} : memref<1x128xi32, #tpu.memory_space<vmem>>, vector<1x16xi32>,
    %get3A_1401 = arith.constant 0 : i32
    %get3A_1402 = arith.index_cast %get3A_1401 : i32 to index
    %get3A_1403 = arith.constant 864 : index
    %get3A_1404 = tpu.vector_load %arg7[%get3A_1402, %get3A_1403] {strides = array<i32>} : memref<1x1024xi32, #tpu.memory_space<vmem>>, vector<1x16xi32>,
    %get3A_1405 = vector.shape_cast %get3A_1404 : vector<1x16xi32> to vector<16xi32>
    %sub3A_1406 = vector.broadcast %multiple_of3A : i32 to vector<16xi32>
    %sub3A_1407 = arith.subi %get3A_1405, %sub3A_1406 : vector<16xi32>
    %ge3A_1408 = vector.broadcast %multiple_of3A : i32 to vector<16xi32>
    %ge3A_1409 = arith.cmpi sge, %get3A_1405, %ge3A_1408 : vector<16xi32>
    %lt3A_1410 = vector.broadcast %select_n3A_6 : i32 to vector<16xi32>
    %lt3A_1411 = arith.cmpi slt, %get3A_1405, %lt3A_1410 : vector<16xi32>
    %and3A_1412 = arith.andi %ge3A_1409, %lt3A_1411 : vector<16xi1>
    %jit3A_1413 = arith.constant 25088 : i32
    %broadcast_in_dim3A_1414 = vector.broadcast %jit3A_1413 : i32 to vector<16xi32>
    %select_n3A_1415 = arith.select %and3A_1412, %sub3A_1407, %broadcast_in_dim3A_1414 : vector<16xi1>, vector<16xi32>
    %swap3A_1416 = arith.constant 0 : i32
    %swap3A_1417 = arith.index_cast %swap3A_1416 : i32 to index
    %swap3A_1418 = arith.constant 96 : index
    %swap3A_1419 = tpu.vector_load %arg8[%swap3A_1417, %swap3A_1418] {strides = array<i32>} : memref<1x128xi32, #tpu.memory_space<vmem>>, vector<1x16xi32>,
    %swap3A_1420 = vector.shape_cast %swap3A_1419 : vector<1x16xi32> to vector<16xi32>
    %swap3A_1421 = vector.shape_cast %select_n3A_1415 : vector<16xi32> to vector<1x16xi32>
    tpu.vector_store %arg8[%swap3A_1417, %swap3A_1418], %swap3A_1421 {strides = array<i32>} : memref<1x128xi32, #tpu.memory_space<vmem>>, vector<1x16xi32>,
    %get3A_1422 = arith.constant 0 : i32
    %get3A_1423 = arith.index_cast %get3A_1422 : i32 to index
    %get3A_1424 = arith.constant 880 : index
    %get3A_1425 = tpu.vector_load %arg7[%get3A_1423, %get3A_1424] {strides = array<i32>} : memref<1x1024xi32, #tpu.memory_space<vmem>>, vector<1x16xi32>,
    %get3A_1426 = vector.shape_cast %get3A_1425 : vector<1x16xi32> to vector<16xi32>
    %sub3A_1427 = vector.broadcast %multiple_of3A : i32 to vector<16xi32>
    %sub3A_1428 = arith.subi %get3A_1426, %sub3A_1427 : vector<16xi32>
    %ge3A_1429 = vector.broadcast %multiple_of3A : i32 to vector<16xi32>
    %ge3A_1430 = arith.cmpi sge, %get3A_1426, %ge3A_1429 : vector<16xi32>
    %lt3A_1431 = vector.broadcast %select_n3A_6 : i32 to vector<16xi32>
    %lt3A_1432 = arith.cmpi slt, %get3A_1426, %lt3A_1431 : vector<16xi32>
    %and3A_1433 = arith.andi %ge3A_1430, %lt3A_1432 : vector<16xi1>
    %jit3A_1434 = arith.constant 25088 : i32
    %broadcast_in_dim3A_1435 = vector.broadcast %jit3A_1434 : i32 to vector<16xi32>
    %select_n3A_1436 = arith.select %and3A_1433, %sub3A_1428, %broadcast_in_dim3A_1435 : vector<16xi1>, vector<16xi32>
    %swap3A_1437 = arith.constant 0 : i32
    %swap3A_1438 = arith.index_cast %swap3A_1437 : i32 to index
    %swap3A_1439 = arith.constant 112 : index
    %swap3A_1440 = tpu.vector_load %arg8[%swap3A_1438, %swap3A_1439] {strides = array<i32>} : memref<1x128xi32, #tpu.memory_space<vmem>>, vector<1x16xi32>,
    %swap3A_1441 = vector.shape_cast %swap3A_1440 : vector<1x16xi32> to vector<16xi32>
    %swap3A_1442 = vector.shape_cast %select_n3A_1436 : vector<16xi32> to vector<1x16xi32>
    tpu.vector_store %arg8[%swap3A_1438, %swap3A_1439], %swap3A_1442 {strides = array<i32>} : memref<1x128xi32, #tpu.memory_space<vmem>>, vector<1x16xi32>,
    %dma_wait3A_1443 = arith.constant 0 : i32
    %dma_wait3A_1444 = arith.constant 0 : i32
    %dma_wait3A_1445 = arith.constant 0 : i32
    %dma_wait3A_1446 = arith.constant 0 : i32
    %dma_wait3A_1447 = tpu.memref_slice %arg9[%dma_wait3A_1443, %dma_wait3A_1445, %dma_wait3A_1446] : memref<2x128x64xi32, #tpu.memory_space<vmem>> -> memref<1x128x64xi32, #tpu.memory_space<vmem>>
    %dma_wait3A_1448 = tpu.memref_squeeze %dma_wait3A_1447 : memref<1x128x64xi32, #tpu.memory_space<vmem>> -> memref<128x64xi32, #tpu.memory_space<vmem>>
    %dma_wait3A_1449 = arith.constant 0 : i32
    %dma_wait3A_1450 = tpu.memref_slice %arg4[%add3A_36, %dma_wait3A_1449] : memref<16384x64xi32, #tpu.memory_space<hbm>> -> memref<128x64xi32, #tpu.memory_space<hbm>>
    %dma_wait3A_1451 = tpu.memref_slice %arg10[%dma_wait3A_1444] : memref<2x!tpu.dma_semaphore, #tpu.memory_space<semaphore_mem>> -> memref<1x!tpu.dma_semaphore, #tpu.memory_space<semaphore_mem>>
    %dma_wait3A_1452 = tpu.memref_squeeze %dma_wait3A_1451 : memref<1x!tpu.dma_semaphore, #tpu.memory_space<semaphore_mem>> -> memref<!tpu.dma_semaphore, #tpu.memory_space<semaphore_mem>>
    %dma_wait3A_1453 = arith.constant 0 : i32
    %dma_wait3A_1454 = arith.constant 0 : i32
    %dma_wait3A_1455 = tpu.memref_slice %arg9[%dma_wait3A_1443, %dma_wait3A_1453, %dma_wait3A_1454] : memref<2x128x64xi32, #tpu.memory_space<vmem>> -> memref<1x128x64xi32, #tpu.memory_space<vmem>>
    %dma_wait3A_1456 = tpu.memref_squeeze %dma_wait3A_1455 : memref<1x128x64xi32, #tpu.memory_space<vmem>> -> memref<128x64xi32, #tpu.memory_space<vmem>>
    %dma_wait3A_1457 = arith.constant 0 : i32
    %dma_wait3A_1458 = tpu.memref_slice %arg4[%add3A_36, %dma_wait3A_1457] : memref<16384x64xi32, #tpu.memory_space<hbm>> -> memref<128x64xi32, #tpu.memory_space<hbm>>
    tpu.wait_dma2 semaphore(%dma_wait3A_1452 : memref<!tpu.dma_semaphore, #tpu.memory_space<semaphore_mem>>) src(%dma_wait3A_1458 : memref<128x64xi32, #tpu.memory_space<hbm>>) dst(%dma_wait3A_1456 : memref<128x64xi32, #tpu.memory_space<vmem>>)
    %run_scoped3A_1459 = arith.constant 0 : i32
    %run_scoped3A_1460 = arith.constant 0 : i32
    "tpu.region"() ({
      %run_scoped3A_3310 = tpu.sem_alloc : memref<!tpu.dma_semaphore, #tpu.memory_space<semaphore_mem>>
      %dma_start3A_3311 = arith.constant 0 : i32
      %dma_start3A_3312 = arith.constant 0 : i32
      %dma_start3A_3313 = tpu.memref_slice %arg9[%run_scoped3A_1459, %dma_start3A_3311, %dma_start3A_3312] : memref<2x128x64xi32, #tpu.memory_space<vmem>> -> memref<1x128x64xi32, #tpu.memory_space<vmem>>
      %dma_start3A_3314 = tpu.memref_squeeze %dma_start3A_3313 : memref<1x128x64xi32, #tpu.memory_space<vmem>> -> memref<128x64xi32, #tpu.memory_space<vmem>>
      %dma_start3A_3315 = arith.constant 0 : i32
      %dma_start3A_3316 = tpu.memref_slice %arg8[%run_scoped3A_1460, %dma_start3A_3315] : memref<1x128xi32, #tpu.memory_space<vmem>> -> memref<1x128xi32, #tpu.memory_space<vmem>>
      %dma_start3A_3317 = tpu.memref_squeeze %dma_start3A_3316 : memref<1x128xi32, #tpu.memory_space<vmem>> -> memref<128xi32, #tpu.memory_space<vmem>>
      %dma_start3A_3318 = arith.constant 0 : i32
      %dma_start3A_3319 = arith.constant 0 : i32
      %dma_start3A_3320 = tpu.memref_slice %arg6[%dma_start3A_3318, %dma_start3A_3319] : memref<25096x64xi32, #tpu.memory_space<vmem_shared>> -> memref<25096x64xi32, #tpu.memory_space<vmem_shared>>
      tpu.enqueue_indirect_dma source(%dma_start3A_3314 : memref<128x64xi32, #tpu.memory_space<vmem>>) target(%dma_start3A_3320 : memref<25096x64xi32, #tpu.memory_space<vmem_shared>>) offsets(%dma_start3A_3317 : memref<128xi32, #tpu.memory_space<vmem>>) semaphore(%run_scoped3A_3310 : memref<!tpu.dma_semaphore, #tpu.memory_space<semaphore_mem>>) {add = true}
      %dma_wait3A_3321 = arith.constant 0 : i32
      %dma_wait3A_3322 = arith.constant 0 : i32
      %dma_wait3A_3323 = tpu.memref_slice %arg9[%run_scoped3A_1459, %dma_wait3A_3321, %dma_wait3A_3322] : memref<2x128x64xi32, #tpu.memory_space<vmem>> -> memref<1x128x64xi32, #tpu.memory_space<vmem>>
      %dma_wait3A_3324 = tpu.memref_squeeze %dma_wait3A_3323 : memref<1x128x64xi32, #tpu.memory_space<vmem>> -> memref<128x64xi32, #tpu.memory_space<vmem>>
      %dma_wait3A_3325 = arith.constant 0 : i32
      %dma_wait3A_3326 = tpu.memref_slice %arg8[%run_scoped3A_1460, %dma_wait3A_3325] : memref<1x128xi32, #tpu.memory_space<vmem>> -> memref<1x128xi32, #tpu.memory_space<vmem>>
      %dma_wait3A_3327 = tpu.memref_squeeze %dma_wait3A_3326 : memref<1x128xi32, #tpu.memory_space<vmem>> -> memref<128xi32, #tpu.memory_space<vmem>>
      %dma_wait3A_3328 = arith.constant 0 : i32
      %dma_wait3A_3329 = arith.constant 0 : i32
      %dma_wait3A_3330 = tpu.memref_slice %arg6[%dma_wait3A_3328, %dma_wait3A_3329] : memref<25096x64xi32, #tpu.memory_space<vmem_shared>> -> memref<25096x64xi32, #tpu.memory_space<vmem_shared>>
      tpu.wait_indirect_dma semaphore(%run_scoped3A_3310 : memref<!tpu.dma_semaphore, #tpu.memory_space<semaphore_mem>>) src(%dma_wait3A_3324 : memref<128x64xi32, #tpu.memory_space<vmem>>) dst(%dma_wait3A_3330 : memref<25096x64xi32, #tpu.memory_space<vmem_shared>>)
      tpu.yield
    }) : () -> ()
    %get3A_1461 = arith.constant 0 : i32
    %get3A_1462 = arith.index_cast %get3A_1461 : i32 to index
    %get3A_1463 = arith.constant 896 : index
    %get3A_1464 = tpu.vector_load %arg7[%get3A_1462, %get3A_1463] {strides = array<i32>} : memref<1x1024xi32, #tpu.memory_space<vmem>>, vector<1x16xi32>,
    %get3A_1465 = vector.shape_cast %get3A_1464 : vector<1x16xi32> to vector<16xi32>
    %sub3A_1466 = vector.broadcast %multiple_of3A : i32 to vector<16xi32>
    %sub3A_1467 = arith.subi %get3A_1465, %sub3A_1466 : vector<16xi32>
    %ge3A_1468 = vector.broadcast %multiple_of3A : i32 to vector<16xi32>
    %ge3A_1469 = arith.cmpi sge, %get3A_1465, %ge3A_1468 : vector<16xi32>
    %lt3A_1470 = vector.broadcast %select_n3A_6 : i32 to vector<16xi32>
    %lt3A_1471 = arith.cmpi slt, %get3A_1465, %lt3A_1470 : vector<16xi32>
    %and3A_1472 = arith.andi %ge3A_1469, %lt3A_1471 : vector<16xi1>
    %jit3A_1473 = arith.constant 25088 : i32
    %broadcast_in_dim3A_1474 = vector.broadcast %jit3A_1473 : i32 to vector<16xi32>
    %select_n3A_1475 = arith.select %and3A_1472, %sub3A_1467, %broadcast_in_dim3A_1474 : vector<16xi1>, vector<16xi32>
    %swap3A_1476 = arith.constant 0 : i32
    %swap3A_1477 = arith.index_cast %swap3A_1476 : i32 to index
    %swap3A_1478 = arith.constant 0 : index
    %swap3A_1479 = tpu.vector_load %arg8[%swap3A_1477, %swap3A_1478] {strides = array<i32>} : memref<1x128xi32, #tpu.memory_space<vmem>>, vector<1x16xi32>,
    %swap3A_1480 = vector.shape_cast %swap3A_1479 : vector<1x16xi32> to vector<16xi32>
    %swap3A_1481 = vector.shape_cast %select_n3A_1475 : vector<16xi32> to vector<1x16xi32>
    tpu.vector_store %arg8[%swap3A_1477, %swap3A_1478], %swap3A_1481 {strides = array<i32>} : memref<1x128xi32, #tpu.memory_space<vmem>>, vector<1x16xi32>,
    %get3A_1482 = arith.constant 0 : i32
    %get3A_1483 = arith.index_cast %get3A_1482 : i32 to index
    %get3A_1484 = arith.constant 912 : index
    %get3A_1485 = tpu.vector_load %arg7[%get3A_1483, %get3A_1484] {strides = array<i32>} : memref<1x1024xi32, #tpu.memory_space<vmem>>, vector<1x16xi32>,
    %get3A_1486 = vector.shape_cast %get3A_1485 : vector<1x16xi32> to vector<16xi32>
    %sub3A_1487 = vector.broadcast %multiple_of3A : i32 to vector<16xi32>
    %sub3A_1488 = arith.subi %get3A_1486, %sub3A_1487 : vector<16xi32>
    %ge3A_1489 = vector.broadcast %multiple_of3A : i32 to vector<16xi32>
    %ge3A_1490 = arith.cmpi sge, %get3A_1486, %ge3A_1489 : vector<16xi32>
    %lt3A_1491 = vector.broadcast %select_n3A_6 : i32 to vector<16xi32>
    %lt3A_1492 = arith.cmpi slt, %get3A_1486, %lt3A_1491 : vector<16xi32>
    %and3A_1493 = arith.andi %ge3A_1490, %lt3A_1492 : vector<16xi1>
    %jit3A_1494 = arith.constant 25088 : i32
    %broadcast_in_dim3A_1495 = vector.broadcast %jit3A_1494 : i32 to vector<16xi32>
    %select_n3A_1496 = arith.select %and3A_1493, %sub3A_1488, %broadcast_in_dim3A_1495 : vector<16xi1>, vector<16xi32>
    %swap3A_1497 = arith.constant 0 : i32
    %swap3A_1498 = arith.index_cast %swap3A_1497 : i32 to index
    %swap3A_1499 = arith.constant 16 : index
    %swap3A_1500 = tpu.vector_load %arg8[%swap3A_1498, %swap3A_1499] {strides = array<i32>} : memref<1x128xi32, #tpu.memory_space<vmem>>, vector<1x16xi32>,
    %swap3A_1501 = vector.shape_cast %swap3A_1500 : vector<1x16xi32> to vector<16xi32>
    %swap3A_1502 = vector.shape_cast %select_n3A_1496 : vector<16xi32> to vector<1x16xi32>
    tpu.vector_store %arg8[%swap3A_1498, %swap3A_1499], %swap3A_1502 {strides = array<i32>} : memref<1x128xi32, #tpu.memory_space<vmem>>, vector<1x16xi32>,
    %get3A_1503 = arith.constant 0 : i32
    %get3A_1504 = arith.index_cast %get3A_1503 : i32 to index
    %get3A_1505 = arith.constant 928 : index
    %get3A_1506 = tpu.vector_load %arg7[%get3A_1504, %get3A_1505] {strides = array<i32>} : memref<1x1024xi32, #tpu.memory_space<vmem>>, vector<1x16xi32>,
    %get3A_1507 = vector.shape_cast %get3A_1506 : vector<1x16xi32> to vector<16xi32>
    %sub3A_1508 = vector.broadcast %multiple_of3A : i32 to vector<16xi32>
    %sub3A_1509 = arith.subi %get3A_1507, %sub3A_1508 : vector<16xi32>
    %ge3A_1510 = vector.broadcast %multiple_of3A : i32 to vector<16xi32>
    %ge3A_1511 = arith.cmpi sge, %get3A_1507, %ge3A_1510 : vector<16xi32>
    %lt3A_1512 = vector.broadcast %select_n3A_6 : i32 to vector<16xi32>
    %lt3A_1513 = arith.cmpi slt, %get3A_1507, %lt3A_1512 : vector<16xi32>
    %and3A_1514 = arith.andi %ge3A_1511, %lt3A_1513 : vector<16xi1>
    %jit3A_1515 = arith.constant 25088 : i32
    %broadcast_in_dim3A_1516 = vector.broadcast %jit3A_1515 : i32 to vector<16xi32>
    %select_n3A_1517 = arith.select %and3A_1514, %sub3A_1509, %broadcast_in_dim3A_1516 : vector<16xi1>, vector<16xi32>
    %swap3A_1518 = arith.constant 0 : i32
    %swap3A_1519 = arith.index_cast %swap3A_1518 : i32 to index
    %swap3A_1520 = arith.constant 32 : index
    %swap3A_1521 = tpu.vector_load %arg8[%swap3A_1519, %swap3A_1520] {strides = array<i32>} : memref<1x128xi32, #tpu.memory_space<vmem>>, vector<1x16xi32>,
    %swap3A_1522 = vector.shape_cast %swap3A_1521 : vector<1x16xi32> to vector<16xi32>
    %swap3A_1523 = vector.shape_cast %select_n3A_1517 : vector<16xi32> to vector<1x16xi32>
    tpu.vector_store %arg8[%swap3A_1519, %swap3A_1520], %swap3A_1523 {strides = array<i32>} : memref<1x128xi32, #tpu.memory_space<vmem>>, vector<1x16xi32>,
    %get3A_1524 = arith.constant 0 : i32
    %get3A_1525 = arith.index_cast %get3A_1524 : i32 to index
    %get3A_1526 = arith.constant 944 : index
    %get3A_1527 = tpu.vector_load %arg7[%get3A_1525, %get3A_1526] {strides = array<i32>} : memref<1x1024xi32, #tpu.memory_space<vmem>>, vector<1x16xi32>,
    %get3A_1528 = vector.shape_cast %get3A_1527 : vector<1x16xi32> to vector<16xi32>
    %sub3A_1529 = vector.broadcast %multiple_of3A : i32 to vector<16xi32>
    %sub3A_1530 = arith.subi %get3A_1528, %sub3A_1529 : vector<16xi32>
    %ge3A_1531 = vector.broadcast %multiple_of3A : i32 to vector<16xi32>
    %ge3A_1532 = arith.cmpi sge, %get3A_1528, %ge3A_1531 : vector<16xi32>
    %lt3A_1533 = vector.broadcast %select_n3A_6 : i32 to vector<16xi32>
    %lt3A_1534 = arith.cmpi slt, %get3A_1528, %lt3A_1533 : vector<16xi32>
    %and3A_1535 = arith.andi %ge3A_1532, %lt3A_1534 : vector<16xi1>
    %jit3A_1536 = arith.constant 25088 : i32
    %broadcast_in_dim3A_1537 = vector.broadcast %jit3A_1536 : i32 to vector<16xi32>
    %select_n3A_1538 = arith.select %and3A_1535, %sub3A_1530, %broadcast_in_dim3A_1537 : vector<16xi1>, vector<16xi32>
    %swap3A_1539 = arith.constant 0 : i32
    %swap3A_1540 = arith.index_cast %swap3A_1539 : i32 to index
    %swap3A_1541 = arith.constant 48 : index
    %swap3A_1542 = tpu.vector_load %arg8[%swap3A_1540, %swap3A_1541] {strides = array<i32>} : memref<1x128xi32, #tpu.memory_space<vmem>>, vector<1x16xi32>,
    %swap3A_1543 = vector.shape_cast %swap3A_1542 : vector<1x16xi32> to vector<16xi32>
    %swap3A_1544 = vector.shape_cast %select_n3A_1538 : vector<16xi32> to vector<1x16xi32>
    tpu.vector_store %arg8[%swap3A_1540, %swap3A_1541], %swap3A_1544 {strides = array<i32>} : memref<1x128xi32, #tpu.memory_space<vmem>>, vector<1x16xi32>,
    %get3A_1545 = arith.constant 0 : i32
    %get3A_1546 = arith.index_cast %get3A_1545 : i32 to index
    %get3A_1547 = arith.constant 960 : index
    %get3A_1548 = tpu.vector_load %arg7[%get3A_1546, %get3A_1547] {strides = array<i32>} : memref<1x1024xi32, #tpu.memory_space<vmem>>, vector<1x16xi32>,
    %get3A_1549 = vector.shape_cast %get3A_1548 : vector<1x16xi32> to vector<16xi32>
    %sub3A_1550 = vector.broadcast %multiple_of3A : i32 to vector<16xi32>
    %sub3A_1551 = arith.subi %get3A_1549, %sub3A_1550 : vector<16xi32>
    %ge3A_1552 = vector.broadcast %multiple_of3A : i32 to vector<16xi32>
    %ge3A_1553 = arith.cmpi sge, %get3A_1549, %ge3A_1552 : vector<16xi32>
    %lt3A_1554 = vector.broadcast %select_n3A_6 : i32 to vector<16xi32>
    %lt3A_1555 = arith.cmpi slt, %get3A_1549, %lt3A_1554 : vector<16xi32>
    %and3A_1556 = arith.andi %ge3A_1553, %lt3A_1555 : vector<16xi1>
    %jit3A_1557 = arith.constant 25088 : i32
    %broadcast_in_dim3A_1558 = vector.broadcast %jit3A_1557 : i32 to vector<16xi32>
    %select_n3A_1559 = arith.select %and3A_1556, %sub3A_1551, %broadcast_in_dim3A_1558 : vector<16xi1>, vector<16xi32>
    %swap3A_1560 = arith.constant 0 : i32
    %swap3A_1561 = arith.index_cast %swap3A_1560 : i32 to index
    %swap3A_1562 = arith.constant 64 : index
    %swap3A_1563 = tpu.vector_load %arg8[%swap3A_1561, %swap3A_1562] {strides = array<i32>} : memref<1x128xi32, #tpu.memory_space<vmem>>, vector<1x16xi32>,
    %swap3A_1564 = vector.shape_cast %swap3A_1563 : vector<1x16xi32> to vector<16xi32>
    %swap3A_1565 = vector.shape_cast %select_n3A_1559 : vector<16xi32> to vector<1x16xi32>
    tpu.vector_store %arg8[%swap3A_1561, %swap3A_1562], %swap3A_1565 {strides = array<i32>} : memref<1x128xi32, #tpu.memory_space<vmem>>, vector<1x16xi32>,
    %get3A_1566 = arith.constant 0 : i32
    %get3A_1567 = arith.index_cast %get3A_1566 : i32 to index
    %get3A_1568 = arith.constant 976 : index
    %get3A_1569 = tpu.vector_load %arg7[%get3A_1567, %get3A_1568] {strides = array<i32>} : memref<1x1024xi32, #tpu.memory_space<vmem>>, vector<1x16xi32>,
    %get3A_1570 = vector.shape_cast %get3A_1569 : vector<1x16xi32> to vector<16xi32>
    %sub3A_1571 = vector.broadcast %multiple_of3A : i32 to vector<16xi32>
    %sub3A_1572 = arith.subi %get3A_1570, %sub3A_1571 : vector<16xi32>
    %ge3A_1573 = vector.broadcast %multiple_of3A : i32 to vector<16xi32>
    %ge3A_1574 = arith.cmpi sge, %get3A_1570, %ge3A_1573 : vector<16xi32>
    %lt3A_1575 = vector.broadcast %select_n3A_6 : i32 to vector<16xi32>
    %lt3A_1576 = arith.cmpi slt, %get3A_1570, %lt3A_1575 : vector<16xi32>
    %and3A_1577 = arith.andi %ge3A_1574, %lt3A_1576 : vector<16xi1>
    %jit3A_1578 = arith.constant 25088 : i32
    %broadcast_in_dim3A_1579 = vector.broadcast %jit3A_1578 : i32 to vector<16xi32>
    %select_n3A_1580 = arith.select %and3A_1577, %sub3A_1572, %broadcast_in_dim3A_1579 : vector<16xi1>, vector<16xi32>
    %swap3A_1581 = arith.constant 0 : i32
    %swap3A_1582 = arith.index_cast %swap3A_1581 : i32 to index
    %swap3A_1583 = arith.constant 80 : index
    %swap3A_1584 = tpu.vector_load %arg8[%swap3A_1582, %swap3A_1583] {strides = array<i32>} : memref<1x128xi32, #tpu.memory_space<vmem>>, vector<1x16xi32>,
    %swap3A_1585 = vector.shape_cast %swap3A_1584 : vector<1x16xi32> to vector<16xi32>
    %swap3A_1586 = vector.shape_cast %select_n3A_1580 : vector<16xi32> to vector<1x16xi32>
    tpu.vector_store %arg8[%swap3A_1582, %swap3A_1583], %swap3A_1586 {strides = array<i32>} : memref<1x128xi32, #tpu.memory_space<vmem>>, vector<1x16xi32>,
    %get3A_1587 = arith.constant 0 : i32
    %get3A_1588 = arith.index_cast %get3A_1587 : i32 to index
    %get3A_1589 = arith.constant 992 : index
    %get3A_1590 = tpu.vector_load %arg7[%get3A_1588, %get3A_1589] {strides = array<i32>} : memref<1x1024xi32, #tpu.memory_space<vmem>>, vector<1x16xi32>,
    %get3A_1591 = vector.shape_cast %get3A_1590 : vector<1x16xi32> to vector<16xi32>
    %sub3A_1592 = vector.broadcast %multiple_of3A : i32 to vector<16xi32>
    %sub3A_1593 = arith.subi %get3A_1591, %sub3A_1592 : vector<16xi32>
    %ge3A_1594 = vector.broadcast %multiple_of3A : i32 to vector<16xi32>
    %ge3A_1595 = arith.cmpi sge, %get3A_1591, %ge3A_1594 : vector<16xi32>
    %lt3A_1596 = vector.broadcast %select_n3A_6 : i32 to vector<16xi32>
    %lt3A_1597 = arith.cmpi slt, %get3A_1591, %lt3A_1596 : vector<16xi32>
    %and3A_1598 = arith.andi %ge3A_1595, %lt3A_1597 : vector<16xi1>
    %jit3A_1599 = arith.constant 25088 : i32
    %broadcast_in_dim3A_1600 = vector.broadcast %jit3A_1599 : i32 to vector<16xi32>
    %select_n3A_1601 = arith.select %and3A_1598, %sub3A_1593, %broadcast_in_dim3A_1600 : vector<16xi1>, vector<16xi32>
    %swap3A_1602 = arith.constant 0 : i32
    %swap3A_1603 = arith.index_cast %swap3A_1602 : i32 to index
    %swap3A_1604 = arith.constant 96 : index
    %swap3A_1605 = tpu.vector_load %arg8[%swap3A_1603, %swap3A_1604] {strides = array<i32>} : memref<1x128xi32, #tpu.memory_space<vmem>>, vector<1x16xi32>,
    %swap3A_1606 = vector.shape_cast %swap3A_1605 : vector<1x16xi32> to vector<16xi32>
    %swap3A_1607 = vector.shape_cast %select_n3A_1601 : vector<16xi32> to vector<1x16xi32>
    tpu.vector_store %arg8[%swap3A_1603, %swap3A_1604], %swap3A_1607 {strides = array<i32>} : memref<1x128xi32, #tpu.memory_space<vmem>>, vector<1x16xi32>,
    %get3A_1608 = arith.constant 0 : i32
    %get3A_1609 = arith.index_cast %get3A_1608 : i32 to index
    %get3A_1610 = arith.constant 1008 : index
    %get3A_1611 = tpu.vector_load %arg7[%get3A_1609, %get3A_1610] {strides = array<i32>} : memref<1x1024xi32, #tpu.memory_space<vmem>>, vector<1x16xi32>,
    %get3A_1612 = vector.shape_cast %get3A_1611 : vector<1x16xi32> to vector<16xi32>
    %sub3A_1613 = vector.broadcast %multiple_of3A : i32 to vector<16xi32>
    %sub3A_1614 = arith.subi %get3A_1612, %sub3A_1613 : vector<16xi32>
    %ge3A_1615 = vector.broadcast %multiple_of3A : i32 to vector<16xi32>
    %ge3A_1616 = arith.cmpi sge, %get3A_1612, %ge3A_1615 : vector<16xi32>
    %lt3A_1617 = vector.broadcast %select_n3A_6 : i32 to vector<16xi32>
    %lt3A_1618 = arith.cmpi slt, %get3A_1612, %lt3A_1617 : vector<16xi32>
    %and3A_1619 = arith.andi %ge3A_1616, %lt3A_1618 : vector<16xi1>
    %jit3A_1620 = arith.constant 25088 : i32
    %broadcast_in_dim3A_1621 = vector.broadcast %jit3A_1620 : i32 to vector<16xi32>
    %select_n3A_1622 = arith.select %and3A_1619, %sub3A_1614, %broadcast_in_dim3A_1621 : vector<16xi1>, vector<16xi32>
    %swap3A_1623 = arith.constant 0 : i32
    %swap3A_1624 = arith.index_cast %swap3A_1623 : i32 to index
    %swap3A_1625 = arith.constant 112 : index
    %swap3A_1626 = tpu.vector_load %arg8[%swap3A_1624, %swap3A_1625] {strides = array<i32>} : memref<1x128xi32, #tpu.memory_space<vmem>>, vector<1x16xi32>,
    %swap3A_1627 = vector.shape_cast %swap3A_1626 : vector<1x16xi32> to vector<16xi32>
    %swap3A_1628 = vector.shape_cast %select_n3A_1622 : vector<16xi32> to vector<1x16xi32>
    tpu.vector_store %arg8[%swap3A_1624, %swap3A_1625], %swap3A_1628 {strides = array<i32>} : memref<1x128xi32, #tpu.memory_space<vmem>>, vector<1x16xi32>,
    %dma_wait3A_1629 = arith.constant 1 : i32
    %dma_wait3A_1630 = arith.constant 1 : i32
    %dma_wait3A_1631 = arith.constant 0 : i32
    %dma_wait3A_1632 = arith.constant 0 : i32
    %dma_wait3A_1633 = tpu.memref_slice %arg9[%dma_wait3A_1629, %dma_wait3A_1631, %dma_wait3A_1632] : memref<2x128x64xi32, #tpu.memory_space<vmem>> -> memref<1x128x64xi32, #tpu.memory_space<vmem>>
    %dma_wait3A_1634 = tpu.memref_squeeze %dma_wait3A_1633 : memref<1x128x64xi32, #tpu.memory_space<vmem>> -> memref<128x64xi32, #tpu.memory_space<vmem>>
    %dma_wait3A_1635 = arith.constant 0 : i32
    %dma_wait3A_1636 = tpu.memref_slice %arg4[%add3A_40, %dma_wait3A_1635] : memref<16384x64xi32, #tpu.memory_space<hbm>> -> memref<128x64xi32, #tpu.memory_space<hbm>>
    %dma_wait3A_1637 = tpu.memref_slice %arg10[%dma_wait3A_1630] : memref<2x!tpu.dma_semaphore, #tpu.memory_space<semaphore_mem>> -> memref<1x!tpu.dma_semaphore, #tpu.memory_space<semaphore_mem>>
    %dma_wait3A_1638 = tpu.memref_squeeze %dma_wait3A_1637 : memref<1x!tpu.dma_semaphore, #tpu.memory_space<semaphore_mem>> -> memref<!tpu.dma_semaphore, #tpu.memory_space<semaphore_mem>>
    %dma_wait3A_1639 = arith.constant 0 : i32
    %dma_wait3A_1640 = arith.constant 0 : i32
    %dma_wait3A_1641 = tpu.memref_slice %arg9[%dma_wait3A_1629, %dma_wait3A_1639, %dma_wait3A_1640] : memref<2x128x64xi32, #tpu.memory_space<vmem>> -> memref<1x128x64xi32, #tpu.memory_space<vmem>>
    %dma_wait3A_1642 = tpu.memref_squeeze %dma_wait3A_1641 : memref<1x128x64xi32, #tpu.memory_space<vmem>> -> memref<128x64xi32, #tpu.memory_space<vmem>>
    %dma_wait3A_1643 = arith.constant 0 : i32
    %dma_wait3A_1644 = tpu.memref_slice %arg4[%add3A_40, %dma_wait3A_1643] : memref<16384x64xi32, #tpu.memory_space<hbm>> -> memref<128x64xi32, #tpu.memory_space<hbm>>
    tpu.wait_dma2 semaphore(%dma_wait3A_1638 : memref<!tpu.dma_semaphore, #tpu.memory_space<semaphore_mem>>) src(%dma_wait3A_1644 : memref<128x64xi32, #tpu.memory_space<hbm>>) dst(%dma_wait3A_1642 : memref<128x64xi32, #tpu.memory_space<vmem>>)
    %run_scoped3A_1645 = arith.constant 1 : i32
    %run_scoped3A_1646 = arith.constant 0 : i32
    "tpu.region"() ({
      %run_scoped3A_3310 = tpu.sem_alloc : memref<!tpu.dma_semaphore, #tpu.memory_space<semaphore_mem>>
      %dma_start3A_3311 = arith.constant 0 : i32
      %dma_start3A_3312 = arith.constant 0 : i32
      %dma_start3A_3313 = tpu.memref_slice %arg9[%run_scoped3A_1645, %dma_start3A_3311, %dma_start3A_3312] : memref<2x128x64xi32, #tpu.memory_space<vmem>> -> memref<1x128x64xi32, #tpu.memory_space<vmem>>
      %dma_start3A_3314 = tpu.memref_squeeze %dma_start3A_3313 : memref<1x128x64xi32, #tpu.memory_space<vmem>> -> memref<128x64xi32, #tpu.memory_space<vmem>>
      %dma_start3A_3315 = arith.constant 0 : i32
      %dma_start3A_3316 = tpu.memref_slice %arg8[%run_scoped3A_1646, %dma_start3A_3315] : memref<1x128xi32, #tpu.memory_space<vmem>> -> memref<1x128xi32, #tpu.memory_space<vmem>>
      %dma_start3A_3317 = tpu.memref_squeeze %dma_start3A_3316 : memref<1x128xi32, #tpu.memory_space<vmem>> -> memref<128xi32, #tpu.memory_space<vmem>>
      %dma_start3A_3318 = arith.constant 0 : i32
      %dma_start3A_3319 = arith.constant 0 : i32
      %dma_start3A_3320 = tpu.memref_slice %arg6[%dma_start3A_3318, %dma_start3A_3319] : memref<25096x64xi32, #tpu.memory_space<vmem_shared>> -> memref<25096x64xi32, #tpu.memory_space<vmem_shared>>
      tpu.enqueue_indirect_dma source(%dma_start3A_3314 : memref<128x64xi32, #tpu.memory_space<vmem>>) target(%dma_start3A_3320 : memref<25096x64xi32, #tpu.memory_space<vmem_shared>>) offsets(%dma_start3A_3317 : memref<128xi32, #tpu.memory_space<vmem>>) semaphore(%run_scoped3A_3310 : memref<!tpu.dma_semaphore, #tpu.memory_space<semaphore_mem>>) {add = true}
      %dma_wait3A_3321 = arith.constant 0 : i32
      %dma_wait3A_3322 = arith.constant 0 : i32
      %dma_wait3A_3323 = tpu.memref_slice %arg9[%run_scoped3A_1645, %dma_wait3A_3321, %dma_wait3A_3322] : memref<2x128x64xi32, #tpu.memory_space<vmem>> -> memref<1x128x64xi32, #tpu.memory_space<vmem>>
      %dma_wait3A_3324 = tpu.memref_squeeze %dma_wait3A_3323 : memref<1x128x64xi32, #tpu.memory_space<vmem>> -> memref<128x64xi32, #tpu.memory_space<vmem>>
      %dma_wait3A_3325 = arith.constant 0 : i32
      %dma_wait3A_3326 = tpu.memref_slice %arg8[%run_scoped3A_1646, %dma_wait3A_3325] : memref<1x128xi32, #tpu.memory_space<vmem>> -> memref<1x128xi32, #tpu.memory_space<vmem>>
      %dma_wait3A_3327 = tpu.memref_squeeze %dma_wait3A_3326 : memref<1x128xi32, #tpu.memory_space<vmem>> -> memref<128xi32, #tpu.memory_space<vmem>>
      %dma_wait3A_3328 = arith.constant 0 : i32
      %dma_wait3A_3329 = arith.constant 0 : i32
      %dma_wait3A_3330 = tpu.memref_slice %arg6[%dma_wait3A_3328, %dma_wait3A_3329] : memref<25096x64xi32, #tpu.memory_space<vmem_shared>> -> memref<25096x64xi32, #tpu.memory_space<vmem_shared>>
      tpu.wait_indirect_dma semaphore(%run_scoped3A_3310 : memref<!tpu.dma_semaphore, #tpu.memory_space<semaphore_mem>>) src(%dma_wait3A_3324 : memref<128x64xi32, #tpu.memory_space<vmem>>) dst(%dma_wait3A_3330 : memref<25096x64xi32, #tpu.memory_space<vmem_shared>>)
      tpu.yield
    }) : () -> ()
    %barrier3A_1647 = arith.constant 0 : index
    tpu.barrier barrier_id(%barrier3A_1647)
    %add3A_1648 = arith.addi %multiple_of3A, %mul3A_8 : i32
    "tpu.region"() ({
      %run_scoped3A_3310 = tpu.sem_alloc : memref<!tpu.dma_semaphore, #tpu.memory_space<semaphore_mem>>
      %dma_start3A_3311 = arith.constant 0 : i32
      %dma_start3A_3312 = tpu.memref_slice %arg5[%add3A_1648, %dma_start3A_3311] : memref<100000x64xi32, #tpu.memory_space<hbm>> -> memref<1568x64xi32, #tpu.memory_space<hbm>>
      %dma_start3A_3313 = arith.constant 0 : i32
      %dma_start3A_3314 = tpu.memref_slice %arg6[%mul3A_8, %dma_start3A_3313] : memref<25096x64xi32, #tpu.memory_space<vmem_shared>> -> memref<1568x64xi32, #tpu.memory_space<vmem_shared>>
      tpu.enqueue_dma source(%dma_start3A_3314 : memref<1568x64xi32, #tpu.memory_space<vmem_shared>>) target(%dma_start3A_3312 : memref<1568x64xi32, #tpu.memory_space<hbm>>) target_semaphore(%run_scoped3A_3310 : memref<!tpu.dma_semaphore, #tpu.memory_space<semaphore_mem>>)
      %dma_wait3A_3315 = arith.constant 0 : i32
      %dma_wait3A_3316 = tpu.memref_slice %arg5[%add3A_1648, %dma_wait3A_3315] : memref<100000x64xi32, #tpu.memory_space<hbm>> -> memref<1568x64xi32, #tpu.memory_space<hbm>>
      %dma_wait3A_3317 = arith.constant 0 : i32
      %dma_wait3A_3318 = tpu.memref_slice %arg6[%mul3A_8, %dma_wait3A_3317] : memref<25096x64xi32, #tpu.memory_space<vmem_shared>> -> memref<1568x64xi32, #tpu.memory_space<vmem_shared>>
      tpu.wait_dma2 semaphore(%run_scoped3A_3310 : memref<!tpu.dma_semaphore, #tpu.memory_space<semaphore_mem>>) src(%dma_wait3A_3318 : memref<1568x64xi32, #tpu.memory_space<vmem_shared>>) dst(%dma_wait3A_3316 : memref<1568x64xi32, #tpu.memory_space<hbm>>)
      tpu.yield
    }) : () -> ()
    %select_n3A_1649 = arith.constant 74912 : i32
    %select_n3A_1650 = arith.constant 25088 : i32
    %select_n3A_1651 = arith.select %eq3A_0, %select_n3A_1650, %select_n3A_1649 : i32
    %select_n3A_1652 = arith.constant 100000 : i32
    %select_n3A_1653 = arith.constant 50176 : i32
    %select_n3A_1654 = arith.select %eq3A_0, %select_n3A_1653, %select_n3A_1652 : i32
    %multiple_of3A_1655 = tpu.assume_multiple %select_n3A_1651, 8 : i32
    %mul3A_1656 = arith.constant 1568 : i32
    %mul3A_1657 = arith.muli %arg1, %mul3A_1656 : i32
    %add3A_1658 = arith.addi %multiple_of3A_1655, %mul3A_1657 : i32
    "tpu.region"() ({
      %run_scoped3A_3310 = tpu.sem_alloc : memref<!tpu.dma_semaphore, #tpu.memory_space<semaphore_mem>>
      %dma_start3A_3311 = arith.constant 0 : i32
      %dma_start3A_3312 = tpu.memref_slice %arg6[%mul3A_1657, %dma_start3A_3311] : memref<25096x64xi32, #tpu.memory_space<vmem_shared>> -> memref<1568x64xi32, #tpu.memory_space<vmem_shared>>
      %dma_start3A_3313 = arith.constant 0 : i32
      %dma_start3A_3314 = tpu.memref_slice %arg2[%add3A_1658, %dma_start3A_3313] : memref<100000x64xi32, #tpu.memory_space<hbm>> -> memref<1568x64xi32, #tpu.memory_space<hbm>>
      tpu.enqueue_dma source(%dma_start3A_3314 : memref<1568x64xi32, #tpu.memory_space<hbm>>) target(%dma_start3A_3312 : memref<1568x64xi32, #tpu.memory_space<vmem_shared>>) target_semaphore(%run_scoped3A_3310 : memref<!tpu.dma_semaphore, #tpu.memory_space<semaphore_mem>>)
      %dma_wait3A_3315 = arith.constant 0 : i32
      %dma_wait3A_3316 = tpu.memref_slice %arg6[%mul3A_1657, %dma_wait3A_3315] : memref<25096x64xi32, #tpu.memory_space<vmem_shared>> -> memref<1568x64xi32, #tpu.memory_space<vmem_shared>>
      %dma_wait3A_3317 = arith.constant 0 : i32
      %dma_wait3A_3318 = tpu.memref_slice %arg2[%add3A_1658, %dma_wait3A_3317] : memref<100000x64xi32, #tpu.memory_space<hbm>> -> memref<1568x64xi32, #tpu.memory_space<hbm>>
      tpu.wait_dma2 semaphore(%run_scoped3A_3310 : memref<!tpu.dma_semaphore, #tpu.memory_space<semaphore_mem>>) src(%dma_wait3A_3318 : memref<1568x64xi32, #tpu.memory_space<hbm>>) dst(%dma_wait3A_3316 : memref<1568x64xi32, #tpu.memory_space<vmem_shared>>)
      tpu.yield
    }) : () -> ()
    %barrier3A_1659 = arith.constant 0 : index
    tpu.barrier barrier_id(%barrier3A_1659)
    %mul3A_1660 = arith.constant 1024 : i32
    %mul3A_1661 = arith.muli %arg1, %mul3A_1660 : i32
    %add3A_1662 = arith.constant 0 : i32
    %add3A_1663 = arith.addi %mul3A_1661, %add3A_1662 : i32
    %mul3A_1664 = arith.constant 1024 : i32
    %mul3A_1665 = arith.muli %arg1, %mul3A_1664 : i32
    %add3A_1666 = arith.constant 128 : i32
    %add3A_1667 = arith.addi %mul3A_1665, %add3A_1666 : i32
    %mul3A_1668 = arith.constant 1024 : i32
    %mul3A_1669 = arith.muli %arg1, %mul3A_1668 : i32
    %add3A_1670 = arith.constant 256 : i32
    %add3A_1671 = arith.addi %mul3A_1669, %add3A_1670 : i32
    %mul3A_1672 = arith.constant 1024 : i32
    %mul3A_1673 = arith.muli %arg1, %mul3A_1672 : i32
    %add3A_1674 = arith.constant 384 : i32
    %add3A_1675 = arith.addi %mul3A_1673, %add3A_1674 : i32
    %mul3A_1676 = arith.constant 1024 : i32
    %mul3A_1677 = arith.muli %arg1, %mul3A_1676 : i32
    %add3A_1678 = arith.constant 512 : i32
    %add3A_1679 = arith.addi %mul3A_1677, %add3A_1678 : i32
    %mul3A_1680 = arith.constant 1024 : i32
    %mul3A_1681 = arith.muli %arg1, %mul3A_1680 : i32
    %add3A_1682 = arith.constant 640 : i32
    %add3A_1683 = arith.addi %mul3A_1681, %add3A_1682 : i32
    %mul3A_1684 = arith.constant 1024 : i32
    %mul3A_1685 = arith.muli %arg1, %mul3A_1684 : i32
    %add3A_1686 = arith.constant 768 : i32
    %add3A_1687 = arith.addi %mul3A_1685, %add3A_1686 : i32
    %mul3A_1688 = arith.constant 1024 : i32
    %mul3A_1689 = arith.muli %arg1, %mul3A_1688 : i32
    %add3A_1690 = arith.constant 896 : i32
    %add3A_1691 = arith.addi %mul3A_1689, %add3A_1690 : i32
    %dma_start3A_1692 = arith.constant 0 : i32
    %dma_start3A_1693 = arith.constant 0 : i32
    %dma_start3A_1694 = arith.constant 0 : i32
    %dma_start3A_1695 = arith.constant 0 : i32
    %dma_start3A_1696 = tpu.memref_slice %arg9[%dma_start3A_1692, %dma_start3A_1694, %dma_start3A_1695] : memref<2x128x64xi32, #tpu.memory_space<vmem>> -> memref<1x128x64xi32, #tpu.memory_space<vmem>>
    %dma_start3A_1697 = tpu.memref_squeeze %dma_start3A_1696 : memref<1x128x64xi32, #tpu.memory_space<vmem>> -> memref<128x64xi32, #tpu.memory_space<vmem>>
    %dma_start3A_1698 = arith.constant 0 : i32
    %dma_start3A_1699 = tpu.memref_slice %arg4[%add3A_1663, %dma_start3A_1698] : memref<16384x64xi32, #tpu.memory_space<hbm>> -> memref<128x64xi32, #tpu.memory_space<hbm>>
    %dma_start3A_1700 = tpu.memref_slice %arg10[%dma_start3A_1693] : memref<2x!tpu.dma_semaphore, #tpu.memory_space<semaphore_mem>> -> memref<1x!tpu.dma_semaphore, #tpu.memory_space<semaphore_mem>>
    %dma_start3A_1701 = tpu.memref_squeeze %dma_start3A_1700 : memref<1x!tpu.dma_semaphore, #tpu.memory_space<semaphore_mem>> -> memref<!tpu.dma_semaphore, #tpu.memory_space<semaphore_mem>>
    %dma_start3A_1702 = arith.constant 0 : i32
    %dma_start3A_1703 = arith.constant 0 : i32
    %dma_start3A_1704 = tpu.memref_slice %arg9[%dma_start3A_1692, %dma_start3A_1702, %dma_start3A_1703] : memref<2x128x64xi32, #tpu.memory_space<vmem>> -> memref<1x128x64xi32, #tpu.memory_space<vmem>>
    %dma_start3A_1705 = tpu.memref_squeeze %dma_start3A_1704 : memref<1x128x64xi32, #tpu.memory_space<vmem>> -> memref<128x64xi32, #tpu.memory_space<vmem>>
    %dma_start3A_1706 = arith.constant 0 : i32
    %dma_start3A_1707 = tpu.memref_slice %arg4[%add3A_1663, %dma_start3A_1706] : memref<16384x64xi32, #tpu.memory_space<hbm>> -> memref<128x64xi32, #tpu.memory_space<hbm>>
    tpu.enqueue_dma source(%dma_start3A_1707 : memref<128x64xi32, #tpu.memory_space<hbm>>) target(%dma_start3A_1705 : memref<128x64xi32, #tpu.memory_space<vmem>>) target_semaphore(%dma_start3A_1701 : memref<!tpu.dma_semaphore, #tpu.memory_space<semaphore_mem>>)
    %dma_start3A_1708 = arith.constant 1 : i32
    %dma_start3A_1709 = arith.constant 1 : i32
    %dma_start3A_1710 = arith.constant 0 : i32
    %dma_start3A_1711 = arith.constant 0 : i32
    %dma_start3A_1712 = tpu.memref_slice %arg9[%dma_start3A_1708, %dma_start3A_1710, %dma_start3A_1711] : memref<2x128x64xi32, #tpu.memory_space<vmem>> -> memref<1x128x64xi32, #tpu.memory_space<vmem>>
    %dma_start3A_1713 = tpu.memref_squeeze %dma_start3A_1712 : memref<1x128x64xi32, #tpu.memory_space<vmem>> -> memref<128x64xi32, #tpu.memory_space<vmem>>
    %dma_start3A_1714 = arith.constant 0 : i32
    %dma_start3A_1715 = tpu.memref_slice %arg4[%add3A_1667, %dma_start3A_1714] : memref<16384x64xi32, #tpu.memory_space<hbm>> -> memref<128x64xi32, #tpu.memory_space<hbm>>
    %dma_start3A_1716 = tpu.memref_slice %arg10[%dma_start3A_1709] : memref<2x!tpu.dma_semaphore, #tpu.memory_space<semaphore_mem>> -> memref<1x!tpu.dma_semaphore, #tpu.memory_space<semaphore_mem>>
    %dma_start3A_1717 = tpu.memref_squeeze %dma_start3A_1716 : memref<1x!tpu.dma_semaphore, #tpu.memory_space<semaphore_mem>> -> memref<!tpu.dma_semaphore, #tpu.memory_space<semaphore_mem>>
    %dma_start3A_1718 = arith.constant 0 : i32
    %dma_start3A_1719 = arith.constant 0 : i32
    %dma_start3A_1720 = tpu.memref_slice %arg9[%dma_start3A_1708, %dma_start3A_1718, %dma_start3A_1719] : memref<2x128x64xi32, #tpu.memory_space<vmem>> -> memref<1x128x64xi32, #tpu.memory_space<vmem>>
    %dma_start3A_1721 = tpu.memref_squeeze %dma_start3A_1720 : memref<1x128x64xi32, #tpu.memory_space<vmem>> -> memref<128x64xi32, #tpu.memory_space<vmem>>
    %dma_start3A_1722 = arith.constant 0 : i32
    %dma_start3A_1723 = tpu.memref_slice %arg4[%add3A_1667, %dma_start3A_1722] : memref<16384x64xi32, #tpu.memory_space<hbm>> -> memref<128x64xi32, #tpu.memory_space<hbm>>
    tpu.enqueue_dma source(%dma_start3A_1723 : memref<128x64xi32, #tpu.memory_space<hbm>>) target(%dma_start3A_1721 : memref<128x64xi32, #tpu.memory_space<vmem>>) target_semaphore(%dma_start3A_1717 : memref<!tpu.dma_semaphore, #tpu.memory_space<semaphore_mem>>)
    %get3A_1724 = arith.constant 0 : i32
    %get3A_1725 = arith.index_cast %get3A_1724 : i32 to index
    %get3A_1726 = arith.constant 0 : index
    %get3A_1727 = tpu.vector_load %arg7[%get3A_1725, %get3A_1726] {strides = array<i32>} : memref<1x1024xi32, #tpu.memory_space<vmem>>, vector<1x16xi32>,
    %get3A_1728 = vector.shape_cast %get3A_1727 : vector<1x16xi32> to vector<16xi32>
    %sub3A_1729 = vector.broadcast %multiple_of3A_1655 : i32 to vector<16xi32>
    %sub3A_1730 = arith.subi %get3A_1728, %sub3A_1729 : vector<16xi32>
    %ge3A_1731 = vector.broadcast %multiple_of3A_1655 : i32 to vector<16xi32>
    %ge3A_1732 = arith.cmpi sge, %get3A_1728, %ge3A_1731 : vector<16xi32>
    %lt3A_1733 = vector.broadcast %select_n3A_1654 : i32 to vector<16xi32>
    %lt3A_1734 = arith.cmpi slt, %get3A_1728, %lt3A_1733 : vector<16xi32>
    %and3A_1735 = arith.andi %ge3A_1732, %lt3A_1734 : vector<16xi1>
    %jit3A_1736 = arith.constant 25088 : i32
    %broadcast_in_dim3A_1737 = vector.broadcast %jit3A_1736 : i32 to vector<16xi32>
    %select_n3A_1738 = arith.select %and3A_1735, %sub3A_1730, %broadcast_in_dim3A_1737 : vector<16xi1>, vector<16xi32>
    %swap3A_1739 = arith.constant 0 : i32
    %swap3A_1740 = arith.index_cast %swap3A_1739 : i32 to index
    %swap3A_1741 = arith.constant 0 : index
    %swap3A_1742 = tpu.vector_load %arg8[%swap3A_1740, %swap3A_1741] {strides = array<i32>} : memref<1x128xi32, #tpu.memory_space<vmem>>, vector<1x16xi32>,
    %swap3A_1743 = vector.shape_cast %swap3A_1742 : vector<1x16xi32> to vector<16xi32>
    %swap3A_1744 = vector.shape_cast %select_n3A_1738 : vector<16xi32> to vector<1x16xi32>
    tpu.vector_store %arg8[%swap3A_1740, %swap3A_1741], %swap3A_1744 {strides = array<i32>} : memref<1x128xi32, #tpu.memory_space<vmem>>, vector<1x16xi32>,
    %get3A_1745 = arith.constant 0 : i32
    %get3A_1746 = arith.index_cast %get3A_1745 : i32 to index
    %get3A_1747 = arith.constant 16 : index
    %get3A_1748 = tpu.vector_load %arg7[%get3A_1746, %get3A_1747] {strides = array<i32>} : memref<1x1024xi32, #tpu.memory_space<vmem>>, vector<1x16xi32>,
    %get3A_1749 = vector.shape_cast %get3A_1748 : vector<1x16xi32> to vector<16xi32>
    %sub3A_1750 = vector.broadcast %multiple_of3A_1655 : i32 to vector<16xi32>
    %sub3A_1751 = arith.subi %get3A_1749, %sub3A_1750 : vector<16xi32>
    %ge3A_1752 = vector.broadcast %multiple_of3A_1655 : i32 to vector<16xi32>
    %ge3A_1753 = arith.cmpi sge, %get3A_1749, %ge3A_1752 : vector<16xi32>
    %lt3A_1754 = vector.broadcast %select_n3A_1654 : i32 to vector<16xi32>
    %lt3A_1755 = arith.cmpi slt, %get3A_1749, %lt3A_1754 : vector<16xi32>
    %and3A_1756 = arith.andi %ge3A_1753, %lt3A_1755 : vector<16xi1>
    %jit3A_1757 = arith.constant 25088 : i32
    %broadcast_in_dim3A_1758 = vector.broadcast %jit3A_1757 : i32 to vector<16xi32>
    %select_n3A_1759 = arith.select %and3A_1756, %sub3A_1751, %broadcast_in_dim3A_1758 : vector<16xi1>, vector<16xi32>
    %swap3A_1760 = arith.constant 0 : i32
    %swap3A_1761 = arith.index_cast %swap3A_1760 : i32 to index
    %swap3A_1762 = arith.constant 16 : index
    %swap3A_1763 = tpu.vector_load %arg8[%swap3A_1761, %swap3A_1762] {strides = array<i32>} : memref<1x128xi32, #tpu.memory_space<vmem>>, vector<1x16xi32>,
    %swap3A_1764 = vector.shape_cast %swap3A_1763 : vector<1x16xi32> to vector<16xi32>
    %swap3A_1765 = vector.shape_cast %select_n3A_1759 : vector<16xi32> to vector<1x16xi32>
    tpu.vector_store %arg8[%swap3A_1761, %swap3A_1762], %swap3A_1765 {strides = array<i32>} : memref<1x128xi32, #tpu.memory_space<vmem>>, vector<1x16xi32>,
    %get3A_1766 = arith.constant 0 : i32
    %get3A_1767 = arith.index_cast %get3A_1766 : i32 to index
    %get3A_1768 = arith.constant 32 : index
    %get3A_1769 = tpu.vector_load %arg7[%get3A_1767, %get3A_1768] {strides = array<i32>} : memref<1x1024xi32, #tpu.memory_space<vmem>>, vector<1x16xi32>,
    %get3A_1770 = vector.shape_cast %get3A_1769 : vector<1x16xi32> to vector<16xi32>
    %sub3A_1771 = vector.broadcast %multiple_of3A_1655 : i32 to vector<16xi32>
    %sub3A_1772 = arith.subi %get3A_1770, %sub3A_1771 : vector<16xi32>
    %ge3A_1773 = vector.broadcast %multiple_of3A_1655 : i32 to vector<16xi32>
    %ge3A_1774 = arith.cmpi sge, %get3A_1770, %ge3A_1773 : vector<16xi32>
    %lt3A_1775 = vector.broadcast %select_n3A_1654 : i32 to vector<16xi32>
    %lt3A_1776 = arith.cmpi slt, %get3A_1770, %lt3A_1775 : vector<16xi32>
    %and3A_1777 = arith.andi %ge3A_1774, %lt3A_1776 : vector<16xi1>
    %jit3A_1778 = arith.constant 25088 : i32
    %broadcast_in_dim3A_1779 = vector.broadcast %jit3A_1778 : i32 to vector<16xi32>
    %select_n3A_1780 = arith.select %and3A_1777, %sub3A_1772, %broadcast_in_dim3A_1779 : vector<16xi1>, vector<16xi32>
    %swap3A_1781 = arith.constant 0 : i32
    %swap3A_1782 = arith.index_cast %swap3A_1781 : i32 to index
    %swap3A_1783 = arith.constant 32 : index
    %swap3A_1784 = tpu.vector_load %arg8[%swap3A_1782, %swap3A_1783] {strides = array<i32>} : memref<1x128xi32, #tpu.memory_space<vmem>>, vector<1x16xi32>,
    %swap3A_1785 = vector.shape_cast %swap3A_1784 : vector<1x16xi32> to vector<16xi32>
    %swap3A_1786 = vector.shape_cast %select_n3A_1780 : vector<16xi32> to vector<1x16xi32>
    tpu.vector_store %arg8[%swap3A_1782, %swap3A_1783], %swap3A_1786 {strides = array<i32>} : memref<1x128xi32, #tpu.memory_space<vmem>>, vector<1x16xi32>,
    %get3A_1787 = arith.constant 0 : i32
    %get3A_1788 = arith.index_cast %get3A_1787 : i32 to index
    %get3A_1789 = arith.constant 48 : index
    %get3A_1790 = tpu.vector_load %arg7[%get3A_1788, %get3A_1789] {strides = array<i32>} : memref<1x1024xi32, #tpu.memory_space<vmem>>, vector<1x16xi32>,
    %get3A_1791 = vector.shape_cast %get3A_1790 : vector<1x16xi32> to vector<16xi32>
    %sub3A_1792 = vector.broadcast %multiple_of3A_1655 : i32 to vector<16xi32>
    %sub3A_1793 = arith.subi %get3A_1791, %sub3A_1792 : vector<16xi32>
    %ge3A_1794 = vector.broadcast %multiple_of3A_1655 : i32 to vector<16xi32>
    %ge3A_1795 = arith.cmpi sge, %get3A_1791, %ge3A_1794 : vector<16xi32>
    %lt3A_1796 = vector.broadcast %select_n3A_1654 : i32 to vector<16xi32>
    %lt3A_1797 = arith.cmpi slt, %get3A_1791, %lt3A_1796 : vector<16xi32>
    %and3A_1798 = arith.andi %ge3A_1795, %lt3A_1797 : vector<16xi1>
    %jit3A_1799 = arith.constant 25088 : i32
    %broadcast_in_dim3A_1800 = vector.broadcast %jit3A_1799 : i32 to vector<16xi32>
    %select_n3A_1801 = arith.select %and3A_1798, %sub3A_1793, %broadcast_in_dim3A_1800 : vector<16xi1>, vector<16xi32>
    %swap3A_1802 = arith.constant 0 : i32
    %swap3A_1803 = arith.index_cast %swap3A_1802 : i32 to index
    %swap3A_1804 = arith.constant 48 : index
    %swap3A_1805 = tpu.vector_load %arg8[%swap3A_1803, %swap3A_1804] {strides = array<i32>} : memref<1x128xi32, #tpu.memory_space<vmem>>, vector<1x16xi32>,
    %swap3A_1806 = vector.shape_cast %swap3A_1805 : vector<1x16xi32> to vector<16xi32>
    %swap3A_1807 = vector.shape_cast %select_n3A_1801 : vector<16xi32> to vector<1x16xi32>
    tpu.vector_store %arg8[%swap3A_1803, %swap3A_1804], %swap3A_1807 {strides = array<i32>} : memref<1x128xi32, #tpu.memory_space<vmem>>, vector<1x16xi32>,
    %get3A_1808 = arith.constant 0 : i32
    %get3A_1809 = arith.index_cast %get3A_1808 : i32 to index
    %get3A_1810 = arith.constant 64 : index
    %get3A_1811 = tpu.vector_load %arg7[%get3A_1809, %get3A_1810] {strides = array<i32>} : memref<1x1024xi32, #tpu.memory_space<vmem>>, vector<1x16xi32>,
    %get3A_1812 = vector.shape_cast %get3A_1811 : vector<1x16xi32> to vector<16xi32>
    %sub3A_1813 = vector.broadcast %multiple_of3A_1655 : i32 to vector<16xi32>
    %sub3A_1814 = arith.subi %get3A_1812, %sub3A_1813 : vector<16xi32>
    %ge3A_1815 = vector.broadcast %multiple_of3A_1655 : i32 to vector<16xi32>
    %ge3A_1816 = arith.cmpi sge, %get3A_1812, %ge3A_1815 : vector<16xi32>
    %lt3A_1817 = vector.broadcast %select_n3A_1654 : i32 to vector<16xi32>
    %lt3A_1818 = arith.cmpi slt, %get3A_1812, %lt3A_1817 : vector<16xi32>
    %and3A_1819 = arith.andi %ge3A_1816, %lt3A_1818 : vector<16xi1>
    %jit3A_1820 = arith.constant 25088 : i32
    %broadcast_in_dim3A_1821 = vector.broadcast %jit3A_1820 : i32 to vector<16xi32>
    %select_n3A_1822 = arith.select %and3A_1819, %sub3A_1814, %broadcast_in_dim3A_1821 : vector<16xi1>, vector<16xi32>
    %swap3A_1823 = arith.constant 0 : i32
    %swap3A_1824 = arith.index_cast %swap3A_1823 : i32 to index
    %swap3A_1825 = arith.constant 64 : index
    %swap3A_1826 = tpu.vector_load %arg8[%swap3A_1824, %swap3A_1825] {strides = array<i32>} : memref<1x128xi32, #tpu.memory_space<vmem>>, vector<1x16xi32>,
    %swap3A_1827 = vector.shape_cast %swap3A_1826 : vector<1x16xi32> to vector<16xi32>
    %swap3A_1828 = vector.shape_cast %select_n3A_1822 : vector<16xi32> to vector<1x16xi32>
    tpu.vector_store %arg8[%swap3A_1824, %swap3A_1825], %swap3A_1828 {strides = array<i32>} : memref<1x128xi32, #tpu.memory_space<vmem>>, vector<1x16xi32>,
    %get3A_1829 = arith.constant 0 : i32
    %get3A_1830 = arith.index_cast %get3A_1829 : i32 to index
    %get3A_1831 = arith.constant 80 : index
    %get3A_1832 = tpu.vector_load %arg7[%get3A_1830, %get3A_1831] {strides = array<i32>} : memref<1x1024xi32, #tpu.memory_space<vmem>>, vector<1x16xi32>,
    %get3A_1833 = vector.shape_cast %get3A_1832 : vector<1x16xi32> to vector<16xi32>
    %sub3A_1834 = vector.broadcast %multiple_of3A_1655 : i32 to vector<16xi32>
    %sub3A_1835 = arith.subi %get3A_1833, %sub3A_1834 : vector<16xi32>
    %ge3A_1836 = vector.broadcast %multiple_of3A_1655 : i32 to vector<16xi32>
    %ge3A_1837 = arith.cmpi sge, %get3A_1833, %ge3A_1836 : vector<16xi32>
    %lt3A_1838 = vector.broadcast %select_n3A_1654 : i32 to vector<16xi32>
    %lt3A_1839 = arith.cmpi slt, %get3A_1833, %lt3A_1838 : vector<16xi32>
    %and3A_1840 = arith.andi %ge3A_1837, %lt3A_1839 : vector<16xi1>
    %jit3A_1841 = arith.constant 25088 : i32
    %broadcast_in_dim3A_1842 = vector.broadcast %jit3A_1841 : i32 to vector<16xi32>
    %select_n3A_1843 = arith.select %and3A_1840, %sub3A_1835, %broadcast_in_dim3A_1842 : vector<16xi1>, vector<16xi32>
    %swap3A_1844 = arith.constant 0 : i32
    %swap3A_1845 = arith.index_cast %swap3A_1844 : i32 to index
    %swap3A_1846 = arith.constant 80 : index
    %swap3A_1847 = tpu.vector_load %arg8[%swap3A_1845, %swap3A_1846] {strides = array<i32>} : memref<1x128xi32, #tpu.memory_space<vmem>>, vector<1x16xi32>,
    %swap3A_1848 = vector.shape_cast %swap3A_1847 : vector<1x16xi32> to vector<16xi32>
    %swap3A_1849 = vector.shape_cast %select_n3A_1843 : vector<16xi32> to vector<1x16xi32>
    tpu.vector_store %arg8[%swap3A_1845, %swap3A_1846], %swap3A_1849 {strides = array<i32>} : memref<1x128xi32, #tpu.memory_space<vmem>>, vector<1x16xi32>,
    %get3A_1850 = arith.constant 0 : i32
    %get3A_1851 = arith.index_cast %get3A_1850 : i32 to index
    %get3A_1852 = arith.constant 96 : index
    %get3A_1853 = tpu.vector_load %arg7[%get3A_1851, %get3A_1852] {strides = array<i32>} : memref<1x1024xi32, #tpu.memory_space<vmem>>, vector<1x16xi32>,
    %get3A_1854 = vector.shape_cast %get3A_1853 : vector<1x16xi32> to vector<16xi32>
    %sub3A_1855 = vector.broadcast %multiple_of3A_1655 : i32 to vector<16xi32>
    %sub3A_1856 = arith.subi %get3A_1854, %sub3A_1855 : vector<16xi32>
    %ge3A_1857 = vector.broadcast %multiple_of3A_1655 : i32 to vector<16xi32>
    %ge3A_1858 = arith.cmpi sge, %get3A_1854, %ge3A_1857 : vector<16xi32>
    %lt3A_1859 = vector.broadcast %select_n3A_1654 : i32 to vector<16xi32>
    %lt3A_1860 = arith.cmpi slt, %get3A_1854, %lt3A_1859 : vector<16xi32>
    %and3A_1861 = arith.andi %ge3A_1858, %lt3A_1860 : vector<16xi1>
    %jit3A_1862 = arith.constant 25088 : i32
    %broadcast_in_dim3A_1863 = vector.broadcast %jit3A_1862 : i32 to vector<16xi32>
    %select_n3A_1864 = arith.select %and3A_1861, %sub3A_1856, %broadcast_in_dim3A_1863 : vector<16xi1>, vector<16xi32>
    %swap3A_1865 = arith.constant 0 : i32
    %swap3A_1866 = arith.index_cast %swap3A_1865 : i32 to index
    %swap3A_1867 = arith.constant 96 : index
    %swap3A_1868 = tpu.vector_load %arg8[%swap3A_1866, %swap3A_1867] {strides = array<i32>} : memref<1x128xi32, #tpu.memory_space<vmem>>, vector<1x16xi32>,
    %swap3A_1869 = vector.shape_cast %swap3A_1868 : vector<1x16xi32> to vector<16xi32>
    %swap3A_1870 = vector.shape_cast %select_n3A_1864 : vector<16xi32> to vector<1x16xi32>
    tpu.vector_store %arg8[%swap3A_1866, %swap3A_1867], %swap3A_1870 {strides = array<i32>} : memref<1x128xi32, #tpu.memory_space<vmem>>, vector<1x16xi32>,
    %get3A_1871 = arith.constant 0 : i32
    %get3A_1872 = arith.index_cast %get3A_1871 : i32 to index
    %get3A_1873 = arith.constant 112 : index
    %get3A_1874 = tpu.vector_load %arg7[%get3A_1872, %get3A_1873] {strides = array<i32>} : memref<1x1024xi32, #tpu.memory_space<vmem>>, vector<1x16xi32>,
    %get3A_1875 = vector.shape_cast %get3A_1874 : vector<1x16xi32> to vector<16xi32>
    %sub3A_1876 = vector.broadcast %multiple_of3A_1655 : i32 to vector<16xi32>
    %sub3A_1877 = arith.subi %get3A_1875, %sub3A_1876 : vector<16xi32>
    %ge3A_1878 = vector.broadcast %multiple_of3A_1655 : i32 to vector<16xi32>
    %ge3A_1879 = arith.cmpi sge, %get3A_1875, %ge3A_1878 : vector<16xi32>
    %lt3A_1880 = vector.broadcast %select_n3A_1654 : i32 to vector<16xi32>
    %lt3A_1881 = arith.cmpi slt, %get3A_1875, %lt3A_1880 : vector<16xi32>
    %and3A_1882 = arith.andi %ge3A_1879, %lt3A_1881 : vector<16xi1>
    %jit3A_1883 = arith.constant 25088 : i32
    %broadcast_in_dim3A_1884 = vector.broadcast %jit3A_1883 : i32 to vector<16xi32>
    %select_n3A_1885 = arith.select %and3A_1882, %sub3A_1877, %broadcast_in_dim3A_1884 : vector<16xi1>, vector<16xi32>
    %swap3A_1886 = arith.constant 0 : i32
    %swap3A_1887 = arith.index_cast %swap3A_1886 : i32 to index
    %swap3A_1888 = arith.constant 112 : index
    %swap3A_1889 = tpu.vector_load %arg8[%swap3A_1887, %swap3A_1888] {strides = array<i32>} : memref<1x128xi32, #tpu.memory_space<vmem>>, vector<1x16xi32>,
    %swap3A_1890 = vector.shape_cast %swap3A_1889 : vector<1x16xi32> to vector<16xi32>
    %swap3A_1891 = vector.shape_cast %select_n3A_1885 : vector<16xi32> to vector<1x16xi32>
    tpu.vector_store %arg8[%swap3A_1887, %swap3A_1888], %swap3A_1891 {strides = array<i32>} : memref<1x128xi32, #tpu.memory_space<vmem>>, vector<1x16xi32>,
    %dma_wait3A_1892 = arith.constant 0 : i32
    %dma_wait3A_1893 = arith.constant 0 : i32
    %dma_wait3A_1894 = arith.constant 0 : i32
    %dma_wait3A_1895 = arith.constant 0 : i32
    %dma_wait3A_1896 = tpu.memref_slice %arg9[%dma_wait3A_1892, %dma_wait3A_1894, %dma_wait3A_1895] : memref<2x128x64xi32, #tpu.memory_space<vmem>> -> memref<1x128x64xi32, #tpu.memory_space<vmem>>
    %dma_wait3A_1897 = tpu.memref_squeeze %dma_wait3A_1896 : memref<1x128x64xi32, #tpu.memory_space<vmem>> -> memref<128x64xi32, #tpu.memory_space<vmem>>
    %dma_wait3A_1898 = arith.constant 0 : i32
    %dma_wait3A_1899 = tpu.memref_slice %arg4[%add3A_1663, %dma_wait3A_1898] : memref<16384x64xi32, #tpu.memory_space<hbm>> -> memref<128x64xi32, #tpu.memory_space<hbm>>
    %dma_wait3A_1900 = tpu.memref_slice %arg10[%dma_wait3A_1893] : memref<2x!tpu.dma_semaphore, #tpu.memory_space<semaphore_mem>> -> memref<1x!tpu.dma_semaphore, #tpu.memory_space<semaphore_mem>>
    %dma_wait3A_1901 = tpu.memref_squeeze %dma_wait3A_1900 : memref<1x!tpu.dma_semaphore, #tpu.memory_space<semaphore_mem>> -> memref<!tpu.dma_semaphore, #tpu.memory_space<semaphore_mem>>
    %dma_wait3A_1902 = arith.constant 0 : i32
    %dma_wait3A_1903 = arith.constant 0 : i32
    %dma_wait3A_1904 = tpu.memref_slice %arg9[%dma_wait3A_1892, %dma_wait3A_1902, %dma_wait3A_1903] : memref<2x128x64xi32, #tpu.memory_space<vmem>> -> memref<1x128x64xi32, #tpu.memory_space<vmem>>
    %dma_wait3A_1905 = tpu.memref_squeeze %dma_wait3A_1904 : memref<1x128x64xi32, #tpu.memory_space<vmem>> -> memref<128x64xi32, #tpu.memory_space<vmem>>
    %dma_wait3A_1906 = arith.constant 0 : i32
    %dma_wait3A_1907 = tpu.memref_slice %arg4[%add3A_1663, %dma_wait3A_1906] : memref<16384x64xi32, #tpu.memory_space<hbm>> -> memref<128x64xi32, #tpu.memory_space<hbm>>
    tpu.wait_dma2 semaphore(%dma_wait3A_1901 : memref<!tpu.dma_semaphore, #tpu.memory_space<semaphore_mem>>) src(%dma_wait3A_1907 : memref<128x64xi32, #tpu.memory_space<hbm>>) dst(%dma_wait3A_1905 : memref<128x64xi32, #tpu.memory_space<vmem>>)
    %run_scoped3A_1908 = arith.constant 0 : i32
    %run_scoped3A_1909 = arith.constant 0 : i32
    "tpu.region"() ({
      %run_scoped3A_3310 = tpu.sem_alloc : memref<!tpu.dma_semaphore, #tpu.memory_space<semaphore_mem>>
      %dma_start3A_3311 = arith.constant 0 : i32
      %dma_start3A_3312 = arith.constant 0 : i32
      %dma_start3A_3313 = tpu.memref_slice %arg9[%run_scoped3A_1908, %dma_start3A_3311, %dma_start3A_3312] : memref<2x128x64xi32, #tpu.memory_space<vmem>> -> memref<1x128x64xi32, #tpu.memory_space<vmem>>
      %dma_start3A_3314 = tpu.memref_squeeze %dma_start3A_3313 : memref<1x128x64xi32, #tpu.memory_space<vmem>> -> memref<128x64xi32, #tpu.memory_space<vmem>>
      %dma_start3A_3315 = arith.constant 0 : i32
      %dma_start3A_3316 = tpu.memref_slice %arg8[%run_scoped3A_1909, %dma_start3A_3315] : memref<1x128xi32, #tpu.memory_space<vmem>> -> memref<1x128xi32, #tpu.memory_space<vmem>>
      %dma_start3A_3317 = tpu.memref_squeeze %dma_start3A_3316 : memref<1x128xi32, #tpu.memory_space<vmem>> -> memref<128xi32, #tpu.memory_space<vmem>>
      %dma_start3A_3318 = arith.constant 0 : i32
      %dma_start3A_3319 = arith.constant 0 : i32
      %dma_start3A_3320 = tpu.memref_slice %arg6[%dma_start3A_3318, %dma_start3A_3319] : memref<25096x64xi32, #tpu.memory_space<vmem_shared>> -> memref<25096x64xi32, #tpu.memory_space<vmem_shared>>
      tpu.enqueue_indirect_dma source(%dma_start3A_3314 : memref<128x64xi32, #tpu.memory_space<vmem>>) target(%dma_start3A_3320 : memref<25096x64xi32, #tpu.memory_space<vmem_shared>>) offsets(%dma_start3A_3317 : memref<128xi32, #tpu.memory_space<vmem>>) semaphore(%run_scoped3A_3310 : memref<!tpu.dma_semaphore, #tpu.memory_space<semaphore_mem>>) {add = true}
      %dma_wait3A_3321 = arith.constant 0 : i32
      %dma_wait3A_3322 = arith.constant 0 : i32
      %dma_wait3A_3323 = tpu.memref_slice %arg9[%run_scoped3A_1908, %dma_wait3A_3321, %dma_wait3A_3322] : memref<2x128x64xi32, #tpu.memory_space<vmem>> -> memref<1x128x64xi32, #tpu.memory_space<vmem>>
      %dma_wait3A_3324 = tpu.memref_squeeze %dma_wait3A_3323 : memref<1x128x64xi32, #tpu.memory_space<vmem>> -> memref<128x64xi32, #tpu.memory_space<vmem>>
      %dma_wait3A_3325 = arith.constant 0 : i32
      %dma_wait3A_3326 = tpu.memref_slice %arg8[%run_scoped3A_1909, %dma_wait3A_3325] : memref<1x128xi32, #tpu.memory_space<vmem>> -> memref<1x128xi32, #tpu.memory_space<vmem>>
      %dma_wait3A_3327 = tpu.memref_squeeze %dma_wait3A_3326 : memref<1x128xi32, #tpu.memory_space<vmem>> -> memref<128xi32, #tpu.memory_space<vmem>>
      %dma_wait3A_3328 = arith.constant 0 : i32
      %dma_wait3A_3329 = arith.constant 0 : i32
      %dma_wait3A_3330 = tpu.memref_slice %arg6[%dma_wait3A_3328, %dma_wait3A_3329] : memref<25096x64xi32, #tpu.memory_space<vmem_shared>> -> memref<25096x64xi32, #tpu.memory_space<vmem_shared>>
      tpu.wait_indirect_dma semaphore(%run_scoped3A_3310 : memref<!tpu.dma_semaphore, #tpu.memory_space<semaphore_mem>>) src(%dma_wait3A_3324 : memref<128x64xi32, #tpu.memory_space<vmem>>) dst(%dma_wait3A_3330 : memref<25096x64xi32, #tpu.memory_space<vmem_shared>>)
      tpu.yield
    }) : () -> ()
    %dma_start3A_1910 = arith.constant 0 : i32
    %dma_start3A_1911 = arith.constant 0 : i32
    %dma_start3A_1912 = arith.constant 0 : i32
    %dma_start3A_1913 = arith.constant 0 : i32
    %dma_start3A_1914 = tpu.memref_slice %arg9[%dma_start3A_1910, %dma_start3A_1912, %dma_start3A_1913] : memref<2x128x64xi32, #tpu.memory_space<vmem>> -> memref<1x128x64xi32, #tpu.memory_space<vmem>>
    %dma_start3A_1915 = tpu.memref_squeeze %dma_start3A_1914 : memref<1x128x64xi32, #tpu.memory_space<vmem>> -> memref<128x64xi32, #tpu.memory_space<vmem>>
    %dma_start3A_1916 = arith.constant 0 : i32
    %dma_start3A_1917 = tpu.memref_slice %arg4[%add3A_1671, %dma_start3A_1916] : memref<16384x64xi32, #tpu.memory_space<hbm>> -> memref<128x64xi32, #tpu.memory_space<hbm>>
    %dma_start3A_1918 = tpu.memref_slice %arg10[%dma_start3A_1911] : memref<2x!tpu.dma_semaphore, #tpu.memory_space<semaphore_mem>> -> memref<1x!tpu.dma_semaphore, #tpu.memory_space<semaphore_mem>>
    %dma_start3A_1919 = tpu.memref_squeeze %dma_start3A_1918 : memref<1x!tpu.dma_semaphore, #tpu.memory_space<semaphore_mem>> -> memref<!tpu.dma_semaphore, #tpu.memory_space<semaphore_mem>>
    %dma_start3A_1920 = arith.constant 0 : i32
    %dma_start3A_1921 = arith.constant 0 : i32
    %dma_start3A_1922 = tpu.memref_slice %arg9[%dma_start3A_1910, %dma_start3A_1920, %dma_start3A_1921] : memref<2x128x64xi32, #tpu.memory_space<vmem>> -> memref<1x128x64xi32, #tpu.memory_space<vmem>>
    %dma_start3A_1923 = tpu.memref_squeeze %dma_start3A_1922 : memref<1x128x64xi32, #tpu.memory_space<vmem>> -> memref<128x64xi32, #tpu.memory_space<vmem>>
    %dma_start3A_1924 = arith.constant 0 : i32
    %dma_start3A_1925 = tpu.memref_slice %arg4[%add3A_1671, %dma_start3A_1924] : memref<16384x64xi32, #tpu.memory_space<hbm>> -> memref<128x64xi32, #tpu.memory_space<hbm>>
    tpu.enqueue_dma source(%dma_start3A_1925 : memref<128x64xi32, #tpu.memory_space<hbm>>) target(%dma_start3A_1923 : memref<128x64xi32, #tpu.memory_space<vmem>>) target_semaphore(%dma_start3A_1919 : memref<!tpu.dma_semaphore, #tpu.memory_space<semaphore_mem>>)
    %get3A_1926 = arith.constant 0 : i32
    %get3A_1927 = arith.index_cast %get3A_1926 : i32 to index
    %get3A_1928 = arith.constant 128 : index
    %get3A_1929 = tpu.vector_load %arg7[%get3A_1927, %get3A_1928] {strides = array<i32>} : memref<1x1024xi32, #tpu.memory_space<vmem>>, vector<1x16xi32>,
    %get3A_1930 = vector.shape_cast %get3A_1929 : vector<1x16xi32> to vector<16xi32>
    %sub3A_1931 = vector.broadcast %multiple_of3A_1655 : i32 to vector<16xi32>
    %sub3A_1932 = arith.subi %get3A_1930, %sub3A_1931 : vector<16xi32>
    %ge3A_1933 = vector.broadcast %multiple_of3A_1655 : i32 to vector<16xi32>
    %ge3A_1934 = arith.cmpi sge, %get3A_1930, %ge3A_1933 : vector<16xi32>
    %lt3A_1935 = vector.broadcast %select_n3A_1654 : i32 to vector<16xi32>
    %lt3A_1936 = arith.cmpi slt, %get3A_1930, %lt3A_1935 : vector<16xi32>
    %and3A_1937 = arith.andi %ge3A_1934, %lt3A_1936 : vector<16xi1>
    %jit3A_1938 = arith.constant 25088 : i32
    %broadcast_in_dim3A_1939 = vector.broadcast %jit3A_1938 : i32 to vector<16xi32>
    %select_n3A_1940 = arith.select %and3A_1937, %sub3A_1932, %broadcast_in_dim3A_1939 : vector<16xi1>, vector<16xi32>
    %swap3A_1941 = arith.constant 0 : i32
    %swap3A_1942 = arith.index_cast %swap3A_1941 : i32 to index
    %swap3A_1943 = arith.constant 0 : index
    %swap3A_1944 = tpu.vector_load %arg8[%swap3A_1942, %swap3A_1943] {strides = array<i32>} : memref<1x128xi32, #tpu.memory_space<vmem>>, vector<1x16xi32>,
    %swap3A_1945 = vector.shape_cast %swap3A_1944 : vector<1x16xi32> to vector<16xi32>
    %swap3A_1946 = vector.shape_cast %select_n3A_1940 : vector<16xi32> to vector<1x16xi32>
    tpu.vector_store %arg8[%swap3A_1942, %swap3A_1943], %swap3A_1946 {strides = array<i32>} : memref<1x128xi32, #tpu.memory_space<vmem>>, vector<1x16xi32>,
    %get3A_1947 = arith.constant 0 : i32
    %get3A_1948 = arith.index_cast %get3A_1947 : i32 to index
    %get3A_1949 = arith.constant 144 : index
    %get3A_1950 = tpu.vector_load %arg7[%get3A_1948, %get3A_1949] {strides = array<i32>} : memref<1x1024xi32, #tpu.memory_space<vmem>>, vector<1x16xi32>,
    %get3A_1951 = vector.shape_cast %get3A_1950 : vector<1x16xi32> to vector<16xi32>
    %sub3A_1952 = vector.broadcast %multiple_of3A_1655 : i32 to vector<16xi32>
    %sub3A_1953 = arith.subi %get3A_1951, %sub3A_1952 : vector<16xi32>
    %ge3A_1954 = vector.broadcast %multiple_of3A_1655 : i32 to vector<16xi32>
    %ge3A_1955 = arith.cmpi sge, %get3A_1951, %ge3A_1954 : vector<16xi32>
    %lt3A_1956 = vector.broadcast %select_n3A_1654 : i32 to vector<16xi32>
    %lt3A_1957 = arith.cmpi slt, %get3A_1951, %lt3A_1956 : vector<16xi32>
    %and3A_1958 = arith.andi %ge3A_1955, %lt3A_1957 : vector<16xi1>
    %jit3A_1959 = arith.constant 25088 : i32
    %broadcast_in_dim3A_1960 = vector.broadcast %jit3A_1959 : i32 to vector<16xi32>
    %select_n3A_1961 = arith.select %and3A_1958, %sub3A_1953, %broadcast_in_dim3A_1960 : vector<16xi1>, vector<16xi32>
    %swap3A_1962 = arith.constant 0 : i32
    %swap3A_1963 = arith.index_cast %swap3A_1962 : i32 to index
    %swap3A_1964 = arith.constant 16 : index
    %swap3A_1965 = tpu.vector_load %arg8[%swap3A_1963, %swap3A_1964] {strides = array<i32>} : memref<1x128xi32, #tpu.memory_space<vmem>>, vector<1x16xi32>,
    %swap3A_1966 = vector.shape_cast %swap3A_1965 : vector<1x16xi32> to vector<16xi32>
    %swap3A_1967 = vector.shape_cast %select_n3A_1961 : vector<16xi32> to vector<1x16xi32>
    tpu.vector_store %arg8[%swap3A_1963, %swap3A_1964], %swap3A_1967 {strides = array<i32>} : memref<1x128xi32, #tpu.memory_space<vmem>>, vector<1x16xi32>,
    %get3A_1968 = arith.constant 0 : i32
    %get3A_1969 = arith.index_cast %get3A_1968 : i32 to index
    %get3A_1970 = arith.constant 160 : index
    %get3A_1971 = tpu.vector_load %arg7[%get3A_1969, %get3A_1970] {strides = array<i32>} : memref<1x1024xi32, #tpu.memory_space<vmem>>, vector<1x16xi32>,
    %get3A_1972 = vector.shape_cast %get3A_1971 : vector<1x16xi32> to vector<16xi32>
    %sub3A_1973 = vector.broadcast %multiple_of3A_1655 : i32 to vector<16xi32>
    %sub3A_1974 = arith.subi %get3A_1972, %sub3A_1973 : vector<16xi32>
    %ge3A_1975 = vector.broadcast %multiple_of3A_1655 : i32 to vector<16xi32>
    %ge3A_1976 = arith.cmpi sge, %get3A_1972, %ge3A_1975 : vector<16xi32>
    %lt3A_1977 = vector.broadcast %select_n3A_1654 : i32 to vector<16xi32>
    %lt3A_1978 = arith.cmpi slt, %get3A_1972, %lt3A_1977 : vector<16xi32>
    %and3A_1979 = arith.andi %ge3A_1976, %lt3A_1978 : vector<16xi1>
    %jit3A_1980 = arith.constant 25088 : i32
    %broadcast_in_dim3A_1981 = vector.broadcast %jit3A_1980 : i32 to vector<16xi32>
    %select_n3A_1982 = arith.select %and3A_1979, %sub3A_1974, %broadcast_in_dim3A_1981 : vector<16xi1>, vector<16xi32>
    %swap3A_1983 = arith.constant 0 : i32
    %swap3A_1984 = arith.index_cast %swap3A_1983 : i32 to index
    %swap3A_1985 = arith.constant 32 : index
    %swap3A_1986 = tpu.vector_load %arg8[%swap3A_1984, %swap3A_1985] {strides = array<i32>} : memref<1x128xi32, #tpu.memory_space<vmem>>, vector<1x16xi32>,
    %swap3A_1987 = vector.shape_cast %swap3A_1986 : vector<1x16xi32> to vector<16xi32>
    %swap3A_1988 = vector.shape_cast %select_n3A_1982 : vector<16xi32> to vector<1x16xi32>
    tpu.vector_store %arg8[%swap3A_1984, %swap3A_1985], %swap3A_1988 {strides = array<i32>} : memref<1x128xi32, #tpu.memory_space<vmem>>, vector<1x16xi32>,
    %get3A_1989 = arith.constant 0 : i32
    %get3A_1990 = arith.index_cast %get3A_1989 : i32 to index
    %get3A_1991 = arith.constant 176 : index
    %get3A_1992 = tpu.vector_load %arg7[%get3A_1990, %get3A_1991] {strides = array<i32>} : memref<1x1024xi32, #tpu.memory_space<vmem>>, vector<1x16xi32>,
    %get3A_1993 = vector.shape_cast %get3A_1992 : vector<1x16xi32> to vector<16xi32>
    %sub3A_1994 = vector.broadcast %multiple_of3A_1655 : i32 to vector<16xi32>
    %sub3A_1995 = arith.subi %get3A_1993, %sub3A_1994 : vector<16xi32>
    %ge3A_1996 = vector.broadcast %multiple_of3A_1655 : i32 to vector<16xi32>
    %ge3A_1997 = arith.cmpi sge, %get3A_1993, %ge3A_1996 : vector<16xi32>
    %lt3A_1998 = vector.broadcast %select_n3A_1654 : i32 to vector<16xi32>
    %lt3A_1999 = arith.cmpi slt, %get3A_1993, %lt3A_1998 : vector<16xi32>
    %and3A_2000 = arith.andi %ge3A_1997, %lt3A_1999 : vector<16xi1>
    %jit3A_2001 = arith.constant 25088 : i32
    %broadcast_in_dim3A_2002 = vector.broadcast %jit3A_2001 : i32 to vector<16xi32>
    %select_n3A_2003 = arith.select %and3A_2000, %sub3A_1995, %broadcast_in_dim3A_2002 : vector<16xi1>, vector<16xi32>
    %swap3A_2004 = arith.constant 0 : i32
    %swap3A_2005 = arith.index_cast %swap3A_2004 : i32 to index
    %swap3A_2006 = arith.constant 48 : index
    %swap3A_2007 = tpu.vector_load %arg8[%swap3A_2005, %swap3A_2006] {strides = array<i32>} : memref<1x128xi32, #tpu.memory_space<vmem>>, vector<1x16xi32>,
    %swap3A_2008 = vector.shape_cast %swap3A_2007 : vector<1x16xi32> to vector<16xi32>
    %swap3A_2009 = vector.shape_cast %select_n3A_2003 : vector<16xi32> to vector<1x16xi32>
    tpu.vector_store %arg8[%swap3A_2005, %swap3A_2006], %swap3A_2009 {strides = array<i32>} : memref<1x128xi32, #tpu.memory_space<vmem>>, vector<1x16xi32>,
    %get3A_2010 = arith.constant 0 : i32
    %get3A_2011 = arith.index_cast %get3A_2010 : i32 to index
    %get3A_2012 = arith.constant 192 : index
    %get3A_2013 = tpu.vector_load %arg7[%get3A_2011, %get3A_2012] {strides = array<i32>} : memref<1x1024xi32, #tpu.memory_space<vmem>>, vector<1x16xi32>,
    %get3A_2014 = vector.shape_cast %get3A_2013 : vector<1x16xi32> to vector<16xi32>
    %sub3A_2015 = vector.broadcast %multiple_of3A_1655 : i32 to vector<16xi32>
    %sub3A_2016 = arith.subi %get3A_2014, %sub3A_2015 : vector<16xi32>
    %ge3A_2017 = vector.broadcast %multiple_of3A_1655 : i32 to vector<16xi32>
    %ge3A_2018 = arith.cmpi sge, %get3A_2014, %ge3A_2017 : vector<16xi32>
    %lt3A_2019 = vector.broadcast %select_n3A_1654 : i32 to vector<16xi32>
    %lt3A_2020 = arith.cmpi slt, %get3A_2014, %lt3A_2019 : vector<16xi32>
    %and3A_2021 = arith.andi %ge3A_2018, %lt3A_2020 : vector<16xi1>
    %jit3A_2022 = arith.constant 25088 : i32
    %broadcast_in_dim3A_2023 = vector.broadcast %jit3A_2022 : i32 to vector<16xi32>
    %select_n3A_2024 = arith.select %and3A_2021, %sub3A_2016, %broadcast_in_dim3A_2023 : vector<16xi1>, vector<16xi32>
    %swap3A_2025 = arith.constant 0 : i32
    %swap3A_2026 = arith.index_cast %swap3A_2025 : i32 to index
    %swap3A_2027 = arith.constant 64 : index
    %swap3A_2028 = tpu.vector_load %arg8[%swap3A_2026, %swap3A_2027] {strides = array<i32>} : memref<1x128xi32, #tpu.memory_space<vmem>>, vector<1x16xi32>,
    %swap3A_2029 = vector.shape_cast %swap3A_2028 : vector<1x16xi32> to vector<16xi32>
    %swap3A_2030 = vector.shape_cast %select_n3A_2024 : vector<16xi32> to vector<1x16xi32>
    tpu.vector_store %arg8[%swap3A_2026, %swap3A_2027], %swap3A_2030 {strides = array<i32>} : memref<1x128xi32, #tpu.memory_space<vmem>>, vector<1x16xi32>,
    %get3A_2031 = arith.constant 0 : i32
    %get3A_2032 = arith.index_cast %get3A_2031 : i32 to index
    %get3A_2033 = arith.constant 208 : index
    %get3A_2034 = tpu.vector_load %arg7[%get3A_2032, %get3A_2033] {strides = array<i32>} : memref<1x1024xi32, #tpu.memory_space<vmem>>, vector<1x16xi32>,
    %get3A_2035 = vector.shape_cast %get3A_2034 : vector<1x16xi32> to vector<16xi32>
    %sub3A_2036 = vector.broadcast %multiple_of3A_1655 : i32 to vector<16xi32>
    %sub3A_2037 = arith.subi %get3A_2035, %sub3A_2036 : vector<16xi32>
    %ge3A_2038 = vector.broadcast %multiple_of3A_1655 : i32 to vector<16xi32>
    %ge3A_2039 = arith.cmpi sge, %get3A_2035, %ge3A_2038 : vector<16xi32>
    %lt3A_2040 = vector.broadcast %select_n3A_1654 : i32 to vector<16xi32>
    %lt3A_2041 = arith.cmpi slt, %get3A_2035, %lt3A_2040 : vector<16xi32>
    %and3A_2042 = arith.andi %ge3A_2039, %lt3A_2041 : vector<16xi1>
    %jit3A_2043 = arith.constant 25088 : i32
    %broadcast_in_dim3A_2044 = vector.broadcast %jit3A_2043 : i32 to vector<16xi32>
    %select_n3A_2045 = arith.select %and3A_2042, %sub3A_2037, %broadcast_in_dim3A_2044 : vector<16xi1>, vector<16xi32>
    %swap3A_2046 = arith.constant 0 : i32
    %swap3A_2047 = arith.index_cast %swap3A_2046 : i32 to index
    %swap3A_2048 = arith.constant 80 : index
    %swap3A_2049 = tpu.vector_load %arg8[%swap3A_2047, %swap3A_2048] {strides = array<i32>} : memref<1x128xi32, #tpu.memory_space<vmem>>, vector<1x16xi32>,
    %swap3A_2050 = vector.shape_cast %swap3A_2049 : vector<1x16xi32> to vector<16xi32>
    %swap3A_2051 = vector.shape_cast %select_n3A_2045 : vector<16xi32> to vector<1x16xi32>
    tpu.vector_store %arg8[%swap3A_2047, %swap3A_2048], %swap3A_2051 {strides = array<i32>} : memref<1x128xi32, #tpu.memory_space<vmem>>, vector<1x16xi32>,
    %get3A_2052 = arith.constant 0 : i32
    %get3A_2053 = arith.index_cast %get3A_2052 : i32 to index
    %get3A_2054 = arith.constant 224 : index
    %get3A_2055 = tpu.vector_load %arg7[%get3A_2053, %get3A_2054] {strides = array<i32>} : memref<1x1024xi32, #tpu.memory_space<vmem>>, vector<1x16xi32>,
    %get3A_2056 = vector.shape_cast %get3A_2055 : vector<1x16xi32> to vector<16xi32>
    %sub3A_2057 = vector.broadcast %multiple_of3A_1655 : i32 to vector<16xi32>
    %sub3A_2058 = arith.subi %get3A_2056, %sub3A_2057 : vector<16xi32>
    %ge3A_2059 = vector.broadcast %multiple_of3A_1655 : i32 to vector<16xi32>
    %ge3A_2060 = arith.cmpi sge, %get3A_2056, %ge3A_2059 : vector<16xi32>
    %lt3A_2061 = vector.broadcast %select_n3A_1654 : i32 to vector<16xi32>
    %lt3A_2062 = arith.cmpi slt, %get3A_2056, %lt3A_2061 : vector<16xi32>
    %and3A_2063 = arith.andi %ge3A_2060, %lt3A_2062 : vector<16xi1>
    %jit3A_2064 = arith.constant 25088 : i32
    %broadcast_in_dim3A_2065 = vector.broadcast %jit3A_2064 : i32 to vector<16xi32>
    %select_n3A_2066 = arith.select %and3A_2063, %sub3A_2058, %broadcast_in_dim3A_2065 : vector<16xi1>, vector<16xi32>
    %swap3A_2067 = arith.constant 0 : i32
    %swap3A_2068 = arith.index_cast %swap3A_2067 : i32 to index
    %swap3A_2069 = arith.constant 96 : index
    %swap3A_2070 = tpu.vector_load %arg8[%swap3A_2068, %swap3A_2069] {strides = array<i32>} : memref<1x128xi32, #tpu.memory_space<vmem>>, vector<1x16xi32>,
    %swap3A_2071 = vector.shape_cast %swap3A_2070 : vector<1x16xi32> to vector<16xi32>
    %swap3A_2072 = vector.shape_cast %select_n3A_2066 : vector<16xi32> to vector<1x16xi32>
    tpu.vector_store %arg8[%swap3A_2068, %swap3A_2069], %swap3A_2072 {strides = array<i32>} : memref<1x128xi32, #tpu.memory_space<vmem>>, vector<1x16xi32>,
    %get3A_2073 = arith.constant 0 : i32
    %get3A_2074 = arith.index_cast %get3A_2073 : i32 to index
    %get3A_2075 = arith.constant 240 : index
    %get3A_2076 = tpu.vector_load %arg7[%get3A_2074, %get3A_2075] {strides = array<i32>} : memref<1x1024xi32, #tpu.memory_space<vmem>>, vector<1x16xi32>,
    %get3A_2077 = vector.shape_cast %get3A_2076 : vector<1x16xi32> to vector<16xi32>
    %sub3A_2078 = vector.broadcast %multiple_of3A_1655 : i32 to vector<16xi32>
    %sub3A_2079 = arith.subi %get3A_2077, %sub3A_2078 : vector<16xi32>
    %ge3A_2080 = vector.broadcast %multiple_of3A_1655 : i32 to vector<16xi32>
    %ge3A_2081 = arith.cmpi sge, %get3A_2077, %ge3A_2080 : vector<16xi32>
    %lt3A_2082 = vector.broadcast %select_n3A_1654 : i32 to vector<16xi32>
    %lt3A_2083 = arith.cmpi slt, %get3A_2077, %lt3A_2082 : vector<16xi32>
    %and3A_2084 = arith.andi %ge3A_2081, %lt3A_2083 : vector<16xi1>
    %jit3A_2085 = arith.constant 25088 : i32
    %broadcast_in_dim3A_2086 = vector.broadcast %jit3A_2085 : i32 to vector<16xi32>
    %select_n3A_2087 = arith.select %and3A_2084, %sub3A_2079, %broadcast_in_dim3A_2086 : vector<16xi1>, vector<16xi32>
    %swap3A_2088 = arith.constant 0 : i32
    %swap3A_2089 = arith.index_cast %swap3A_2088 : i32 to index
    %swap3A_2090 = arith.constant 112 : index
    %swap3A_2091 = tpu.vector_load %arg8[%swap3A_2089, %swap3A_2090] {strides = array<i32>} : memref<1x128xi32, #tpu.memory_space<vmem>>, vector<1x16xi32>,
    %swap3A_2092 = vector.shape_cast %swap3A_2091 : vector<1x16xi32> to vector<16xi32>
    %swap3A_2093 = vector.shape_cast %select_n3A_2087 : vector<16xi32> to vector<1x16xi32>
    tpu.vector_store %arg8[%swap3A_2089, %swap3A_2090], %swap3A_2093 {strides = array<i32>} : memref<1x128xi32, #tpu.memory_space<vmem>>, vector<1x16xi32>,
    %dma_wait3A_2094 = arith.constant 1 : i32
    %dma_wait3A_2095 = arith.constant 1 : i32
    %dma_wait3A_2096 = arith.constant 0 : i32
    %dma_wait3A_2097 = arith.constant 0 : i32
    %dma_wait3A_2098 = tpu.memref_slice %arg9[%dma_wait3A_2094, %dma_wait3A_2096, %dma_wait3A_2097] : memref<2x128x64xi32, #tpu.memory_space<vmem>> -> memref<1x128x64xi32, #tpu.memory_space<vmem>>
    %dma_wait3A_2099 = tpu.memref_squeeze %dma_wait3A_2098 : memref<1x128x64xi32, #tpu.memory_space<vmem>> -> memref<128x64xi32, #tpu.memory_space<vmem>>
    %dma_wait3A_2100 = arith.constant 0 : i32
    %dma_wait3A_2101 = tpu.memref_slice %arg4[%add3A_1667, %dma_wait3A_2100] : memref<16384x64xi32, #tpu.memory_space<hbm>> -> memref<128x64xi32, #tpu.memory_space<hbm>>
    %dma_wait3A_2102 = tpu.memref_slice %arg10[%dma_wait3A_2095] : memref<2x!tpu.dma_semaphore, #tpu.memory_space<semaphore_mem>> -> memref<1x!tpu.dma_semaphore, #tpu.memory_space<semaphore_mem>>
    %dma_wait3A_2103 = tpu.memref_squeeze %dma_wait3A_2102 : memref<1x!tpu.dma_semaphore, #tpu.memory_space<semaphore_mem>> -> memref<!tpu.dma_semaphore, #tpu.memory_space<semaphore_mem>>
    %dma_wait3A_2104 = arith.constant 0 : i32
    %dma_wait3A_2105 = arith.constant 0 : i32
    %dma_wait3A_2106 = tpu.memref_slice %arg9[%dma_wait3A_2094, %dma_wait3A_2104, %dma_wait3A_2105] : memref<2x128x64xi32, #tpu.memory_space<vmem>> -> memref<1x128x64xi32, #tpu.memory_space<vmem>>
    %dma_wait3A_2107 = tpu.memref_squeeze %dma_wait3A_2106 : memref<1x128x64xi32, #tpu.memory_space<vmem>> -> memref<128x64xi32, #tpu.memory_space<vmem>>
    %dma_wait3A_2108 = arith.constant 0 : i32
    %dma_wait3A_2109 = tpu.memref_slice %arg4[%add3A_1667, %dma_wait3A_2108] : memref<16384x64xi32, #tpu.memory_space<hbm>> -> memref<128x64xi32, #tpu.memory_space<hbm>>
    tpu.wait_dma2 semaphore(%dma_wait3A_2103 : memref<!tpu.dma_semaphore, #tpu.memory_space<semaphore_mem>>) src(%dma_wait3A_2109 : memref<128x64xi32, #tpu.memory_space<hbm>>) dst(%dma_wait3A_2107 : memref<128x64xi32, #tpu.memory_space<vmem>>)
    %run_scoped3A_2110 = arith.constant 1 : i32
    %run_scoped3A_2111 = arith.constant 0 : i32
    "tpu.region"() ({
      %run_scoped3A_3310 = tpu.sem_alloc : memref<!tpu.dma_semaphore, #tpu.memory_space<semaphore_mem>>
      %dma_start3A_3311 = arith.constant 0 : i32
      %dma_start3A_3312 = arith.constant 0 : i32
      %dma_start3A_3313 = tpu.memref_slice %arg9[%run_scoped3A_2110, %dma_start3A_3311, %dma_start3A_3312] : memref<2x128x64xi32, #tpu.memory_space<vmem>> -> memref<1x128x64xi32, #tpu.memory_space<vmem>>
      %dma_start3A_3314 = tpu.memref_squeeze %dma_start3A_3313 : memref<1x128x64xi32, #tpu.memory_space<vmem>> -> memref<128x64xi32, #tpu.memory_space<vmem>>
      %dma_start3A_3315 = arith.constant 0 : i32
      %dma_start3A_3316 = tpu.memref_slice %arg8[%run_scoped3A_2111, %dma_start3A_3315] : memref<1x128xi32, #tpu.memory_space<vmem>> -> memref<1x128xi32, #tpu.memory_space<vmem>>
      %dma_start3A_3317 = tpu.memref_squeeze %dma_start3A_3316 : memref<1x128xi32, #tpu.memory_space<vmem>> -> memref<128xi32, #tpu.memory_space<vmem>>
      %dma_start3A_3318 = arith.constant 0 : i32
      %dma_start3A_3319 = arith.constant 0 : i32
      %dma_start3A_3320 = tpu.memref_slice %arg6[%dma_start3A_3318, %dma_start3A_3319] : memref<25096x64xi32, #tpu.memory_space<vmem_shared>> -> memref<25096x64xi32, #tpu.memory_space<vmem_shared>>
      tpu.enqueue_indirect_dma source(%dma_start3A_3314 : memref<128x64xi32, #tpu.memory_space<vmem>>) target(%dma_start3A_3320 : memref<25096x64xi32, #tpu.memory_space<vmem_shared>>) offsets(%dma_start3A_3317 : memref<128xi32, #tpu.memory_space<vmem>>) semaphore(%run_scoped3A_3310 : memref<!tpu.dma_semaphore, #tpu.memory_space<semaphore_mem>>) {add = true}
      %dma_wait3A_3321 = arith.constant 0 : i32
      %dma_wait3A_3322 = arith.constant 0 : i32
      %dma_wait3A_3323 = tpu.memref_slice %arg9[%run_scoped3A_2110, %dma_wait3A_3321, %dma_wait3A_3322] : memref<2x128x64xi32, #tpu.memory_space<vmem>> -> memref<1x128x64xi32, #tpu.memory_space<vmem>>
      %dma_wait3A_3324 = tpu.memref_squeeze %dma_wait3A_3323 : memref<1x128x64xi32, #tpu.memory_space<vmem>> -> memref<128x64xi32, #tpu.memory_space<vmem>>
      %dma_wait3A_3325 = arith.constant 0 : i32
      %dma_wait3A_3326 = tpu.memref_slice %arg8[%run_scoped3A_2111, %dma_wait3A_3325] : memref<1x128xi32, #tpu.memory_space<vmem>> -> memref<1x128xi32, #tpu.memory_space<vmem>>
      %dma_wait3A_3327 = tpu.memref_squeeze %dma_wait3A_3326 : memref<1x128xi32, #tpu.memory_space<vmem>> -> memref<128xi32, #tpu.memory_space<vmem>>
      %dma_wait3A_3328 = arith.constant 0 : i32
      %dma_wait3A_3329 = arith.constant 0 : i32
      %dma_wait3A_3330 = tpu.memref_slice %arg6[%dma_wait3A_3328, %dma_wait3A_3329] : memref<25096x64xi32, #tpu.memory_space<vmem_shared>> -> memref<25096x64xi32, #tpu.memory_space<vmem_shared>>
      tpu.wait_indirect_dma semaphore(%run_scoped3A_3310 : memref<!tpu.dma_semaphore, #tpu.memory_space<semaphore_mem>>) src(%dma_wait3A_3324 : memref<128x64xi32, #tpu.memory_space<vmem>>) dst(%dma_wait3A_3330 : memref<25096x64xi32, #tpu.memory_space<vmem_shared>>)
      tpu.yield
    }) : () -> ()
    %dma_start3A_2112 = arith.constant 1 : i32
    %dma_start3A_2113 = arith.constant 1 : i32
    %dma_start3A_2114 = arith.constant 0 : i32
    %dma_start3A_2115 = arith.constant 0 : i32
    %dma_start3A_2116 = tpu.memref_slice %arg9[%dma_start3A_2112, %dma_start3A_2114, %dma_start3A_2115] : memref<2x128x64xi32, #tpu.memory_space<vmem>> -> memref<1x128x64xi32, #tpu.memory_space<vmem>>
    %dma_start3A_2117 = tpu.memref_squeeze %dma_start3A_2116 : memref<1x128x64xi32, #tpu.memory_space<vmem>> -> memref<128x64xi32, #tpu.memory_space<vmem>>
    %dma_start3A_2118 = arith.constant 0 : i32
    %dma_start3A_2119 = tpu.memref_slice %arg4[%add3A_1675, %dma_start3A_2118] : memref<16384x64xi32, #tpu.memory_space<hbm>> -> memref<128x64xi32, #tpu.memory_space<hbm>>
    %dma_start3A_2120 = tpu.memref_slice %arg10[%dma_start3A_2113] : memref<2x!tpu.dma_semaphore, #tpu.memory_space<semaphore_mem>> -> memref<1x!tpu.dma_semaphore, #tpu.memory_space<semaphore_mem>>
    %dma_start3A_2121 = tpu.memref_squeeze %dma_start3A_2120 : memref<1x!tpu.dma_semaphore, #tpu.memory_space<semaphore_mem>> -> memref<!tpu.dma_semaphore, #tpu.memory_space<semaphore_mem>>
    %dma_start3A_2122 = arith.constant 0 : i32
    %dma_start3A_2123 = arith.constant 0 : i32
    %dma_start3A_2124 = tpu.memref_slice %arg9[%dma_start3A_2112, %dma_start3A_2122, %dma_start3A_2123] : memref<2x128x64xi32, #tpu.memory_space<vmem>> -> memref<1x128x64xi32, #tpu.memory_space<vmem>>
    %dma_start3A_2125 = tpu.memref_squeeze %dma_start3A_2124 : memref<1x128x64xi32, #tpu.memory_space<vmem>> -> memref<128x64xi32, #tpu.memory_space<vmem>>
    %dma_start3A_2126 = arith.constant 0 : i32
    %dma_start3A_2127 = tpu.memref_slice %arg4[%add3A_1675, %dma_start3A_2126] : memref<16384x64xi32, #tpu.memory_space<hbm>> -> memref<128x64xi32, #tpu.memory_space<hbm>>
    tpu.enqueue_dma source(%dma_start3A_2127 : memref<128x64xi32, #tpu.memory_space<hbm>>) target(%dma_start3A_2125 : memref<128x64xi32, #tpu.memory_space<vmem>>) target_semaphore(%dma_start3A_2121 : memref<!tpu.dma_semaphore, #tpu.memory_space<semaphore_mem>>)
    %get3A_2128 = arith.constant 0 : i32
    %get3A_2129 = arith.index_cast %get3A_2128 : i32 to index
    %get3A_2130 = arith.constant 256 : index
    %get3A_2131 = tpu.vector_load %arg7[%get3A_2129, %get3A_2130] {strides = array<i32>} : memref<1x1024xi32, #tpu.memory_space<vmem>>, vector<1x16xi32>,
    %get3A_2132 = vector.shape_cast %get3A_2131 : vector<1x16xi32> to vector<16xi32>
    %sub3A_2133 = vector.broadcast %multiple_of3A_1655 : i32 to vector<16xi32>
    %sub3A_2134 = arith.subi %get3A_2132, %sub3A_2133 : vector<16xi32>
    %ge3A_2135 = vector.broadcast %multiple_of3A_1655 : i32 to vector<16xi32>
    %ge3A_2136 = arith.cmpi sge, %get3A_2132, %ge3A_2135 : vector<16xi32>
    %lt3A_2137 = vector.broadcast %select_n3A_1654 : i32 to vector<16xi32>
    %lt3A_2138 = arith.cmpi slt, %get3A_2132, %lt3A_2137 : vector<16xi32>
    %and3A_2139 = arith.andi %ge3A_2136, %lt3A_2138 : vector<16xi1>
    %jit3A_2140 = arith.constant 25088 : i32
    %broadcast_in_dim3A_2141 = vector.broadcast %jit3A_2140 : i32 to vector<16xi32>
    %select_n3A_2142 = arith.select %and3A_2139, %sub3A_2134, %broadcast_in_dim3A_2141 : vector<16xi1>, vector<16xi32>
    %swap3A_2143 = arith.constant 0 : i32
    %swap3A_2144 = arith.index_cast %swap3A_2143 : i32 to index
    %swap3A_2145 = arith.constant 0 : index
    %swap3A_2146 = tpu.vector_load %arg8[%swap3A_2144, %swap3A_2145] {strides = array<i32>} : memref<1x128xi32, #tpu.memory_space<vmem>>, vector<1x16xi32>,
    %swap3A_2147 = vector.shape_cast %swap3A_2146 : vector<1x16xi32> to vector<16xi32>
    %swap3A_2148 = vector.shape_cast %select_n3A_2142 : vector<16xi32> to vector<1x16xi32>
    tpu.vector_store %arg8[%swap3A_2144, %swap3A_2145], %swap3A_2148 {strides = array<i32>} : memref<1x128xi32, #tpu.memory_space<vmem>>, vector<1x16xi32>,
    %get3A_2149 = arith.constant 0 : i32
    %get3A_2150 = arith.index_cast %get3A_2149 : i32 to index
    %get3A_2151 = arith.constant 272 : index
    %get3A_2152 = tpu.vector_load %arg7[%get3A_2150, %get3A_2151] {strides = array<i32>} : memref<1x1024xi32, #tpu.memory_space<vmem>>, vector<1x16xi32>,
    %get3A_2153 = vector.shape_cast %get3A_2152 : vector<1x16xi32> to vector<16xi32>
    %sub3A_2154 = vector.broadcast %multiple_of3A_1655 : i32 to vector<16xi32>
    %sub3A_2155 = arith.subi %get3A_2153, %sub3A_2154 : vector<16xi32>
    %ge3A_2156 = vector.broadcast %multiple_of3A_1655 : i32 to vector<16xi32>
    %ge3A_2157 = arith.cmpi sge, %get3A_2153, %ge3A_2156 : vector<16xi32>
    %lt3A_2158 = vector.broadcast %select_n3A_1654 : i32 to vector<16xi32>
    %lt3A_2159 = arith.cmpi slt, %get3A_2153, %lt3A_2158 : vector<16xi32>
    %and3A_2160 = arith.andi %ge3A_2157, %lt3A_2159 : vector<16xi1>
    %jit3A_2161 = arith.constant 25088 : i32
    %broadcast_in_dim3A_2162 = vector.broadcast %jit3A_2161 : i32 to vector<16xi32>
    %select_n3A_2163 = arith.select %and3A_2160, %sub3A_2155, %broadcast_in_dim3A_2162 : vector<16xi1>, vector<16xi32>
    %swap3A_2164 = arith.constant 0 : i32
    %swap3A_2165 = arith.index_cast %swap3A_2164 : i32 to index
    %swap3A_2166 = arith.constant 16 : index
    %swap3A_2167 = tpu.vector_load %arg8[%swap3A_2165, %swap3A_2166] {strides = array<i32>} : memref<1x128xi32, #tpu.memory_space<vmem>>, vector<1x16xi32>,
    %swap3A_2168 = vector.shape_cast %swap3A_2167 : vector<1x16xi32> to vector<16xi32>
    %swap3A_2169 = vector.shape_cast %select_n3A_2163 : vector<16xi32> to vector<1x16xi32>
    tpu.vector_store %arg8[%swap3A_2165, %swap3A_2166], %swap3A_2169 {strides = array<i32>} : memref<1x128xi32, #tpu.memory_space<vmem>>, vector<1x16xi32>,
    %get3A_2170 = arith.constant 0 : i32
    %get3A_2171 = arith.index_cast %get3A_2170 : i32 to index
    %get3A_2172 = arith.constant 288 : index
    %get3A_2173 = tpu.vector_load %arg7[%get3A_2171, %get3A_2172] {strides = array<i32>} : memref<1x1024xi32, #tpu.memory_space<vmem>>, vector<1x16xi32>,
    %get3A_2174 = vector.shape_cast %get3A_2173 : vector<1x16xi32> to vector<16xi32>
    %sub3A_2175 = vector.broadcast %multiple_of3A_1655 : i32 to vector<16xi32>
    %sub3A_2176 = arith.subi %get3A_2174, %sub3A_2175 : vector<16xi32>
    %ge3A_2177 = vector.broadcast %multiple_of3A_1655 : i32 to vector<16xi32>
    %ge3A_2178 = arith.cmpi sge, %get3A_2174, %ge3A_2177 : vector<16xi32>
    %lt3A_2179 = vector.broadcast %select_n3A_1654 : i32 to vector<16xi32>
    %lt3A_2180 = arith.cmpi slt, %get3A_2174, %lt3A_2179 : vector<16xi32>
    %and3A_2181 = arith.andi %ge3A_2178, %lt3A_2180 : vector<16xi1>
    %jit3A_2182 = arith.constant 25088 : i32
    %broadcast_in_dim3A_2183 = vector.broadcast %jit3A_2182 : i32 to vector<16xi32>
    %select_n3A_2184 = arith.select %and3A_2181, %sub3A_2176, %broadcast_in_dim3A_2183 : vector<16xi1>, vector<16xi32>
    %swap3A_2185 = arith.constant 0 : i32
    %swap3A_2186 = arith.index_cast %swap3A_2185 : i32 to index
    %swap3A_2187 = arith.constant 32 : index
    %swap3A_2188 = tpu.vector_load %arg8[%swap3A_2186, %swap3A_2187] {strides = array<i32>} : memref<1x128xi32, #tpu.memory_space<vmem>>, vector<1x16xi32>,
    %swap3A_2189 = vector.shape_cast %swap3A_2188 : vector<1x16xi32> to vector<16xi32>
    %swap3A_2190 = vector.shape_cast %select_n3A_2184 : vector<16xi32> to vector<1x16xi32>
    tpu.vector_store %arg8[%swap3A_2186, %swap3A_2187], %swap3A_2190 {strides = array<i32>} : memref<1x128xi32, #tpu.memory_space<vmem>>, vector<1x16xi32>,
    %get3A_2191 = arith.constant 0 : i32
    %get3A_2192 = arith.index_cast %get3A_2191 : i32 to index
    %get3A_2193 = arith.constant 304 : index
    %get3A_2194 = tpu.vector_load %arg7[%get3A_2192, %get3A_2193] {strides = array<i32>} : memref<1x1024xi32, #tpu.memory_space<vmem>>, vector<1x16xi32>,
    %get3A_2195 = vector.shape_cast %get3A_2194 : vector<1x16xi32> to vector<16xi32>
    %sub3A_2196 = vector.broadcast %multiple_of3A_1655 : i32 to vector<16xi32>
    %sub3A_2197 = arith.subi %get3A_2195, %sub3A_2196 : vector<16xi32>
    %ge3A_2198 = vector.broadcast %multiple_of3A_1655 : i32 to vector<16xi32>
    %ge3A_2199 = arith.cmpi sge, %get3A_2195, %ge3A_2198 : vector<16xi32>
    %lt3A_2200 = vector.broadcast %select_n3A_1654 : i32 to vector<16xi32>
    %lt3A_2201 = arith.cmpi slt, %get3A_2195, %lt3A_2200 : vector<16xi32>
    %and3A_2202 = arith.andi %ge3A_2199, %lt3A_2201 : vector<16xi1>
    %jit3A_2203 = arith.constant 25088 : i32
    %broadcast_in_dim3A_2204 = vector.broadcast %jit3A_2203 : i32 to vector<16xi32>
    %select_n3A_2205 = arith.select %and3A_2202, %sub3A_2197, %broadcast_in_dim3A_2204 : vector<16xi1>, vector<16xi32>
    %swap3A_2206 = arith.constant 0 : i32
    %swap3A_2207 = arith.index_cast %swap3A_2206 : i32 to index
    %swap3A_2208 = arith.constant 48 : index
    %swap3A_2209 = tpu.vector_load %arg8[%swap3A_2207, %swap3A_2208] {strides = array<i32>} : memref<1x128xi32, #tpu.memory_space<vmem>>, vector<1x16xi32>,
    %swap3A_2210 = vector.shape_cast %swap3A_2209 : vector<1x16xi32> to vector<16xi32>
    %swap3A_2211 = vector.shape_cast %select_n3A_2205 : vector<16xi32> to vector<1x16xi32>
    tpu.vector_store %arg8[%swap3A_2207, %swap3A_2208], %swap3A_2211 {strides = array<i32>} : memref<1x128xi32, #tpu.memory_space<vmem>>, vector<1x16xi32>,
    %get3A_2212 = arith.constant 0 : i32
    %get3A_2213 = arith.index_cast %get3A_2212 : i32 to index
    %get3A_2214 = arith.constant 320 : index
    %get3A_2215 = tpu.vector_load %arg7[%get3A_2213, %get3A_2214] {strides = array<i32>} : memref<1x1024xi32, #tpu.memory_space<vmem>>, vector<1x16xi32>,
    %get3A_2216 = vector.shape_cast %get3A_2215 : vector<1x16xi32> to vector<16xi32>
    %sub3A_2217 = vector.broadcast %multiple_of3A_1655 : i32 to vector<16xi32>
    %sub3A_2218 = arith.subi %get3A_2216, %sub3A_2217 : vector<16xi32>
    %ge3A_2219 = vector.broadcast %multiple_of3A_1655 : i32 to vector<16xi32>
    %ge3A_2220 = arith.cmpi sge, %get3A_2216, %ge3A_2219 : vector<16xi32>
    %lt3A_2221 = vector.broadcast %select_n3A_1654 : i32 to vector<16xi32>
    %lt3A_2222 = arith.cmpi slt, %get3A_2216, %lt3A_2221 : vector<16xi32>
    %and3A_2223 = arith.andi %ge3A_2220, %lt3A_2222 : vector<16xi1>
    %jit3A_2224 = arith.constant 25088 : i32
    %broadcast_in_dim3A_2225 = vector.broadcast %jit3A_2224 : i32 to vector<16xi32>
    %select_n3A_2226 = arith.select %and3A_2223, %sub3A_2218, %broadcast_in_dim3A_2225 : vector<16xi1>, vector<16xi32>
    %swap3A_2227 = arith.constant 0 : i32
    %swap3A_2228 = arith.index_cast %swap3A_2227 : i32 to index
    %swap3A_2229 = arith.constant 64 : index
    %swap3A_2230 = tpu.vector_load %arg8[%swap3A_2228, %swap3A_2229] {strides = array<i32>} : memref<1x128xi32, #tpu.memory_space<vmem>>, vector<1x16xi32>,
    %swap3A_2231 = vector.shape_cast %swap3A_2230 : vector<1x16xi32> to vector<16xi32>
    %swap3A_2232 = vector.shape_cast %select_n3A_2226 : vector<16xi32> to vector<1x16xi32>
    tpu.vector_store %arg8[%swap3A_2228, %swap3A_2229], %swap3A_2232 {strides = array<i32>} : memref<1x128xi32, #tpu.memory_space<vmem>>, vector<1x16xi32>,
    %get3A_2233 = arith.constant 0 : i32
    %get3A_2234 = arith.index_cast %get3A_2233 : i32 to index
    %get3A_2235 = arith.constant 336 : index
    %get3A_2236 = tpu.vector_load %arg7[%get3A_2234, %get3A_2235] {strides = array<i32>} : memref<1x1024xi32, #tpu.memory_space<vmem>>, vector<1x16xi32>,
    %get3A_2237 = vector.shape_cast %get3A_2236 : vector<1x16xi32> to vector<16xi32>
    %sub3A_2238 = vector.broadcast %multiple_of3A_1655 : i32 to vector<16xi32>
    %sub3A_2239 = arith.subi %get3A_2237, %sub3A_2238 : vector<16xi32>
    %ge3A_2240 = vector.broadcast %multiple_of3A_1655 : i32 to vector<16xi32>
    %ge3A_2241 = arith.cmpi sge, %get3A_2237, %ge3A_2240 : vector<16xi32>
    %lt3A_2242 = vector.broadcast %select_n3A_1654 : i32 to vector<16xi32>
    %lt3A_2243 = arith.cmpi slt, %get3A_2237, %lt3A_2242 : vector<16xi32>
    %and3A_2244 = arith.andi %ge3A_2241, %lt3A_2243 : vector<16xi1>
    %jit3A_2245 = arith.constant 25088 : i32
    %broadcast_in_dim3A_2246 = vector.broadcast %jit3A_2245 : i32 to vector<16xi32>
    %select_n3A_2247 = arith.select %and3A_2244, %sub3A_2239, %broadcast_in_dim3A_2246 : vector<16xi1>, vector<16xi32>
    %swap3A_2248 = arith.constant 0 : i32
    %swap3A_2249 = arith.index_cast %swap3A_2248 : i32 to index
    %swap3A_2250 = arith.constant 80 : index
    %swap3A_2251 = tpu.vector_load %arg8[%swap3A_2249, %swap3A_2250] {strides = array<i32>} : memref<1x128xi32, #tpu.memory_space<vmem>>, vector<1x16xi32>,
    %swap3A_2252 = vector.shape_cast %swap3A_2251 : vector<1x16xi32> to vector<16xi32>
    %swap3A_2253 = vector.shape_cast %select_n3A_2247 : vector<16xi32> to vector<1x16xi32>
    tpu.vector_store %arg8[%swap3A_2249, %swap3A_2250], %swap3A_2253 {strides = array<i32>} : memref<1x128xi32, #tpu.memory_space<vmem>>, vector<1x16xi32>,
    %get3A_2254 = arith.constant 0 : i32
    %get3A_2255 = arith.index_cast %get3A_2254 : i32 to index
    %get3A_2256 = arith.constant 352 : index
    %get3A_2257 = tpu.vector_load %arg7[%get3A_2255, %get3A_2256] {strides = array<i32>} : memref<1x1024xi32, #tpu.memory_space<vmem>>, vector<1x16xi32>,
    %get3A_2258 = vector.shape_cast %get3A_2257 : vector<1x16xi32> to vector<16xi32>
    %sub3A_2259 = vector.broadcast %multiple_of3A_1655 : i32 to vector<16xi32>
    %sub3A_2260 = arith.subi %get3A_2258, %sub3A_2259 : vector<16xi32>
    %ge3A_2261 = vector.broadcast %multiple_of3A_1655 : i32 to vector<16xi32>
    %ge3A_2262 = arith.cmpi sge, %get3A_2258, %ge3A_2261 : vector<16xi32>
    %lt3A_2263 = vector.broadcast %select_n3A_1654 : i32 to vector<16xi32>
    %lt3A_2264 = arith.cmpi slt, %get3A_2258, %lt3A_2263 : vector<16xi32>
    %and3A_2265 = arith.andi %ge3A_2262, %lt3A_2264 : vector<16xi1>
    %jit3A_2266 = arith.constant 25088 : i32
    %broadcast_in_dim3A_2267 = vector.broadcast %jit3A_2266 : i32 to vector<16xi32>
    %select_n3A_2268 = arith.select %and3A_2265, %sub3A_2260, %broadcast_in_dim3A_2267 : vector<16xi1>, vector<16xi32>
    %swap3A_2269 = arith.constant 0 : i32
    %swap3A_2270 = arith.index_cast %swap3A_2269 : i32 to index
    %swap3A_2271 = arith.constant 96 : index
    %swap3A_2272 = tpu.vector_load %arg8[%swap3A_2270, %swap3A_2271] {strides = array<i32>} : memref<1x128xi32, #tpu.memory_space<vmem>>, vector<1x16xi32>,
    %swap3A_2273 = vector.shape_cast %swap3A_2272 : vector<1x16xi32> to vector<16xi32>
    %swap3A_2274 = vector.shape_cast %select_n3A_2268 : vector<16xi32> to vector<1x16xi32>
    tpu.vector_store %arg8[%swap3A_2270, %swap3A_2271], %swap3A_2274 {strides = array<i32>} : memref<1x128xi32, #tpu.memory_space<vmem>>, vector<1x16xi32>,
    %get3A_2275 = arith.constant 0 : i32
    %get3A_2276 = arith.index_cast %get3A_2275 : i32 to index
    %get3A_2277 = arith.constant 368 : index
    %get3A_2278 = tpu.vector_load %arg7[%get3A_2276, %get3A_2277] {strides = array<i32>} : memref<1x1024xi32, #tpu.memory_space<vmem>>, vector<1x16xi32>,
    %get3A_2279 = vector.shape_cast %get3A_2278 : vector<1x16xi32> to vector<16xi32>
    %sub3A_2280 = vector.broadcast %multiple_of3A_1655 : i32 to vector<16xi32>
    %sub3A_2281 = arith.subi %get3A_2279, %sub3A_2280 : vector<16xi32>
    %ge3A_2282 = vector.broadcast %multiple_of3A_1655 : i32 to vector<16xi32>
    %ge3A_2283 = arith.cmpi sge, %get3A_2279, %ge3A_2282 : vector<16xi32>
    %lt3A_2284 = vector.broadcast %select_n3A_1654 : i32 to vector<16xi32>
    %lt3A_2285 = arith.cmpi slt, %get3A_2279, %lt3A_2284 : vector<16xi32>
    %and3A_2286 = arith.andi %ge3A_2283, %lt3A_2285 : vector<16xi1>
    %jit3A_2287 = arith.constant 25088 : i32
    %broadcast_in_dim3A_2288 = vector.broadcast %jit3A_2287 : i32 to vector<16xi32>
    %select_n3A_2289 = arith.select %and3A_2286, %sub3A_2281, %broadcast_in_dim3A_2288 : vector<16xi1>, vector<16xi32>
    %swap3A_2290 = arith.constant 0 : i32
    %swap3A_2291 = arith.index_cast %swap3A_2290 : i32 to index
    %swap3A_2292 = arith.constant 112 : index
    %swap3A_2293 = tpu.vector_load %arg8[%swap3A_2291, %swap3A_2292] {strides = array<i32>} : memref<1x128xi32, #tpu.memory_space<vmem>>, vector<1x16xi32>,
    %swap3A_2294 = vector.shape_cast %swap3A_2293 : vector<1x16xi32> to vector<16xi32>
    %swap3A_2295 = vector.shape_cast %select_n3A_2289 : vector<16xi32> to vector<1x16xi32>
    tpu.vector_store %arg8[%swap3A_2291, %swap3A_2292], %swap3A_2295 {strides = array<i32>} : memref<1x128xi32, #tpu.memory_space<vmem>>, vector<1x16xi32>,
    %dma_wait3A_2296 = arith.constant 0 : i32
    %dma_wait3A_2297 = arith.constant 0 : i32
    %dma_wait3A_2298 = arith.constant 0 : i32
    %dma_wait3A_2299 = arith.constant 0 : i32
    %dma_wait3A_2300 = tpu.memref_slice %arg9[%dma_wait3A_2296, %dma_wait3A_2298, %dma_wait3A_2299] : memref<2x128x64xi32, #tpu.memory_space<vmem>> -> memref<1x128x64xi32, #tpu.memory_space<vmem>>
    %dma_wait3A_2301 = tpu.memref_squeeze %dma_wait3A_2300 : memref<1x128x64xi32, #tpu.memory_space<vmem>> -> memref<128x64xi32, #tpu.memory_space<vmem>>
    %dma_wait3A_2302 = arith.constant 0 : i32
    %dma_wait3A_2303 = tpu.memref_slice %arg4[%add3A_1671, %dma_wait3A_2302] : memref<16384x64xi32, #tpu.memory_space<hbm>> -> memref<128x64xi32, #tpu.memory_space<hbm>>
    %dma_wait3A_2304 = tpu.memref_slice %arg10[%dma_wait3A_2297] : memref<2x!tpu.dma_semaphore, #tpu.memory_space<semaphore_mem>> -> memref<1x!tpu.dma_semaphore, #tpu.memory_space<semaphore_mem>>
    %dma_wait3A_2305 = tpu.memref_squeeze %dma_wait3A_2304 : memref<1x!tpu.dma_semaphore, #tpu.memory_space<semaphore_mem>> -> memref<!tpu.dma_semaphore, #tpu.memory_space<semaphore_mem>>
    %dma_wait3A_2306 = arith.constant 0 : i32
    %dma_wait3A_2307 = arith.constant 0 : i32
    %dma_wait3A_2308 = tpu.memref_slice %arg9[%dma_wait3A_2296, %dma_wait3A_2306, %dma_wait3A_2307] : memref<2x128x64xi32, #tpu.memory_space<vmem>> -> memref<1x128x64xi32, #tpu.memory_space<vmem>>
    %dma_wait3A_2309 = tpu.memref_squeeze %dma_wait3A_2308 : memref<1x128x64xi32, #tpu.memory_space<vmem>> -> memref<128x64xi32, #tpu.memory_space<vmem>>
    %dma_wait3A_2310 = arith.constant 0 : i32
    %dma_wait3A_2311 = tpu.memref_slice %arg4[%add3A_1671, %dma_wait3A_2310] : memref<16384x64xi32, #tpu.memory_space<hbm>> -> memref<128x64xi32, #tpu.memory_space<hbm>>
    tpu.wait_dma2 semaphore(%dma_wait3A_2305 : memref<!tpu.dma_semaphore, #tpu.memory_space<semaphore_mem>>) src(%dma_wait3A_2311 : memref<128x64xi32, #tpu.memory_space<hbm>>) dst(%dma_wait3A_2309 : memref<128x64xi32, #tpu.memory_space<vmem>>)
    %run_scoped3A_2312 = arith.constant 0 : i32
    %run_scoped3A_2313 = arith.constant 0 : i32
    "tpu.region"() ({
      %run_scoped3A_3310 = tpu.sem_alloc : memref<!tpu.dma_semaphore, #tpu.memory_space<semaphore_mem>>
      %dma_start3A_3311 = arith.constant 0 : i32
      %dma_start3A_3312 = arith.constant 0 : i32
      %dma_start3A_3313 = tpu.memref_slice %arg9[%run_scoped3A_2312, %dma_start3A_3311, %dma_start3A_3312] : memref<2x128x64xi32, #tpu.memory_space<vmem>> -> memref<1x128x64xi32, #tpu.memory_space<vmem>>
      %dma_start3A_3314 = tpu.memref_squeeze %dma_start3A_3313 : memref<1x128x64xi32, #tpu.memory_space<vmem>> -> memref<128x64xi32, #tpu.memory_space<vmem>>
      %dma_start3A_3315 = arith.constant 0 : i32
      %dma_start3A_3316 = tpu.memref_slice %arg8[%run_scoped3A_2313, %dma_start3A_3315] : memref<1x128xi32, #tpu.memory_space<vmem>> -> memref<1x128xi32, #tpu.memory_space<vmem>>
      %dma_start3A_3317 = tpu.memref_squeeze %dma_start3A_3316 : memref<1x128xi32, #tpu.memory_space<vmem>> -> memref<128xi32, #tpu.memory_space<vmem>>
      %dma_start3A_3318 = arith.constant 0 : i32
      %dma_start3A_3319 = arith.constant 0 : i32
      %dma_start3A_3320 = tpu.memref_slice %arg6[%dma_start3A_3318, %dma_start3A_3319] : memref<25096x64xi32, #tpu.memory_space<vmem_shared>> -> memref<25096x64xi32, #tpu.memory_space<vmem_shared>>
      tpu.enqueue_indirect_dma source(%dma_start3A_3314 : memref<128x64xi32, #tpu.memory_space<vmem>>) target(%dma_start3A_3320 : memref<25096x64xi32, #tpu.memory_space<vmem_shared>>) offsets(%dma_start3A_3317 : memref<128xi32, #tpu.memory_space<vmem>>) semaphore(%run_scoped3A_3310 : memref<!tpu.dma_semaphore, #tpu.memory_space<semaphore_mem>>) {add = true}
      %dma_wait3A_3321 = arith.constant 0 : i32
      %dma_wait3A_3322 = arith.constant 0 : i32
      %dma_wait3A_3323 = tpu.memref_slice %arg9[%run_scoped3A_2312, %dma_wait3A_3321, %dma_wait3A_3322] : memref<2x128x64xi32, #tpu.memory_space<vmem>> -> memref<1x128x64xi32, #tpu.memory_space<vmem>>
      %dma_wait3A_3324 = tpu.memref_squeeze %dma_wait3A_3323 : memref<1x128x64xi32, #tpu.memory_space<vmem>> -> memref<128x64xi32, #tpu.memory_space<vmem>>
      %dma_wait3A_3325 = arith.constant 0 : i32
      %dma_wait3A_3326 = tpu.memref_slice %arg8[%run_scoped3A_2313, %dma_wait3A_3325] : memref<1x128xi32, #tpu.memory_space<vmem>> -> memref<1x128xi32, #tpu.memory_space<vmem>>
      %dma_wait3A_3327 = tpu.memref_squeeze %dma_wait3A_3326 : memref<1x128xi32, #tpu.memory_space<vmem>> -> memref<128xi32, #tpu.memory_space<vmem>>
      %dma_wait3A_3328 = arith.constant 0 : i32
      %dma_wait3A_3329 = arith.constant 0 : i32
      %dma_wait3A_3330 = tpu.memref_slice %arg6[%dma_wait3A_3328, %dma_wait3A_3329] : memref<25096x64xi32, #tpu.memory_space<vmem_shared>> -> memref<25096x64xi32, #tpu.memory_space<vmem_shared>>
      tpu.wait_indirect_dma semaphore(%run_scoped3A_3310 : memref<!tpu.dma_semaphore, #tpu.memory_space<semaphore_mem>>) src(%dma_wait3A_3324 : memref<128x64xi32, #tpu.memory_space<vmem>>) dst(%dma_wait3A_3330 : memref<25096x64xi32, #tpu.memory_space<vmem_shared>>)
      tpu.yield
    }) : () -> ()
    %dma_start3A_2314 = arith.constant 0 : i32
    %dma_start3A_2315 = arith.constant 0 : i32
    %dma_start3A_2316 = arith.constant 0 : i32
    %dma_start3A_2317 = arith.constant 0 : i32
    %dma_start3A_2318 = tpu.memref_slice %arg9[%dma_start3A_2314, %dma_start3A_2316, %dma_start3A_2317] : memref<2x128x64xi32, #tpu.memory_space<vmem>> -> memref<1x128x64xi32, #tpu.memory_space<vmem>>
    %dma_start3A_2319 = tpu.memref_squeeze %dma_start3A_2318 : memref<1x128x64xi32, #tpu.memory_space<vmem>> -> memref<128x64xi32, #tpu.memory_space<vmem>>
    %dma_start3A_2320 = arith.constant 0 : i32
    %dma_start3A_2321 = tpu.memref_slice %arg4[%add3A_1679, %dma_start3A_2320] : memref<16384x64xi32, #tpu.memory_space<hbm>> -> memref<128x64xi32, #tpu.memory_space<hbm>>
    %dma_start3A_2322 = tpu.memref_slice %arg10[%dma_start3A_2315] : memref<2x!tpu.dma_semaphore, #tpu.memory_space<semaphore_mem>> -> memref<1x!tpu.dma_semaphore, #tpu.memory_space<semaphore_mem>>
    %dma_start3A_2323 = tpu.memref_squeeze %dma_start3A_2322 : memref<1x!tpu.dma_semaphore, #tpu.memory_space<semaphore_mem>> -> memref<!tpu.dma_semaphore, #tpu.memory_space<semaphore_mem>>
    %dma_start3A_2324 = arith.constant 0 : i32
    %dma_start3A_2325 = arith.constant 0 : i32
    %dma_start3A_2326 = tpu.memref_slice %arg9[%dma_start3A_2314, %dma_start3A_2324, %dma_start3A_2325] : memref<2x128x64xi32, #tpu.memory_space<vmem>> -> memref<1x128x64xi32, #tpu.memory_space<vmem>>
    %dma_start3A_2327 = tpu.memref_squeeze %dma_start3A_2326 : memref<1x128x64xi32, #tpu.memory_space<vmem>> -> memref<128x64xi32, #tpu.memory_space<vmem>>
    %dma_start3A_2328 = arith.constant 0 : i32
    %dma_start3A_2329 = tpu.memref_slice %arg4[%add3A_1679, %dma_start3A_2328] : memref<16384x64xi32, #tpu.memory_space<hbm>> -> memref<128x64xi32, #tpu.memory_space<hbm>>
    tpu.enqueue_dma source(%dma_start3A_2329 : memref<128x64xi32, #tpu.memory_space<hbm>>) target(%dma_start3A_2327 : memref<128x64xi32, #tpu.memory_space<vmem>>) target_semaphore(%dma_start3A_2323 : memref<!tpu.dma_semaphore, #tpu.memory_space<semaphore_mem>>)
    %get3A_2330 = arith.constant 0 : i32
    %get3A_2331 = arith.index_cast %get3A_2330 : i32 to index
    %get3A_2332 = arith.constant 384 : index
    %get3A_2333 = tpu.vector_load %arg7[%get3A_2331, %get3A_2332] {strides = array<i32>} : memref<1x1024xi32, #tpu.memory_space<vmem>>, vector<1x16xi32>,
    %get3A_2334 = vector.shape_cast %get3A_2333 : vector<1x16xi32> to vector<16xi32>
    %sub3A_2335 = vector.broadcast %multiple_of3A_1655 : i32 to vector<16xi32>
    %sub3A_2336 = arith.subi %get3A_2334, %sub3A_2335 : vector<16xi32>
    %ge3A_2337 = vector.broadcast %multiple_of3A_1655 : i32 to vector<16xi32>
    %ge3A_2338 = arith.cmpi sge, %get3A_2334, %ge3A_2337 : vector<16xi32>
    %lt3A_2339 = vector.broadcast %select_n3A_1654 : i32 to vector<16xi32>
    %lt3A_2340 = arith.cmpi slt, %get3A_2334, %lt3A_2339 : vector<16xi32>
    %and3A_2341 = arith.andi %ge3A_2338, %lt3A_2340 : vector<16xi1>
    %jit3A_2342 = arith.constant 25088 : i32
    %broadcast_in_dim3A_2343 = vector.broadcast %jit3A_2342 : i32 to vector<16xi32>
    %select_n3A_2344 = arith.select %and3A_2341, %sub3A_2336, %broadcast_in_dim3A_2343 : vector<16xi1>, vector<16xi32>
    %swap3A_2345 = arith.constant 0 : i32
    %swap3A_2346 = arith.index_cast %swap3A_2345 : i32 to index
    %swap3A_2347 = arith.constant 0 : index
    %swap3A_2348 = tpu.vector_load %arg8[%swap3A_2346, %swap3A_2347] {strides = array<i32>} : memref<1x128xi32, #tpu.memory_space<vmem>>, vector<1x16xi32>,
    %swap3A_2349 = vector.shape_cast %swap3A_2348 : vector<1x16xi32> to vector<16xi32>
    %swap3A_2350 = vector.shape_cast %select_n3A_2344 : vector<16xi32> to vector<1x16xi32>
    tpu.vector_store %arg8[%swap3A_2346, %swap3A_2347], %swap3A_2350 {strides = array<i32>} : memref<1x128xi32, #tpu.memory_space<vmem>>, vector<1x16xi32>,
    %get3A_2351 = arith.constant 0 : i32
    %get3A_2352 = arith.index_cast %get3A_2351 : i32 to index
    %get3A_2353 = arith.constant 400 : index
    %get3A_2354 = tpu.vector_load %arg7[%get3A_2352, %get3A_2353] {strides = array<i32>} : memref<1x1024xi32, #tpu.memory_space<vmem>>, vector<1x16xi32>,
    %get3A_2355 = vector.shape_cast %get3A_2354 : vector<1x16xi32> to vector<16xi32>
    %sub3A_2356 = vector.broadcast %multiple_of3A_1655 : i32 to vector<16xi32>
    %sub3A_2357 = arith.subi %get3A_2355, %sub3A_2356 : vector<16xi32>
    %ge3A_2358 = vector.broadcast %multiple_of3A_1655 : i32 to vector<16xi32>
    %ge3A_2359 = arith.cmpi sge, %get3A_2355, %ge3A_2358 : vector<16xi32>
    %lt3A_2360 = vector.broadcast %select_n3A_1654 : i32 to vector<16xi32>
    %lt3A_2361 = arith.cmpi slt, %get3A_2355, %lt3A_2360 : vector<16xi32>
    %and3A_2362 = arith.andi %ge3A_2359, %lt3A_2361 : vector<16xi1>
    %jit3A_2363 = arith.constant 25088 : i32
    %broadcast_in_dim3A_2364 = vector.broadcast %jit3A_2363 : i32 to vector<16xi32>
    %select_n3A_2365 = arith.select %and3A_2362, %sub3A_2357, %broadcast_in_dim3A_2364 : vector<16xi1>, vector<16xi32>
    %swap3A_2366 = arith.constant 0 : i32
    %swap3A_2367 = arith.index_cast %swap3A_2366 : i32 to index
    %swap3A_2368 = arith.constant 16 : index
    %swap3A_2369 = tpu.vector_load %arg8[%swap3A_2367, %swap3A_2368] {strides = array<i32>} : memref<1x128xi32, #tpu.memory_space<vmem>>, vector<1x16xi32>,
    %swap3A_2370 = vector.shape_cast %swap3A_2369 : vector<1x16xi32> to vector<16xi32>
    %swap3A_2371 = vector.shape_cast %select_n3A_2365 : vector<16xi32> to vector<1x16xi32>
    tpu.vector_store %arg8[%swap3A_2367, %swap3A_2368], %swap3A_2371 {strides = array<i32>} : memref<1x128xi32, #tpu.memory_space<vmem>>, vector<1x16xi32>,
    %get3A_2372 = arith.constant 0 : i32
    %get3A_2373 = arith.index_cast %get3A_2372 : i32 to index
    %get3A_2374 = arith.constant 416 : index
    %get3A_2375 = tpu.vector_load %arg7[%get3A_2373, %get3A_2374] {strides = array<i32>} : memref<1x1024xi32, #tpu.memory_space<vmem>>, vector<1x16xi32>,
    %get3A_2376 = vector.shape_cast %get3A_2375 : vector<1x16xi32> to vector<16xi32>
    %sub3A_2377 = vector.broadcast %multiple_of3A_1655 : i32 to vector<16xi32>
    %sub3A_2378 = arith.subi %get3A_2376, %sub3A_2377 : vector<16xi32>
    %ge3A_2379 = vector.broadcast %multiple_of3A_1655 : i32 to vector<16xi32>
    %ge3A_2380 = arith.cmpi sge, %get3A_2376, %ge3A_2379 : vector<16xi32>
    %lt3A_2381 = vector.broadcast %select_n3A_1654 : i32 to vector<16xi32>
    %lt3A_2382 = arith.cmpi slt, %get3A_2376, %lt3A_2381 : vector<16xi32>
    %and3A_2383 = arith.andi %ge3A_2380, %lt3A_2382 : vector<16xi1>
    %jit3A_2384 = arith.constant 25088 : i32
    %broadcast_in_dim3A_2385 = vector.broadcast %jit3A_2384 : i32 to vector<16xi32>
    %select_n3A_2386 = arith.select %and3A_2383, %sub3A_2378, %broadcast_in_dim3A_2385 : vector<16xi1>, vector<16xi32>
    %swap3A_2387 = arith.constant 0 : i32
    %swap3A_2388 = arith.index_cast %swap3A_2387 : i32 to index
    %swap3A_2389 = arith.constant 32 : index
    %swap3A_2390 = tpu.vector_load %arg8[%swap3A_2388, %swap3A_2389] {strides = array<i32>} : memref<1x128xi32, #tpu.memory_space<vmem>>, vector<1x16xi32>,
    %swap3A_2391 = vector.shape_cast %swap3A_2390 : vector<1x16xi32> to vector<16xi32>
    %swap3A_2392 = vector.shape_cast %select_n3A_2386 : vector<16xi32> to vector<1x16xi32>
    tpu.vector_store %arg8[%swap3A_2388, %swap3A_2389], %swap3A_2392 {strides = array<i32>} : memref<1x128xi32, #tpu.memory_space<vmem>>, vector<1x16xi32>,
    %get3A_2393 = arith.constant 0 : i32
    %get3A_2394 = arith.index_cast %get3A_2393 : i32 to index
    %get3A_2395 = arith.constant 432 : index
    %get3A_2396 = tpu.vector_load %arg7[%get3A_2394, %get3A_2395] {strides = array<i32>} : memref<1x1024xi32, #tpu.memory_space<vmem>>, vector<1x16xi32>,
    %get3A_2397 = vector.shape_cast %get3A_2396 : vector<1x16xi32> to vector<16xi32>
    %sub3A_2398 = vector.broadcast %multiple_of3A_1655 : i32 to vector<16xi32>
    %sub3A_2399 = arith.subi %get3A_2397, %sub3A_2398 : vector<16xi32>
    %ge3A_2400 = vector.broadcast %multiple_of3A_1655 : i32 to vector<16xi32>
    %ge3A_2401 = arith.cmpi sge, %get3A_2397, %ge3A_2400 : vector<16xi32>
    %lt3A_2402 = vector.broadcast %select_n3A_1654 : i32 to vector<16xi32>
    %lt3A_2403 = arith.cmpi slt, %get3A_2397, %lt3A_2402 : vector<16xi32>
    %and3A_2404 = arith.andi %ge3A_2401, %lt3A_2403 : vector<16xi1>
    %jit3A_2405 = arith.constant 25088 : i32
    %broadcast_in_dim3A_2406 = vector.broadcast %jit3A_2405 : i32 to vector<16xi32>
    %select_n3A_2407 = arith.select %and3A_2404, %sub3A_2399, %broadcast_in_dim3A_2406 : vector<16xi1>, vector<16xi32>
    %swap3A_2408 = arith.constant 0 : i32
    %swap3A_2409 = arith.index_cast %swap3A_2408 : i32 to index
    %swap3A_2410 = arith.constant 48 : index
    %swap3A_2411 = tpu.vector_load %arg8[%swap3A_2409, %swap3A_2410] {strides = array<i32>} : memref<1x128xi32, #tpu.memory_space<vmem>>, vector<1x16xi32>,
    %swap3A_2412 = vector.shape_cast %swap3A_2411 : vector<1x16xi32> to vector<16xi32>
    %swap3A_2413 = vector.shape_cast %select_n3A_2407 : vector<16xi32> to vector<1x16xi32>
    tpu.vector_store %arg8[%swap3A_2409, %swap3A_2410], %swap3A_2413 {strides = array<i32>} : memref<1x128xi32, #tpu.memory_space<vmem>>, vector<1x16xi32>,
    %get3A_2414 = arith.constant 0 : i32
    %get3A_2415 = arith.index_cast %get3A_2414 : i32 to index
    %get3A_2416 = arith.constant 448 : index
    %get3A_2417 = tpu.vector_load %arg7[%get3A_2415, %get3A_2416] {strides = array<i32>} : memref<1x1024xi32, #tpu.memory_space<vmem>>, vector<1x16xi32>,
    %get3A_2418 = vector.shape_cast %get3A_2417 : vector<1x16xi32> to vector<16xi32>
    %sub3A_2419 = vector.broadcast %multiple_of3A_1655 : i32 to vector<16xi32>
    %sub3A_2420 = arith.subi %get3A_2418, %sub3A_2419 : vector<16xi32>
    %ge3A_2421 = vector.broadcast %multiple_of3A_1655 : i32 to vector<16xi32>
    %ge3A_2422 = arith.cmpi sge, %get3A_2418, %ge3A_2421 : vector<16xi32>
    %lt3A_2423 = vector.broadcast %select_n3A_1654 : i32 to vector<16xi32>
    %lt3A_2424 = arith.cmpi slt, %get3A_2418, %lt3A_2423 : vector<16xi32>
    %and3A_2425 = arith.andi %ge3A_2422, %lt3A_2424 : vector<16xi1>
    %jit3A_2426 = arith.constant 25088 : i32
    %broadcast_in_dim3A_2427 = vector.broadcast %jit3A_2426 : i32 to vector<16xi32>
    %select_n3A_2428 = arith.select %and3A_2425, %sub3A_2420, %broadcast_in_dim3A_2427 : vector<16xi1>, vector<16xi32>
    %swap3A_2429 = arith.constant 0 : i32
    %swap3A_2430 = arith.index_cast %swap3A_2429 : i32 to index
    %swap3A_2431 = arith.constant 64 : index
    %swap3A_2432 = tpu.vector_load %arg8[%swap3A_2430, %swap3A_2431] {strides = array<i32>} : memref<1x128xi32, #tpu.memory_space<vmem>>, vector<1x16xi32>,
    %swap3A_2433 = vector.shape_cast %swap3A_2432 : vector<1x16xi32> to vector<16xi32>
    %swap3A_2434 = vector.shape_cast %select_n3A_2428 : vector<16xi32> to vector<1x16xi32>
    tpu.vector_store %arg8[%swap3A_2430, %swap3A_2431], %swap3A_2434 {strides = array<i32>} : memref<1x128xi32, #tpu.memory_space<vmem>>, vector<1x16xi32>,
    %get3A_2435 = arith.constant 0 : i32
    %get3A_2436 = arith.index_cast %get3A_2435 : i32 to index
    %get3A_2437 = arith.constant 464 : index
    %get3A_2438 = tpu.vector_load %arg7[%get3A_2436, %get3A_2437] {strides = array<i32>} : memref<1x1024xi32, #tpu.memory_space<vmem>>, vector<1x16xi32>,
    %get3A_2439 = vector.shape_cast %get3A_2438 : vector<1x16xi32> to vector<16xi32>
    %sub3A_2440 = vector.broadcast %multiple_of3A_1655 : i32 to vector<16xi32>
    %sub3A_2441 = arith.subi %get3A_2439, %sub3A_2440 : vector<16xi32>
    %ge3A_2442 = vector.broadcast %multiple_of3A_1655 : i32 to vector<16xi32>
    %ge3A_2443 = arith.cmpi sge, %get3A_2439, %ge3A_2442 : vector<16xi32>
    %lt3A_2444 = vector.broadcast %select_n3A_1654 : i32 to vector<16xi32>
    %lt3A_2445 = arith.cmpi slt, %get3A_2439, %lt3A_2444 : vector<16xi32>
    %and3A_2446 = arith.andi %ge3A_2443, %lt3A_2445 : vector<16xi1>
    %jit3A_2447 = arith.constant 25088 : i32
    %broadcast_in_dim3A_2448 = vector.broadcast %jit3A_2447 : i32 to vector<16xi32>
    %select_n3A_2449 = arith.select %and3A_2446, %sub3A_2441, %broadcast_in_dim3A_2448 : vector<16xi1>, vector<16xi32>
    %swap3A_2450 = arith.constant 0 : i32
    %swap3A_2451 = arith.index_cast %swap3A_2450 : i32 to index
    %swap3A_2452 = arith.constant 80 : index
    %swap3A_2453 = tpu.vector_load %arg8[%swap3A_2451, %swap3A_2452] {strides = array<i32>} : memref<1x128xi32, #tpu.memory_space<vmem>>, vector<1x16xi32>,
    %swap3A_2454 = vector.shape_cast %swap3A_2453 : vector<1x16xi32> to vector<16xi32>
    %swap3A_2455 = vector.shape_cast %select_n3A_2449 : vector<16xi32> to vector<1x16xi32>
    tpu.vector_store %arg8[%swap3A_2451, %swap3A_2452], %swap3A_2455 {strides = array<i32>} : memref<1x128xi32, #tpu.memory_space<vmem>>, vector<1x16xi32>,
    %get3A_2456 = arith.constant 0 : i32
    %get3A_2457 = arith.index_cast %get3A_2456 : i32 to index
    %get3A_2458 = arith.constant 480 : index
    %get3A_2459 = tpu.vector_load %arg7[%get3A_2457, %get3A_2458] {strides = array<i32>} : memref<1x1024xi32, #tpu.memory_space<vmem>>, vector<1x16xi32>,
    %get3A_2460 = vector.shape_cast %get3A_2459 : vector<1x16xi32> to vector<16xi32>
    %sub3A_2461 = vector.broadcast %multiple_of3A_1655 : i32 to vector<16xi32>
    %sub3A_2462 = arith.subi %get3A_2460, %sub3A_2461 : vector<16xi32>
    %ge3A_2463 = vector.broadcast %multiple_of3A_1655 : i32 to vector<16xi32>
    %ge3A_2464 = arith.cmpi sge, %get3A_2460, %ge3A_2463 : vector<16xi32>
    %lt3A_2465 = vector.broadcast %select_n3A_1654 : i32 to vector<16xi32>
    %lt3A_2466 = arith.cmpi slt, %get3A_2460, %lt3A_2465 : vector<16xi32>
    %and3A_2467 = arith.andi %ge3A_2464, %lt3A_2466 : vector<16xi1>
    %jit3A_2468 = arith.constant 25088 : i32
    %broadcast_in_dim3A_2469 = vector.broadcast %jit3A_2468 : i32 to vector<16xi32>
    %select_n3A_2470 = arith.select %and3A_2467, %sub3A_2462, %broadcast_in_dim3A_2469 : vector<16xi1>, vector<16xi32>
    %swap3A_2471 = arith.constant 0 : i32
    %swap3A_2472 = arith.index_cast %swap3A_2471 : i32 to index
    %swap3A_2473 = arith.constant 96 : index
    %swap3A_2474 = tpu.vector_load %arg8[%swap3A_2472, %swap3A_2473] {strides = array<i32>} : memref<1x128xi32, #tpu.memory_space<vmem>>, vector<1x16xi32>,
    %swap3A_2475 = vector.shape_cast %swap3A_2474 : vector<1x16xi32> to vector<16xi32>
    %swap3A_2476 = vector.shape_cast %select_n3A_2470 : vector<16xi32> to vector<1x16xi32>
    tpu.vector_store %arg8[%swap3A_2472, %swap3A_2473], %swap3A_2476 {strides = array<i32>} : memref<1x128xi32, #tpu.memory_space<vmem>>, vector<1x16xi32>,
    %get3A_2477 = arith.constant 0 : i32
    %get3A_2478 = arith.index_cast %get3A_2477 : i32 to index
    %get3A_2479 = arith.constant 496 : index
    %get3A_2480 = tpu.vector_load %arg7[%get3A_2478, %get3A_2479] {strides = array<i32>} : memref<1x1024xi32, #tpu.memory_space<vmem>>, vector<1x16xi32>,
    %get3A_2481 = vector.shape_cast %get3A_2480 : vector<1x16xi32> to vector<16xi32>
    %sub3A_2482 = vector.broadcast %multiple_of3A_1655 : i32 to vector<16xi32>
    %sub3A_2483 = arith.subi %get3A_2481, %sub3A_2482 : vector<16xi32>
    %ge3A_2484 = vector.broadcast %multiple_of3A_1655 : i32 to vector<16xi32>
    %ge3A_2485 = arith.cmpi sge, %get3A_2481, %ge3A_2484 : vector<16xi32>
    %lt3A_2486 = vector.broadcast %select_n3A_1654 : i32 to vector<16xi32>
    %lt3A_2487 = arith.cmpi slt, %get3A_2481, %lt3A_2486 : vector<16xi32>
    %and3A_2488 = arith.andi %ge3A_2485, %lt3A_2487 : vector<16xi1>
    %jit3A_2489 = arith.constant 25088 : i32
    %broadcast_in_dim3A_2490 = vector.broadcast %jit3A_2489 : i32 to vector<16xi32>
    %select_n3A_2491 = arith.select %and3A_2488, %sub3A_2483, %broadcast_in_dim3A_2490 : vector<16xi1>, vector<16xi32>
    %swap3A_2492 = arith.constant 0 : i32
    %swap3A_2493 = arith.index_cast %swap3A_2492 : i32 to index
    %swap3A_2494 = arith.constant 112 : index
    %swap3A_2495 = tpu.vector_load %arg8[%swap3A_2493, %swap3A_2494] {strides = array<i32>} : memref<1x128xi32, #tpu.memory_space<vmem>>, vector<1x16xi32>,
    %swap3A_2496 = vector.shape_cast %swap3A_2495 : vector<1x16xi32> to vector<16xi32>
    %swap3A_2497 = vector.shape_cast %select_n3A_2491 : vector<16xi32> to vector<1x16xi32>
    tpu.vector_store %arg8[%swap3A_2493, %swap3A_2494], %swap3A_2497 {strides = array<i32>} : memref<1x128xi32, #tpu.memory_space<vmem>>, vector<1x16xi32>,
    %dma_wait3A_2498 = arith.constant 1 : i32
    %dma_wait3A_2499 = arith.constant 1 : i32
    %dma_wait3A_2500 = arith.constant 0 : i32
    %dma_wait3A_2501 = arith.constant 0 : i32
    %dma_wait3A_2502 = tpu.memref_slice %arg9[%dma_wait3A_2498, %dma_wait3A_2500, %dma_wait3A_2501] : memref<2x128x64xi32, #tpu.memory_space<vmem>> -> memref<1x128x64xi32, #tpu.memory_space<vmem>>
    %dma_wait3A_2503 = tpu.memref_squeeze %dma_wait3A_2502 : memref<1x128x64xi32, #tpu.memory_space<vmem>> -> memref<128x64xi32, #tpu.memory_space<vmem>>
    %dma_wait3A_2504 = arith.constant 0 : i32
    %dma_wait3A_2505 = tpu.memref_slice %arg4[%add3A_1675, %dma_wait3A_2504] : memref<16384x64xi32, #tpu.memory_space<hbm>> -> memref<128x64xi32, #tpu.memory_space<hbm>>
    %dma_wait3A_2506 = tpu.memref_slice %arg10[%dma_wait3A_2499] : memref<2x!tpu.dma_semaphore, #tpu.memory_space<semaphore_mem>> -> memref<1x!tpu.dma_semaphore, #tpu.memory_space<semaphore_mem>>
    %dma_wait3A_2507 = tpu.memref_squeeze %dma_wait3A_2506 : memref<1x!tpu.dma_semaphore, #tpu.memory_space<semaphore_mem>> -> memref<!tpu.dma_semaphore, #tpu.memory_space<semaphore_mem>>
    %dma_wait3A_2508 = arith.constant 0 : i32
    %dma_wait3A_2509 = arith.constant 0 : i32
    %dma_wait3A_2510 = tpu.memref_slice %arg9[%dma_wait3A_2498, %dma_wait3A_2508, %dma_wait3A_2509] : memref<2x128x64xi32, #tpu.memory_space<vmem>> -> memref<1x128x64xi32, #tpu.memory_space<vmem>>
    %dma_wait3A_2511 = tpu.memref_squeeze %dma_wait3A_2510 : memref<1x128x64xi32, #tpu.memory_space<vmem>> -> memref<128x64xi32, #tpu.memory_space<vmem>>
    %dma_wait3A_2512 = arith.constant 0 : i32
    %dma_wait3A_2513 = tpu.memref_slice %arg4[%add3A_1675, %dma_wait3A_2512] : memref<16384x64xi32, #tpu.memory_space<hbm>> -> memref<128x64xi32, #tpu.memory_space<hbm>>
    tpu.wait_dma2 semaphore(%dma_wait3A_2507 : memref<!tpu.dma_semaphore, #tpu.memory_space<semaphore_mem>>) src(%dma_wait3A_2513 : memref<128x64xi32, #tpu.memory_space<hbm>>) dst(%dma_wait3A_2511 : memref<128x64xi32, #tpu.memory_space<vmem>>)
    %run_scoped3A_2514 = arith.constant 1 : i32
    %run_scoped3A_2515 = arith.constant 0 : i32
    "tpu.region"() ({
      %run_scoped3A_3310 = tpu.sem_alloc : memref<!tpu.dma_semaphore, #tpu.memory_space<semaphore_mem>>
      %dma_start3A_3311 = arith.constant 0 : i32
      %dma_start3A_3312 = arith.constant 0 : i32
      %dma_start3A_3313 = tpu.memref_slice %arg9[%run_scoped3A_2514, %dma_start3A_3311, %dma_start3A_3312] : memref<2x128x64xi32, #tpu.memory_space<vmem>> -> memref<1x128x64xi32, #tpu.memory_space<vmem>>
      %dma_start3A_3314 = tpu.memref_squeeze %dma_start3A_3313 : memref<1x128x64xi32, #tpu.memory_space<vmem>> -> memref<128x64xi32, #tpu.memory_space<vmem>>
      %dma_start3A_3315 = arith.constant 0 : i32
      %dma_start3A_3316 = tpu.memref_slice %arg8[%run_scoped3A_2515, %dma_start3A_3315] : memref<1x128xi32, #tpu.memory_space<vmem>> -> memref<1x128xi32, #tpu.memory_space<vmem>>
      %dma_start3A_3317 = tpu.memref_squeeze %dma_start3A_3316 : memref<1x128xi32, #tpu.memory_space<vmem>> -> memref<128xi32, #tpu.memory_space<vmem>>
      %dma_start3A_3318 = arith.constant 0 : i32
      %dma_start3A_3319 = arith.constant 0 : i32
      %dma_start3A_3320 = tpu.memref_slice %arg6[%dma_start3A_3318, %dma_start3A_3319] : memref<25096x64xi32, #tpu.memory_space<vmem_shared>> -> memref<25096x64xi32, #tpu.memory_space<vmem_shared>>
      tpu.enqueue_indirect_dma source(%dma_start3A_3314 : memref<128x64xi32, #tpu.memory_space<vmem>>) target(%dma_start3A_3320 : memref<25096x64xi32, #tpu.memory_space<vmem_shared>>) offsets(%dma_start3A_3317 : memref<128xi32, #tpu.memory_space<vmem>>) semaphore(%run_scoped3A_3310 : memref<!tpu.dma_semaphore, #tpu.memory_space<semaphore_mem>>) {add = true}
      %dma_wait3A_3321 = arith.constant 0 : i32
      %dma_wait3A_3322 = arith.constant 0 : i32
      %dma_wait3A_3323 = tpu.memref_slice %arg9[%run_scoped3A_2514, %dma_wait3A_3321, %dma_wait3A_3322] : memref<2x128x64xi32, #tpu.memory_space<vmem>> -> memref<1x128x64xi32, #tpu.memory_space<vmem>>
      %dma_wait3A_3324 = tpu.memref_squeeze %dma_wait3A_3323 : memref<1x128x64xi32, #tpu.memory_space<vmem>> -> memref<128x64xi32, #tpu.memory_space<vmem>>
      %dma_wait3A_3325 = arith.constant 0 : i32
      %dma_wait3A_3326 = tpu.memref_slice %arg8[%run_scoped3A_2515, %dma_wait3A_3325] : memref<1x128xi32, #tpu.memory_space<vmem>> -> memref<1x128xi32, #tpu.memory_space<vmem>>
      %dma_wait3A_3327 = tpu.memref_squeeze %dma_wait3A_3326 : memref<1x128xi32, #tpu.memory_space<vmem>> -> memref<128xi32, #tpu.memory_space<vmem>>
      %dma_wait3A_3328 = arith.constant 0 : i32
      %dma_wait3A_3329 = arith.constant 0 : i32
      %dma_wait3A_3330 = tpu.memref_slice %arg6[%dma_wait3A_3328, %dma_wait3A_3329] : memref<25096x64xi32, #tpu.memory_space<vmem_shared>> -> memref<25096x64xi32, #tpu.memory_space<vmem_shared>>
      tpu.wait_indirect_dma semaphore(%run_scoped3A_3310 : memref<!tpu.dma_semaphore, #tpu.memory_space<semaphore_mem>>) src(%dma_wait3A_3324 : memref<128x64xi32, #tpu.memory_space<vmem>>) dst(%dma_wait3A_3330 : memref<25096x64xi32, #tpu.memory_space<vmem_shared>>)
      tpu.yield
    }) : () -> ()
    %dma_start3A_2516 = arith.constant 1 : i32
    %dma_start3A_2517 = arith.constant 1 : i32
    %dma_start3A_2518 = arith.constant 0 : i32
    %dma_start3A_2519 = arith.constant 0 : i32
    %dma_start3A_2520 = tpu.memref_slice %arg9[%dma_start3A_2516, %dma_start3A_2518, %dma_start3A_2519] : memref<2x128x64xi32, #tpu.memory_space<vmem>> -> memref<1x128x64xi32, #tpu.memory_space<vmem>>
    %dma_start3A_2521 = tpu.memref_squeeze %dma_start3A_2520 : memref<1x128x64xi32, #tpu.memory_space<vmem>> -> memref<128x64xi32, #tpu.memory_space<vmem>>
    %dma_start3A_2522 = arith.constant 0 : i32
    %dma_start3A_2523 = tpu.memref_slice %arg4[%add3A_1683, %dma_start3A_2522] : memref<16384x64xi32, #tpu.memory_space<hbm>> -> memref<128x64xi32, #tpu.memory_space<hbm>>
    %dma_start3A_2524 = tpu.memref_slice %arg10[%dma_start3A_2517] : memref<2x!tpu.dma_semaphore, #tpu.memory_space<semaphore_mem>> -> memref<1x!tpu.dma_semaphore, #tpu.memory_space<semaphore_mem>>
    %dma_start3A_2525 = tpu.memref_squeeze %dma_start3A_2524 : memref<1x!tpu.dma_semaphore, #tpu.memory_space<semaphore_mem>> -> memref<!tpu.dma_semaphore, #tpu.memory_space<semaphore_mem>>
    %dma_start3A_2526 = arith.constant 0 : i32
    %dma_start3A_2527 = arith.constant 0 : i32
    %dma_start3A_2528 = tpu.memref_slice %arg9[%dma_start3A_2516, %dma_start3A_2526, %dma_start3A_2527] : memref<2x128x64xi32, #tpu.memory_space<vmem>> -> memref<1x128x64xi32, #tpu.memory_space<vmem>>
    %dma_start3A_2529 = tpu.memref_squeeze %dma_start3A_2528 : memref<1x128x64xi32, #tpu.memory_space<vmem>> -> memref<128x64xi32, #tpu.memory_space<vmem>>
    %dma_start3A_2530 = arith.constant 0 : i32
    %dma_start3A_2531 = tpu.memref_slice %arg4[%add3A_1683, %dma_start3A_2530] : memref<16384x64xi32, #tpu.memory_space<hbm>> -> memref<128x64xi32, #tpu.memory_space<hbm>>
    tpu.enqueue_dma source(%dma_start3A_2531 : memref<128x64xi32, #tpu.memory_space<hbm>>) target(%dma_start3A_2529 : memref<128x64xi32, #tpu.memory_space<vmem>>) target_semaphore(%dma_start3A_2525 : memref<!tpu.dma_semaphore, #tpu.memory_space<semaphore_mem>>)
    %get3A_2532 = arith.constant 0 : i32
    %get3A_2533 = arith.index_cast %get3A_2532 : i32 to index
    %get3A_2534 = arith.constant 512 : index
    %get3A_2535 = tpu.vector_load %arg7[%get3A_2533, %get3A_2534] {strides = array<i32>} : memref<1x1024xi32, #tpu.memory_space<vmem>>, vector<1x16xi32>,
    %get3A_2536 = vector.shape_cast %get3A_2535 : vector<1x16xi32> to vector<16xi32>
    %sub3A_2537 = vector.broadcast %multiple_of3A_1655 : i32 to vector<16xi32>
    %sub3A_2538 = arith.subi %get3A_2536, %sub3A_2537 : vector<16xi32>
    %ge3A_2539 = vector.broadcast %multiple_of3A_1655 : i32 to vector<16xi32>
    %ge3A_2540 = arith.cmpi sge, %get3A_2536, %ge3A_2539 : vector<16xi32>
    %lt3A_2541 = vector.broadcast %select_n3A_1654 : i32 to vector<16xi32>
    %lt3A_2542 = arith.cmpi slt, %get3A_2536, %lt3A_2541 : vector<16xi32>
    %and3A_2543 = arith.andi %ge3A_2540, %lt3A_2542 : vector<16xi1>
    %jit3A_2544 = arith.constant 25088 : i32
    %broadcast_in_dim3A_2545 = vector.broadcast %jit3A_2544 : i32 to vector<16xi32>
    %select_n3A_2546 = arith.select %and3A_2543, %sub3A_2538, %broadcast_in_dim3A_2545 : vector<16xi1>, vector<16xi32>
    %swap3A_2547 = arith.constant 0 : i32
    %swap3A_2548 = arith.index_cast %swap3A_2547 : i32 to index
    %swap3A_2549 = arith.constant 0 : index
    %swap3A_2550 = tpu.vector_load %arg8[%swap3A_2548, %swap3A_2549] {strides = array<i32>} : memref<1x128xi32, #tpu.memory_space<vmem>>, vector<1x16xi32>,
    %swap3A_2551 = vector.shape_cast %swap3A_2550 : vector<1x16xi32> to vector<16xi32>
    %swap3A_2552 = vector.shape_cast %select_n3A_2546 : vector<16xi32> to vector<1x16xi32>
    tpu.vector_store %arg8[%swap3A_2548, %swap3A_2549], %swap3A_2552 {strides = array<i32>} : memref<1x128xi32, #tpu.memory_space<vmem>>, vector<1x16xi32>,
    %get3A_2553 = arith.constant 0 : i32
    %get3A_2554 = arith.index_cast %get3A_2553 : i32 to index
    %get3A_2555 = arith.constant 528 : index
    %get3A_2556 = tpu.vector_load %arg7[%get3A_2554, %get3A_2555] {strides = array<i32>} : memref<1x1024xi32, #tpu.memory_space<vmem>>, vector<1x16xi32>,
    %get3A_2557 = vector.shape_cast %get3A_2556 : vector<1x16xi32> to vector<16xi32>
    %sub3A_2558 = vector.broadcast %multiple_of3A_1655 : i32 to vector<16xi32>
    %sub3A_2559 = arith.subi %get3A_2557, %sub3A_2558 : vector<16xi32>
    %ge3A_2560 = vector.broadcast %multiple_of3A_1655 : i32 to vector<16xi32>
    %ge3A_2561 = arith.cmpi sge, %get3A_2557, %ge3A_2560 : vector<16xi32>
    %lt3A_2562 = vector.broadcast %select_n3A_1654 : i32 to vector<16xi32>
    %lt3A_2563 = arith.cmpi slt, %get3A_2557, %lt3A_2562 : vector<16xi32>
    %and3A_2564 = arith.andi %ge3A_2561, %lt3A_2563 : vector<16xi1>
    %jit3A_2565 = arith.constant 25088 : i32
    %broadcast_in_dim3A_2566 = vector.broadcast %jit3A_2565 : i32 to vector<16xi32>
    %select_n3A_2567 = arith.select %and3A_2564, %sub3A_2559, %broadcast_in_dim3A_2566 : vector<16xi1>, vector<16xi32>
    %swap3A_2568 = arith.constant 0 : i32
    %swap3A_2569 = arith.index_cast %swap3A_2568 : i32 to index
    %swap3A_2570 = arith.constant 16 : index
    %swap3A_2571 = tpu.vector_load %arg8[%swap3A_2569, %swap3A_2570] {strides = array<i32>} : memref<1x128xi32, #tpu.memory_space<vmem>>, vector<1x16xi32>,
    %swap3A_2572 = vector.shape_cast %swap3A_2571 : vector<1x16xi32> to vector<16xi32>
    %swap3A_2573 = vector.shape_cast %select_n3A_2567 : vector<16xi32> to vector<1x16xi32>
    tpu.vector_store %arg8[%swap3A_2569, %swap3A_2570], %swap3A_2573 {strides = array<i32>} : memref<1x128xi32, #tpu.memory_space<vmem>>, vector<1x16xi32>,
    %get3A_2574 = arith.constant 0 : i32
    %get3A_2575 = arith.index_cast %get3A_2574 : i32 to index
    %get3A_2576 = arith.constant 544 : index
    %get3A_2577 = tpu.vector_load %arg7[%get3A_2575, %get3A_2576] {strides = array<i32>} : memref<1x1024xi32, #tpu.memory_space<vmem>>, vector<1x16xi32>,
    %get3A_2578 = vector.shape_cast %get3A_2577 : vector<1x16xi32> to vector<16xi32>
    %sub3A_2579 = vector.broadcast %multiple_of3A_1655 : i32 to vector<16xi32>
    %sub3A_2580 = arith.subi %get3A_2578, %sub3A_2579 : vector<16xi32>
    %ge3A_2581 = vector.broadcast %multiple_of3A_1655 : i32 to vector<16xi32>
    %ge3A_2582 = arith.cmpi sge, %get3A_2578, %ge3A_2581 : vector<16xi32>
    %lt3A_2583 = vector.broadcast %select_n3A_1654 : i32 to vector<16xi32>
    %lt3A_2584 = arith.cmpi slt, %get3A_2578, %lt3A_2583 : vector<16xi32>
    %and3A_2585 = arith.andi %ge3A_2582, %lt3A_2584 : vector<16xi1>
    %jit3A_2586 = arith.constant 25088 : i32
    %broadcast_in_dim3A_2587 = vector.broadcast %jit3A_2586 : i32 to vector<16xi32>
    %select_n3A_2588 = arith.select %and3A_2585, %sub3A_2580, %broadcast_in_dim3A_2587 : vector<16xi1>, vector<16xi32>
    %swap3A_2589 = arith.constant 0 : i32
    %swap3A_2590 = arith.index_cast %swap3A_2589 : i32 to index
    %swap3A_2591 = arith.constant 32 : index
    %swap3A_2592 = tpu.vector_load %arg8[%swap3A_2590, %swap3A_2591] {strides = array<i32>} : memref<1x128xi32, #tpu.memory_space<vmem>>, vector<1x16xi32>,
    %swap3A_2593 = vector.shape_cast %swap3A_2592 : vector<1x16xi32> to vector<16xi32>
    %swap3A_2594 = vector.shape_cast %select_n3A_2588 : vector<16xi32> to vector<1x16xi32>
    tpu.vector_store %arg8[%swap3A_2590, %swap3A_2591], %swap3A_2594 {strides = array<i32>} : memref<1x128xi32, #tpu.memory_space<vmem>>, vector<1x16xi32>,
    %get3A_2595 = arith.constant 0 : i32
    %get3A_2596 = arith.index_cast %get3A_2595 : i32 to index
    %get3A_2597 = arith.constant 560 : index
    %get3A_2598 = tpu.vector_load %arg7[%get3A_2596, %get3A_2597] {strides = array<i32>} : memref<1x1024xi32, #tpu.memory_space<vmem>>, vector<1x16xi32>,
    %get3A_2599 = vector.shape_cast %get3A_2598 : vector<1x16xi32> to vector<16xi32>
    %sub3A_2600 = vector.broadcast %multiple_of3A_1655 : i32 to vector<16xi32>
    %sub3A_2601 = arith.subi %get3A_2599, %sub3A_2600 : vector<16xi32>
    %ge3A_2602 = vector.broadcast %multiple_of3A_1655 : i32 to vector<16xi32>
    %ge3A_2603 = arith.cmpi sge, %get3A_2599, %ge3A_2602 : vector<16xi32>
    %lt3A_2604 = vector.broadcast %select_n3A_1654 : i32 to vector<16xi32>
    %lt3A_2605 = arith.cmpi slt, %get3A_2599, %lt3A_2604 : vector<16xi32>
    %and3A_2606 = arith.andi %ge3A_2603, %lt3A_2605 : vector<16xi1>
    %jit3A_2607 = arith.constant 25088 : i32
    %broadcast_in_dim3A_2608 = vector.broadcast %jit3A_2607 : i32 to vector<16xi32>
    %select_n3A_2609 = arith.select %and3A_2606, %sub3A_2601, %broadcast_in_dim3A_2608 : vector<16xi1>, vector<16xi32>
    %swap3A_2610 = arith.constant 0 : i32
    %swap3A_2611 = arith.index_cast %swap3A_2610 : i32 to index
    %swap3A_2612 = arith.constant 48 : index
    %swap3A_2613 = tpu.vector_load %arg8[%swap3A_2611, %swap3A_2612] {strides = array<i32>} : memref<1x128xi32, #tpu.memory_space<vmem>>, vector<1x16xi32>,
    %swap3A_2614 = vector.shape_cast %swap3A_2613 : vector<1x16xi32> to vector<16xi32>
    %swap3A_2615 = vector.shape_cast %select_n3A_2609 : vector<16xi32> to vector<1x16xi32>
    tpu.vector_store %arg8[%swap3A_2611, %swap3A_2612], %swap3A_2615 {strides = array<i32>} : memref<1x128xi32, #tpu.memory_space<vmem>>, vector<1x16xi32>,
    %get3A_2616 = arith.constant 0 : i32
    %get3A_2617 = arith.index_cast %get3A_2616 : i32 to index
    %get3A_2618 = arith.constant 576 : index
    %get3A_2619 = tpu.vector_load %arg7[%get3A_2617, %get3A_2618] {strides = array<i32>} : memref<1x1024xi32, #tpu.memory_space<vmem>>, vector<1x16xi32>,
    %get3A_2620 = vector.shape_cast %get3A_2619 : vector<1x16xi32> to vector<16xi32>
    %sub3A_2621 = vector.broadcast %multiple_of3A_1655 : i32 to vector<16xi32>
    %sub3A_2622 = arith.subi %get3A_2620, %sub3A_2621 : vector<16xi32>
    %ge3A_2623 = vector.broadcast %multiple_of3A_1655 : i32 to vector<16xi32>
    %ge3A_2624 = arith.cmpi sge, %get3A_2620, %ge3A_2623 : vector<16xi32>
    %lt3A_2625 = vector.broadcast %select_n3A_1654 : i32 to vector<16xi32>
    %lt3A_2626 = arith.cmpi slt, %get3A_2620, %lt3A_2625 : vector<16xi32>
    %and3A_2627 = arith.andi %ge3A_2624, %lt3A_2626 : vector<16xi1>
    %jit3A_2628 = arith.constant 25088 : i32
    %broadcast_in_dim3A_2629 = vector.broadcast %jit3A_2628 : i32 to vector<16xi32>
    %select_n3A_2630 = arith.select %and3A_2627, %sub3A_2622, %broadcast_in_dim3A_2629 : vector<16xi1>, vector<16xi32>
    %swap3A_2631 = arith.constant 0 : i32
    %swap3A_2632 = arith.index_cast %swap3A_2631 : i32 to index
    %swap3A_2633 = arith.constant 64 : index
    %swap3A_2634 = tpu.vector_load %arg8[%swap3A_2632, %swap3A_2633] {strides = array<i32>} : memref<1x128xi32, #tpu.memory_space<vmem>>, vector<1x16xi32>,
    %swap3A_2635 = vector.shape_cast %swap3A_2634 : vector<1x16xi32> to vector<16xi32>
    %swap3A_2636 = vector.shape_cast %select_n3A_2630 : vector<16xi32> to vector<1x16xi32>
    tpu.vector_store %arg8[%swap3A_2632, %swap3A_2633], %swap3A_2636 {strides = array<i32>} : memref<1x128xi32, #tpu.memory_space<vmem>>, vector<1x16xi32>,
    %get3A_2637 = arith.constant 0 : i32
    %get3A_2638 = arith.index_cast %get3A_2637 : i32 to index
    %get3A_2639 = arith.constant 592 : index
    %get3A_2640 = tpu.vector_load %arg7[%get3A_2638, %get3A_2639] {strides = array<i32>} : memref<1x1024xi32, #tpu.memory_space<vmem>>, vector<1x16xi32>,
    %get3A_2641 = vector.shape_cast %get3A_2640 : vector<1x16xi32> to vector<16xi32>
    %sub3A_2642 = vector.broadcast %multiple_of3A_1655 : i32 to vector<16xi32>
    %sub3A_2643 = arith.subi %get3A_2641, %sub3A_2642 : vector<16xi32>
    %ge3A_2644 = vector.broadcast %multiple_of3A_1655 : i32 to vector<16xi32>
    %ge3A_2645 = arith.cmpi sge, %get3A_2641, %ge3A_2644 : vector<16xi32>
    %lt3A_2646 = vector.broadcast %select_n3A_1654 : i32 to vector<16xi32>
    %lt3A_2647 = arith.cmpi slt, %get3A_2641, %lt3A_2646 : vector<16xi32>
    %and3A_2648 = arith.andi %ge3A_2645, %lt3A_2647 : vector<16xi1>
    %jit3A_2649 = arith.constant 25088 : i32
    %broadcast_in_dim3A_2650 = vector.broadcast %jit3A_2649 : i32 to vector<16xi32>
    %select_n3A_2651 = arith.select %and3A_2648, %sub3A_2643, %broadcast_in_dim3A_2650 : vector<16xi1>, vector<16xi32>
    %swap3A_2652 = arith.constant 0 : i32
    %swap3A_2653 = arith.index_cast %swap3A_2652 : i32 to index
    %swap3A_2654 = arith.constant 80 : index
    %swap3A_2655 = tpu.vector_load %arg8[%swap3A_2653, %swap3A_2654] {strides = array<i32>} : memref<1x128xi32, #tpu.memory_space<vmem>>, vector<1x16xi32>,
    %swap3A_2656 = vector.shape_cast %swap3A_2655 : vector<1x16xi32> to vector<16xi32>
    %swap3A_2657 = vector.shape_cast %select_n3A_2651 : vector<16xi32> to vector<1x16xi32>
    tpu.vector_store %arg8[%swap3A_2653, %swap3A_2654], %swap3A_2657 {strides = array<i32>} : memref<1x128xi32, #tpu.memory_space<vmem>>, vector<1x16xi32>,
    %get3A_2658 = arith.constant 0 : i32
    %get3A_2659 = arith.index_cast %get3A_2658 : i32 to index
    %get3A_2660 = arith.constant 608 : index
    %get3A_2661 = tpu.vector_load %arg7[%get3A_2659, %get3A_2660] {strides = array<i32>} : memref<1x1024xi32, #tpu.memory_space<vmem>>, vector<1x16xi32>,
    %get3A_2662 = vector.shape_cast %get3A_2661 : vector<1x16xi32> to vector<16xi32>
    %sub3A_2663 = vector.broadcast %multiple_of3A_1655 : i32 to vector<16xi32>
    %sub3A_2664 = arith.subi %get3A_2662, %sub3A_2663 : vector<16xi32>
    %ge3A_2665 = vector.broadcast %multiple_of3A_1655 : i32 to vector<16xi32>
    %ge3A_2666 = arith.cmpi sge, %get3A_2662, %ge3A_2665 : vector<16xi32>
    %lt3A_2667 = vector.broadcast %select_n3A_1654 : i32 to vector<16xi32>
    %lt3A_2668 = arith.cmpi slt, %get3A_2662, %lt3A_2667 : vector<16xi32>
    %and3A_2669 = arith.andi %ge3A_2666, %lt3A_2668 : vector<16xi1>
    %jit3A_2670 = arith.constant 25088 : i32
    %broadcast_in_dim3A_2671 = vector.broadcast %jit3A_2670 : i32 to vector<16xi32>
    %select_n3A_2672 = arith.select %and3A_2669, %sub3A_2664, %broadcast_in_dim3A_2671 : vector<16xi1>, vector<16xi32>
    %swap3A_2673 = arith.constant 0 : i32
    %swap3A_2674 = arith.index_cast %swap3A_2673 : i32 to index
    %swap3A_2675 = arith.constant 96 : index
    %swap3A_2676 = tpu.vector_load %arg8[%swap3A_2674, %swap3A_2675] {strides = array<i32>} : memref<1x128xi32, #tpu.memory_space<vmem>>, vector<1x16xi32>,
    %swap3A_2677 = vector.shape_cast %swap3A_2676 : vector<1x16xi32> to vector<16xi32>
    %swap3A_2678 = vector.shape_cast %select_n3A_2672 : vector<16xi32> to vector<1x16xi32>
    tpu.vector_store %arg8[%swap3A_2674, %swap3A_2675], %swap3A_2678 {strides = array<i32>} : memref<1x128xi32, #tpu.memory_space<vmem>>, vector<1x16xi32>,
    %get3A_2679 = arith.constant 0 : i32
    %get3A_2680 = arith.index_cast %get3A_2679 : i32 to index
    %get3A_2681 = arith.constant 624 : index
    %get3A_2682 = tpu.vector_load %arg7[%get3A_2680, %get3A_2681] {strides = array<i32>} : memref<1x1024xi32, #tpu.memory_space<vmem>>, vector<1x16xi32>,
    %get3A_2683 = vector.shape_cast %get3A_2682 : vector<1x16xi32> to vector<16xi32>
    %sub3A_2684 = vector.broadcast %multiple_of3A_1655 : i32 to vector<16xi32>
    %sub3A_2685 = arith.subi %get3A_2683, %sub3A_2684 : vector<16xi32>
    %ge3A_2686 = vector.broadcast %multiple_of3A_1655 : i32 to vector<16xi32>
    %ge3A_2687 = arith.cmpi sge, %get3A_2683, %ge3A_2686 : vector<16xi32>
    %lt3A_2688 = vector.broadcast %select_n3A_1654 : i32 to vector<16xi32>
    %lt3A_2689 = arith.cmpi slt, %get3A_2683, %lt3A_2688 : vector<16xi32>
    %and3A_2690 = arith.andi %ge3A_2687, %lt3A_2689 : vector<16xi1>
    %jit3A_2691 = arith.constant 25088 : i32
    %broadcast_in_dim3A_2692 = vector.broadcast %jit3A_2691 : i32 to vector<16xi32>
    %select_n3A_2693 = arith.select %and3A_2690, %sub3A_2685, %broadcast_in_dim3A_2692 : vector<16xi1>, vector<16xi32>
    %swap3A_2694 = arith.constant 0 : i32
    %swap3A_2695 = arith.index_cast %swap3A_2694 : i32 to index
    %swap3A_2696 = arith.constant 112 : index
    %swap3A_2697 = tpu.vector_load %arg8[%swap3A_2695, %swap3A_2696] {strides = array<i32>} : memref<1x128xi32, #tpu.memory_space<vmem>>, vector<1x16xi32>,
    %swap3A_2698 = vector.shape_cast %swap3A_2697 : vector<1x16xi32> to vector<16xi32>
    %swap3A_2699 = vector.shape_cast %select_n3A_2693 : vector<16xi32> to vector<1x16xi32>
    tpu.vector_store %arg8[%swap3A_2695, %swap3A_2696], %swap3A_2699 {strides = array<i32>} : memref<1x128xi32, #tpu.memory_space<vmem>>, vector<1x16xi32>,
    %dma_wait3A_2700 = arith.constant 0 : i32
    %dma_wait3A_2701 = arith.constant 0 : i32
    %dma_wait3A_2702 = arith.constant 0 : i32
    %dma_wait3A_2703 = arith.constant 0 : i32
    %dma_wait3A_2704 = tpu.memref_slice %arg9[%dma_wait3A_2700, %dma_wait3A_2702, %dma_wait3A_2703] : memref<2x128x64xi32, #tpu.memory_space<vmem>> -> memref<1x128x64xi32, #tpu.memory_space<vmem>>
    %dma_wait3A_2705 = tpu.memref_squeeze %dma_wait3A_2704 : memref<1x128x64xi32, #tpu.memory_space<vmem>> -> memref<128x64xi32, #tpu.memory_space<vmem>>
    %dma_wait3A_2706 = arith.constant 0 : i32
    %dma_wait3A_2707 = tpu.memref_slice %arg4[%add3A_1679, %dma_wait3A_2706] : memref<16384x64xi32, #tpu.memory_space<hbm>> -> memref<128x64xi32, #tpu.memory_space<hbm>>
    %dma_wait3A_2708 = tpu.memref_slice %arg10[%dma_wait3A_2701] : memref<2x!tpu.dma_semaphore, #tpu.memory_space<semaphore_mem>> -> memref<1x!tpu.dma_semaphore, #tpu.memory_space<semaphore_mem>>
    %dma_wait3A_2709 = tpu.memref_squeeze %dma_wait3A_2708 : memref<1x!tpu.dma_semaphore, #tpu.memory_space<semaphore_mem>> -> memref<!tpu.dma_semaphore, #tpu.memory_space<semaphore_mem>>
    %dma_wait3A_2710 = arith.constant 0 : i32
    %dma_wait3A_2711 = arith.constant 0 : i32
    %dma_wait3A_2712 = tpu.memref_slice %arg9[%dma_wait3A_2700, %dma_wait3A_2710, %dma_wait3A_2711] : memref<2x128x64xi32, #tpu.memory_space<vmem>> -> memref<1x128x64xi32, #tpu.memory_space<vmem>>
    %dma_wait3A_2713 = tpu.memref_squeeze %dma_wait3A_2712 : memref<1x128x64xi32, #tpu.memory_space<vmem>> -> memref<128x64xi32, #tpu.memory_space<vmem>>
    %dma_wait3A_2714 = arith.constant 0 : i32
    %dma_wait3A_2715 = tpu.memref_slice %arg4[%add3A_1679, %dma_wait3A_2714] : memref<16384x64xi32, #tpu.memory_space<hbm>> -> memref<128x64xi32, #tpu.memory_space<hbm>>
    tpu.wait_dma2 semaphore(%dma_wait3A_2709 : memref<!tpu.dma_semaphore, #tpu.memory_space<semaphore_mem>>) src(%dma_wait3A_2715 : memref<128x64xi32, #tpu.memory_space<hbm>>) dst(%dma_wait3A_2713 : memref<128x64xi32, #tpu.memory_space<vmem>>)
    %run_scoped3A_2716 = arith.constant 0 : i32
    %run_scoped3A_2717 = arith.constant 0 : i32
    "tpu.region"() ({
      %run_scoped3A_3310 = tpu.sem_alloc : memref<!tpu.dma_semaphore, #tpu.memory_space<semaphore_mem>>
      %dma_start3A_3311 = arith.constant 0 : i32
      %dma_start3A_3312 = arith.constant 0 : i32
      %dma_start3A_3313 = tpu.memref_slice %arg9[%run_scoped3A_2716, %dma_start3A_3311, %dma_start3A_3312] : memref<2x128x64xi32, #tpu.memory_space<vmem>> -> memref<1x128x64xi32, #tpu.memory_space<vmem>>
      %dma_start3A_3314 = tpu.memref_squeeze %dma_start3A_3313 : memref<1x128x64xi32, #tpu.memory_space<vmem>> -> memref<128x64xi32, #tpu.memory_space<vmem>>
      %dma_start3A_3315 = arith.constant 0 : i32
      %dma_start3A_3316 = tpu.memref_slice %arg8[%run_scoped3A_2717, %dma_start3A_3315] : memref<1x128xi32, #tpu.memory_space<vmem>> -> memref<1x128xi32, #tpu.memory_space<vmem>>
      %dma_start3A_3317 = tpu.memref_squeeze %dma_start3A_3316 : memref<1x128xi32, #tpu.memory_space<vmem>> -> memref<128xi32, #tpu.memory_space<vmem>>
      %dma_start3A_3318 = arith.constant 0 : i32
      %dma_start3A_3319 = arith.constant 0 : i32
      %dma_start3A_3320 = tpu.memref_slice %arg6[%dma_start3A_3318, %dma_start3A_3319] : memref<25096x64xi32, #tpu.memory_space<vmem_shared>> -> memref<25096x64xi32, #tpu.memory_space<vmem_shared>>
      tpu.enqueue_indirect_dma source(%dma_start3A_3314 : memref<128x64xi32, #tpu.memory_space<vmem>>) target(%dma_start3A_3320 : memref<25096x64xi32, #tpu.memory_space<vmem_shared>>) offsets(%dma_start3A_3317 : memref<128xi32, #tpu.memory_space<vmem>>) semaphore(%run_scoped3A_3310 : memref<!tpu.dma_semaphore, #tpu.memory_space<semaphore_mem>>) {add = true}
      %dma_wait3A_3321 = arith.constant 0 : i32
      %dma_wait3A_3322 = arith.constant 0 : i32
      %dma_wait3A_3323 = tpu.memref_slice %arg9[%run_scoped3A_2716, %dma_wait3A_3321, %dma_wait3A_3322] : memref<2x128x64xi32, #tpu.memory_space<vmem>> -> memref<1x128x64xi32, #tpu.memory_space<vmem>>
      %dma_wait3A_3324 = tpu.memref_squeeze %dma_wait3A_3323 : memref<1x128x64xi32, #tpu.memory_space<vmem>> -> memref<128x64xi32, #tpu.memory_space<vmem>>
      %dma_wait3A_3325 = arith.constant 0 : i32
      %dma_wait3A_3326 = tpu.memref_slice %arg8[%run_scoped3A_2717, %dma_wait3A_3325] : memref<1x128xi32, #tpu.memory_space<vmem>> -> memref<1x128xi32, #tpu.memory_space<vmem>>
      %dma_wait3A_3327 = tpu.memref_squeeze %dma_wait3A_3326 : memref<1x128xi32, #tpu.memory_space<vmem>> -> memref<128xi32, #tpu.memory_space<vmem>>
      %dma_wait3A_3328 = arith.constant 0 : i32
      %dma_wait3A_3329 = arith.constant 0 : i32
      %dma_wait3A_3330 = tpu.memref_slice %arg6[%dma_wait3A_3328, %dma_wait3A_3329] : memref<25096x64xi32, #tpu.memory_space<vmem_shared>> -> memref<25096x64xi32, #tpu.memory_space<vmem_shared>>
      tpu.wait_indirect_dma semaphore(%run_scoped3A_3310 : memref<!tpu.dma_semaphore, #tpu.memory_space<semaphore_mem>>) src(%dma_wait3A_3324 : memref<128x64xi32, #tpu.memory_space<vmem>>) dst(%dma_wait3A_3330 : memref<25096x64xi32, #tpu.memory_space<vmem_shared>>)
      tpu.yield
    }) : () -> ()
    %dma_start3A_2718 = arith.constant 0 : i32
    %dma_start3A_2719 = arith.constant 0 : i32
    %dma_start3A_2720 = arith.constant 0 : i32
    %dma_start3A_2721 = arith.constant 0 : i32
    %dma_start3A_2722 = tpu.memref_slice %arg9[%dma_start3A_2718, %dma_start3A_2720, %dma_start3A_2721] : memref<2x128x64xi32, #tpu.memory_space<vmem>> -> memref<1x128x64xi32, #tpu.memory_space<vmem>>
    %dma_start3A_2723 = tpu.memref_squeeze %dma_start3A_2722 : memref<1x128x64xi32, #tpu.memory_space<vmem>> -> memref<128x64xi32, #tpu.memory_space<vmem>>
    %dma_start3A_2724 = arith.constant 0 : i32
    %dma_start3A_2725 = tpu.memref_slice %arg4[%add3A_1687, %dma_start3A_2724] : memref<16384x64xi32, #tpu.memory_space<hbm>> -> memref<128x64xi32, #tpu.memory_space<hbm>>
    %dma_start3A_2726 = tpu.memref_slice %arg10[%dma_start3A_2719] : memref<2x!tpu.dma_semaphore, #tpu.memory_space<semaphore_mem>> -> memref<1x!tpu.dma_semaphore, #tpu.memory_space<semaphore_mem>>
    %dma_start3A_2727 = tpu.memref_squeeze %dma_start3A_2726 : memref<1x!tpu.dma_semaphore, #tpu.memory_space<semaphore_mem>> -> memref<!tpu.dma_semaphore, #tpu.memory_space<semaphore_mem>>
    %dma_start3A_2728 = arith.constant 0 : i32
    %dma_start3A_2729 = arith.constant 0 : i32
    %dma_start3A_2730 = tpu.memref_slice %arg9[%dma_start3A_2718, %dma_start3A_2728, %dma_start3A_2729] : memref<2x128x64xi32, #tpu.memory_space<vmem>> -> memref<1x128x64xi32, #tpu.memory_space<vmem>>
    %dma_start3A_2731 = tpu.memref_squeeze %dma_start3A_2730 : memref<1x128x64xi32, #tpu.memory_space<vmem>> -> memref<128x64xi32, #tpu.memory_space<vmem>>
    %dma_start3A_2732 = arith.constant 0 : i32
    %dma_start3A_2733 = tpu.memref_slice %arg4[%add3A_1687, %dma_start3A_2732] : memref<16384x64xi32, #tpu.memory_space<hbm>> -> memref<128x64xi32, #tpu.memory_space<hbm>>
    tpu.enqueue_dma source(%dma_start3A_2733 : memref<128x64xi32, #tpu.memory_space<hbm>>) target(%dma_start3A_2731 : memref<128x64xi32, #tpu.memory_space<vmem>>) target_semaphore(%dma_start3A_2727 : memref<!tpu.dma_semaphore, #tpu.memory_space<semaphore_mem>>)
    %get3A_2734 = arith.constant 0 : i32
    %get3A_2735 = arith.index_cast %get3A_2734 : i32 to index
    %get3A_2736 = arith.constant 640 : index
    %get3A_2737 = tpu.vector_load %arg7[%get3A_2735, %get3A_2736] {strides = array<i32>} : memref<1x1024xi32, #tpu.memory_space<vmem>>, vector<1x16xi32>,
    %get3A_2738 = vector.shape_cast %get3A_2737 : vector<1x16xi32> to vector<16xi32>
    %sub3A_2739 = vector.broadcast %multiple_of3A_1655 : i32 to vector<16xi32>
    %sub3A_2740 = arith.subi %get3A_2738, %sub3A_2739 : vector<16xi32>
    %ge3A_2741 = vector.broadcast %multiple_of3A_1655 : i32 to vector<16xi32>
    %ge3A_2742 = arith.cmpi sge, %get3A_2738, %ge3A_2741 : vector<16xi32>
    %lt3A_2743 = vector.broadcast %select_n3A_1654 : i32 to vector<16xi32>
    %lt3A_2744 = arith.cmpi slt, %get3A_2738, %lt3A_2743 : vector<16xi32>
    %and3A_2745 = arith.andi %ge3A_2742, %lt3A_2744 : vector<16xi1>
    %jit3A_2746 = arith.constant 25088 : i32
    %broadcast_in_dim3A_2747 = vector.broadcast %jit3A_2746 : i32 to vector<16xi32>
    %select_n3A_2748 = arith.select %and3A_2745, %sub3A_2740, %broadcast_in_dim3A_2747 : vector<16xi1>, vector<16xi32>
    %swap3A_2749 = arith.constant 0 : i32
    %swap3A_2750 = arith.index_cast %swap3A_2749 : i32 to index
    %swap3A_2751 = arith.constant 0 : index
    %swap3A_2752 = tpu.vector_load %arg8[%swap3A_2750, %swap3A_2751] {strides = array<i32>} : memref<1x128xi32, #tpu.memory_space<vmem>>, vector<1x16xi32>,
    %swap3A_2753 = vector.shape_cast %swap3A_2752 : vector<1x16xi32> to vector<16xi32>
    %swap3A_2754 = vector.shape_cast %select_n3A_2748 : vector<16xi32> to vector<1x16xi32>
    tpu.vector_store %arg8[%swap3A_2750, %swap3A_2751], %swap3A_2754 {strides = array<i32>} : memref<1x128xi32, #tpu.memory_space<vmem>>, vector<1x16xi32>,
    %get3A_2755 = arith.constant 0 : i32
    %get3A_2756 = arith.index_cast %get3A_2755 : i32 to index
    %get3A_2757 = arith.constant 656 : index
    %get3A_2758 = tpu.vector_load %arg7[%get3A_2756, %get3A_2757] {strides = array<i32>} : memref<1x1024xi32, #tpu.memory_space<vmem>>, vector<1x16xi32>,
    %get3A_2759 = vector.shape_cast %get3A_2758 : vector<1x16xi32> to vector<16xi32>
    %sub3A_2760 = vector.broadcast %multiple_of3A_1655 : i32 to vector<16xi32>
    %sub3A_2761 = arith.subi %get3A_2759, %sub3A_2760 : vector<16xi32>
    %ge3A_2762 = vector.broadcast %multiple_of3A_1655 : i32 to vector<16xi32>
    %ge3A_2763 = arith.cmpi sge, %get3A_2759, %ge3A_2762 : vector<16xi32>
    %lt3A_2764 = vector.broadcast %select_n3A_1654 : i32 to vector<16xi32>
    %lt3A_2765 = arith.cmpi slt, %get3A_2759, %lt3A_2764 : vector<16xi32>
    %and3A_2766 = arith.andi %ge3A_2763, %lt3A_2765 : vector<16xi1>
    %jit3A_2767 = arith.constant 25088 : i32
    %broadcast_in_dim3A_2768 = vector.broadcast %jit3A_2767 : i32 to vector<16xi32>
    %select_n3A_2769 = arith.select %and3A_2766, %sub3A_2761, %broadcast_in_dim3A_2768 : vector<16xi1>, vector<16xi32>
    %swap3A_2770 = arith.constant 0 : i32
    %swap3A_2771 = arith.index_cast %swap3A_2770 : i32 to index
    %swap3A_2772 = arith.constant 16 : index
    %swap3A_2773 = tpu.vector_load %arg8[%swap3A_2771, %swap3A_2772] {strides = array<i32>} : memref<1x128xi32, #tpu.memory_space<vmem>>, vector<1x16xi32>,
    %swap3A_2774 = vector.shape_cast %swap3A_2773 : vector<1x16xi32> to vector<16xi32>
    %swap3A_2775 = vector.shape_cast %select_n3A_2769 : vector<16xi32> to vector<1x16xi32>
    tpu.vector_store %arg8[%swap3A_2771, %swap3A_2772], %swap3A_2775 {strides = array<i32>} : memref<1x128xi32, #tpu.memory_space<vmem>>, vector<1x16xi32>,
    %get3A_2776 = arith.constant 0 : i32
    %get3A_2777 = arith.index_cast %get3A_2776 : i32 to index
    %get3A_2778 = arith.constant 672 : index
    %get3A_2779 = tpu.vector_load %arg7[%get3A_2777, %get3A_2778] {strides = array<i32>} : memref<1x1024xi32, #tpu.memory_space<vmem>>, vector<1x16xi32>,
    %get3A_2780 = vector.shape_cast %get3A_2779 : vector<1x16xi32> to vector<16xi32>
    %sub3A_2781 = vector.broadcast %multiple_of3A_1655 : i32 to vector<16xi32>
    %sub3A_2782 = arith.subi %get3A_2780, %sub3A_2781 : vector<16xi32>
    %ge3A_2783 = vector.broadcast %multiple_of3A_1655 : i32 to vector<16xi32>
    %ge3A_2784 = arith.cmpi sge, %get3A_2780, %ge3A_2783 : vector<16xi32>
    %lt3A_2785 = vector.broadcast %select_n3A_1654 : i32 to vector<16xi32>
    %lt3A_2786 = arith.cmpi slt, %get3A_2780, %lt3A_2785 : vector<16xi32>
    %and3A_2787 = arith.andi %ge3A_2784, %lt3A_2786 : vector<16xi1>
    %jit3A_2788 = arith.constant 25088 : i32
    %broadcast_in_dim3A_2789 = vector.broadcast %jit3A_2788 : i32 to vector<16xi32>
    %select_n3A_2790 = arith.select %and3A_2787, %sub3A_2782, %broadcast_in_dim3A_2789 : vector<16xi1>, vector<16xi32>
    %swap3A_2791 = arith.constant 0 : i32
    %swap3A_2792 = arith.index_cast %swap3A_2791 : i32 to index
    %swap3A_2793 = arith.constant 32 : index
    %swap3A_2794 = tpu.vector_load %arg8[%swap3A_2792, %swap3A_2793] {strides = array<i32>} : memref<1x128xi32, #tpu.memory_space<vmem>>, vector<1x16xi32>,
    %swap3A_2795 = vector.shape_cast %swap3A_2794 : vector<1x16xi32> to vector<16xi32>
    %swap3A_2796 = vector.shape_cast %select_n3A_2790 : vector<16xi32> to vector<1x16xi32>
    tpu.vector_store %arg8[%swap3A_2792, %swap3A_2793], %swap3A_2796 {strides = array<i32>} : memref<1x128xi32, #tpu.memory_space<vmem>>, vector<1x16xi32>,
    %get3A_2797 = arith.constant 0 : i32
    %get3A_2798 = arith.index_cast %get3A_2797 : i32 to index
    %get3A_2799 = arith.constant 688 : index
    %get3A_2800 = tpu.vector_load %arg7[%get3A_2798, %get3A_2799] {strides = array<i32>} : memref<1x1024xi32, #tpu.memory_space<vmem>>, vector<1x16xi32>,
    %get3A_2801 = vector.shape_cast %get3A_2800 : vector<1x16xi32> to vector<16xi32>
    %sub3A_2802 = vector.broadcast %multiple_of3A_1655 : i32 to vector<16xi32>
    %sub3A_2803 = arith.subi %get3A_2801, %sub3A_2802 : vector<16xi32>
    %ge3A_2804 = vector.broadcast %multiple_of3A_1655 : i32 to vector<16xi32>
    %ge3A_2805 = arith.cmpi sge, %get3A_2801, %ge3A_2804 : vector<16xi32>
    %lt3A_2806 = vector.broadcast %select_n3A_1654 : i32 to vector<16xi32>
    %lt3A_2807 = arith.cmpi slt, %get3A_2801, %lt3A_2806 : vector<16xi32>
    %and3A_2808 = arith.andi %ge3A_2805, %lt3A_2807 : vector<16xi1>
    %jit3A_2809 = arith.constant 25088 : i32
    %broadcast_in_dim3A_2810 = vector.broadcast %jit3A_2809 : i32 to vector<16xi32>
    %select_n3A_2811 = arith.select %and3A_2808, %sub3A_2803, %broadcast_in_dim3A_2810 : vector<16xi1>, vector<16xi32>
    %swap3A_2812 = arith.constant 0 : i32
    %swap3A_2813 = arith.index_cast %swap3A_2812 : i32 to index
    %swap3A_2814 = arith.constant 48 : index
    %swap3A_2815 = tpu.vector_load %arg8[%swap3A_2813, %swap3A_2814] {strides = array<i32>} : memref<1x128xi32, #tpu.memory_space<vmem>>, vector<1x16xi32>,
    %swap3A_2816 = vector.shape_cast %swap3A_2815 : vector<1x16xi32> to vector<16xi32>
    %swap3A_2817 = vector.shape_cast %select_n3A_2811 : vector<16xi32> to vector<1x16xi32>
    tpu.vector_store %arg8[%swap3A_2813, %swap3A_2814], %swap3A_2817 {strides = array<i32>} : memref<1x128xi32, #tpu.memory_space<vmem>>, vector<1x16xi32>,
    %get3A_2818 = arith.constant 0 : i32
    %get3A_2819 = arith.index_cast %get3A_2818 : i32 to index
    %get3A_2820 = arith.constant 704 : index
    %get3A_2821 = tpu.vector_load %arg7[%get3A_2819, %get3A_2820] {strides = array<i32>} : memref<1x1024xi32, #tpu.memory_space<vmem>>, vector<1x16xi32>,
    %get3A_2822 = vector.shape_cast %get3A_2821 : vector<1x16xi32> to vector<16xi32>
    %sub3A_2823 = vector.broadcast %multiple_of3A_1655 : i32 to vector<16xi32>
    %sub3A_2824 = arith.subi %get3A_2822, %sub3A_2823 : vector<16xi32>
    %ge3A_2825 = vector.broadcast %multiple_of3A_1655 : i32 to vector<16xi32>
    %ge3A_2826 = arith.cmpi sge, %get3A_2822, %ge3A_2825 : vector<16xi32>
    %lt3A_2827 = vector.broadcast %select_n3A_1654 : i32 to vector<16xi32>
    %lt3A_2828 = arith.cmpi slt, %get3A_2822, %lt3A_2827 : vector<16xi32>
    %and3A_2829 = arith.andi %ge3A_2826, %lt3A_2828 : vector<16xi1>
    %jit3A_2830 = arith.constant 25088 : i32
    %broadcast_in_dim3A_2831 = vector.broadcast %jit3A_2830 : i32 to vector<16xi32>
    %select_n3A_2832 = arith.select %and3A_2829, %sub3A_2824, %broadcast_in_dim3A_2831 : vector<16xi1>, vector<16xi32>
    %swap3A_2833 = arith.constant 0 : i32
    %swap3A_2834 = arith.index_cast %swap3A_2833 : i32 to index
    %swap3A_2835 = arith.constant 64 : index
    %swap3A_2836 = tpu.vector_load %arg8[%swap3A_2834, %swap3A_2835] {strides = array<i32>} : memref<1x128xi32, #tpu.memory_space<vmem>>, vector<1x16xi32>,
    %swap3A_2837 = vector.shape_cast %swap3A_2836 : vector<1x16xi32> to vector<16xi32>
    %swap3A_2838 = vector.shape_cast %select_n3A_2832 : vector<16xi32> to vector<1x16xi32>
    tpu.vector_store %arg8[%swap3A_2834, %swap3A_2835], %swap3A_2838 {strides = array<i32>} : memref<1x128xi32, #tpu.memory_space<vmem>>, vector<1x16xi32>,
    %get3A_2839 = arith.constant 0 : i32
    %get3A_2840 = arith.index_cast %get3A_2839 : i32 to index
    %get3A_2841 = arith.constant 720 : index
    %get3A_2842 = tpu.vector_load %arg7[%get3A_2840, %get3A_2841] {strides = array<i32>} : memref<1x1024xi32, #tpu.memory_space<vmem>>, vector<1x16xi32>,
    %get3A_2843 = vector.shape_cast %get3A_2842 : vector<1x16xi32> to vector<16xi32>
    %sub3A_2844 = vector.broadcast %multiple_of3A_1655 : i32 to vector<16xi32>
    %sub3A_2845 = arith.subi %get3A_2843, %sub3A_2844 : vector<16xi32>
    %ge3A_2846 = vector.broadcast %multiple_of3A_1655 : i32 to vector<16xi32>
    %ge3A_2847 = arith.cmpi sge, %get3A_2843, %ge3A_2846 : vector<16xi32>
    %lt3A_2848 = vector.broadcast %select_n3A_1654 : i32 to vector<16xi32>
    %lt3A_2849 = arith.cmpi slt, %get3A_2843, %lt3A_2848 : vector<16xi32>
    %and3A_2850 = arith.andi %ge3A_2847, %lt3A_2849 : vector<16xi1>
    %jit3A_2851 = arith.constant 25088 : i32
    %broadcast_in_dim3A_2852 = vector.broadcast %jit3A_2851 : i32 to vector<16xi32>
    %select_n3A_2853 = arith.select %and3A_2850, %sub3A_2845, %broadcast_in_dim3A_2852 : vector<16xi1>, vector<16xi32>
    %swap3A_2854 = arith.constant 0 : i32
    %swap3A_2855 = arith.index_cast %swap3A_2854 : i32 to index
    %swap3A_2856 = arith.constant 80 : index
    %swap3A_2857 = tpu.vector_load %arg8[%swap3A_2855, %swap3A_2856] {strides = array<i32>} : memref<1x128xi32, #tpu.memory_space<vmem>>, vector<1x16xi32>,
    %swap3A_2858 = vector.shape_cast %swap3A_2857 : vector<1x16xi32> to vector<16xi32>
    %swap3A_2859 = vector.shape_cast %select_n3A_2853 : vector<16xi32> to vector<1x16xi32>
    tpu.vector_store %arg8[%swap3A_2855, %swap3A_2856], %swap3A_2859 {strides = array<i32>} : memref<1x128xi32, #tpu.memory_space<vmem>>, vector<1x16xi32>,
    %get3A_2860 = arith.constant 0 : i32
    %get3A_2861 = arith.index_cast %get3A_2860 : i32 to index
    %get3A_2862 = arith.constant 736 : index
    %get3A_2863 = tpu.vector_load %arg7[%get3A_2861, %get3A_2862] {strides = array<i32>} : memref<1x1024xi32, #tpu.memory_space<vmem>>, vector<1x16xi32>,
    %get3A_2864 = vector.shape_cast %get3A_2863 : vector<1x16xi32> to vector<16xi32>
    %sub3A_2865 = vector.broadcast %multiple_of3A_1655 : i32 to vector<16xi32>
    %sub3A_2866 = arith.subi %get3A_2864, %sub3A_2865 : vector<16xi32>
    %ge3A_2867 = vector.broadcast %multiple_of3A_1655 : i32 to vector<16xi32>
    %ge3A_2868 = arith.cmpi sge, %get3A_2864, %ge3A_2867 : vector<16xi32>
    %lt3A_2869 = vector.broadcast %select_n3A_1654 : i32 to vector<16xi32>
    %lt3A_2870 = arith.cmpi slt, %get3A_2864, %lt3A_2869 : vector<16xi32>
    %and3A_2871 = arith.andi %ge3A_2868, %lt3A_2870 : vector<16xi1>
    %jit3A_2872 = arith.constant 25088 : i32
    %broadcast_in_dim3A_2873 = vector.broadcast %jit3A_2872 : i32 to vector<16xi32>
    %select_n3A_2874 = arith.select %and3A_2871, %sub3A_2866, %broadcast_in_dim3A_2873 : vector<16xi1>, vector<16xi32>
    %swap3A_2875 = arith.constant 0 : i32
    %swap3A_2876 = arith.index_cast %swap3A_2875 : i32 to index
    %swap3A_2877 = arith.constant 96 : index
    %swap3A_2878 = tpu.vector_load %arg8[%swap3A_2876, %swap3A_2877] {strides = array<i32>} : memref<1x128xi32, #tpu.memory_space<vmem>>, vector<1x16xi32>,
    %swap3A_2879 = vector.shape_cast %swap3A_2878 : vector<1x16xi32> to vector<16xi32>
    %swap3A_2880 = vector.shape_cast %select_n3A_2874 : vector<16xi32> to vector<1x16xi32>
    tpu.vector_store %arg8[%swap3A_2876, %swap3A_2877], %swap3A_2880 {strides = array<i32>} : memref<1x128xi32, #tpu.memory_space<vmem>>, vector<1x16xi32>,
    %get3A_2881 = arith.constant 0 : i32
    %get3A_2882 = arith.index_cast %get3A_2881 : i32 to index
    %get3A_2883 = arith.constant 752 : index
    %get3A_2884 = tpu.vector_load %arg7[%get3A_2882, %get3A_2883] {strides = array<i32>} : memref<1x1024xi32, #tpu.memory_space<vmem>>, vector<1x16xi32>,
    %get3A_2885 = vector.shape_cast %get3A_2884 : vector<1x16xi32> to vector<16xi32>
    %sub3A_2886 = vector.broadcast %multiple_of3A_1655 : i32 to vector<16xi32>
    %sub3A_2887 = arith.subi %get3A_2885, %sub3A_2886 : vector<16xi32>
    %ge3A_2888 = vector.broadcast %multiple_of3A_1655 : i32 to vector<16xi32>
    %ge3A_2889 = arith.cmpi sge, %get3A_2885, %ge3A_2888 : vector<16xi32>
    %lt3A_2890 = vector.broadcast %select_n3A_1654 : i32 to vector<16xi32>
    %lt3A_2891 = arith.cmpi slt, %get3A_2885, %lt3A_2890 : vector<16xi32>
    %and3A_2892 = arith.andi %ge3A_2889, %lt3A_2891 : vector<16xi1>
    %jit3A_2893 = arith.constant 25088 : i32
    %broadcast_in_dim3A_2894 = vector.broadcast %jit3A_2893 : i32 to vector<16xi32>
    %select_n3A_2895 = arith.select %and3A_2892, %sub3A_2887, %broadcast_in_dim3A_2894 : vector<16xi1>, vector<16xi32>
    %swap3A_2896 = arith.constant 0 : i32
    %swap3A_2897 = arith.index_cast %swap3A_2896 : i32 to index
    %swap3A_2898 = arith.constant 112 : index
    %swap3A_2899 = tpu.vector_load %arg8[%swap3A_2897, %swap3A_2898] {strides = array<i32>} : memref<1x128xi32, #tpu.memory_space<vmem>>, vector<1x16xi32>,
    %swap3A_2900 = vector.shape_cast %swap3A_2899 : vector<1x16xi32> to vector<16xi32>
    %swap3A_2901 = vector.shape_cast %select_n3A_2895 : vector<16xi32> to vector<1x16xi32>
    tpu.vector_store %arg8[%swap3A_2897, %swap3A_2898], %swap3A_2901 {strides = array<i32>} : memref<1x128xi32, #tpu.memory_space<vmem>>, vector<1x16xi32>,
    %dma_wait3A_2902 = arith.constant 1 : i32
    %dma_wait3A_2903 = arith.constant 1 : i32
    %dma_wait3A_2904 = arith.constant 0 : i32
    %dma_wait3A_2905 = arith.constant 0 : i32
    %dma_wait3A_2906 = tpu.memref_slice %arg9[%dma_wait3A_2902, %dma_wait3A_2904, %dma_wait3A_2905] : memref<2x128x64xi32, #tpu.memory_space<vmem>> -> memref<1x128x64xi32, #tpu.memory_space<vmem>>
    %dma_wait3A_2907 = tpu.memref_squeeze %dma_wait3A_2906 : memref<1x128x64xi32, #tpu.memory_space<vmem>> -> memref<128x64xi32, #tpu.memory_space<vmem>>
    %dma_wait3A_2908 = arith.constant 0 : i32
    %dma_wait3A_2909 = tpu.memref_slice %arg4[%add3A_1683, %dma_wait3A_2908] : memref<16384x64xi32, #tpu.memory_space<hbm>> -> memref<128x64xi32, #tpu.memory_space<hbm>>
    %dma_wait3A_2910 = tpu.memref_slice %arg10[%dma_wait3A_2903] : memref<2x!tpu.dma_semaphore, #tpu.memory_space<semaphore_mem>> -> memref<1x!tpu.dma_semaphore, #tpu.memory_space<semaphore_mem>>
    %dma_wait3A_2911 = tpu.memref_squeeze %dma_wait3A_2910 : memref<1x!tpu.dma_semaphore, #tpu.memory_space<semaphore_mem>> -> memref<!tpu.dma_semaphore, #tpu.memory_space<semaphore_mem>>
    %dma_wait3A_2912 = arith.constant 0 : i32
    %dma_wait3A_2913 = arith.constant 0 : i32
    %dma_wait3A_2914 = tpu.memref_slice %arg9[%dma_wait3A_2902, %dma_wait3A_2912, %dma_wait3A_2913] : memref<2x128x64xi32, #tpu.memory_space<vmem>> -> memref<1x128x64xi32, #tpu.memory_space<vmem>>
    %dma_wait3A_2915 = tpu.memref_squeeze %dma_wait3A_2914 : memref<1x128x64xi32, #tpu.memory_space<vmem>> -> memref<128x64xi32, #tpu.memory_space<vmem>>
    %dma_wait3A_2916 = arith.constant 0 : i32
    %dma_wait3A_2917 = tpu.memref_slice %arg4[%add3A_1683, %dma_wait3A_2916] : memref<16384x64xi32, #tpu.memory_space<hbm>> -> memref<128x64xi32, #tpu.memory_space<hbm>>
    tpu.wait_dma2 semaphore(%dma_wait3A_2911 : memref<!tpu.dma_semaphore, #tpu.memory_space<semaphore_mem>>) src(%dma_wait3A_2917 : memref<128x64xi32, #tpu.memory_space<hbm>>) dst(%dma_wait3A_2915 : memref<128x64xi32, #tpu.memory_space<vmem>>)
    %run_scoped3A_2918 = arith.constant 1 : i32
    %run_scoped3A_2919 = arith.constant 0 : i32
    "tpu.region"() ({
      %run_scoped3A_3310 = tpu.sem_alloc : memref<!tpu.dma_semaphore, #tpu.memory_space<semaphore_mem>>
      %dma_start3A_3311 = arith.constant 0 : i32
      %dma_start3A_3312 = arith.constant 0 : i32
      %dma_start3A_3313 = tpu.memref_slice %arg9[%run_scoped3A_2918, %dma_start3A_3311, %dma_start3A_3312] : memref<2x128x64xi32, #tpu.memory_space<vmem>> -> memref<1x128x64xi32, #tpu.memory_space<vmem>>
      %dma_start3A_3314 = tpu.memref_squeeze %dma_start3A_3313 : memref<1x128x64xi32, #tpu.memory_space<vmem>> -> memref<128x64xi32, #tpu.memory_space<vmem>>
      %dma_start3A_3315 = arith.constant 0 : i32
      %dma_start3A_3316 = tpu.memref_slice %arg8[%run_scoped3A_2919, %dma_start3A_3315] : memref<1x128xi32, #tpu.memory_space<vmem>> -> memref<1x128xi32, #tpu.memory_space<vmem>>
      %dma_start3A_3317 = tpu.memref_squeeze %dma_start3A_3316 : memref<1x128xi32, #tpu.memory_space<vmem>> -> memref<128xi32, #tpu.memory_space<vmem>>
      %dma_start3A_3318 = arith.constant 0 : i32
      %dma_start3A_3319 = arith.constant 0 : i32
      %dma_start3A_3320 = tpu.memref_slice %arg6[%dma_start3A_3318, %dma_start3A_3319] : memref<25096x64xi32, #tpu.memory_space<vmem_shared>> -> memref<25096x64xi32, #tpu.memory_space<vmem_shared>>
      tpu.enqueue_indirect_dma source(%dma_start3A_3314 : memref<128x64xi32, #tpu.memory_space<vmem>>) target(%dma_start3A_3320 : memref<25096x64xi32, #tpu.memory_space<vmem_shared>>) offsets(%dma_start3A_3317 : memref<128xi32, #tpu.memory_space<vmem>>) semaphore(%run_scoped3A_3310 : memref<!tpu.dma_semaphore, #tpu.memory_space<semaphore_mem>>) {add = true}
      %dma_wait3A_3321 = arith.constant 0 : i32
      %dma_wait3A_3322 = arith.constant 0 : i32
      %dma_wait3A_3323 = tpu.memref_slice %arg9[%run_scoped3A_2918, %dma_wait3A_3321, %dma_wait3A_3322] : memref<2x128x64xi32, #tpu.memory_space<vmem>> -> memref<1x128x64xi32, #tpu.memory_space<vmem>>
      %dma_wait3A_3324 = tpu.memref_squeeze %dma_wait3A_3323 : memref<1x128x64xi32, #tpu.memory_space<vmem>> -> memref<128x64xi32, #tpu.memory_space<vmem>>
      %dma_wait3A_3325 = arith.constant 0 : i32
      %dma_wait3A_3326 = tpu.memref_slice %arg8[%run_scoped3A_2919, %dma_wait3A_3325] : memref<1x128xi32, #tpu.memory_space<vmem>> -> memref<1x128xi32, #tpu.memory_space<vmem>>
      %dma_wait3A_3327 = tpu.memref_squeeze %dma_wait3A_3326 : memref<1x128xi32, #tpu.memory_space<vmem>> -> memref<128xi32, #tpu.memory_space<vmem>>
      %dma_wait3A_3328 = arith.constant 0 : i32
      %dma_wait3A_3329 = arith.constant 0 : i32
      %dma_wait3A_3330 = tpu.memref_slice %arg6[%dma_wait3A_3328, %dma_wait3A_3329] : memref<25096x64xi32, #tpu.memory_space<vmem_shared>> -> memref<25096x64xi32, #tpu.memory_space<vmem_shared>>
      tpu.wait_indirect_dma semaphore(%run_scoped3A_3310 : memref<!tpu.dma_semaphore, #tpu.memory_space<semaphore_mem>>) src(%dma_wait3A_3324 : memref<128x64xi32, #tpu.memory_space<vmem>>) dst(%dma_wait3A_3330 : memref<25096x64xi32, #tpu.memory_space<vmem_shared>>)
      tpu.yield
    }) : () -> ()
    %dma_start3A_2920 = arith.constant 1 : i32
    %dma_start3A_2921 = arith.constant 1 : i32
    %dma_start3A_2922 = arith.constant 0 : i32
    %dma_start3A_2923 = arith.constant 0 : i32
    %dma_start3A_2924 = tpu.memref_slice %arg9[%dma_start3A_2920, %dma_start3A_2922, %dma_start3A_2923] : memref<2x128x64xi32, #tpu.memory_space<vmem>> -> memref<1x128x64xi32, #tpu.memory_space<vmem>>
    %dma_start3A_2925 = tpu.memref_squeeze %dma_start3A_2924 : memref<1x128x64xi32, #tpu.memory_space<vmem>> -> memref<128x64xi32, #tpu.memory_space<vmem>>
    %dma_start3A_2926 = arith.constant 0 : i32
    %dma_start3A_2927 = tpu.memref_slice %arg4[%add3A_1691, %dma_start3A_2926] : memref<16384x64xi32, #tpu.memory_space<hbm>> -> memref<128x64xi32, #tpu.memory_space<hbm>>
    %dma_start3A_2928 = tpu.memref_slice %arg10[%dma_start3A_2921] : memref<2x!tpu.dma_semaphore, #tpu.memory_space<semaphore_mem>> -> memref<1x!tpu.dma_semaphore, #tpu.memory_space<semaphore_mem>>
    %dma_start3A_2929 = tpu.memref_squeeze %dma_start3A_2928 : memref<1x!tpu.dma_semaphore, #tpu.memory_space<semaphore_mem>> -> memref<!tpu.dma_semaphore, #tpu.memory_space<semaphore_mem>>
    %dma_start3A_2930 = arith.constant 0 : i32
    %dma_start3A_2931 = arith.constant 0 : i32
    %dma_start3A_2932 = tpu.memref_slice %arg9[%dma_start3A_2920, %dma_start3A_2930, %dma_start3A_2931] : memref<2x128x64xi32, #tpu.memory_space<vmem>> -> memref<1x128x64xi32, #tpu.memory_space<vmem>>
    %dma_start3A_2933 = tpu.memref_squeeze %dma_start3A_2932 : memref<1x128x64xi32, #tpu.memory_space<vmem>> -> memref<128x64xi32, #tpu.memory_space<vmem>>
    %dma_start3A_2934 = arith.constant 0 : i32
    %dma_start3A_2935 = tpu.memref_slice %arg4[%add3A_1691, %dma_start3A_2934] : memref<16384x64xi32, #tpu.memory_space<hbm>> -> memref<128x64xi32, #tpu.memory_space<hbm>>
    tpu.enqueue_dma source(%dma_start3A_2935 : memref<128x64xi32, #tpu.memory_space<hbm>>) target(%dma_start3A_2933 : memref<128x64xi32, #tpu.memory_space<vmem>>) target_semaphore(%dma_start3A_2929 : memref<!tpu.dma_semaphore, #tpu.memory_space<semaphore_mem>>)
    %get3A_2936 = arith.constant 0 : i32
    %get3A_2937 = arith.index_cast %get3A_2936 : i32 to index
    %get3A_2938 = arith.constant 768 : index
    %get3A_2939 = tpu.vector_load %arg7[%get3A_2937, %get3A_2938] {strides = array<i32>} : memref<1x1024xi32, #tpu.memory_space<vmem>>, vector<1x16xi32>,
    %get3A_2940 = vector.shape_cast %get3A_2939 : vector<1x16xi32> to vector<16xi32>
    %sub3A_2941 = vector.broadcast %multiple_of3A_1655 : i32 to vector<16xi32>
    %sub3A_2942 = arith.subi %get3A_2940, %sub3A_2941 : vector<16xi32>
    %ge3A_2943 = vector.broadcast %multiple_of3A_1655 : i32 to vector<16xi32>
    %ge3A_2944 = arith.cmpi sge, %get3A_2940, %ge3A_2943 : vector<16xi32>
    %lt3A_2945 = vector.broadcast %select_n3A_1654 : i32 to vector<16xi32>
    %lt3A_2946 = arith.cmpi slt, %get3A_2940, %lt3A_2945 : vector<16xi32>
    %and3A_2947 = arith.andi %ge3A_2944, %lt3A_2946 : vector<16xi1>
    %jit3A_2948 = arith.constant 25088 : i32
    %broadcast_in_dim3A_2949 = vector.broadcast %jit3A_2948 : i32 to vector<16xi32>
    %select_n3A_2950 = arith.select %and3A_2947, %sub3A_2942, %broadcast_in_dim3A_2949 : vector<16xi1>, vector<16xi32>
    %swap3A_2951 = arith.constant 0 : i32
    %swap3A_2952 = arith.index_cast %swap3A_2951 : i32 to index
    %swap3A_2953 = arith.constant 0 : index
    %swap3A_2954 = tpu.vector_load %arg8[%swap3A_2952, %swap3A_2953] {strides = array<i32>} : memref<1x128xi32, #tpu.memory_space<vmem>>, vector<1x16xi32>,
    %swap3A_2955 = vector.shape_cast %swap3A_2954 : vector<1x16xi32> to vector<16xi32>
    %swap3A_2956 = vector.shape_cast %select_n3A_2950 : vector<16xi32> to vector<1x16xi32>
    tpu.vector_store %arg8[%swap3A_2952, %swap3A_2953], %swap3A_2956 {strides = array<i32>} : memref<1x128xi32, #tpu.memory_space<vmem>>, vector<1x16xi32>,
    %get3A_2957 = arith.constant 0 : i32
    %get3A_2958 = arith.index_cast %get3A_2957 : i32 to index
    %get3A_2959 = arith.constant 784 : index
    %get3A_2960 = tpu.vector_load %arg7[%get3A_2958, %get3A_2959] {strides = array<i32>} : memref<1x1024xi32, #tpu.memory_space<vmem>>, vector<1x16xi32>,
    %get3A_2961 = vector.shape_cast %get3A_2960 : vector<1x16xi32> to vector<16xi32>
    %sub3A_2962 = vector.broadcast %multiple_of3A_1655 : i32 to vector<16xi32>
    %sub3A_2963 = arith.subi %get3A_2961, %sub3A_2962 : vector<16xi32>
    %ge3A_2964 = vector.broadcast %multiple_of3A_1655 : i32 to vector<16xi32>
    %ge3A_2965 = arith.cmpi sge, %get3A_2961, %ge3A_2964 : vector<16xi32>
    %lt3A_2966 = vector.broadcast %select_n3A_1654 : i32 to vector<16xi32>
    %lt3A_2967 = arith.cmpi slt, %get3A_2961, %lt3A_2966 : vector<16xi32>
    %and3A_2968 = arith.andi %ge3A_2965, %lt3A_2967 : vector<16xi1>
    %jit3A_2969 = arith.constant 25088 : i32
    %broadcast_in_dim3A_2970 = vector.broadcast %jit3A_2969 : i32 to vector<16xi32>
    %select_n3A_2971 = arith.select %and3A_2968, %sub3A_2963, %broadcast_in_dim3A_2970 : vector<16xi1>, vector<16xi32>
    %swap3A_2972 = arith.constant 0 : i32
    %swap3A_2973 = arith.index_cast %swap3A_2972 : i32 to index
    %swap3A_2974 = arith.constant 16 : index
    %swap3A_2975 = tpu.vector_load %arg8[%swap3A_2973, %swap3A_2974] {strides = array<i32>} : memref<1x128xi32, #tpu.memory_space<vmem>>, vector<1x16xi32>,
    %swap3A_2976 = vector.shape_cast %swap3A_2975 : vector<1x16xi32> to vector<16xi32>
    %swap3A_2977 = vector.shape_cast %select_n3A_2971 : vector<16xi32> to vector<1x16xi32>
    tpu.vector_store %arg8[%swap3A_2973, %swap3A_2974], %swap3A_2977 {strides = array<i32>} : memref<1x128xi32, #tpu.memory_space<vmem>>, vector<1x16xi32>,
    %get3A_2978 = arith.constant 0 : i32
    %get3A_2979 = arith.index_cast %get3A_2978 : i32 to index
    %get3A_2980 = arith.constant 800 : index
    %get3A_2981 = tpu.vector_load %arg7[%get3A_2979, %get3A_2980] {strides = array<i32>} : memref<1x1024xi32, #tpu.memory_space<vmem>>, vector<1x16xi32>,
    %get3A_2982 = vector.shape_cast %get3A_2981 : vector<1x16xi32> to vector<16xi32>
    %sub3A_2983 = vector.broadcast %multiple_of3A_1655 : i32 to vector<16xi32>
    %sub3A_2984 = arith.subi %get3A_2982, %sub3A_2983 : vector<16xi32>
    %ge3A_2985 = vector.broadcast %multiple_of3A_1655 : i32 to vector<16xi32>
    %ge3A_2986 = arith.cmpi sge, %get3A_2982, %ge3A_2985 : vector<16xi32>
    %lt3A_2987 = vector.broadcast %select_n3A_1654 : i32 to vector<16xi32>
    %lt3A_2988 = arith.cmpi slt, %get3A_2982, %lt3A_2987 : vector<16xi32>
    %and3A_2989 = arith.andi %ge3A_2986, %lt3A_2988 : vector<16xi1>
    %jit3A_2990 = arith.constant 25088 : i32
    %broadcast_in_dim3A_2991 = vector.broadcast %jit3A_2990 : i32 to vector<16xi32>
    %select_n3A_2992 = arith.select %and3A_2989, %sub3A_2984, %broadcast_in_dim3A_2991 : vector<16xi1>, vector<16xi32>
    %swap3A_2993 = arith.constant 0 : i32
    %swap3A_2994 = arith.index_cast %swap3A_2993 : i32 to index
    %swap3A_2995 = arith.constant 32 : index
    %swap3A_2996 = tpu.vector_load %arg8[%swap3A_2994, %swap3A_2995] {strides = array<i32>} : memref<1x128xi32, #tpu.memory_space<vmem>>, vector<1x16xi32>,
    %swap3A_2997 = vector.shape_cast %swap3A_2996 : vector<1x16xi32> to vector<16xi32>
    %swap3A_2998 = vector.shape_cast %select_n3A_2992 : vector<16xi32> to vector<1x16xi32>
    tpu.vector_store %arg8[%swap3A_2994, %swap3A_2995], %swap3A_2998 {strides = array<i32>} : memref<1x128xi32, #tpu.memory_space<vmem>>, vector<1x16xi32>,
    %get3A_2999 = arith.constant 0 : i32
    %get3A_3000 = arith.index_cast %get3A_2999 : i32 to index
    %get3A_3001 = arith.constant 816 : index
    %get3A_3002 = tpu.vector_load %arg7[%get3A_3000, %get3A_3001] {strides = array<i32>} : memref<1x1024xi32, #tpu.memory_space<vmem>>, vector<1x16xi32>,
    %get3A_3003 = vector.shape_cast %get3A_3002 : vector<1x16xi32> to vector<16xi32>
    %sub3A_3004 = vector.broadcast %multiple_of3A_1655 : i32 to vector<16xi32>
    %sub3A_3005 = arith.subi %get3A_3003, %sub3A_3004 : vector<16xi32>
    %ge3A_3006 = vector.broadcast %multiple_of3A_1655 : i32 to vector<16xi32>
    %ge3A_3007 = arith.cmpi sge, %get3A_3003, %ge3A_3006 : vector<16xi32>
    %lt3A_3008 = vector.broadcast %select_n3A_1654 : i32 to vector<16xi32>
    %lt3A_3009 = arith.cmpi slt, %get3A_3003, %lt3A_3008 : vector<16xi32>
    %and3A_3010 = arith.andi %ge3A_3007, %lt3A_3009 : vector<16xi1>
    %jit3A_3011 = arith.constant 25088 : i32
    %broadcast_in_dim3A_3012 = vector.broadcast %jit3A_3011 : i32 to vector<16xi32>
    %select_n3A_3013 = arith.select %and3A_3010, %sub3A_3005, %broadcast_in_dim3A_3012 : vector<16xi1>, vector<16xi32>
    %swap3A_3014 = arith.constant 0 : i32
    %swap3A_3015 = arith.index_cast %swap3A_3014 : i32 to index
    %swap3A_3016 = arith.constant 48 : index
    %swap3A_3017 = tpu.vector_load %arg8[%swap3A_3015, %swap3A_3016] {strides = array<i32>} : memref<1x128xi32, #tpu.memory_space<vmem>>, vector<1x16xi32>,
    %swap3A_3018 = vector.shape_cast %swap3A_3017 : vector<1x16xi32> to vector<16xi32>
    %swap3A_3019 = vector.shape_cast %select_n3A_3013 : vector<16xi32> to vector<1x16xi32>
    tpu.vector_store %arg8[%swap3A_3015, %swap3A_3016], %swap3A_3019 {strides = array<i32>} : memref<1x128xi32, #tpu.memory_space<vmem>>, vector<1x16xi32>,
    %get3A_3020 = arith.constant 0 : i32
    %get3A_3021 = arith.index_cast %get3A_3020 : i32 to index
    %get3A_3022 = arith.constant 832 : index
    %get3A_3023 = tpu.vector_load %arg7[%get3A_3021, %get3A_3022] {strides = array<i32>} : memref<1x1024xi32, #tpu.memory_space<vmem>>, vector<1x16xi32>,
    %get3A_3024 = vector.shape_cast %get3A_3023 : vector<1x16xi32> to vector<16xi32>
    %sub3A_3025 = vector.broadcast %multiple_of3A_1655 : i32 to vector<16xi32>
    %sub3A_3026 = arith.subi %get3A_3024, %sub3A_3025 : vector<16xi32>
    %ge3A_3027 = vector.broadcast %multiple_of3A_1655 : i32 to vector<16xi32>
    %ge3A_3028 = arith.cmpi sge, %get3A_3024, %ge3A_3027 : vector<16xi32>
    %lt3A_3029 = vector.broadcast %select_n3A_1654 : i32 to vector<16xi32>
    %lt3A_3030 = arith.cmpi slt, %get3A_3024, %lt3A_3029 : vector<16xi32>
    %and3A_3031 = arith.andi %ge3A_3028, %lt3A_3030 : vector<16xi1>
    %jit3A_3032 = arith.constant 25088 : i32
    %broadcast_in_dim3A_3033 = vector.broadcast %jit3A_3032 : i32 to vector<16xi32>
    %select_n3A_3034 = arith.select %and3A_3031, %sub3A_3026, %broadcast_in_dim3A_3033 : vector<16xi1>, vector<16xi32>
    %swap3A_3035 = arith.constant 0 : i32
    %swap3A_3036 = arith.index_cast %swap3A_3035 : i32 to index
    %swap3A_3037 = arith.constant 64 : index
    %swap3A_3038 = tpu.vector_load %arg8[%swap3A_3036, %swap3A_3037] {strides = array<i32>} : memref<1x128xi32, #tpu.memory_space<vmem>>, vector<1x16xi32>,
    %swap3A_3039 = vector.shape_cast %swap3A_3038 : vector<1x16xi32> to vector<16xi32>
    %swap3A_3040 = vector.shape_cast %select_n3A_3034 : vector<16xi32> to vector<1x16xi32>
    tpu.vector_store %arg8[%swap3A_3036, %swap3A_3037], %swap3A_3040 {strides = array<i32>} : memref<1x128xi32, #tpu.memory_space<vmem>>, vector<1x16xi32>,
    %get3A_3041 = arith.constant 0 : i32
    %get3A_3042 = arith.index_cast %get3A_3041 : i32 to index
    %get3A_3043 = arith.constant 848 : index
    %get3A_3044 = tpu.vector_load %arg7[%get3A_3042, %get3A_3043] {strides = array<i32>} : memref<1x1024xi32, #tpu.memory_space<vmem>>, vector<1x16xi32>,
    %get3A_3045 = vector.shape_cast %get3A_3044 : vector<1x16xi32> to vector<16xi32>
    %sub3A_3046 = vector.broadcast %multiple_of3A_1655 : i32 to vector<16xi32>
    %sub3A_3047 = arith.subi %get3A_3045, %sub3A_3046 : vector<16xi32>
    %ge3A_3048 = vector.broadcast %multiple_of3A_1655 : i32 to vector<16xi32>
    %ge3A_3049 = arith.cmpi sge, %get3A_3045, %ge3A_3048 : vector<16xi32>
    %lt3A_3050 = vector.broadcast %select_n3A_1654 : i32 to vector<16xi32>
    %lt3A_3051 = arith.cmpi slt, %get3A_3045, %lt3A_3050 : vector<16xi32>
    %and3A_3052 = arith.andi %ge3A_3049, %lt3A_3051 : vector<16xi1>
    %jit3A_3053 = arith.constant 25088 : i32
    %broadcast_in_dim3A_3054 = vector.broadcast %jit3A_3053 : i32 to vector<16xi32>
    %select_n3A_3055 = arith.select %and3A_3052, %sub3A_3047, %broadcast_in_dim3A_3054 : vector<16xi1>, vector<16xi32>
    %swap3A_3056 = arith.constant 0 : i32
    %swap3A_3057 = arith.index_cast %swap3A_3056 : i32 to index
    %swap3A_3058 = arith.constant 80 : index
    %swap3A_3059 = tpu.vector_load %arg8[%swap3A_3057, %swap3A_3058] {strides = array<i32>} : memref<1x128xi32, #tpu.memory_space<vmem>>, vector<1x16xi32>,
    %swap3A_3060 = vector.shape_cast %swap3A_3059 : vector<1x16xi32> to vector<16xi32>
    %swap3A_3061 = vector.shape_cast %select_n3A_3055 : vector<16xi32> to vector<1x16xi32>
    tpu.vector_store %arg8[%swap3A_3057, %swap3A_3058], %swap3A_3061 {strides = array<i32>} : memref<1x128xi32, #tpu.memory_space<vmem>>, vector<1x16xi32>,
    %get3A_3062 = arith.constant 0 : i32
    %get3A_3063 = arith.index_cast %get3A_3062 : i32 to index
    %get3A_3064 = arith.constant 864 : index
    %get3A_3065 = tpu.vector_load %arg7[%get3A_3063, %get3A_3064] {strides = array<i32>} : memref<1x1024xi32, #tpu.memory_space<vmem>>, vector<1x16xi32>,
    %get3A_3066 = vector.shape_cast %get3A_3065 : vector<1x16xi32> to vector<16xi32>
    %sub3A_3067 = vector.broadcast %multiple_of3A_1655 : i32 to vector<16xi32>
    %sub3A_3068 = arith.subi %get3A_3066, %sub3A_3067 : vector<16xi32>
    %ge3A_3069 = vector.broadcast %multiple_of3A_1655 : i32 to vector<16xi32>
    %ge3A_3070 = arith.cmpi sge, %get3A_3066, %ge3A_3069 : vector<16xi32>
    %lt3A_3071 = vector.broadcast %select_n3A_1654 : i32 to vector<16xi32>
    %lt3A_3072 = arith.cmpi slt, %get3A_3066, %lt3A_3071 : vector<16xi32>
    %and3A_3073 = arith.andi %ge3A_3070, %lt3A_3072 : vector<16xi1>
    %jit3A_3074 = arith.constant 25088 : i32
    %broadcast_in_dim3A_3075 = vector.broadcast %jit3A_3074 : i32 to vector<16xi32>
    %select_n3A_3076 = arith.select %and3A_3073, %sub3A_3068, %broadcast_in_dim3A_3075 : vector<16xi1>, vector<16xi32>
    %swap3A_3077 = arith.constant 0 : i32
    %swap3A_3078 = arith.index_cast %swap3A_3077 : i32 to index
    %swap3A_3079 = arith.constant 96 : index
    %swap3A_3080 = tpu.vector_load %arg8[%swap3A_3078, %swap3A_3079] {strides = array<i32>} : memref<1x128xi32, #tpu.memory_space<vmem>>, vector<1x16xi32>,
    %swap3A_3081 = vector.shape_cast %swap3A_3080 : vector<1x16xi32> to vector<16xi32>
    %swap3A_3082 = vector.shape_cast %select_n3A_3076 : vector<16xi32> to vector<1x16xi32>
    tpu.vector_store %arg8[%swap3A_3078, %swap3A_3079], %swap3A_3082 {strides = array<i32>} : memref<1x128xi32, #tpu.memory_space<vmem>>, vector<1x16xi32>,
    %get3A_3083 = arith.constant 0 : i32
    %get3A_3084 = arith.index_cast %get3A_3083 : i32 to index
    %get3A_3085 = arith.constant 880 : index
    %get3A_3086 = tpu.vector_load %arg7[%get3A_3084, %get3A_3085] {strides = array<i32>} : memref<1x1024xi32, #tpu.memory_space<vmem>>, vector<1x16xi32>,
    %get3A_3087 = vector.shape_cast %get3A_3086 : vector<1x16xi32> to vector<16xi32>
    %sub3A_3088 = vector.broadcast %multiple_of3A_1655 : i32 to vector<16xi32>
    %sub3A_3089 = arith.subi %get3A_3087, %sub3A_3088 : vector<16xi32>
    %ge3A_3090 = vector.broadcast %multiple_of3A_1655 : i32 to vector<16xi32>
    %ge3A_3091 = arith.cmpi sge, %get3A_3087, %ge3A_3090 : vector<16xi32>
    %lt3A_3092 = vector.broadcast %select_n3A_1654 : i32 to vector<16xi32>
    %lt3A_3093 = arith.cmpi slt, %get3A_3087, %lt3A_3092 : vector<16xi32>
    %and3A_3094 = arith.andi %ge3A_3091, %lt3A_3093 : vector<16xi1>
    %jit3A_3095 = arith.constant 25088 : i32
    %broadcast_in_dim3A_3096 = vector.broadcast %jit3A_3095 : i32 to vector<16xi32>
    %select_n3A_3097 = arith.select %and3A_3094, %sub3A_3089, %broadcast_in_dim3A_3096 : vector<16xi1>, vector<16xi32>
    %swap3A_3098 = arith.constant 0 : i32
    %swap3A_3099 = arith.index_cast %swap3A_3098 : i32 to index
    %swap3A_3100 = arith.constant 112 : index
    %swap3A_3101 = tpu.vector_load %arg8[%swap3A_3099, %swap3A_3100] {strides = array<i32>} : memref<1x128xi32, #tpu.memory_space<vmem>>, vector<1x16xi32>,
    %swap3A_3102 = vector.shape_cast %swap3A_3101 : vector<1x16xi32> to vector<16xi32>
    %swap3A_3103 = vector.shape_cast %select_n3A_3097 : vector<16xi32> to vector<1x16xi32>
    tpu.vector_store %arg8[%swap3A_3099, %swap3A_3100], %swap3A_3103 {strides = array<i32>} : memref<1x128xi32, #tpu.memory_space<vmem>>, vector<1x16xi32>,
    %dma_wait3A_3104 = arith.constant 0 : i32
    %dma_wait3A_3105 = arith.constant 0 : i32
    %dma_wait3A_3106 = arith.constant 0 : i32
    %dma_wait3A_3107 = arith.constant 0 : i32
    %dma_wait3A_3108 = tpu.memref_slice %arg9[%dma_wait3A_3104, %dma_wait3A_3106, %dma_wait3A_3107] : memref<2x128x64xi32, #tpu.memory_space<vmem>> -> memref<1x128x64xi32, #tpu.memory_space<vmem>>
    %dma_wait3A_3109 = tpu.memref_squeeze %dma_wait3A_3108 : memref<1x128x64xi32, #tpu.memory_space<vmem>> -> memref<128x64xi32, #tpu.memory_space<vmem>>
    %dma_wait3A_3110 = arith.constant 0 : i32
    %dma_wait3A_3111 = tpu.memref_slice %arg4[%add3A_1687, %dma_wait3A_3110] : memref<16384x64xi32, #tpu.memory_space<hbm>> -> memref<128x64xi32, #tpu.memory_space<hbm>>
    %dma_wait3A_3112 = tpu.memref_slice %arg10[%dma_wait3A_3105] : memref<2x!tpu.dma_semaphore, #tpu.memory_space<semaphore_mem>> -> memref<1x!tpu.dma_semaphore, #tpu.memory_space<semaphore_mem>>
    %dma_wait3A_3113 = tpu.memref_squeeze %dma_wait3A_3112 : memref<1x!tpu.dma_semaphore, #tpu.memory_space<semaphore_mem>> -> memref<!tpu.dma_semaphore, #tpu.memory_space<semaphore_mem>>
    %dma_wait3A_3114 = arith.constant 0 : i32
    %dma_wait3A_3115 = arith.constant 0 : i32
    %dma_wait3A_3116 = tpu.memref_slice %arg9[%dma_wait3A_3104, %dma_wait3A_3114, %dma_wait3A_3115] : memref<2x128x64xi32, #tpu.memory_space<vmem>> -> memref<1x128x64xi32, #tpu.memory_space<vmem>>
    %dma_wait3A_3117 = tpu.memref_squeeze %dma_wait3A_3116 : memref<1x128x64xi32, #tpu.memory_space<vmem>> -> memref<128x64xi32, #tpu.memory_space<vmem>>
    %dma_wait3A_3118 = arith.constant 0 : i32
    %dma_wait3A_3119 = tpu.memref_slice %arg4[%add3A_1687, %dma_wait3A_3118] : memref<16384x64xi32, #tpu.memory_space<hbm>> -> memref<128x64xi32, #tpu.memory_space<hbm>>
    tpu.wait_dma2 semaphore(%dma_wait3A_3113 : memref<!tpu.dma_semaphore, #tpu.memory_space<semaphore_mem>>) src(%dma_wait3A_3119 : memref<128x64xi32, #tpu.memory_space<hbm>>) dst(%dma_wait3A_3117 : memref<128x64xi32, #tpu.memory_space<vmem>>)
    %run_scoped3A_3120 = arith.constant 0 : i32
    %run_scoped3A_3121 = arith.constant 0 : i32
    "tpu.region"() ({
      %run_scoped3A_3310 = tpu.sem_alloc : memref<!tpu.dma_semaphore, #tpu.memory_space<semaphore_mem>>
      %dma_start3A_3311 = arith.constant 0 : i32
      %dma_start3A_3312 = arith.constant 0 : i32
      %dma_start3A_3313 = tpu.memref_slice %arg9[%run_scoped3A_3120, %dma_start3A_3311, %dma_start3A_3312] : memref<2x128x64xi32, #tpu.memory_space<vmem>> -> memref<1x128x64xi32, #tpu.memory_space<vmem>>
      %dma_start3A_3314 = tpu.memref_squeeze %dma_start3A_3313 : memref<1x128x64xi32, #tpu.memory_space<vmem>> -> memref<128x64xi32, #tpu.memory_space<vmem>>
      %dma_start3A_3315 = arith.constant 0 : i32
      %dma_start3A_3316 = tpu.memref_slice %arg8[%run_scoped3A_3121, %dma_start3A_3315] : memref<1x128xi32, #tpu.memory_space<vmem>> -> memref<1x128xi32, #tpu.memory_space<vmem>>
      %dma_start3A_3317 = tpu.memref_squeeze %dma_start3A_3316 : memref<1x128xi32, #tpu.memory_space<vmem>> -> memref<128xi32, #tpu.memory_space<vmem>>
      %dma_start3A_3318 = arith.constant 0 : i32
      %dma_start3A_3319 = arith.constant 0 : i32
      %dma_start3A_3320 = tpu.memref_slice %arg6[%dma_start3A_3318, %dma_start3A_3319] : memref<25096x64xi32, #tpu.memory_space<vmem_shared>> -> memref<25096x64xi32, #tpu.memory_space<vmem_shared>>
      tpu.enqueue_indirect_dma source(%dma_start3A_3314 : memref<128x64xi32, #tpu.memory_space<vmem>>) target(%dma_start3A_3320 : memref<25096x64xi32, #tpu.memory_space<vmem_shared>>) offsets(%dma_start3A_3317 : memref<128xi32, #tpu.memory_space<vmem>>) semaphore(%run_scoped3A_3310 : memref<!tpu.dma_semaphore, #tpu.memory_space<semaphore_mem>>) {add = true}
      %dma_wait3A_3321 = arith.constant 0 : i32
      %dma_wait3A_3322 = arith.constant 0 : i32
      %dma_wait3A_3323 = tpu.memref_slice %arg9[%run_scoped3A_3120, %dma_wait3A_3321, %dma_wait3A_3322] : memref<2x128x64xi32, #tpu.memory_space<vmem>> -> memref<1x128x64xi32, #tpu.memory_space<vmem>>
      %dma_wait3A_3324 = tpu.memref_squeeze %dma_wait3A_3323 : memref<1x128x64xi32, #tpu.memory_space<vmem>> -> memref<128x64xi32, #tpu.memory_space<vmem>>
      %dma_wait3A_3325 = arith.constant 0 : i32
      %dma_wait3A_3326 = tpu.memref_slice %arg8[%run_scoped3A_3121, %dma_wait3A_3325] : memref<1x128xi32, #tpu.memory_space<vmem>> -> memref<1x128xi32, #tpu.memory_space<vmem>>
      %dma_wait3A_3327 = tpu.memref_squeeze %dma_wait3A_3326 : memref<1x128xi32, #tpu.memory_space<vmem>> -> memref<128xi32, #tpu.memory_space<vmem>>
      %dma_wait3A_3328 = arith.constant 0 : i32
      %dma_wait3A_3329 = arith.constant 0 : i32
      %dma_wait3A_3330 = tpu.memref_slice %arg6[%dma_wait3A_3328, %dma_wait3A_3329] : memref<25096x64xi32, #tpu.memory_space<vmem_shared>> -> memref<25096x64xi32, #tpu.memory_space<vmem_shared>>
      tpu.wait_indirect_dma semaphore(%run_scoped3A_3310 : memref<!tpu.dma_semaphore, #tpu.memory_space<semaphore_mem>>) src(%dma_wait3A_3324 : memref<128x64xi32, #tpu.memory_space<vmem>>) dst(%dma_wait3A_3330 : memref<25096x64xi32, #tpu.memory_space<vmem_shared>>)
      tpu.yield
    }) : () -> ()
    %get3A_3122 = arith.constant 0 : i32
    %get3A_3123 = arith.index_cast %get3A_3122 : i32 to index
    %get3A_3124 = arith.constant 896 : index
    %get3A_3125 = tpu.vector_load %arg7[%get3A_3123, %get3A_3124] {strides = array<i32>} : memref<1x1024xi32, #tpu.memory_space<vmem>>, vector<1x16xi32>,
    %get3A_3126 = vector.shape_cast %get3A_3125 : vector<1x16xi32> to vector<16xi32>
    %sub3A_3127 = vector.broadcast %multiple_of3A_1655 : i32 to vector<16xi32>
    %sub3A_3128 = arith.subi %get3A_3126, %sub3A_3127 : vector<16xi32>
    %ge3A_3129 = vector.broadcast %multiple_of3A_1655 : i32 to vector<16xi32>
    %ge3A_3130 = arith.cmpi sge, %get3A_3126, %ge3A_3129 : vector<16xi32>
    %lt3A_3131 = vector.broadcast %select_n3A_1654 : i32 to vector<16xi32>
    %lt3A_3132 = arith.cmpi slt, %get3A_3126, %lt3A_3131 : vector<16xi32>
    %and3A_3133 = arith.andi %ge3A_3130, %lt3A_3132 : vector<16xi1>
    %jit3A_3134 = arith.constant 25088 : i32
    %broadcast_in_dim3A_3135 = vector.broadcast %jit3A_3134 : i32 to vector<16xi32>
    %select_n3A_3136 = arith.select %and3A_3133, %sub3A_3128, %broadcast_in_dim3A_3135 : vector<16xi1>, vector<16xi32>
    %swap3A_3137 = arith.constant 0 : i32
    %swap3A_3138 = arith.index_cast %swap3A_3137 : i32 to index
    %swap3A_3139 = arith.constant 0 : index
    %swap3A_3140 = tpu.vector_load %arg8[%swap3A_3138, %swap3A_3139] {strides = array<i32>} : memref<1x128xi32, #tpu.memory_space<vmem>>, vector<1x16xi32>,
    %swap3A_3141 = vector.shape_cast %swap3A_3140 : vector<1x16xi32> to vector<16xi32>
    %swap3A_3142 = vector.shape_cast %select_n3A_3136 : vector<16xi32> to vector<1x16xi32>
    tpu.vector_store %arg8[%swap3A_3138, %swap3A_3139], %swap3A_3142 {strides = array<i32>} : memref<1x128xi32, #tpu.memory_space<vmem>>, vector<1x16xi32>,
    %get3A_3143 = arith.constant 0 : i32
    %get3A_3144 = arith.index_cast %get3A_3143 : i32 to index
    %get3A_3145 = arith.constant 912 : index
    %get3A_3146 = tpu.vector_load %arg7[%get3A_3144, %get3A_3145] {strides = array<i32>} : memref<1x1024xi32, #tpu.memory_space<vmem>>, vector<1x16xi32>,
    %get3A_3147 = vector.shape_cast %get3A_3146 : vector<1x16xi32> to vector<16xi32>
    %sub3A_3148 = vector.broadcast %multiple_of3A_1655 : i32 to vector<16xi32>
    %sub3A_3149 = arith.subi %get3A_3147, %sub3A_3148 : vector<16xi32>
    %ge3A_3150 = vector.broadcast %multiple_of3A_1655 : i32 to vector<16xi32>
    %ge3A_3151 = arith.cmpi sge, %get3A_3147, %ge3A_3150 : vector<16xi32>
    %lt3A_3152 = vector.broadcast %select_n3A_1654 : i32 to vector<16xi32>
    %lt3A_3153 = arith.cmpi slt, %get3A_3147, %lt3A_3152 : vector<16xi32>
    %and3A_3154 = arith.andi %ge3A_3151, %lt3A_3153 : vector<16xi1>
    %jit3A_3155 = arith.constant 25088 : i32
    %broadcast_in_dim3A_3156 = vector.broadcast %jit3A_3155 : i32 to vector<16xi32>
    %select_n3A_3157 = arith.select %and3A_3154, %sub3A_3149, %broadcast_in_dim3A_3156 : vector<16xi1>, vector<16xi32>
    %swap3A_3158 = arith.constant 0 : i32
    %swap3A_3159 = arith.index_cast %swap3A_3158 : i32 to index
    %swap3A_3160 = arith.constant 16 : index
    %swap3A_3161 = tpu.vector_load %arg8[%swap3A_3159, %swap3A_3160] {strides = array<i32>} : memref<1x128xi32, #tpu.memory_space<vmem>>, vector<1x16xi32>,
    %swap3A_3162 = vector.shape_cast %swap3A_3161 : vector<1x16xi32> to vector<16xi32>
    %swap3A_3163 = vector.shape_cast %select_n3A_3157 : vector<16xi32> to vector<1x16xi32>
    tpu.vector_store %arg8[%swap3A_3159, %swap3A_3160], %swap3A_3163 {strides = array<i32>} : memref<1x128xi32, #tpu.memory_space<vmem>>, vector<1x16xi32>,
    %get3A_3164 = arith.constant 0 : i32
    %get3A_3165 = arith.index_cast %get3A_3164 : i32 to index
    %get3A_3166 = arith.constant 928 : index
    %get3A_3167 = tpu.vector_load %arg7[%get3A_3165, %get3A_3166] {strides = array<i32>} : memref<1x1024xi32, #tpu.memory_space<vmem>>, vector<1x16xi32>,
    %get3A_3168 = vector.shape_cast %get3A_3167 : vector<1x16xi32> to vector<16xi32>
    %sub3A_3169 = vector.broadcast %multiple_of3A_1655 : i32 to vector<16xi32>
    %sub3A_3170 = arith.subi %get3A_3168, %sub3A_3169 : vector<16xi32>
    %ge3A_3171 = vector.broadcast %multiple_of3A_1655 : i32 to vector<16xi32>
    %ge3A_3172 = arith.cmpi sge, %get3A_3168, %ge3A_3171 : vector<16xi32>
    %lt3A_3173 = vector.broadcast %select_n3A_1654 : i32 to vector<16xi32>
    %lt3A_3174 = arith.cmpi slt, %get3A_3168, %lt3A_3173 : vector<16xi32>
    %and3A_3175 = arith.andi %ge3A_3172, %lt3A_3174 : vector<16xi1>
    %jit3A_3176 = arith.constant 25088 : i32
    %broadcast_in_dim3A_3177 = vector.broadcast %jit3A_3176 : i32 to vector<16xi32>
    %select_n3A_3178 = arith.select %and3A_3175, %sub3A_3170, %broadcast_in_dim3A_3177 : vector<16xi1>, vector<16xi32>
    %swap3A_3179 = arith.constant 0 : i32
    %swap3A_3180 = arith.index_cast %swap3A_3179 : i32 to index
    %swap3A_3181 = arith.constant 32 : index
    %swap3A_3182 = tpu.vector_load %arg8[%swap3A_3180, %swap3A_3181] {strides = array<i32>} : memref<1x128xi32, #tpu.memory_space<vmem>>, vector<1x16xi32>,
    %swap3A_3183 = vector.shape_cast %swap3A_3182 : vector<1x16xi32> to vector<16xi32>
    %swap3A_3184 = vector.shape_cast %select_n3A_3178 : vector<16xi32> to vector<1x16xi32>
    tpu.vector_store %arg8[%swap3A_3180, %swap3A_3181], %swap3A_3184 {strides = array<i32>} : memref<1x128xi32, #tpu.memory_space<vmem>>, vector<1x16xi32>,
    %get3A_3185 = arith.constant 0 : i32
    %get3A_3186 = arith.index_cast %get3A_3185 : i32 to index
    %get3A_3187 = arith.constant 944 : index
    %get3A_3188 = tpu.vector_load %arg7[%get3A_3186, %get3A_3187] {strides = array<i32>} : memref<1x1024xi32, #tpu.memory_space<vmem>>, vector<1x16xi32>,
    %get3A_3189 = vector.shape_cast %get3A_3188 : vector<1x16xi32> to vector<16xi32>
    %sub3A_3190 = vector.broadcast %multiple_of3A_1655 : i32 to vector<16xi32>
    %sub3A_3191 = arith.subi %get3A_3189, %sub3A_3190 : vector<16xi32>
    %ge3A_3192 = vector.broadcast %multiple_of3A_1655 : i32 to vector<16xi32>
    %ge3A_3193 = arith.cmpi sge, %get3A_3189, %ge3A_3192 : vector<16xi32>
    %lt3A_3194 = vector.broadcast %select_n3A_1654 : i32 to vector<16xi32>
    %lt3A_3195 = arith.cmpi slt, %get3A_3189, %lt3A_3194 : vector<16xi32>
    %and3A_3196 = arith.andi %ge3A_3193, %lt3A_3195 : vector<16xi1>
    %jit3A_3197 = arith.constant 25088 : i32
    %broadcast_in_dim3A_3198 = vector.broadcast %jit3A_3197 : i32 to vector<16xi32>
    %select_n3A_3199 = arith.select %and3A_3196, %sub3A_3191, %broadcast_in_dim3A_3198 : vector<16xi1>, vector<16xi32>
    %swap3A_3200 = arith.constant 0 : i32
    %swap3A_3201 = arith.index_cast %swap3A_3200 : i32 to index
    %swap3A_3202 = arith.constant 48 : index
    %swap3A_3203 = tpu.vector_load %arg8[%swap3A_3201, %swap3A_3202] {strides = array<i32>} : memref<1x128xi32, #tpu.memory_space<vmem>>, vector<1x16xi32>,
    %swap3A_3204 = vector.shape_cast %swap3A_3203 : vector<1x16xi32> to vector<16xi32>
    %swap3A_3205 = vector.shape_cast %select_n3A_3199 : vector<16xi32> to vector<1x16xi32>
    tpu.vector_store %arg8[%swap3A_3201, %swap3A_3202], %swap3A_3205 {strides = array<i32>} : memref<1x128xi32, #tpu.memory_space<vmem>>, vector<1x16xi32>,
    %get3A_3206 = arith.constant 0 : i32
    %get3A_3207 = arith.index_cast %get3A_3206 : i32 to index
    %get3A_3208 = arith.constant 960 : index
    %get3A_3209 = tpu.vector_load %arg7[%get3A_3207, %get3A_3208] {strides = array<i32>} : memref<1x1024xi32, #tpu.memory_space<vmem>>, vector<1x16xi32>,
    %get3A_3210 = vector.shape_cast %get3A_3209 : vector<1x16xi32> to vector<16xi32>
    %sub3A_3211 = vector.broadcast %multiple_of3A_1655 : i32 to vector<16xi32>
    %sub3A_3212 = arith.subi %get3A_3210, %sub3A_3211 : vector<16xi32>
    %ge3A_3213 = vector.broadcast %multiple_of3A_1655 : i32 to vector<16xi32>
    %ge3A_3214 = arith.cmpi sge, %get3A_3210, %ge3A_3213 : vector<16xi32>
    %lt3A_3215 = vector.broadcast %select_n3A_1654 : i32 to vector<16xi32>
    %lt3A_3216 = arith.cmpi slt, %get3A_3210, %lt3A_3215 : vector<16xi32>
    %and3A_3217 = arith.andi %ge3A_3214, %lt3A_3216 : vector<16xi1>
    %jit3A_3218 = arith.constant 25088 : i32
    %broadcast_in_dim3A_3219 = vector.broadcast %jit3A_3218 : i32 to vector<16xi32>
    %select_n3A_3220 = arith.select %and3A_3217, %sub3A_3212, %broadcast_in_dim3A_3219 : vector<16xi1>, vector<16xi32>
    %swap3A_3221 = arith.constant 0 : i32
    %swap3A_3222 = arith.index_cast %swap3A_3221 : i32 to index
    %swap3A_3223 = arith.constant 64 : index
    %swap3A_3224 = tpu.vector_load %arg8[%swap3A_3222, %swap3A_3223] {strides = array<i32>} : memref<1x128xi32, #tpu.memory_space<vmem>>, vector<1x16xi32>,
    %swap3A_3225 = vector.shape_cast %swap3A_3224 : vector<1x16xi32> to vector<16xi32>
    %swap3A_3226 = vector.shape_cast %select_n3A_3220 : vector<16xi32> to vector<1x16xi32>
    tpu.vector_store %arg8[%swap3A_3222, %swap3A_3223], %swap3A_3226 {strides = array<i32>} : memref<1x128xi32, #tpu.memory_space<vmem>>, vector<1x16xi32>,
    %get3A_3227 = arith.constant 0 : i32
    %get3A_3228 = arith.index_cast %get3A_3227 : i32 to index
    %get3A_3229 = arith.constant 976 : index
    %get3A_3230 = tpu.vector_load %arg7[%get3A_3228, %get3A_3229] {strides = array<i32>} : memref<1x1024xi32, #tpu.memory_space<vmem>>, vector<1x16xi32>,
    %get3A_3231 = vector.shape_cast %get3A_3230 : vector<1x16xi32> to vector<16xi32>
    %sub3A_3232 = vector.broadcast %multiple_of3A_1655 : i32 to vector<16xi32>
    %sub3A_3233 = arith.subi %get3A_3231, %sub3A_3232 : vector<16xi32>
    %ge3A_3234 = vector.broadcast %multiple_of3A_1655 : i32 to vector<16xi32>
    %ge3A_3235 = arith.cmpi sge, %get3A_3231, %ge3A_3234 : vector<16xi32>
    %lt3A_3236 = vector.broadcast %select_n3A_1654 : i32 to vector<16xi32>
    %lt3A_3237 = arith.cmpi slt, %get3A_3231, %lt3A_3236 : vector<16xi32>
    %and3A_3238 = arith.andi %ge3A_3235, %lt3A_3237 : vector<16xi1>
    %jit3A_3239 = arith.constant 25088 : i32
    %broadcast_in_dim3A_3240 = vector.broadcast %jit3A_3239 : i32 to vector<16xi32>
    %select_n3A_3241 = arith.select %and3A_3238, %sub3A_3233, %broadcast_in_dim3A_3240 : vector<16xi1>, vector<16xi32>
    %swap3A_3242 = arith.constant 0 : i32
    %swap3A_3243 = arith.index_cast %swap3A_3242 : i32 to index
    %swap3A_3244 = arith.constant 80 : index
    %swap3A_3245 = tpu.vector_load %arg8[%swap3A_3243, %swap3A_3244] {strides = array<i32>} : memref<1x128xi32, #tpu.memory_space<vmem>>, vector<1x16xi32>,
    %swap3A_3246 = vector.shape_cast %swap3A_3245 : vector<1x16xi32> to vector<16xi32>
    %swap3A_3247 = vector.shape_cast %select_n3A_3241 : vector<16xi32> to vector<1x16xi32>
    tpu.vector_store %arg8[%swap3A_3243, %swap3A_3244], %swap3A_3247 {strides = array<i32>} : memref<1x128xi32, #tpu.memory_space<vmem>>, vector<1x16xi32>,
    %get3A_3248 = arith.constant 0 : i32
    %get3A_3249 = arith.index_cast %get3A_3248 : i32 to index
    %get3A_3250 = arith.constant 992 : index
    %get3A_3251 = tpu.vector_load %arg7[%get3A_3249, %get3A_3250] {strides = array<i32>} : memref<1x1024xi32, #tpu.memory_space<vmem>>, vector<1x16xi32>,
    %get3A_3252 = vector.shape_cast %get3A_3251 : vector<1x16xi32> to vector<16xi32>
    %sub3A_3253 = vector.broadcast %multiple_of3A_1655 : i32 to vector<16xi32>
    %sub3A_3254 = arith.subi %get3A_3252, %sub3A_3253 : vector<16xi32>
    %ge3A_3255 = vector.broadcast %multiple_of3A_1655 : i32 to vector<16xi32>
    %ge3A_3256 = arith.cmpi sge, %get3A_3252, %ge3A_3255 : vector<16xi32>
    %lt3A_3257 = vector.broadcast %select_n3A_1654 : i32 to vector<16xi32>
    %lt3A_3258 = arith.cmpi slt, %get3A_3252, %lt3A_3257 : vector<16xi32>
    %and3A_3259 = arith.andi %ge3A_3256, %lt3A_3258 : vector<16xi1>
    %jit3A_3260 = arith.constant 25088 : i32
    %broadcast_in_dim3A_3261 = vector.broadcast %jit3A_3260 : i32 to vector<16xi32>
    %select_n3A_3262 = arith.select %and3A_3259, %sub3A_3254, %broadcast_in_dim3A_3261 : vector<16xi1>, vector<16xi32>
    %swap3A_3263 = arith.constant 0 : i32
    %swap3A_3264 = arith.index_cast %swap3A_3263 : i32 to index
    %swap3A_3265 = arith.constant 96 : index
    %swap3A_3266 = tpu.vector_load %arg8[%swap3A_3264, %swap3A_3265] {strides = array<i32>} : memref<1x128xi32, #tpu.memory_space<vmem>>, vector<1x16xi32>,
    %swap3A_3267 = vector.shape_cast %swap3A_3266 : vector<1x16xi32> to vector<16xi32>
    %swap3A_3268 = vector.shape_cast %select_n3A_3262 : vector<16xi32> to vector<1x16xi32>
    tpu.vector_store %arg8[%swap3A_3264, %swap3A_3265], %swap3A_3268 {strides = array<i32>} : memref<1x128xi32, #tpu.memory_space<vmem>>, vector<1x16xi32>,
    %get3A_3269 = arith.constant 0 : i32
    %get3A_3270 = arith.index_cast %get3A_3269 : i32 to index
    %get3A_3271 = arith.constant 1008 : index
    %get3A_3272 = tpu.vector_load %arg7[%get3A_3270, %get3A_3271] {strides = array<i32>} : memref<1x1024xi32, #tpu.memory_space<vmem>>, vector<1x16xi32>,
    %get3A_3273 = vector.shape_cast %get3A_3272 : vector<1x16xi32> to vector<16xi32>
    %sub3A_3274 = vector.broadcast %multiple_of3A_1655 : i32 to vector<16xi32>
    %sub3A_3275 = arith.subi %get3A_3273, %sub3A_3274 : vector<16xi32>
    %ge3A_3276 = vector.broadcast %multiple_of3A_1655 : i32 to vector<16xi32>
    %ge3A_3277 = arith.cmpi sge, %get3A_3273, %ge3A_3276 : vector<16xi32>
    %lt3A_3278 = vector.broadcast %select_n3A_1654 : i32 to vector<16xi32>
    %lt3A_3279 = arith.cmpi slt, %get3A_3273, %lt3A_3278 : vector<16xi32>
    %and3A_3280 = arith.andi %ge3A_3277, %lt3A_3279 : vector<16xi1>
    %jit3A_3281 = arith.constant 25088 : i32
    %broadcast_in_dim3A_3282 = vector.broadcast %jit3A_3281 : i32 to vector<16xi32>
    %select_n3A_3283 = arith.select %and3A_3280, %sub3A_3275, %broadcast_in_dim3A_3282 : vector<16xi1>, vector<16xi32>
    %swap3A_3284 = arith.constant 0 : i32
    %swap3A_3285 = arith.index_cast %swap3A_3284 : i32 to index
    %swap3A_3286 = arith.constant 112 : index
    %swap3A_3287 = tpu.vector_load %arg8[%swap3A_3285, %swap3A_3286] {strides = array<i32>} : memref<1x128xi32, #tpu.memory_space<vmem>>, vector<1x16xi32>,
    %swap3A_3288 = vector.shape_cast %swap3A_3287 : vector<1x16xi32> to vector<16xi32>
    %swap3A_3289 = vector.shape_cast %select_n3A_3283 : vector<16xi32> to vector<1x16xi32>
    tpu.vector_store %arg8[%swap3A_3285, %swap3A_3286], %swap3A_3289 {strides = array<i32>} : memref<1x128xi32, #tpu.memory_space<vmem>>, vector<1x16xi32>,
    %dma_wait3A_3290 = arith.constant 1 : i32
    %dma_wait3A_3291 = arith.constant 1 : i32
    %dma_wait3A_3292 = arith.constant 0 : i32
    %dma_wait3A_3293 = arith.constant 0 : i32
    %dma_wait3A_3294 = tpu.memref_slice %arg9[%dma_wait3A_3290, %dma_wait3A_3292, %dma_wait3A_3293] : memref<2x128x64xi32, #tpu.memory_space<vmem>> -> memref<1x128x64xi32, #tpu.memory_space<vmem>>
    %dma_wait3A_3295 = tpu.memref_squeeze %dma_wait3A_3294 : memref<1x128x64xi32, #tpu.memory_space<vmem>> -> memref<128x64xi32, #tpu.memory_space<vmem>>
    %dma_wait3A_3296 = arith.constant 0 : i32
    %dma_wait3A_3297 = tpu.memref_slice %arg4[%add3A_1691, %dma_wait3A_3296] : memref<16384x64xi32, #tpu.memory_space<hbm>> -> memref<128x64xi32, #tpu.memory_space<hbm>>
    %dma_wait3A_3298 = tpu.memref_slice %arg10[%dma_wait3A_3291] : memref<2x!tpu.dma_semaphore, #tpu.memory_space<semaphore_mem>> -> memref<1x!tpu.dma_semaphore, #tpu.memory_space<semaphore_mem>>
    %dma_wait3A_3299 = tpu.memref_squeeze %dma_wait3A_3298 : memref<1x!tpu.dma_semaphore, #tpu.memory_space<semaphore_mem>> -> memref<!tpu.dma_semaphore, #tpu.memory_space<semaphore_mem>>
    %dma_wait3A_3300 = arith.constant 0 : i32
    %dma_wait3A_3301 = arith.constant 0 : i32
    %dma_wait3A_3302 = tpu.memref_slice %arg9[%dma_wait3A_3290, %dma_wait3A_3300, %dma_wait3A_3301] : memref<2x128x64xi32, #tpu.memory_space<vmem>> -> memref<1x128x64xi32, #tpu.memory_space<vmem>>
    %dma_wait3A_3303 = tpu.memref_squeeze %dma_wait3A_3302 : memref<1x128x64xi32, #tpu.memory_space<vmem>> -> memref<128x64xi32, #tpu.memory_space<vmem>>
    %dma_wait3A_3304 = arith.constant 0 : i32
    %dma_wait3A_3305 = tpu.memref_slice %arg4[%add3A_1691, %dma_wait3A_3304] : memref<16384x64xi32, #tpu.memory_space<hbm>> -> memref<128x64xi32, #tpu.memory_space<hbm>>
    tpu.wait_dma2 semaphore(%dma_wait3A_3299 : memref<!tpu.dma_semaphore, #tpu.memory_space<semaphore_mem>>) src(%dma_wait3A_3305 : memref<128x64xi32, #tpu.memory_space<hbm>>) dst(%dma_wait3A_3303 : memref<128x64xi32, #tpu.memory_space<vmem>>)
    %run_scoped3A_3306 = arith.constant 1 : i32
    %run_scoped3A_3307 = arith.constant 0 : i32
    "tpu.region"() ({
      %run_scoped3A_3310 = tpu.sem_alloc : memref<!tpu.dma_semaphore, #tpu.memory_space<semaphore_mem>>
      %dma_start3A_3311 = arith.constant 0 : i32
      %dma_start3A_3312 = arith.constant 0 : i32
      %dma_start3A_3313 = tpu.memref_slice %arg9[%run_scoped3A_3306, %dma_start3A_3311, %dma_start3A_3312] : memref<2x128x64xi32, #tpu.memory_space<vmem>> -> memref<1x128x64xi32, #tpu.memory_space<vmem>>
      %dma_start3A_3314 = tpu.memref_squeeze %dma_start3A_3313 : memref<1x128x64xi32, #tpu.memory_space<vmem>> -> memref<128x64xi32, #tpu.memory_space<vmem>>
      %dma_start3A_3315 = arith.constant 0 : i32
      %dma_start3A_3316 = tpu.memref_slice %arg8[%run_scoped3A_3307, %dma_start3A_3315] : memref<1x128xi32, #tpu.memory_space<vmem>> -> memref<1x128xi32, #tpu.memory_space<vmem>>
      %dma_start3A_3317 = tpu.memref_squeeze %dma_start3A_3316 : memref<1x128xi32, #tpu.memory_space<vmem>> -> memref<128xi32, #tpu.memory_space<vmem>>
      %dma_start3A_3318 = arith.constant 0 : i32
      %dma_start3A_3319 = arith.constant 0 : i32
      %dma_start3A_3320 = tpu.memref_slice %arg6[%dma_start3A_3318, %dma_start3A_3319] : memref<25096x64xi32, #tpu.memory_space<vmem_shared>> -> memref<25096x64xi32, #tpu.memory_space<vmem_shared>>
      tpu.enqueue_indirect_dma source(%dma_start3A_3314 : memref<128x64xi32, #tpu.memory_space<vmem>>) target(%dma_start3A_3320 : memref<25096x64xi32, #tpu.memory_space<vmem_shared>>) offsets(%dma_start3A_3317 : memref<128xi32, #tpu.memory_space<vmem>>) semaphore(%run_scoped3A_3310 : memref<!tpu.dma_semaphore, #tpu.memory_space<semaphore_mem>>) {add = true}
      %dma_wait3A_3321 = arith.constant 0 : i32
      %dma_wait3A_3322 = arith.constant 0 : i32
      %dma_wait3A_3323 = tpu.memref_slice %arg9[%run_scoped3A_3306, %dma_wait3A_3321, %dma_wait3A_3322] : memref<2x128x64xi32, #tpu.memory_space<vmem>> -> memref<1x128x64xi32, #tpu.memory_space<vmem>>
      %dma_wait3A_3324 = tpu.memref_squeeze %dma_wait3A_3323 : memref<1x128x64xi32, #tpu.memory_space<vmem>> -> memref<128x64xi32, #tpu.memory_space<vmem>>
      %dma_wait3A_3325 = arith.constant 0 : i32
      %dma_wait3A_3326 = tpu.memref_slice %arg8[%run_scoped3A_3307, %dma_wait3A_3325] : memref<1x128xi32, #tpu.memory_space<vmem>> -> memref<1x128xi32, #tpu.memory_space<vmem>>
      %dma_wait3A_3327 = tpu.memref_squeeze %dma_wait3A_3326 : memref<1x128xi32, #tpu.memory_space<vmem>> -> memref<128xi32, #tpu.memory_space<vmem>>
      %dma_wait3A_3328 = arith.constant 0 : i32
      %dma_wait3A_3329 = arith.constant 0 : i32
      %dma_wait3A_3330 = tpu.memref_slice %arg6[%dma_wait3A_3328, %dma_wait3A_3329] : memref<25096x64xi32, #tpu.memory_space<vmem_shared>> -> memref<25096x64xi32, #tpu.memory_space<vmem_shared>>
      tpu.wait_indirect_dma semaphore(%run_scoped3A_3310 : memref<!tpu.dma_semaphore, #tpu.memory_space<semaphore_mem>>) src(%dma_wait3A_3324 : memref<128x64xi32, #tpu.memory_space<vmem>>) dst(%dma_wait3A_3330 : memref<25096x64xi32, #tpu.memory_space<vmem_shared>>)
      tpu.yield
    }) : () -> ()
    %barrier3A_3308 = arith.constant 0 : index
    tpu.barrier barrier_id(%barrier3A_3308)
    %add3A_3309 = arith.addi %multiple_of3A_1655, %mul3A_1657 : i32
    "tpu.region"() ({
      %run_scoped3A_3310 = tpu.sem_alloc : memref<!tpu.dma_semaphore, #tpu.memory_space<semaphore_mem>>
      %dma_start3A_3311 = arith.constant 0 : i32
      %dma_start3A_3312 = tpu.memref_slice %arg5[%add3A_3309, %dma_start3A_3311] : memref<100000x64xi32, #tpu.memory_space<hbm>> -> memref<1568x64xi32, #tpu.memory_space<hbm>>
      %dma_start3A_3313 = arith.constant 0 : i32
      %dma_start3A_3314 = tpu.memref_slice %arg6[%mul3A_1657, %dma_start3A_3313] : memref<25096x64xi32, #tpu.memory_space<vmem_shared>> -> memref<1568x64xi32, #tpu.memory_space<vmem_shared>>
      tpu.enqueue_dma source(%dma_start3A_3314 : memref<1568x64xi32, #tpu.memory_space<vmem_shared>>) target(%dma_start3A_3312 : memref<1568x64xi32, #tpu.memory_space<hbm>>) target_semaphore(%run_scoped3A_3310 : memref<!tpu.dma_semaphore, #tpu.memory_space<semaphore_mem>>)
      %dma_wait3A_3315 = arith.constant 0 : i32
      %dma_wait3A_3316 = tpu.memref_slice %arg5[%add3A_3309, %dma_wait3A_3315] : memref<100000x64xi32, #tpu.memory_space<hbm>> -> memref<1568x64xi32, #tpu.memory_space<hbm>>
      %dma_wait3A_3317 = arith.constant 0 : i32
      %dma_wait3A_3318 = tpu.memref_slice %arg6[%mul3A_1657, %dma_wait3A_3317] : memref<25096x64xi32, #tpu.memory_space<vmem_shared>> -> memref<1568x64xi32, #tpu.memory_space<vmem_shared>>
      tpu.wait_dma2 semaphore(%run_scoped3A_3310 : memref<!tpu.dma_semaphore, #tpu.memory_space<semaphore_mem>>) src(%dma_wait3A_3318 : memref<1568x64xi32, #tpu.memory_space<vmem_shared>>) dst(%dma_wait3A_3316 : memref<1568x64xi32, #tpu.memory_space<hbm>>)
      tpu.yield
    }) : () -> ()
    return
  }
}

</mosaic_0001>

<sc_bundles>
// kernel: kernel.3.cloned.1.call-start
scs
__scs_entry_jumppad:
0x0: {  	(pc) =	sbr.rel $0x88, $3  }
0x1: {  	(tag) =	ssettag $0x0;
	lr =	simm.s32 $0x1  }
0x2: {  	[smem:$0x3F9E] =	sst lr;
	_ =	strace $0xD0000000  }
0x3: {  	_ = 	snop  }
0x4: {  	_ = 	snop  }
0x5: {  	_ = 	snop  }
0x6: {  	_ = 	snop  }
0x7: {  	_ = 	snop  }
__scs_overlays_trampoline_lowered:
0x8: {  	[smem:$0x3FAD] =	sst s0  }
0x9: {  	[smem:$0x3FAE] =	sst s1  }
0xa: {  	[smem:$0x3FAF] =	sst s2  }
0xb: {  	[smem:$0x3FB0] =	sst s3  }
0xc: {  	[smem:$0x3FB1] =	sst s4  }
0xd: {  	[smem:$0x3FB2] =	sst s5  }
0xe: {  	[smem:$0x3FB3] =	sst s6  }
0xf: {  	[smem:$0x3FB4] =	sst s7  }
0x10: {  	[smem:$0x3FB5] =	sst s8  }
0x11: {  	[smem:$0x3FB6] =	sst s9;
	s0 =	simm.s32 @!p0 $0x0  }
0x12: {  	s1 =	sld [smem:$0x3F9C];
	s0 =	simm.s32 @p0 $0x1  }
0x13: {  	[smem:$0x3FB7] =	sst s0;
	s0 =	simm.s32 @!p1 $0x0  }
0x14: {  	s2 =	sld [smem:$0x3F9B];
	s0 =	simm.s32 @p1 $0x1  }
0x15: {  	[smem:$0x3FB8] =	sst s0;
	s0 =	simm.s32 @!p2 $0x0  }
0x16: {  	s3 =	sld [smem:$0x3FDB];
	s0 =	simm.s32 @p2 $0x1  }
0x17: {  	s4 =	simm.s32 $0x1BF5;
	[smem:$0x3FBA] =	sst s0  }
0x18: {  	s0 =	sld [smem:$0x3F9D];
	_ =	swait.ge [sflag:s4], $0x0  }
0x19: {  	s7 =	sld [smem:$0x3F9E]  }
0x1a: {  	s8 =	sadd.s32 $0xFFFFE003, lr  }
0x1b: {  	s9 =	sadd.s32 $0xFFFFFEF7, lr;
	s5 =	simm.s32 $0xFFFFFFFF;
	p2 =	slt.u32 s8, $0xFFFFF086  }
0x1c: {  	p1 =	slt.u32 s9, $0xF7A;
	s5 =	simm.s32 @!p2 $0x0  }
0x1d: {  	s5 =	simm.s32 @p1 $0x1;
	p0 =	seq.s32 s7, s2  }
0x1e: {  	s7 =	smul.u32 @!p0 $0xF7A, s2;
	p2 =	seq.s32 @!p0 s5, $0x0  }
0x1f: {  	s9 =	smul.u32 $0xF7A, s1;
	s8 =	simm.s32 @!p0 $0x1BF5;
	p2 =	por !p2, p0  }
0x20: {  	[sflag:s8] =	ssyncset.s32 @!p0 $0xFFFFF086;
	s6 =	sadd.s32 @!p0 s3, s7;
	s7 =	simm.s32 @!p0 $0x108  }
0x21: {  	s3 =	sadd.s32 s3, s9;
	s6 =	sadd.s32 @!p0 $0x88, s6;
	s7 =	simm.s32 @p2 $0x1082  }
0x22: {  	[simem:s7], [sflag:s8] =	dma.local @!p0 [hbm:s6], $0xF7A  }
0x23: {  	s9 =	sor.u32 $0xD0000000, s2;
	s6 =	simm.s32 $0x108;
	_ =	swait.ge @!p0 [sflag:s8], $0x0  }
0x24: {  	s3 =	sadd.s32 $0x88, s3;
	s6 =	simm.s32 @!p1 $0x1082;
	[sflag:s4] =	ssyncset.s32 $0xFFFFF086  }
0x25: {  	[simem:s6], [sflag:s4] =	dma.local [hbm:s3], $0xF7A  }
0x26: {  	[smem:$0x3F9E] =	sst s1;
	(tag) =	ssettag s2;
	_ =	strace s9  }
0x27: {  	s1 =	sld [smem:$0x3FAE]  }
0x28: {  	s2 =	sld [smem:$0x3FAF]  }
0x29: {  	s4 =	sld [smem:$0x3FB1]  }
0x2a: {  	p0 =	seq.s32 s5, $0x0;
	s5 =	sld [smem:$0x3FB2]  }
0x2b: {  	s6 =	sld [smem:$0x3FB3]  }
0x2c: {  	s7 =	sld [smem:$0x3FB4]  }
0x2d: {  	s3 =	simm.s32 $0x108;
	s8 =	sld [smem:$0x3FB5]  }
0x2e: {  	s3 =	simm.s32 @!p0 $0x1082;
	s9 =	sld [smem:$0x3FB6]  }
0x2f: {  	lr =	sadd.s32 s0, s3;
	s0 =	sld [smem:$0x3FAD]  }
0x30: {  	s3 =	sld [smem:$0x3FB0]  }
0x31: {  	[smem:$0x3FB9] =	sst s10  }
0x32: {  	s10 =	sld [smem:$0x3FB7];
	_ =	sdelay $0x3  }
0x33: {  	p0 =	seq.s32 s10, $0x1;
	s10 =	sld [smem:$0x3FB9];
	_ =	sdelay $0x3  }
0x34: {  	[smem:$0x3FB9] =	sst s10  }
0x35: {  	s10 =	sld [smem:$0x3FB8];
	_ =	sdelay $0x3  }
0x36: {  	p1 =	seq.s32 s10, $0x1;
	s10 =	sld [smem:$0x3FB9];
	_ =	sdelay $0x3  }
0x37: {  	[smem:$0x3FB9] =	sst s10  }
0x38: {  	s10 =	sld [smem:$0x3FBA]  }
0x39: {  	_ = 	snop;
	(pc) =	sbr.ind lr, $3  }
0x3a: {  	_ = 	snop  }
0x3b: {  	_ = 	snop  }
0x3c: {  	p2 =	seq.s32 s10, $0x1;
	s10 =	sld [smem:$0x3FB9]  }
0x3d: {  	_ =	shalt  }
0x3e: {  	_ =	shalt  }
0x3f: {  	_ =	shalt  }
0x40: {  	_ =	shalt  }
0x41: {  	_ =	shalt  }
0x42: {  	_ =	shalt  }
0x43: {  	_ =	shalt  }
0x44: {  	_ =	shalt  }
0x45: {  	_ =	shalt  }
0x46: {  	_ =	shalt  }
0x47: {  	_ =	shalt  }
0x48: {  	_ =	shalt  }
0x49: {  	_ =	shalt  }
0x4a: {  	_ =	shalt  }
0x4b: {  	_ =	shalt  }
0x4c: {  	_ =	shalt  }
0x4d: {  	_ =	shalt  }
0x4e: {  	_ =	shalt  }
0x4f: {  	_ =	shalt  }
0x50: {  	_ =	shalt  }
0x51: {  	_ =	shalt  }
0x52: {  	_ =	shalt  }
0x53: {  	_ =	shalt  }
0x54: {  	_ =	shalt  }
0x55: {  	_ =	shalt  }
0x56: {  	_ =	shalt  }
0x57: {  	_ =	shalt  }
0x58: {  	_ =	shalt  }
0x59: {  	_ =	shalt  }
0x5a: {  	_ =	shalt  }
0x5b: {  	_ =	shalt  }
0x5c: {  	_ =	shalt  }
0x5d: {  	_ =	shalt  }
0x5e: {  	_ =	shalt  }
0x5f: {  	_ =	shalt  }
0x60: {  	_ =	shalt  }
0x61: {  	_ =	shalt  }
0x62: {  	_ =	shalt  }
0x63: {  	_ =	shalt  }
0x64: {  	_ =	shalt  }
0x65: {  	_ =	shalt  }
0x66: {  	_ =	shalt  }
0x67: {  	_ =	shalt  }
0x68: {  	_ =	shalt  }
0x69: {  	_ =	shalt  }
0x6a: {  	_ =	shalt  }
0x6b: {  	_ =	shalt  }
0x6c: {  	_ =	shalt  }
0x6d: {  	_ =	shalt  }
0x6e: {  	_ =	shalt  }
0x6f: {  	_ =	shalt  }
0x70: {  	_ =	shalt  }
0x71: {  	_ =	shalt  }
0x72: {  	_ =	shalt  }
0x73: {  	_ =	shalt  }
0x74: {  	_ =	shalt  }
0x75: {  	_ =	shalt  }
0x76: {  	_ =	shalt  }
0x77: {  	_ =	shalt  }
0x78: {  	_ =	shalt  }
0x79: {  	_ =	shalt  }
0x7a: {  	_ =	shalt  }
0x7b: {  	_ =	shalt  }
0x7c: {  	_ =	shalt  }
0x7d: {  	_ =	shalt  }
0x7e: {  	_ =	shalt  }
0x7f: {  	_ =	shalt  }
0x80: {  	_ =	shalt  }
0x81: {  	_ =	shalt  }
0x82: {  	_ =	shalt  }
0x83: {  	_ =	shalt  }
0x84: {  	_ =	shalt  }
0x85: {  	_ =	shalt  }
0x86: {  	_ =	shalt  }
0x87: {  	_ =	shalt  }
.Lfunc_end0:
.L_simem_size_0:
called_computation_lowered:
.L_overlay_start_0:
0x88: {  	s2 =	sld [smem:$0x3FD9]  }
0x89: {  	s3 =	sld [smem:$0x3FFE];
	_ =	sdelay $0x1  }
0x8a: {  	s1 =	srdreg.scid  }
0x8b: {  	s0 =	sand.u32 $0x1, s1  }
0x8c: {  	s17 =	sshll.u32 s0, $0xA;
	s2 =	sadd.s32 s3, s2  }
0x8d: {  	s2 =	sadd.s32 s2, s17  }
0x8e: {  	[smem:$0x3FC5] =	sst s2  }
0x8f: {  	_ = 	snop  }
0x90: {  	s2 =	sld [smem:$0x3FC8]  }
0x91: {  	s18 =	sld [smem:$0x3FD0];
	(tm) =	ssettm $0x1  }
0x92: {  	s4 =	sld [smem:$0x3FFB];
	_ =	sdelay $0x3  }
0x93: {  	_ =	strace s4  }
0x94: {  	s4 =	sld [smem:$0x3FFC];
	_ =	sdelay $0x3  }
0x95: {  	_ =	strace s4  }
0x96: {  	s4 =	sld [smem:$0x3FFD];
	_ =	sdelay $0x3  }
0x97: {  	_ =	strace s4  }
0x98: {  	_ =	strace $0x8FFFFFFF  }
0x99: {  	s19 =	sld [smem:$0x3FDB];
	_ =	sdelay $0x1  }
0x9a: {  	s5 =	simm.s32 $_scs_section_size  }
0x9b: {  	s6 =	simm.s32 $_size__tile_overlayer_lowered;
	s7 =	simm.s32 $_tile_overlayer_lowered  }
0x9c: {  	s22 =	simm.s32 $0x1BFF;
	s21 =	sshll.u32 s7, $0x1;
	s4 =	sadd.s32 s5, s19  }
0x9d: {  	s8 =	simm.s32 $0x0;
	s20 =	sshll.u32 s6, $0x1;
	s6 =	sadd.s32 s21, s4  }
0x9e: {  	[timem:s8], [sflag:s22] =	dma.local [hbm:s6], s20  }
0x9f: {  	_ =	swait.ge [sflag:s22], s20  }
0xa0: {  	s5 =	ssub.s32 $0x0, s20;
	[sflag:s22] =	ssyncset.done $0x0  }
0xa1: {  	[sflag:s22] =	ssyncadd.s32 s5;
	_ =	sdelay $0x1  }
0xa2: {  	s23 =	simm.s32 $0x1B8B  }
0xa3: {  	_ =	swait.ge [sflag:s23], $0x1  }
0xa4: {  	[sflag:s23] =	ssyncset.done $0x0  }
0xa5: {  	s25 =	simm.s32 $0x1B8E;
	s24 =	sld [smem:$0x3FFE];
	[sflag:s23] =	ssyncadd.s32 $0xFFFFFFFF  }
0xa6: {  	s26 =	simm.s32 $execute0_lowered;
	[smem:$0x3FD2] =	sst s25  }
0xa7: {  	s6 =	sshll.u32 s26, $0x1;
	_ =	strace $0x80000046;
	[dreg:$0x1] =	wrdreg $0xFFFFFFFF  }
0xa8: {  	s28 =	simm.s32 $_size_execute0_lowered;
	s4 =	sadd.s32 s4, s6;
	[dreg:$0x0] =	wrdreg $0x0  }
0xa9: {  	s6 =	sshll.u32 s28, $0x1;
	[dreg:$0x2] =	wrdreg s4  }
0xaa: {  	[dreg:$0x3] =	wrdreg s6  }
0xab: {  	[dreg:$0x4] =	wrdreg $0xC0  }
0xac: {  	_ =	task [dreg:s8], $0x5FFFF  }
0xad: {  	[dreg:$0x1] =	wrdreg $0xFFFFFFFF  }
0xae: {  	[dreg:$0x0] =	wrdreg $0x60  }
0xaf: {  	[dreg:$0x2] =	wrdreg s18  }
0xb0: {  	[dreg:$0x3] =	wrdreg s2  }
0xb1: {  	[dreg:$0x4] =	wrdreg s24  }
0xb2: {  	[dreg:$0x5] =	wrdreg $0x0  }
0xb3: {  	[dreg:$0x6] =	wrdreg $0x9  }
0xb4: {  	_ =	task.clear_ibuf [dreg:s8], $0x7FFFF;
	_ =	strace $0x90000046  }
0xb5: {  	s29 =	simm.s32 $0x9;
	_ =	strace $0x80000048  }
0xb6: {  	_ =	swait.ge [sflag:s29], $0x1  }
0xb7: {  	[sflag:s29] =	ssyncadd.s32 $0xFFFFFFFF  }
0xb8: {  	_ =	strace $0x90000048  }
0xb9: {  	_ =	sfence  }
0xba: {  	s30 =	sld [smem:$0x0];
	_ =	sdelay $0x2  }
0xbb: {  	s31 =	sshll.u32 s1, $0xD;
	s1 =	sshrl.u32 s1, $0x2  }
0xbc: {  	s3 =	sand.u32 $0x4000, s31;
	s1 =	sadd.s32 s1, s30  }
0xbd: {  	s0 =	sor.u32 s3, s0;
	s1 =	sshll.u32 s1, $0x11  }
0xbe: {  	s0 =	sor.u32 s1, s0  }
0xbf: {  	s0 =	sadd.s32 $0x8F2B, s0  }
0xc0: {  	[sflag:s0] =	ssyncadd.remote.s32 $0x1  }
0xc1: {  	_ =	sfence.sel $0xFFFF  }
0xc2: {  	[dreg:$0x0] =	wrdreg $0xFFFFFFFF;
	(pc) =	sbr.abs _section_cstart, $3  }
0xc3: {  	[dreg:$0x1] =	wrdreg $0xFFFFFFFF  }
0xc4: {  	_ =	task.clear_ibuf [dreg:s8], $0x2FFFF;
	_ =	strace $0x9FFFFFFF  }
0xc5: {  	(tm) =	ssettm $0x7FFFFFFF  }
tec
execute0_lowered:
.L_overlay_start_1:
0x0: {  	(tag) =	ssettag $0x1  }
0x1: {  	s15 =	rddreg [dreg:$0x0]  }
0x2: {  	s4 =	rddreg [dreg:$0x1]  }
0x3: {  	s5 =	rddreg [dreg:$0x2]  }
0x4: {  	s2 =	rddreg [dreg:$0x3]  }
0x5: {  	s0 =	rddreg [dreg:$0x4]  }
0x6: {  	s3 =	simm.s32 $0x0;
	s1 =	stileid.u32;
	s6 =	srdreg.scid  }
0x7: {  	s21 =	simm.s32 $0x18CA0;
	s22 =	simm.s32 $0x1ACA0;
	s23 =	simm.s32 $0x1  }
0x8: {  	[smem:$0x7FF] =	sst s3;
	s7 =	sshll.u32 s1, $0xD;
	s6 =	sand.u32 $0x1, s6  }
0x9: {  	s16 =	sadd.s32 $0x20600, s5;
	s14 =	smul.u32 $0x620, s1;
	s28 =	sshll.u32 s1, $0x7  }
0xa: {  	s29 =	smul.u32 $0x62000, s1;
	_ =	strace $0x80000047;
	s13 =	sadd.s32 s7, s5  }
0xb: {  	s25 =	ssub.s32 $0x2, s6;
	s26 =	ssub.s32 $0x0, s6;
	p0 =	seq.s32 s6, $0x0  }
0xc: {  	s4 =	sadd.s32 s4, s28;
	s8 =	sshrl.u32 s25, $0x1;
	s24 =	sand.u32 $0xC400, s26  }
0xd: {  	s5 =	sshrl.u32 s29, $0x2;
	s6 =	sadd.s32 $0x600, s13;
	s7 =	sadd.s32 $0xA00, s13  }
0xe: {  	s9 =	sadd.s32 $0x1200, s13;
	s10 =	sadd.s32 $0x1600, s13;
	s11 =	sadd.s32 $0x1A00, s13  }
0xf: {  	s12 =	sadd.s32 $0x1E00, s13;
	s26 =	simm.s32 $0xC400;
	s17 =	ssub.s32 s25, s8  }
0x10: {  	s25 =	simm.s32 $0x6200;
	s30 =	sadd.s32 s14, s24;
	s20 =	sadd.s32 s5, s2  }
0x11: {  	s8 =	sadd.s32 $0xE00, s13;
	s13 =	sadd.s32 $0x2200, s13;
	s26 =	simm.s32 @!p0 $0x186A0  }
0x12: {  	v0 =	vmov s24;
	s24 =	simm.s32 $0x80;
	s25 =	simm.s32 @!p0 $0x124A0;
	s18 =	sshll.u32 s30, $0x3  }
0x13: {  	s17 =	smax.u32 s17, $0x1;
	s20 =	sshrl.u32 s20, $0x3;
	v2 =	vmov s26;
	s26 =	simm.s32 $0x2  }
0x14: {  	s5 =	sadd.s32 s15, s18;
	s19 =	sadd.s32 s14, s25;
	s14 =	sadd.s32 s16, s18  }
0x15: {  	s18 =	simm.s32 $0x18820;
	v1 =	vmov s25;
	s25 =	simm.s32 $0x18C20;
	s31 =	sshll.u32 s19, $0x3  }
0x16: {  	s19 =	simm.s32 $0x3;
	s15 =	sadd.s32 s15, s31;
	s16 =	sadd.s32 s16, s31  }
.LBB2_1:
0x17: {  	[tilespmem:s18], [sflag:$0x3] =	stream.linear.gather [hbm4b:s4+s3], $0x400, $0x38;
	[tilespmem:$0x1CCA0] =	vst v63  }
0x18: {  	_ =	swait.ge [sflag:s19], $0x400  }
0x19: {  	s28 =	sshll.u32 s1, $0x6;
	[sflag:s19] =	ssyncset.done $0x0  }
0x1a: {  	s28 =	sor.u32 $0x1C03, s28;
	[sflag:s19] =	ssyncadd.s32 $0xFFFFFC00  }
0x1b: {  	[spmem:s20], [sflag:s28] =	dma.local [hbm:s5], $0x3100  }
0x1c: {  	_ =	swait.ge [sflag:s19], $0x3100  }
0x1d: {  	[sflag:s19] =	ssyncset.done $0x0  }
0x1e: {  	[sflag:s19] =	ssyncadd.s32 $0xFFFFCF00  }
0x1f: {  	[bflag:$0x0] =	sbarrier.arrive $0xFFFF  }
0x20: {  	[tilespmem:s21], [sflag:$0x1] =	stream.linear.gather [hbm4b:s6+s3], $0x2000, $0x38;
	[tilespmem:$0x1CCA0] =	vst v63  }
0x21: {  	_ = 	snop  }
0x22: {  	[tilespmem:s22], [sflag:$0x2] =	stream.linear.gather [hbm4b:s7+s3], $0x2000, $0x38;
	[tilespmem:$0x1CCA0] =	vst v63  }
0x23: {  	v3 =	vld [tilespmem:$0x18820]  }
0x24: {  	v4 =	vld [tilespmem:$0x18830]  }
0x25: {  	v5 =	vld [tilespmem:$0x18840]  }
0x26: {  	v8 =	vld [tilespmem:$0x18860]  }
0x27: {  	v16 =	vld [tilespmem:$0x18870]  }
0x28: {  	v6 =	vsub.s32 v3, v0;
	vm0 =	vge.s32 v3, v0;
	vm1 =	vlt.s32 v3, v1;
	v3 =	vld [tilespmem:$0x18850]  }
0x29: {  	v7 =	vsub.s32 v4, v0;
	vm8 =	vge.s32 v4, v0;
	vm2 =	vlt.s32 v4, v1  }
0x2a: {  	vm3 =	vge.s32 v5, v0;
	vm4 =	vlt.s32 v5, v1;
	v5 =	vsub.s32 v5, v0  }
0x2b: {  	v11 =	vld [tilespmem:$0x18890];
	v10 =	vsub.s32 v8, v0;
	vm12 =	vge.s32 v8, v0;
	vm13 =	vlt.s32 v8, v1  }
0x2c: {  	vm14 =	vge.s32 v16, v0;
	vm15 =	vlt.s32 v16, v1;
	vm0 =	vmand vm0, vm1  }
0x2d: {  	v9 =	vsub.s32 v3, v0;
	vm10 =	vge.s32 v3, v0;
	vm11 =	vlt.s32 v3, v1;
	v3 =	vld [tilespmem:$0x18880]  }
0x2e: {  	v4 =	vsub.s32 v16, v0;
	vm1 =	vmand vm8, vm2;
	v6 =	vnsel vm0, $0x6200, v6  }
0x2f: {  	vm9 =	vmand vm3, vm4;
	vm5 =	vmand vm14, vm15;
	v7 =	vnsel vm1, $0x6200, v7;
	[tilespmem:$0x18C20] =	vst v6  }
0x30: {  	vm8 =	vge.s32 v11, v0;
	v5 =	vnsel vm9, $0x6200, v5;
	vm1 =	vmand vm12, vm13;
	[tilespmem:$0x18C30] =	vst v7  }
0x31: {  	v4 =	vnsel vm5, $0x6200, v4;
	vm9 =	vlt.s32 v11, v1;
	[tilespmem:$0x18C40] =	vst v5;
	v18 =	vnsel vm1, $0x6200, v10  }
0x32: {  	[tilespmem:$0x18C70] =	vst v4;
	vm0 =	vmand vm10, vm11;
	vm6 =	vge.s32 v3, v0;
	vm7 =	vlt.s32 v3, v1  }
0x33: {  	[tilespmem:$0x18C60] =	vst v18;
	v17 =	vnsel vm0, $0x6200, v9;
	v19 =	vsub.s32 v3, v0;
	vm0 =	vmand vm6, vm7  }
0x34: {  	v20 =	vsub.s32 v11, v0;
	vm10 =	vmand vm8, vm9;
	[tilespmem:$0x18C50] =	vst v17;
	v3 =	vnsel vm0, $0x6200, v19  }
0x35: {  	[tilespmem:$0x18C80] =	vst v3;
	v3 =	vnsel vm10, $0x6200, v20  }
0x36: {  	[tilespmem:$0x18C90] =	vst v3  }
0x37: {  	_ =	swait.ge [sflag:s23], $0x2000  }
0x38: {  	[sflag:s23] =	ssyncset.done $0x0  }
0x39: {  	[sflag:s23] =	ssyncadd.s32 $0xFFFFE000  }
0x3a: {  	[spmem:s2] =	stream.indirect.scatter.add.s32 [tilespmem:s21], [sflag:$0x3], $0x40, s25, s24, $0xb8;
	[tilespmem:$0x1CCA0] =	vst v63  }
0x3b: {  	_ =	swait.ge [sflag:s19], $0x2000  }
0x3c: {  	[sflag:s19] =	ssyncset.done $0x0  }
0x3d: {  	[sflag:s19] =	ssyncadd.s32 $0xFFFFE000  }
0x3e: {  	[tilespmem:s21], [sflag:$0x1] =	stream.linear.gather [hbm4b:s8+s3], $0x2000, $0x38;
	[tilespmem:$0x1CCA0] =	vst v63  }
0x3f: {  	v3 =	vld [tilespmem:$0x188A0]  }
0x40: {  	v21 =	vld [tilespmem:$0x188B0]  }
0x41: {  	v22 =	vld [tilespmem:$0x188C0]  }
0x42: {  	v25 =	vld [tilespmem:$0x188E0]  }
0x43: {  	v26 =	vld [tilespmem:$0x188F0];
	_ =	sdelay $0x1  }
0x44: {  	v23 =	vsub.s32 v3, v0;
	vm11 =	vge.s32 v3, v0;
	vm12 =	vlt.s32 v3, v1;
	v3 =	vld [tilespmem:$0x188D0]  }
0x45: {  	v24 =	vsub.s32 v21, v0;
	vm13 =	vge.s32 v21, v0;
	vm14 =	vlt.s32 v21, v1  }
0x46: {  	v29 =	vld [tilespmem:$0x18910];
	vm15 =	vge.s32 v22, v0;
	vm8 =	vlt.s32 v22, v1;
	v5 =	vsub.s32 v22, v0  }
0x47: {  	v28 =	vsub.s32 v25, v0;
	v4 =	vsub.s32 v26, v0;
	vm0 =	vmand vm11, vm12  }
0x48: {  	vm1 =	vmand vm13, vm14;
	vm9 =	vmand vm15, vm8;
	vm12 =	vge.s32 v25, v0  }
0x49: {  	v27 =	vsub.s32 v3, v0;
	vm10 =	vge.s32 v3, v0;
	vm11 =	vlt.s32 v3, v1;
	v3 =	vld [tilespmem:$0x18900]  }
0x4a: {  	vm13 =	vlt.s32 v25, v1;
	vm14 =	vge.s32 v26, v0;
	v6 =	vnsel vm0, $0x6200, v23  }
0x4b: {  	vm15 =	vlt.s32 v26, v1;
	vm8 =	vge.s32 v29, v0;
	v7 =	vnsel vm1, $0x6200, v24;
	[tilespmem:$0x18C20] =	vst v6  }
0x4c: {  	v5 =	vnsel vm9, $0x6200, v5;
	vm1 =	vmand vm12, vm13;
	vm5 =	vmand vm14, vm15;
	[tilespmem:$0x18C30] =	vst v7  }
0x4d: {  	vm9 =	vlt.s32 v29, v1;
	[tilespmem:$0x18C40] =	vst v5;
	v31 =	vnsel vm1, $0x6200, v28;
	v4 =	vnsel vm5, $0x6200, v4  }
0x4e: {  	[tilespmem:$0x18C60] =	vst v31;
	vm0 =	vmand vm10, vm11;
	vm6 =	vge.s32 v3, v0;
	vm7 =	vlt.s32 v3, v1  }
0x4f: {  	[tilespmem:$0x18C70] =	vst v4;
	v30 =	vnsel vm0, $0x6200, v27;
	v32 =	vsub.s32 v3, v0;
	vm0 =	vmand vm6, vm7  }
0x50: {  	v33 =	vsub.s32 v29, v0;
	vm10 =	vmand vm8, vm9;
	[tilespmem:$0x18C50] =	vst v30;
	v3 =	vnsel vm0, $0x6200, v32  }
0x51: {  	[tilespmem:$0x18C80] =	vst v3;
	v3 =	vnsel vm10, $0x6200, v33  }
0x52: {  	[tilespmem:$0x18C90] =	vst v3  }
0x53: {  	_ =	swait.ge [sflag:s26], $0x2000  }
0x54: {  	[sflag:s26] =	ssyncset.done $0x0  }
0x55: {  	[sflag:s26] =	ssyncadd.s32 $0xFFFFE000  }
0x56: {  	[spmem:s2] =	stream.indirect.scatter.add.s32 [tilespmem:s22], [sflag:$0x3], $0x40, s25, s24, $0xb8;
	[tilespmem:$0x1CCA0] =	vst v63  }
0x57: {  	_ =	swait.ge [sflag:s19], $0x2000  }
0x58: {  	[sflag:s19] =	ssyncset.done $0x0  }
0x59: {  	[sflag:s19] =	ssyncadd.s32 $0xFFFFE000  }
0x5a: {  	[tilespmem:s22], [sflag:$0x2] =	stream.linear.gather [hbm4b:s9+s3], $0x2000, $0x38;
	[tilespmem:$0x1CCA0] =	vst v63  }
0x5b: {  	v3 =	vld [tilespmem:$0x18920]  }
0x5c: {  	v34 =	vld [tilespmem:$0x18930]  }
0x5d: {  	v35 =	vld [tilespmem:$0x18940]  }
0x5e: {  	v38 =	vld [tilespmem:$0x18960]  }
0x5f: {  	v39 =	vld [tilespmem:$0x18970];
	_ =	sdelay $0x1  }
0x60: {  	v36 =	vsub.s32 v3, v0;
	vm11 =	vge.s32 v3, v0;
	vm12 =	vlt.s32 v3, v1;
	v3 =	vld [tilespmem:$0x18950]  }
0x61: {  	v37 =	vsub.s32 v34, v0;
	vm13 =	vge.s32 v34, v0;
	vm14 =	vlt.s32 v34, v1  }
0x62: {  	v42 =	vld [tilespmem:$0x18990];
	vm15 =	vge.s32 v35, v0;
	vm8 =	vlt.s32 v35, v1;
	v5 =	vsub.s32 v35, v0  }
0x63: {  	v41 =	vsub.s32 v38, v0;
	v4 =	vsub.s32 v39, v0;
	vm0 =	vmand vm11, vm12  }
0x64: {  	vm1 =	vmand vm13, vm14;
	vm9 =	vmand vm15, vm8;
	vm12 =	vge.s32 v38, v0  }
0x65: {  	v40 =	vsub.s32 v3, v0;
	vm10 =	vge.s32 v3, v0;
	vm11 =	vlt.s32 v3, v1;
	v3 =	vld [tilespmem:$0x18980]  }
0x66: {  	vm13 =	vlt.s32 v38, v1;
	vm14 =	vge.s32 v39, v0;
	v6 =	vnsel vm0, $0x6200, v36  }
0x67: {  	vm15 =	vlt.s32 v39, v1;
	vm8 =	vge.s32 v42, v0;
	v7 =	vnsel vm1, $0x6200, v37;
	[tilespmem:$0x18C20] =	vst v6  }
0x68: {  	v5 =	vnsel vm9, $0x6200, v5;
	vm1 =	vmand vm12, vm13;
	vm5 =	vmand vm14, vm15;
	[tilespmem:$0x18C30] =	vst v7  }
0x69: {  	vm9 =	vlt.s32 v42, v1;
	[tilespmem:$0x18C40] =	vst v5;
	v44 =	vnsel vm1, $0x6200, v41;
	v4 =	vnsel vm5, $0x6200, v4  }
0x6a: {  	[tilespmem:$0x18C60] =	vst v44;
	vm0 =	vmand vm10, vm11;
	vm6 =	vge.s32 v3, v0;
	vm7 =	vlt.s32 v3, v1  }
0x6b: {  	[tilespmem:$0x18C70] =	vst v4;
	v43 =	vnsel vm0, $0x6200, v40;
	v45 =	vsub.s32 v3, v0;
	vm0 =	vmand vm6, vm7  }
0x6c: {  	v46 =	vsub.s32 v42, v0;
	vm10 =	vmand vm8, vm9;
	[tilespmem:$0x18C50] =	vst v43;
	v3 =	vnsel vm0, $0x6200, v45  }
0x6d: {  	[tilespmem:$0x18C80] =	vst v3;
	v3 =	vnsel vm10, $0x6200, v46  }
0x6e: {  	[tilespmem:$0x18C90] =	vst v3  }
0x6f: {  	_ =	swait.ge [sflag:s23], $0x2000  }
0x70: {  	[sflag:s23] =	ssyncset.done $0x0  }
0x71: {  	[sflag:s23] =	ssyncadd.s32 $0xFFFFE000  }
0x72: {  	[spmem:s2] =	stream.indirect.scatter.add.s32 [tilespmem:s21], [sflag:$0x3], $0x40, s25, s24, $0xb8;
	[tilespmem:$0x1CCA0] =	vst v63  }
0x73: {  	_ =	swait.ge [sflag:s19], $0x2000  }
0x74: {  	[sflag:s19] =	ssyncset.done $0x0  }
0x75: {  	[sflag:s19] =	ssyncadd.s32 $0xFFFFE000  }
0x76: {  	[tilespmem:s21], [sflag:$0x1] =	stream.linear.gather [hbm4b:s10+s3], $0x2000, $0x38;
	[tilespmem:$0x1CCA0] =	vst v63  }
0x77: {  	v3 =	vld [tilespmem:$0x189A0]  }
0x78: {  	v47 =	vld [tilespmem:$0x189B0]  }
0x79: {  	v48 =	vld [tilespmem:$0x189C0]  }
0x7a: {  	v51 =	vld [tilespmem:$0x189E0]  }
0x7b: {  	v52 =	vld [tilespmem:$0x189F0];
	_ =	sdelay $0x1  }
0x7c: {  	v49 =	vsub.s32 v3, v0;
	vm11 =	vge.s32 v3, v0;
	vm12 =	vlt.s32 v3, v1;
	v3 =	vld [tilespmem:$0x189D0]  }
0x7d: {  	v50 =	vsub.s32 v47, v0;
	vm13 =	vge.s32 v47, v0;
	vm14 =	vlt.s32 v47, v1  }
0x7e: {  	v55 =	vld [tilespmem:$0x18A10];
	vm15 =	vge.s32 v48, v0;
	vm8 =	vlt.s32 v48, v1;
	v5 =	vsub.s32 v48, v0  }
0x7f: {  	v54 =	vsub.s32 v51, v0;
	v4 =	vsub.s32 v52, v0;
	vm0 =	vmand vm11, vm12  }
0x80: {  	vm1 =	vmand vm13, vm14;
	vm9 =	vmand vm15, vm8;
	vm12 =	vge.s32 v51, v0  }
0x81: {  	v53 =	vsub.s32 v3, v0;
	vm10 =	vge.s32 v3, v0;
	vm11 =	vlt.s32 v3, v1;
	v3 =	vld [tilespmem:$0x18A00]  }
0x82: {  	vm13 =	vlt.s32 v51, v1;
	vm14 =	vge.s32 v52, v0;
	v6 =	vnsel vm0, $0x6200, v49  }
0x83: {  	vm15 =	vlt.s32 v52, v1;
	vm8 =	vge.s32 v55, v0;
	v7 =	vnsel vm1, $0x6200, v50;
	[tilespmem:$0x18C20] =	vst v6  }
0x84: {  	v5 =	vnsel vm9, $0x6200, v5;
	vm1 =	vmand vm12, vm13;
	vm5 =	vmand vm14, vm15;
	[tilespmem:$0x18C30] =	vst v7  }
0x85: {  	vm9 =	vlt.s32 v55, v1;
	[tilespmem:$0x18C40] =	vst v5;
	v57 =	vnsel vm1, $0x6200, v54;
	v4 =	vnsel vm5, $0x6200, v4  }
0x86: {  	[tilespmem:$0x18C60] =	vst v57;
	vm0 =	vmand vm10, vm11;
	vm6 =	vge.s32 v3, v0;
	vm7 =	vlt.s32 v3, v1  }
0x87: {  	[tilespmem:$0x18C70] =	vst v4;
	v56 =	vnsel vm0, $0x6200, v53;
	v58 =	vsub.s32 v3, v0;
	vm0 =	vmand vm6, vm7  }
0x88: {  	v59 =	vsub.s32 v55, v0;
	vm10 =	vmand vm8, vm9;
	[tilespmem:$0x18C50] =	vst v56;
	v3 =	vnsel vm0, $0x6200, v58  }
0x89: {  	[tilespmem:$0x18C80] =	vst v3;
	v3 =	vnsel vm10, $0x6200, v59  }
0x8a: {  	[tilespmem:$0x18C90] =	vst v3  }
0x8b: {  	_ =	swait.ge [sflag:s26], $0x2000  }
0x8c: {  	[sflag:s26] =	ssyncset.done $0x0  }
0x8d: {  	[sflag:s26] =	ssyncadd.s32 $0xFFFFE000  }
0x8e: {  	[spmem:s2] =	stream.indirect.scatter.add.s32 [tilespmem:s22], [sflag:$0x3], $0x40, s25, s24, $0xb8;
	[tilespmem:$0x1CCA0] =	vst v63  }
0x8f: {  	_ =	swait.ge [sflag:s19], $0x2000  }
0x90: {  	[sflag:s19] =	ssyncset.done $0x0  }
0x91: {  	[sflag:s19] =	ssyncadd.s32 $0xFFFFE000  }
0x92: {  	[tilespmem:s22], [sflag:$0x2] =	stream.linear.gather [hbm4b:s11+s3], $0x2000, $0x38;
	[tilespmem:$0x1CCA0] =	vst v63  }
0x93: {  	v3 =	vld [tilespmem:$0x18A20]  }
0x94: {  	v60 =	vld [tilespmem:$0x18A30]  }
0x95: {  	v61 =	vld [tilespmem:$0x18A40]  }
0x96: {  	v12 =	vld [tilespmem:$0x18A60]  }
0x97: {  	v13 =	vld [tilespmem:$0x18A70];
	_ =	sdelay $0x1  }
0x98: {  	v62 =	vsub.s32 v3, v0;
	vm11 =	vge.s32 v3, v0;
	vm12 =	vlt.s32 v3, v1;
	v3 =	vld [tilespmem:$0x18A50]  }
0x99: {  	v63 =	vsub.s32 v60, v0;
	vm13 =	vge.s32 v60, v0;
	vm14 =	vlt.s32 v60, v1  }
0x9a: {  	v16 =	vld [tilespmem:$0x18A90];
	vm15 =	vge.s32 v61, v0;
	vm8 =	vlt.s32 v61, v1;
	v5 =	vsub.s32 v61, v0  }
0x9b: {  	v15 =	vsub.s32 v12, v0;
	v4 =	vsub.s32 v13, v0;
	vm0 =	vmand vm11, vm12  }
0x9c: {  	vm1 =	vmand vm13, vm14;
	vm9 =	vmand vm15, vm8;
	vm12 =	vge.s32 v12, v0  }
0x9d: {  	v14 =	vsub.s32 v3, v0;
	vm10 =	vge.s32 v3, v0;
	vm11 =	vlt.s32 v3, v1;
	v3 =	vld [tilespmem:$0x18A80]  }
0x9e: {  	vm13 =	vlt.s32 v12, v1;
	vm14 =	vge.s32 v13, v0;
	v6 =	vnsel vm0, $0x6200, v62  }
0x9f: {  	vm15 =	vlt.s32 v13, v1;
	vm8 =	vge.s32 v16, v0;
	v7 =	vnsel vm1, $0x6200, v63;
	[tilespmem:$0x18C20] =	vst v6  }
0xa0: {  	v5 =	vnsel vm9, $0x6200, v5;
	vm1 =	vmand vm12, vm13;
	vm5 =	vmand vm14, vm15;
	[tilespmem:$0x18C30] =	vst v7  }
0xa1: {  	vm9 =	vlt.s32 v16, v1;
	[tilespmem:$0x18C40] =	vst v5;
	v18 =	vnsel vm1, $0x6200, v15;
	v4 =	vnsel vm5, $0x6200, v4  }
0xa2: {  	[tilespmem:$0x18C60] =	vst v18;
	vm0 =	vmand vm10, vm11;
	vm6 =	vge.s32 v3, v0;
	vm7 =	vlt.s32 v3, v1  }
0xa3: {  	[tilespmem:$0x18C70] =	vst v4;
	v17 =	vnsel vm0, $0x6200, v14;
	v19 =	vsub.s32 v3, v0;
	vm0 =	vmand vm6, vm7  }
0xa4: {  	v20 =	vsub.s32 v16, v0;
	vm10 =	vmand vm8, vm9;
	[tilespmem:$0x18C50] =	vst v17;
	v3 =	vnsel vm0, $0x6200, v19  }
0xa5: {  	[tilespmem:$0x18C80] =	vst v3;
	v3 =	vnsel vm10, $0x6200, v20  }
0xa6: {  	[tilespmem:$0x18C90] =	vst v3  }
0xa7: {  	_ =	swait.ge [sflag:s23], $0x2000  }
0xa8: {  	[sflag:s23] =	ssyncset.done $0x0  }
0xa9: {  	[sflag:s23] =	ssyncadd.s32 $0xFFFFE000  }
0xaa: {  	[spmem:s2] =	stream.indirect.scatter.add.s32 [tilespmem:s21], [sflag:$0x3], $0x40, s25, s24, $0xb8;
	[tilespmem:$0x1CCA0] =	vst v63  }
0xab: {  	_ =	swait.ge [sflag:s19], $0x2000  }
0xac: {  	[sflag:s19] =	ssyncset.done $0x0  }
0xad: {  	[sflag:s19] =	ssyncadd.s32 $0xFFFFE000  }
0xae: {  	[tilespmem:s21], [sflag:$0x1] =	stream.linear.gather [hbm4b:s12+s3], $0x2000, $0x38;
	[tilespmem:$0x1CCA0] =	vst v63  }
0xaf: {  	v3 =	vld [tilespmem:$0x18AA0]  }
0xb0: {  	v21 =	vld [tilespmem:$0x18AB0]  }
0xb1: {  	v22 =	vld [tilespmem:$0x18AC0]  }
0xb2: {  	v25 =	vld [tilespmem:$0x18AE0]  }
0xb3: {  	v26 =	vld [tilespmem:$0x18AF0];
	_ =	sdelay $0x1  }
0xb4: {  	v23 =	vsub.s32 v3, v0;
	vm11 =	vge.s32 v3, v0;
	vm12 =	vlt.s32 v3, v1;
	v3 =	vld [tilespmem:$0x18AD0]  }
0xb5: {  	v24 =	vsub.s32 v21, v0;
	vm13 =	vge.s32 v21, v0;
	vm14 =	vlt.s32 v21, v1  }
0xb6: {  	v29 =	vld [tilespmem:$0x18B10];
	vm15 =	vge.s32 v22, v0;
	vm8 =	vlt.s32 v22, v1;
	v5 =	vsub.s32 v22, v0  }
0xb7: {  	v28 =	vsub.s32 v25, v0;
	v4 =	vsub.s32 v26, v0;
	vm0 =	vmand vm11, vm12  }
0xb8: {  	vm1 =	vmand vm13, vm14;
	vm9 =	vmand vm15, vm8;
	vm12 =	vge.s32 v25, v0  }
0xb9: {  	v27 =	vsub.s32 v3, v0;
	vm10 =	vge.s32 v3, v0;
	vm11 =	vlt.s32 v3, v1;
	v3 =	vld [tilespmem:$0x18B00]  }
0xba: {  	vm13 =	vlt.s32 v25, v1;
	vm14 =	vge.s32 v26, v0;
	v6 =	vnsel vm0, $0x6200, v23  }
0xbb: {  	vm15 =	vlt.s32 v26, v1;
	vm8 =	vge.s32 v29, v0;
	v7 =	vnsel vm1, $0x6200, v24;
	[tilespmem:$0x18C20] =	vst v6  }
0xbc: {  	v5 =	vnsel vm9, $0x6200, v5;
	vm1 =	vmand vm12, vm13;
	vm5 =	vmand vm14, vm15;
	[tilespmem:$0x18C30] =	vst v7  }
0xbd: {  	vm9 =	vlt.s32 v29, v1;
	[tilespmem:$0x18C40] =	vst v5;
	v31 =	vnsel vm1, $0x6200, v28;
	v4 =	vnsel vm5, $0x6200, v4  }
0xbe: {  	[tilespmem:$0x18C60] =	vst v31;
	vm0 =	vmand vm10, vm11;
	vm6 =	vge.s32 v3, v0;
	vm7 =	vlt.s32 v3, v1  }
0xbf: {  	[tilespmem:$0x18C70] =	vst v4;
	v30 =	vnsel vm0, $0x6200, v27;
	v32 =	vsub.s32 v3, v0;
	vm0 =	vmand vm6, vm7  }
0xc0: {  	v33 =	vsub.s32 v29, v0;
	vm10 =	vmand vm8, vm9;
	[tilespmem:$0x18C50] =	vst v30;
	v3 =	vnsel vm0, $0x6200, v32  }
0xc1: {  	[tilespmem:$0x18C80] =	vst v3;
	v3 =	vnsel vm10, $0x6200, v33  }
0xc2: {  	[tilespmem:$0x18C90] =	vst v3  }
0xc3: {  	_ =	swait.ge [sflag:s26], $0x2000  }
0xc4: {  	[sflag:s26] =	ssyncset.done $0x0  }
0xc5: {  	[sflag:s26] =	ssyncadd.s32 $0xFFFFE000  }
0xc6: {  	[spmem:s2] =	stream.indirect.scatter.add.s32 [tilespmem:s22], [sflag:$0x3], $0x40, s25, s24, $0xb8;
	[tilespmem:$0x1CCA0] =	vst v63  }
0xc7: {  	_ =	swait.ge [sflag:s19], $0x2000  }
0xc8: {  	[sflag:s19] =	ssyncset.done $0x0  }
0xc9: {  	[sflag:s19] =	ssyncadd.s32 $0xFFFFE000  }
0xca: {  	[tilespmem:s22], [sflag:$0x2] =	stream.linear.gather [hbm4b:s13+s3], $0x2000, $0x38;
	[tilespmem:$0x1CCA0] =	vst v63  }
0xcb: {  	v3 =	vld [tilespmem:$0x18B20]  }
0xcc: {  	v34 =	vld [tilespmem:$0x18B30]  }
0xcd: {  	v35 =	vld [tilespmem:$0x18B40]  }
0xce: {  	v38 =	vld [tilespmem:$0x18B60]  }
0xcf: {  	v39 =	vld [tilespmem:$0x18B70];
	_ =	sdelay $0x1  }
0xd0: {  	v36 =	vsub.s32 v3, v0;
	vm11 =	vge.s32 v3, v0;
	vm12 =	vlt.s32 v3, v1;
	v3 =	vld [tilespmem:$0x18B50]  }
0xd1: {  	v37 =	vsub.s32 v34, v0;
	vm13 =	vge.s32 v34, v0;
	vm14 =	vlt.s32 v34, v1  }
0xd2: {  	v42 =	vld [tilespmem:$0x18B90];
	vm15 =	vge.s32 v35, v0;
	vm8 =	vlt.s32 v35, v1;
	v5 =	vsub.s32 v35, v0  }
0xd3: {  	v41 =	vsub.s32 v38, v0;
	v4 =	vsub.s32 v39, v0;
	vm0 =	vmand vm11, vm12  }
0xd4: {  	vm1 =	vmand vm13, vm14;
	vm9 =	vmand vm15, vm8;
	vm12 =	vge.s32 v38, v0  }
0xd5: {  	v40 =	vsub.s32 v3, v0;
	vm10 =	vge.s32 v3, v0;
	vm11 =	vlt.s32 v3, v1;
	v3 =	vld [tilespmem:$0x18B80]  }
0xd6: {  	vm13 =	vlt.s32 v38, v1;
	vm14 =	vge.s32 v39, v0;
	v6 =	vnsel vm0, $0x6200, v36  }
0xd7: {  	vm15 =	vlt.s32 v39, v1;
	vm8 =	vge.s32 v42, v0;
	v7 =	vnsel vm1, $0x6200, v37;
	[tilespmem:$0x18C20] =	vst v6  }
0xd8: {  	v5 =	vnsel vm9, $0x6200, v5;
	vm1 =	vmand vm12, vm13;
	vm5 =	vmand vm14, vm15;
	[tilespmem:$0x18C30] =	vst v7  }
0xd9: {  	vm9 =	vlt.s32 v42, v1;
	[tilespmem:$0x18C40] =	vst v5;
	v44 =	vnsel vm1, $0x6200, v41;
	v4 =	vnsel vm5, $0x6200, v4  }
0xda: {  	[tilespmem:$0x18C60] =	vst v44;
	vm0 =	vmand vm10, vm11;
	vm6 =	vge.s32 v3, v0;
	vm7 =	vlt.s32 v3, v1  }
0xdb: {  	[tilespmem:$0x18C70] =	vst v4;
	v43 =	vnsel vm0, $0x6200, v40;
	v45 =	vsub.s32 v3, v0;
	vm0 =	vmand vm6, vm7  }
0xdc: {  	v46 =	vsub.s32 v42, v0;
	vm10 =	vmand vm8, vm9;
	[tilespmem:$0x18C50] =	vst v43;
	v3 =	vnsel vm0, $0x6200, v45  }
0xdd: {  	[tilespmem:$0x18C80] =	vst v3;
	v3 =	vnsel vm10, $0x6200, v46  }
0xde: {  	[tilespmem:$0x18C90] =	vst v3  }
0xdf: {  	_ =	swait.ge [sflag:s23], $0x2000  }
0xe0: {  	[sflag:s23] =	ssyncset.done $0x0  }
0xe1: {  	[sflag:s23] =	ssyncadd.s32 $0xFFFFE000  }
0xe2: {  	[spmem:s2] =	stream.indirect.scatter.add.s32 [tilespmem:s21], [sflag:$0x3], $0x40, s25, s24, $0xb8;
	[tilespmem:$0x1CCA0] =	vst v63  }
0xe3: {  	_ =	swait.ge [sflag:s19], $0x2000  }
0xe4: {  	[sflag:s19] =	ssyncset.done $0x0  }
0xe5: {  	[sflag:s19] =	ssyncadd.s32 $0xFFFFE000  }
0xe6: {  	v3 =	vld [tilespmem:$0x18BA0]  }
0xe7: {  	v47 =	vld [tilespmem:$0x18BB0]  }
0xe8: {  	v48 =	vld [tilespmem:$0x18BC0]  }
0xe9: {  	v51 =	vld [tilespmem:$0x18BE0]  }
0xea: {  	v52 =	vld [tilespmem:$0x18BF0];
	_ =	sdelay $0x1  }
0xeb: {  	v49 =	vsub.s32 v3, v0;
	vm11 =	vge.s32 v3, v0;
	vm12 =	vlt.s32 v3, v1;
	v3 =	vld [tilespmem:$0x18BD0]  }
0xec: {  	v50 =	vsub.s32 v47, v0;
	vm13 =	vge.s32 v47, v0;
	vm14 =	vlt.s32 v47, v1  }
0xed: {  	v55 =	vld [tilespmem:$0x18C10];
	vm15 =	vge.s32 v48, v0;
	vm8 =	vlt.s32 v48, v1;
	v5 =	vsub.s32 v48, v0  }
0xee: {  	v54 =	vsub.s32 v51, v0;
	v4 =	vsub.s32 v52, v0;
	vm0 =	vmand vm11, vm12  }
0xef: {  	vm1 =	vmand vm13, vm14;
	vm9 =	vmand vm15, vm8;
	vm12 =	vge.s32 v51, v0  }
0xf0: {  	v53 =	vsub.s32 v3, v0;
	vm10 =	vge.s32 v3, v0;
	vm11 =	vlt.s32 v3, v1;
	v3 =	vld [tilespmem:$0x18C00]  }
0xf1: {  	vm13 =	vlt.s32 v51, v1;
	vm14 =	vge.s32 v52, v0;
	v6 =	vnsel vm0, $0x6200, v49  }
0xf2: {  	vm15 =	vlt.s32 v52, v1;
	vm8 =	vge.s32 v55, v0;
	v7 =	vnsel vm1, $0x6200, v50;
	[tilespmem:$0x18C20] =	vst v6  }
0xf3: {  	v5 =	vnsel vm9, $0x6200, v5;
	vm1 =	vmand vm12, vm13;
	vm5 =	vmand vm14, vm15;
	[tilespmem:$0x18C30] =	vst v7  }
0xf4: {  	vm9 =	vlt.s32 v55, v1;
	[tilespmem:$0x18C40] =	vst v5;
	v57 =	vnsel vm1, $0x6200, v54;
	v4 =	vnsel vm5, $0x6200, v4  }
0xf5: {  	[tilespmem:$0x18C60] =	vst v57;
	vm0 =	vmand vm10, vm11;
	vm6 =	vge.s32 v3, v0;
	vm7 =	vlt.s32 v3, v1  }
0xf6: {  	[tilespmem:$0x18C70] =	vst v4;
	v56 =	vnsel vm0, $0x6200, v53;
	v58 =	vsub.s32 v3, v0;
	vm0 =	vmand vm6, vm7  }
0xf7: {  	v59 =	vsub.s32 v55, v0;
	vm10 =	vmand vm8, vm9;
	[tilespmem:$0x18C50] =	vst v56;
	v3 =	vnsel vm0, $0x6200, v58  }
0xf8: {  	[tilespmem:$0x18C80] =	vst v3;
	v3 =	vnsel vm10, $0x6200, v59  }
0xf9: {  	[tilespmem:$0x18C90] =	vst v3  }
0xfa: {  	_ =	swait.ge [sflag:s26], $0x2000  }
0xfb: {  	[sflag:s26] =	ssyncset.done $0x0  }
0xfc: {  	[sflag:s26] =	ssyncadd.s32 $0xFFFFE000  }
0xfd: {  	[spmem:s2] =	stream.indirect.scatter.add.s32 [tilespmem:s22], [sflag:$0x3], $0x40, s25, s24, $0xb8;
	[tilespmem:$0x1CCA0] =	vst v63  }
0xfe: {  	_ =	swait.ge [sflag:s19], $0x2000  }
0xff: {  	[sflag:s19] =	ssyncset.done $0x0  }
0x100: {  	[sflag:s19] =	ssyncadd.s32 $0xFFFFE000  }
0x101: {  	[bflag:$0x0] =	sbarrier.arrive $0xFFFF  }
0x102: {  	[hbm:s14], [sflag:s28] =	dma.local [spmem:s20], $0x3100  }
0x103: {  	_ =	swait.ge [sflag:s19], $0x3100  }
0x104: {  	[sflag:s19] =	ssyncset.done $0x0  }
0x105: {  	[sflag:s19] =	ssyncadd.s32 $0xFFFFCF00  }
0x106: {  	[spmem:s20], [sflag:s28] =	dma.local [hbm:s15], $0x3100  }
0x107: {  	_ =	swait.ge [sflag:s19], $0x3100  }
0x108: {  	[sflag:s19] =	ssyncset.done $0x0  }
0x109: {  	[sflag:s19] =	ssyncadd.s32 $0xFFFFCF00  }
0x10a: {  	[bflag:$0x0] =	sbarrier.arrive $0xFFFF  }
0x10b: {  	[tilespmem:s21], [sflag:$0x1] =	stream.linear.gather [hbm4b:s6+s3], $0x2000, $0x38;
	[tilespmem:$0x1CCA0] =	vst v63  }
0x10c: {  	_ = 	snop  }
0x10d: {  	[tilespmem:s22], [sflag:$0x2] =	stream.linear.gather [hbm4b:s7+s3], $0x2000, $0x38;
	[tilespmem:$0x1CCA0] =	vst v63  }
0x10e: {  	v3 =	vld [tilespmem:$0x18820]  }
0x10f: {  	v60 =	vld [tilespmem:$0x18830]  }
0x110: {  	v61 =	vld [tilespmem:$0x18840]  }
0x111: {  	v12 =	vld [tilespmem:$0x18860]  }
0x112: {  	v13 =	vld [tilespmem:$0x18870];
	_ =	sdelay $0x1  }
0x113: {  	v62 =	vsub.s32 v3, v1;
	vm11 =	vge.s32 v3, v1;
	vm12 =	vlt.s32 v3, v2;
	v3 =	vld [tilespmem:$0x18850]  }
0x114: {  	v63 =	vsub.s32 v60, v1;
	vm13 =	vge.s32 v60, v1;
	vm14 =	vlt.s32 v60, v2  }
0x115: {  	v16 =	vld [tilespmem:$0x18890];
	vm15 =	vge.s32 v61, v1;
	vm8 =	vlt.s32 v61, v2;
	v5 =	vsub.s32 v61, v1  }
0x116: {  	v15 =	vsub.s32 v12, v1;
	v4 =	vsub.s32 v13, v1;
	vm0 =	vmand vm11, vm12  }
0x117: {  	vm1 =	vmand vm13, vm14;
	vm9 =	vmand vm15, vm8;
	vm12 =	vge.s32 v12, v1  }
0x118: {  	v14 =	vsub.s32 v3, v1;
	vm10 =	vge.s32 v3, v1;
	vm11 =	vlt.s32 v3, v2;
	v3 =	vld [tilespmem:$0x18880]  }
0x119: {  	vm13 =	vlt.s32 v12, v2;
	vm14 =	vge.s32 v13, v1;
	v6 =	vnsel vm0, $0x6200, v62  }
0x11a: {  	vm15 =	vlt.s32 v13, v2;
	vm8 =	vge.s32 v16, v1;
	v7 =	vnsel vm1, $0x6200, v63;
	[tilespmem:$0x18C20] =	vst v6  }
0x11b: {  	v5 =	vnsel vm9, $0x6200, v5;
	vm1 =	vmand vm12, vm13;
	vm5 =	vmand vm14, vm15;
	[tilespmem:$0x18C30] =	vst v7  }
0x11c: {  	vm9 =	vlt.s32 v16, v2;
	[tilespmem:$0x18C40] =	vst v5;
	v18 =	vnsel vm1, $0x6200, v15;
	v4 =	vnsel vm5, $0x6200, v4  }
0x11d: {  	[tilespmem:$0x18C60] =	vst v18;
	vm0 =	vmand vm10, vm11;
	vm6 =	vge.s32 v3, v1;
	vm7 =	vlt.s32 v3, v2  }
0x11e: {  	[tilespmem:$0x18C70] =	vst v4;
	v17 =	vnsel vm0, $0x6200, v14;
	v19 =	vsub.s32 v3, v1;
	vm0 =	vmand vm6, vm7  }
0x11f: {  	v20 =	vsub.s32 v16, v1;
	vm10 =	vmand vm8, vm9;
	[tilespmem:$0x18C50] =	vst v17;
	v3 =	vnsel vm0, $0x6200, v19  }
0x120: {  	[tilespmem:$0x18C80] =	vst v3;
	v3 =	vnsel vm10, $0x6200, v20  }
0x121: {  	[tilespmem:$0x18C90] =	vst v3  }
0x122: {  	_ =	swait.ge [sflag:s23], $0x2000  }
0x123: {  	[sflag:s23] =	ssyncset.done $0x0  }
0x124: {  	[sflag:s23] =	ssyncadd.s32 $0xFFFFE000  }
0x125: {  	[spmem:s2] =	stream.indirect.scatter.add.s32 [tilespmem:s21], [sflag:$0x3], $0x40, s25, s24, $0xb8;
	[tilespmem:$0x1CCA0] =	vst v63  }
0x126: {  	_ =	swait.ge [sflag:s19], $0x2000  }
0x127: {  	[sflag:s19] =	ssyncset.done $0x0  }
0x128: {  	[sflag:s19] =	ssyncadd.s32 $0xFFFFE000  }
0x129: {  	[tilespmem:s21], [sflag:$0x1] =	stream.linear.gather [hbm4b:s8+s3], $0x2000, $0x38;
	[tilespmem:$0x1CCA0] =	vst v63  }
0x12a: {  	v3 =	vld [tilespmem:$0x188A0]  }
0x12b: {  	v21 =	vld [tilespmem:$0x188B0]  }
0x12c: {  	v22 =	vld [tilespmem:$0x188C0]  }
0x12d: {  	v25 =	vld [tilespmem:$0x188E0]  }
0x12e: {  	v26 =	vld [tilespmem:$0x188F0];
	_ =	sdelay $0x1  }
0x12f: {  	v23 =	vsub.s32 v3, v1;
	vm11 =	vge.s32 v3, v1;
	vm12 =	vlt.s32 v3, v2;
	v3 =	vld [tilespmem:$0x188D0]  }
0x130: {  	v24 =	vsub.s32 v21, v1;
	vm13 =	vge.s32 v21, v1;
	vm14 =	vlt.s32 v21, v2  }
0x131: {  	v29 =	vld [tilespmem:$0x18910];
	vm15 =	vge.s32 v22, v1;
	vm8 =	vlt.s32 v22, v2;
	v5 =	vsub.s32 v22, v1  }
0x132: {  	v28 =	vsub.s32 v25, v1;
	v4 =	vsub.s32 v26, v1;
	vm0 =	vmand vm11, vm12  }
0x133: {  	vm1 =	vmand vm13, vm14;
	vm9 =	vmand vm15, vm8;
	vm12 =	vge.s32 v25, v1  }
0x134: {  	v27 =	vsub.s32 v3, v1;
	vm10 =	vge.s32 v3, v1;
	vm11 =	vlt.s32 v3, v2;
	v3 =	vld [tilespmem:$0x18900]  }
0x135: {  	vm13 =	vlt.s32 v25, v2;
	vm14 =	vge.s32 v26, v1;
	v6 =	vnsel vm0, $0x6200, v23  }
0x136: {  	vm15 =	vlt.s32 v26, v2;
	vm8 =	vge.s32 v29, v1;
	v7 =	vnsel vm1, $0x6200, v24;
	[tilespmem:$0x18C20] =	vst v6  }
0x137: {  	v5 =	vnsel vm9, $0x6200, v5;
	vm1 =	vmand vm12, vm13;
	vm5 =	vmand vm14, vm15;
	[tilespmem:$0x18C30] =	vst v7  }
0x138: {  	vm9 =	vlt.s32 v29, v2;
	[tilespmem:$0x18C40] =	vst v5;
	v31 =	vnsel vm1, $0x6200, v28;
	v4 =	vnsel vm5, $0x6200, v4  }
0x139: {  	[tilespmem:$0x18C60] =	vst v31;
	vm0 =	vmand vm10, vm11;
	vm6 =	vge.s32 v3, v1;
	vm7 =	vlt.s32 v3, v2  }
0x13a: {  	[tilespmem:$0x18C70] =	vst v4;
	v30 =	vnsel vm0, $0x6200, v27;
	v32 =	vsub.s32 v3, v1;
	vm0 =	vmand vm6, vm7  }
0x13b: {  	v33 =	vsub.s32 v29, v1;
	vm10 =	vmand vm8, vm9;
	[tilespmem:$0x18C50] =	vst v30;
	v3 =	vnsel vm0, $0x6200, v32  }
0x13c: {  	[tilespmem:$0x18C80] =	vst v3;
	v3 =	vnsel vm10, $0x6200, v33  }
0x13d: {  	[tilespmem:$0x18C90] =	vst v3  }
0x13e: {  	_ =	swait.ge [sflag:s26], $0x2000  }
0x13f: {  	[sflag:s26] =	ssyncset.done $0x0  }
0x140: {  	[sflag:s26] =	ssyncadd.s32 $0xFFFFE000  }
0x141: {  	[spmem:s2] =	stream.indirect.scatter.add.s32 [tilespmem:s22], [sflag:$0x3], $0x40, s25, s24, $0xb8;
	[tilespmem:$0x1CCA0] =	vst v63  }
0x142: {  	_ =	swait.ge [sflag:s19], $0x2000  }
0x143: {  	[sflag:s19] =	ssyncset.done $0x0  }
0x144: {  	[sflag:s19] =	ssyncadd.s32 $0xFFFFE000  }
0x145: {  	[tilespmem:s22], [sflag:$0x2] =	stream.linear.gather [hbm4b:s9+s3], $0x2000, $0x38;
	[tilespmem:$0x1CCA0] =	vst v63  }
0x146: {  	v3 =	vld [tilespmem:$0x18920]  }
0x147: {  	v34 =	vld [tilespmem:$0x18930]  }
0x148: {  	v35 =	vld [tilespmem:$0x18940]  }
0x149: {  	v38 =	vld [tilespmem:$0x18960]  }
0x14a: {  	v39 =	vld [tilespmem:$0x18970];
	_ =	sdelay $0x1  }
0x14b: {  	v36 =	vsub.s32 v3, v1;
	vm11 =	vge.s32 v3, v1;
	vm12 =	vlt.s32 v3, v2;
	v3 =	vld [tilespmem:$0x18950]  }
0x14c: {  	v37 =	vsub.s32 v34, v1;
	vm13 =	vge.s32 v34, v1;
	vm14 =	vlt.s32 v34, v2  }
0x14d: {  	v42 =	vld [tilespmem:$0x18990];
	vm15 =	vge.s32 v35, v1;
	vm8 =	vlt.s32 v35, v2;
	v5 =	vsub.s32 v35, v1  }
0x14e: {  	v41 =	vsub.s32 v38, v1;
	v4 =	vsub.s32 v39, v1;
	vm0 =	vmand vm11, vm12  }
0x14f: {  	vm1 =	vmand vm13, vm14;
	vm9 =	vmand vm15, vm8;
	vm12 =	vge.s32 v38, v1  }
0x150: {  	v40 =	vsub.s32 v3, v1;
	vm10 =	vge.s32 v3, v1;
	vm11 =	vlt.s32 v3, v2;
	v3 =	vld [tilespmem:$0x18980]  }
0x151: {  	vm13 =	vlt.s32 v38, v2;
	vm14 =	vge.s32 v39, v1;
	v6 =	vnsel vm0, $0x6200, v36  }
0x152: {  	vm15 =	vlt.s32 v39, v2;
	vm8 =	vge.s32 v42, v1;
	v7 =	vnsel vm1, $0x6200, v37;
	[tilespmem:$0x18C20] =	vst v6  }
0x153: {  	v5 =	vnsel vm9, $0x6200, v5;
	vm1 =	vmand vm12, vm13;
	vm5 =	vmand vm14, vm15;
	[tilespmem:$0x18C30] =	vst v7  }
0x154: {  	vm9 =	vlt.s32 v42, v2;
	[tilespmem:$0x18C40] =	vst v5;
	v44 =	vnsel vm1, $0x6200, v41;
	v4 =	vnsel vm5, $0x6200, v4  }
0x155: {  	[tilespmem:$0x18C60] =	vst v44;
	vm0 =	vmand vm10, vm11;
	vm6 =	vge.s32 v3, v1;
	vm7 =	vlt.s32 v3, v2  }
0x156: {  	[tilespmem:$0x18C70] =	vst v4;
	v43 =	vnsel vm0, $0x6200, v40;
	v45 =	vsub.s32 v3, v1;
	vm0 =	vmand vm6, vm7  }
0x157: {  	v46 =	vsub.s32 v42, v1;
	vm10 =	vmand vm8, vm9;
	[tilespmem:$0x18C50] =	vst v43;
	v3 =	vnsel vm0, $0x6200, v45  }
0x158: {  	[tilespmem:$0x18C80] =	vst v3;
	v3 =	vnsel vm10, $0x6200, v46  }
0x159: {  	[tilespmem:$0x18C90] =	vst v3  }
0x15a: {  	_ =	swait.ge [sflag:s23], $0x2000  }
0x15b: {  	[sflag:s23] =	ssyncset.done $0x0  }
0x15c: {  	[sflag:s23] =	ssyncadd.s32 $0xFFFFE000  }
0x15d: {  	[spmem:s2] =	stream.indirect.scatter.add.s32 [tilespmem:s21], [sflag:$0x3], $0x40, s25, s24, $0xb8;
	[tilespmem:$0x1CCA0] =	vst v63  }
0x15e: {  	_ =	swait.ge [sflag:s19], $0x2000  }
0x15f: {  	[sflag:s19] =	ssyncset.done $0x0  }
0x160: {  	[sflag:s19] =	ssyncadd.s32 $0xFFFFE000  }
0x161: {  	[tilespmem:s21], [sflag:$0x1] =	stream.linear.gather [hbm4b:s10+s3], $0x2000, $0x38;
	[tilespmem:$0x1CCA0] =	vst v63  }
0x162: {  	v3 =	vld [tilespmem:$0x189A0]  }
0x163: {  	v47 =	vld [tilespmem:$0x189B0]  }
0x164: {  	v48 =	vld [tilespmem:$0x189C0]  }
0x165: {  	v51 =	vld [tilespmem:$0x189E0]  }
0x166: {  	v52 =	vld [tilespmem:$0x189F0];
	_ =	sdelay $0x1  }
0x167: {  	v49 =	vsub.s32 v3, v1;
	vm11 =	vge.s32 v3, v1;
	vm12 =	vlt.s32 v3, v2;
	v3 =	vld [tilespmem:$0x189D0]  }
0x168: {  	v50 =	vsub.s32 v47, v1;
	vm13 =	vge.s32 v47, v1;
	vm14 =	vlt.s32 v47, v2  }
0x169: {  	v55 =	vld [tilespmem:$0x18A10];
	vm15 =	vge.s32 v48, v1;
	vm8 =	vlt.s32 v48, v2;
	v5 =	vsub.s32 v48, v1  }
0x16a: {  	v54 =	vsub.s32 v51, v1;
	v4 =	vsub.s32 v52, v1;
	vm0 =	vmand vm11, vm12  }
0x16b: {  	vm1 =	vmand vm13, vm14;
	vm9 =	vmand vm15, vm8;
	vm12 =	vge.s32 v51, v1  }
0x16c: {  	v53 =	vsub.s32 v3, v1;
	vm10 =	vge.s32 v3, v1;
	vm11 =	vlt.s32 v3, v2;
	v3 =	vld [tilespmem:$0x18A00]  }
0x16d: {  	vm13 =	vlt.s32 v51, v2;
	vm14 =	vge.s32 v52, v1;
	v6 =	vnsel vm0, $0x6200, v49  }
0x16e: {  	vm15 =	vlt.s32 v52, v2;
	vm8 =	vge.s32 v55, v1;
	v7 =	vnsel vm1, $0x6200, v50;
	[tilespmem:$0x18C20] =	vst v6  }
0x16f: {  	v5 =	vnsel vm9, $0x6200, v5;
	vm1 =	vmand vm12, vm13;
	vm5 =	vmand vm14, vm15;
	[tilespmem:$0x18C30] =	vst v7  }
0x170: {  	vm9 =	vlt.s32 v55, v2;
	[tilespmem:$0x18C40] =	vst v5;
	v57 =	vnsel vm1, $0x6200, v54;
	v4 =	vnsel vm5, $0x6200, v4  }
0x171: {  	[tilespmem:$0x18C60] =	vst v57;
	vm0 =	vmand vm10, vm11;
	vm6 =	vge.s32 v3, v1;
	vm7 =	vlt.s32 v3, v2  }
0x172: {  	[tilespmem:$0x18C70] =	vst v4;
	v56 =	vnsel vm0, $0x6200, v53;
	v58 =	vsub.s32 v3, v1;
	vm0 =	vmand vm6, vm7  }
0x173: {  	v59 =	vsub.s32 v55, v1;
	vm10 =	vmand vm8, vm9;
	[tilespmem:$0x18C50] =	vst v56;
	v3 =	vnsel vm0, $0x6200, v58  }
0x174: {  	[tilespmem:$0x18C80] =	vst v3;
	v3 =	vnsel vm10, $0x6200, v59  }
0x175: {  	[tilespmem:$0x18C90] =	vst v3  }
0x176: {  	_ =	swait.ge [sflag:s26], $0x2000  }
0x177: {  	[sflag:s26] =	ssyncset.done $0x0  }
0x178: {  	[sflag:s26] =	ssyncadd.s32 $0xFFFFE000  }
0x179: {  	[spmem:s2] =	stream.indirect.scatter.add.s32 [tilespmem:s22], [sflag:$0x3], $0x40, s25, s24, $0xb8;
	[tilespmem:$0x1CCA0] =	vst v63  }
0x17a: {  	_ =	swait.ge [sflag:s19], $0x2000  }
0x17b: {  	[sflag:s19] =	ssyncset.done $0x0  }
0x17c: {  	[sflag:s19] =	ssyncadd.s32 $0xFFFFE000  }
0x17d: {  	[tilespmem:s22], [sflag:$0x2] =	stream.linear.gather [hbm4b:s11+s3], $0x2000, $0x38;
	[tilespmem:$0x1CCA0] =	vst v63  }
0x17e: {  	v3 =	vld [tilespmem:$0x18A20]  }
0x17f: {  	v60 =	vld [tilespmem:$0x18A30]  }
0x180: {  	v61 =	vld [tilespmem:$0x18A40]  }
0x181: {  	v12 =	vld [tilespmem:$0x18A60]  }
0x182: {  	v13 =	vld [tilespmem:$0x18A70];
	_ =	sdelay $0x1  }
0x183: {  	v62 =	vsub.s32 v3, v1;
	vm11 =	vge.s32 v3, v1;
	vm12 =	vlt.s32 v3, v2;
	v3 =	vld [tilespmem:$0x18A50]  }
0x184: {  	v63 =	vsub.s32 v60, v1;
	vm13 =	vge.s32 v60, v1;
	vm14 =	vlt.s32 v60, v2  }
0x185: {  	v16 =	vld [tilespmem:$0x18A90];
	vm15 =	vge.s32 v61, v1;
	vm8 =	vlt.s32 v61, v2;
	v5 =	vsub.s32 v61, v1  }
0x186: {  	v15 =	vsub.s32 v12, v1;
	v4 =	vsub.s32 v13, v1;
	vm0 =	vmand vm11, vm12  }
0x187: {  	vm1 =	vmand vm13, vm14;
	vm9 =	vmand vm15, vm8;
	vm12 =	vge.s32 v12, v1  }
0x188: {  	v14 =	vsub.s32 v3, v1;
	vm10 =	vge.s32 v3, v1;
	vm11 =	vlt.s32 v3, v2;
	v3 =	vld [tilespmem:$0x18A80]  }
0x189: {  	vm13 =	vlt.s32 v12, v2;
	vm14 =	vge.s32 v13, v1;
	v6 =	vnsel vm0, $0x6200, v62  }
0x18a: {  	vm15 =	vlt.s32 v13, v2;
	vm8 =	vge.s32 v16, v1;
	v7 =	vnsel vm1, $0x6200, v63;
	[tilespmem:$0x18C20] =	vst v6  }
0x18b: {  	v5 =	vnsel vm9, $0x6200, v5;
	vm1 =	vmand vm12, vm13;
	vm5 =	vmand vm14, vm15;
	[tilespmem:$0x18C30] =	vst v7  }
0x18c: {  	vm9 =	vlt.s32 v16, v2;
	[tilespmem:$0x18C40] =	vst v5;
	v18 =	vnsel vm1, $0x6200, v15;
	v4 =	vnsel vm5, $0x6200, v4  }
0x18d: {  	[tilespmem:$0x18C60] =	vst v18;
	vm0 =	vmand vm10, vm11;
	vm6 =	vge.s32 v3, v1;
	vm7 =	vlt.s32 v3, v2  }
0x18e: {  	[tilespmem:$0x18C70] =	vst v4;
	v17 =	vnsel vm0, $0x6200, v14;
	v19 =	vsub.s32 v3, v1;
	vm0 =	vmand vm6, vm7  }
0x18f: {  	v20 =	vsub.s32 v16, v1;
	vm10 =	vmand vm8, vm9;
	[tilespmem:$0x18C50] =	vst v17;
	v3 =	vnsel vm0, $0x6200, v19  }
0x190: {  	[tilespmem:$0x18C80] =	vst v3;
	v3 =	vnsel vm10, $0x6200, v20  }
0x191: {  	[tilespmem:$0x18C90] =	vst v3  }
0x192: {  	_ =	swait.ge [sflag:s23], $0x2000  }
0x193: {  	[sflag:s23] =	ssyncset.done $0x0  }
0x194: {  	[sflag:s23] =	ssyncadd.s32 $0xFFFFE000  }
0x195: {  	[spmem:s2] =	stream.indirect.scatter.add.s32 [tilespmem:s21], [sflag:$0x3], $0x40, s25, s24, $0xb8;
	[tilespmem:$0x1CCA0] =	vst v63  }
0x196: {  	_ =	swait.ge [sflag:s19], $0x2000  }
0x197: {  	[sflag:s19] =	ssyncset.done $0x0  }
0x198: {  	[sflag:s19] =	ssyncadd.s32 $0xFFFFE000  }
0x199: {  	[tilespmem:s21], [sflag:$0x1] =	stream.linear.gather [hbm4b:s12+s3], $0x2000, $0x38;
	[tilespmem:$0x1CCA0] =	vst v63  }
0x19a: {  	v3 =	vld [tilespmem:$0x18AA0]  }
0x19b: {  	v21 =	vld [tilespmem:$0x18AB0]  }
0x19c: {  	v22 =	vld [tilespmem:$0x18AC0]  }
0x19d: {  	v25 =	vld [tilespmem:$0x18AE0]  }
0x19e: {  	v26 =	vld [tilespmem:$0x18AF0];
	_ =	sdelay $0x1  }
0x19f: {  	v23 =	vsub.s32 v3, v1;
	vm11 =	vge.s32 v3, v1;
	vm12 =	vlt.s32 v3, v2;
	v3 =	vld [tilespmem:$0x18AD0]  }
0x1a0: {  	v24 =	vsub.s32 v21, v1;
	vm13 =	vge.s32 v21, v1;
	vm14 =	vlt.s32 v21, v2  }
0x1a1: {  	v29 =	vld [tilespmem:$0x18B10];
	vm15 =	vge.s32 v22, v1;
	vm8 =	vlt.s32 v22, v2;
	v5 =	vsub.s32 v22, v1  }
0x1a2: {  	v28 =	vsub.s32 v25, v1;
	v4 =	vsub.s32 v26, v1;
	vm0 =	vmand vm11, vm12  }
0x1a3: {  	vm1 =	vmand vm13, vm14;
	vm9 =	vmand vm15, vm8;
	vm12 =	vge.s32 v25, v1  }
0x1a4: {  	v27 =	vsub.s32 v3, v1;
	vm10 =	vge.s32 v3, v1;
	vm11 =	vlt.s32 v3, v2;
	v3 =	vld [tilespmem:$0x18B00]  }
0x1a5: {  	vm13 =	vlt.s32 v25, v2;
	vm14 =	vge.s32 v26, v1;
	v6 =	vnsel vm0, $0x6200, v23  }
0x1a6: {  	vm15 =	vlt.s32 v26, v2;
	vm8 =	vge.s32 v29, v1;
	v7 =	vnsel vm1, $0x6200, v24;
	[tilespmem:$0x18C20] =	vst v6  }
0x1a7: {  	v5 =	vnsel vm9, $0x6200, v5;
	vm1 =	vmand vm12, vm13;
	vm5 =	vmand vm14, vm15;
	[tilespmem:$0x18C30] =	vst v7  }
0x1a8: {  	vm9 =	vlt.s32 v29, v2;
	[tilespmem:$0x18C40] =	vst v5;
	v31 =	vnsel vm1, $0x6200, v28;
	v4 =	vnsel vm5, $0x6200, v4  }
0x1a9: {  	[tilespmem:$0x18C60] =	vst v31;
	vm0 =	vmand vm10, vm11;
	vm6 =	vge.s32 v3, v1;
	vm7 =	vlt.s32 v3, v2  }
0x1aa: {  	[tilespmem:$0x18C70] =	vst v4;
	v30 =	vnsel vm0, $0x6200, v27;
	v32 =	vsub.s32 v3, v1;
	vm0 =	vmand vm6, vm7  }
0x1ab: {  	v33 =	vsub.s32 v29, v1;
	vm10 =	vmand vm8, vm9;
	[tilespmem:$0x18C50] =	vst v30;
	v3 =	vnsel vm0, $0x6200, v32  }
0x1ac: {  	[tilespmem:$0x18C80] =	vst v3;
	v3 =	vnsel vm10, $0x6200, v33  }
0x1ad: {  	[tilespmem:$0x18C90] =	vst v3  }
0x1ae: {  	_ =	swait.ge [sflag:s26], $0x2000  }
0x1af: {  	[sflag:s26] =	ssyncset.done $0x0  }
0x1b0: {  	[sflag:s26] =	ssyncadd.s32 $0xFFFFE000  }
0x1b1: {  	[spmem:s2] =	stream.indirect.scatter.add.s32 [tilespmem:s22], [sflag:$0x3], $0x40, s25, s24, $0xb8;
	[tilespmem:$0x1CCA0] =	vst v63  }
0x1b2: {  	_ =	swait.ge [sflag:s19], $0x2000  }
0x1b3: {  	[sflag:s19] =	ssyncset.done $0x0  }
0x1b4: {  	[sflag:s19] =	ssyncadd.s32 $0xFFFFE000  }
0x1b5: {  	[tilespmem:s22], [sflag:$0x2] =	stream.linear.gather [hbm4b:s13+s3], $0x2000, $0x38;
	[tilespmem:$0x1CCA0] =	vst v63  }
0x1b6: {  	v3 =	vld [tilespmem:$0x18B20]  }
0x1b7: {  	v34 =	vld [tilespmem:$0x18B30]  }
0x1b8: {  	v35 =	vld [tilespmem:$0x18B40]  }
0x1b9: {  	v38 =	vld [tilespmem:$0x18B60]  }
0x1ba: {  	v39 =	vld [tilespmem:$0x18B70];
	_ =	sdelay $0x1  }
0x1bb: {  	v36 =	vsub.s32 v3, v1;
	vm11 =	vge.s32 v3, v1;
	vm12 =	vlt.s32 v3, v2;
	v3 =	vld [tilespmem:$0x18B50]  }
0x1bc: {  	v37 =	vsub.s32 v34, v1;
	vm13 =	vge.s32 v34, v1;
	vm14 =	vlt.s32 v34, v2  }
0x1bd: {  	vm15 =	vge.s32 v35, v1;
	vm8 =	vlt.s32 v35, v2;
	v5 =	vsub.s32 v35, v1  }
0x1be: {  	v41 =	vsub.s32 v38, v1;
	v4 =	vsub.s32 v39, v1;
	vm0 =	vmand vm11, vm12  }
0x1bf: {  	v42 =	vld [tilespmem:$0x18B90];
	vm1 =	vmand vm13, vm14;
	vm9 =	vmand vm15, vm8;
	vm12 =	vge.s32 v38, v1  }
0x1c0: {  	v40 =	vsub.s32 v3, v1;
	vm10 =	vge.s32 v3, v1;
	vm11 =	vlt.s32 v3, v2;
	v3 =	vld [tilespmem:$0x18B80]  }
0x1c1: {  	vm13 =	vlt.s32 v38, v2;
	vm14 =	vge.s32 v39, v1;
	v6 =	vnsel vm0, $0x6200, v36  }
0x1c2: {  	vm15 =	vlt.s32 v39, v2;
	v7 =	vnsel vm1, $0x6200, v37;
	vm1 =	vmand vm12, vm13;
	[tilespmem:$0x18C20] =	vst v6  }
0x1c3: {  	v5 =	vnsel vm9, $0x6200, v5;
	vm7 =	vmand vm14, vm15;
	[tilespmem:$0x18C30] =	vst v7;
	v44 =	vnsel vm1, $0x6200, v41  }
0x1c4: {  	[tilespmem:$0x18C40] =	vst v5;
	v4 =	vnsel vm7, $0x6200, v4;
	vm0 =	vmand vm10, vm11;
	vm10 =	vge.s32 v42, v1  }
0x1c5: {  	[tilespmem:$0x18C60] =	vst v44;
	vm11 =	vlt.s32 v42, v2;
	vm8 =	vge.s32 v3, v1;
	vm9 =	vlt.s32 v3, v2  }
0x1c6: {  	[tilespmem:$0x18C70] =	vst v4;
	v43 =	vnsel vm0, $0x6200, v40;
	v45 =	vsub.s32 v3, v1;
	vm0 =	vmand vm8, vm9  }
0x1c7: {  	v46 =	vsub.s32 v42, v1;
	vm12 =	vmand vm10, vm11;
	[tilespmem:$0x18C50] =	vst v43;
	v3 =	vnsel vm0, $0x6200, v45  }
0x1c8: {  	[tilespmem:$0x18C80] =	vst v3;
	v3 =	vnsel vm12, $0x6200, v46  }
0x1c9: {  	[tilespmem:$0x18C90] =	vst v3  }
0x1ca: {  	_ =	swait.ge [sflag:s23], $0x2000  }
0x1cb: {  	[sflag:s23] =	ssyncset.done $0x0  }
0x1cc: {  	[sflag:s23] =	ssyncadd.s32 $0xFFFFE000  }
0x1cd: {  	[spmem:s2] =	stream.indirect.scatter.add.s32 [tilespmem:s21], [sflag:$0x3], $0x40, s25, s24, $0xb8;
	[tilespmem:$0x1CCA0] =	vst v63  }
0x1ce: {  	_ =	swait.ge [sflag:s19], $0x2000  }
0x1cf: {  	[sflag:s19] =	ssyncset.done $0x0  }
0x1d0: {  	[sflag:s19] =	ssyncadd.s32 $0xFFFFE000  }
0x1d1: {  	v3 =	vld [tilespmem:$0x18BA0]  }
0x1d2: {  	v47 =	vld [tilespmem:$0x18BB0]  }
0x1d3: {  	v48 =	vld [tilespmem:$0x18BC0]  }
0x1d4: {  	v49 =	vld [tilespmem:$0x18BD0]  }
0x1d5: {  	v52 =	vld [tilespmem:$0x18BF0]  }
0x1d6: {  	v56 =	vld [tilespmem:$0x18C00]  }
0x1d7: {  	v50 =	vsub.s32 v3, v1;
	vm13 =	vge.s32 v3, v1;
	vm14 =	vlt.s32 v3, v2  }
0x1d8: {  	v51 =	vsub.s32 v47, v1;
	vm15 =	vge.s32 v47, v1;
	vm8 =	vlt.s32 v47, v2  }
0x1d9: {  	vm9 =	vge.s32 v48, v1;
	vm10 =	vlt.s32 v48, v2;
	v53 =	vsub.s32 v48, v1  }
0x1da: {  	v57 =	vld [tilespmem:$0x18C10];
	vm12 =	vge.s32 v49, v1;
	vm5 =	vlt.s32 v52, v2;
	v58 =	vsub.s32 v49, v1  }
0x1db: {  	v3 =	vld [tilespmem:$0x18BE0];
	v59 =	vsub.s32 v52, v1;
	v62 =	vsub.s32 v56, v1;
	vm0 =	vmand vm13, vm14  }
0x1dc: {  	vm1 =	vmand vm15, vm8;
	vm11 =	vmand vm9, vm10;
	vm13 =	vlt.s32 v49, v2  }
0x1dd: {  	vm8 =	vge.s32 v52, v1;
	v54 =	vnsel vm0, $0x6200, v50;
	v55 =	vnsel vm1, $0x6200, v51  }
0x1de: {  	v4 =	vnsel vm11, $0x6200, v53;
	vm0 =	vmand vm12, vm13;
	vm10 =	vmand vm8, vm5;
	[tilespmem:$0x18C20] =	vst v54  }
0x1df: {  	vm11 =	vge.s32 v56, v1;
	vm12 =	vlt.s32 v56, v2;
	vm13 =	vge.s32 v57, v1;
	[tilespmem:$0x18C30] =	vst v55  }
0x1e0: {  	[tilespmem:$0x18C40] =	vst v4;
	v60 =	vnsel vm0, $0x6200, v58;
	vm14 =	vge.s32 v3, v1;
	vm15 =	vlt.s32 v3, v2  }
0x1e1: {  	v61 =	vnsel vm10, $0x6200, v59;
	[tilespmem:$0x18C50] =	vst v60;
	v3 =	vsub.s32 v3, v1;
	vm9 =	vmand vm14, vm15  }
0x1e2: {  	vm0 =	vmand vm11, vm12;
	[tilespmem:$0x18C70] =	vst v61;
	vm14 =	vlt.s32 v57, v2;
	v3 =	vnsel vm9, $0x6200, v3  }
0x1e3: {  	v63 =	vsub.s32 v57, v1;
	vm15 =	vmand vm13, vm14;
	[tilespmem:$0x18C60] =	vst v3;
	v3 =	vnsel vm0, $0x6200, v62  }
0x1e4: {  	[tilespmem:$0x18C80] =	vst v3;
	v3 =	vnsel vm15, $0x6200, v63  }
0x1e5: {  	[tilespmem:$0x18C90] =	vst v3  }
0x1e6: {  	_ =	swait.ge [sflag:s26], $0x2000  }
0x1e7: {  	[sflag:s26] =	ssyncset.done $0x0  }
0x1e8: {  	[sflag:s26] =	ssyncadd.s32 $0xFFFFE000  }
0x1e9: {  	[spmem:s2] =	stream.indirect.scatter.add.s32 [tilespmem:s22], [sflag:$0x3], $0x40, s25, s24, $0xb8;
	[tilespmem:$0x1CCA0] =	vst v63  }
0x1ea: {  	_ =	swait.ge [sflag:s19], $0x2000  }
0x1eb: {  	[sflag:s19] =	ssyncset.done $0x0  }
0x1ec: {  	p0 =	sne.s32 s17, $0x1;
	[sflag:s19] =	ssyncadd.s32 $0xFFFFE000  }
.Ltmp0:
0x1ed: {  	[bflag:$0x0] =	sbarrier.arrive $0xFFFF;
	(pc) =	sbr.rel @p0 .LBB2_1-.Ltmp0, $4  }
0x1ee: {  	[hbm:s16], [sflag:s28] =	dma.local [spmem:s20], $0x3100  }
0x1ef: {  	_ =	swait.ge [sflag:s19], $0x3100  }
0x1f0: {  	[sflag:s19] =	ssyncset.done $0x0  }
0x1f1: {  	s17 =	sadd.s32 $0xFFFFFFFF, s17;
	[sflag:s19] =	ssyncadd.s32 $0xFFFFCF00  }
0x1f2: {  	_ =	sfence.sel $0x180000  }
0x1f3: {  	[bflag:$0x0] =	sbarrier.arrive $0xFFFF  }
0x1f4: {  	p0 =	sne.s32 s1, $0x0;
	_ =	strace $0x90000047  }
0x1f5: {  	s0 =	sadd.s32 @!p0 $0x100000, s0;
	[bflag:$0x2] =	sbarrier.arrive $0xFFFF  }
0x1f6: {  	[sflag:s0] =	ssyncadd.tile.s32 @!p0 $0x1;
	_ =	shalt  }
.Lfunc_end2:
_tile_overlayer_lowered:
.L_overlay_start_2:
0x1f7: {  	(tag) =	ssettag $0x2  }
0x1f8: {  	s0 =	rddreg [dreg:$0x0];
	s2 =	stileid.u32  }
0x1f9: {  	s1 =	rddreg [dreg:$0x1];
	p0 =	sne.s32 s2, $0x0  }
0x1fa: {  	s3 =	rddreg [dreg:$0x2];
	[bflag:$0x3] =	sbarrier.arrive $0xFFFF;
	s2 =	simm.s32 @!p0 $0x1C03  }
0x1fb: {  	[timem:s3], [sflag:s2] =	dma.local @!p0 [hbm:s0], s1  }
0x1fc: {  	s0 =	simm.s32 @!p0 $0x3  }
0x1fd: {  	_ =	swait.ge @!p0 [sflag:s0], s1  }
0x1fe: {  	s1 =	ssub.s32 @!p0 $0x0, s1;
	[sflag:s0] =	ssyncset.done @!p0 $0x0  }
0x1ff: {  	[sflag:s0] =	ssyncadd.s32 @!p0 s1  }
0x200: {  	[bflag:$0x3] =	sbarrier.arrive $0xFFFF  }
0x201: {  	_ =	shalt  }

</sc_bundles>
